<compile_context>
chip_gen: v7x
topology: tpu7x:2x2x1
jax: 0.10.2.dev20260603
libtpu: 0.0.44.dev20260713+nightly
codegen_flags: <defaults>
</compile_context>

<pallas_src>
import functools

import jax
import jax.numpy as jnp
from jax import lax
from jax.experimental import pallas as pl
from jax.experimental.pallas import tpu as pltpu
from jax.experimental.pallas import tpu_sc as plsc

_B, _N = 48, 200
_NN = _N * _N
_K = int(_NN * 0.2)
_H1, _H2 = 128, 128
_SIGN = -2147483647 - 1
_NW = 32
_NBMAX = 2048
_CH = 2500
_GB = 4


def _sc_thresh_body(x_hbm, out_hbm, data_v, hista_v, merged_v,
                    csum_v, stage_v):
    wid = lax.axis_index("s") * 2 + lax.axis_index("c")
    lanes = lax.broadcasted_iota(jnp.int32, (16,), 0)
    lanebase = lanes * _NBMAX
    ones = jnp.ones((16,), jnp.int32)
    zeros = jnp.zeros((16,), jnp.int32)
    sign = jnp.int32(_SIGN)

    def to_key(v):
        s = lax.bitcast_convert_type(v, jnp.int32)
        return jnp.where(s >= 0, s ^ sign, ~s)

    def chunk_step(t, running, kk):
        rc = lax.rev(plsc.cumsum(lax.rev(t, (0,))), (0,))
        mask = (running + rc) >= kk
        npos = jnp.sum(jnp.where(mask, jnp.int32(1), jnp.int32(0)))
        gt = jnp.sum(jnp.where(mask, jnp.int32(0), t))
        return npos, gt, jnp.sum(t)

    def crossing(nentries, kk):
        def sbody(c, carry):
            running, found, sel, resid = carry
            e = nentries - 1 - c
            v = csum_v[e]
            hit = jnp.logical_and(running + v >= kk, jnp.logical_not(found))
            sel = jnp.where(hit, e, sel)
            resid = jnp.where(hit, kk - running, resid)
            found = jnp.logical_or(found, hit)
            return running + v, found, sel, resid

        init = (jnp.int32(0), jnp.bool_(False), jnp.int32(0), jnp.int32(0))
        _, _, sel, resid = lax.fori_loop(0, nentries, sbody, init)
        return sel, resid

    def search(nb, kk):
        nch = nb // 16

        @plsc.parallel_loop(0, nch, unroll=2)
        def _(c):
            base = c * 16
            t = hista_v[pl.ds(base, 16)]
            hista_v[pl.ds(base, 16)] = zeros
            for l in range(1, 16):
                t = t + hista_v[pl.ds(l * _NBMAX + base, 16)]
                hista_v[pl.ds(l * _NBMAX + base, 16)] = zeros
            merged_v[pl.ds(base, 16)] = t
            csum_v[c] = jnp.sum(t)

        cc, kk_b = crossing(nch, kk)
        t = merged_v[pl.ds(cc * 16, 16)]
        npos, gt, _ = chunk_step(t, jnp.int32(0), kk_b)
        return cc * 16 + npos - 1, kk_b - gt

    @plsc.parallel_loop(0, _NBMAX, unroll=8)
    def _(i):
        hista_v[pl.ds(i * 16, 16)] = zeros

    def process(s):
        pltpu.sync_copy(x_hbm.at[pl.ds(s * _NN, _NN)], data_v)

        @plsc.parallel_loop(0, _CH, step=2, unroll=5)
        def _(c):
            u0 = to_key(data_v[pl.ds(c * 16, 16)])
            plsc.addupdate_scatter(
                hista_v, [lanebase + lax.shift_right_logical(u0, 21)], ones)
            u1 = to_key(data_v[pl.ds(c * 16 + 16, 16)])
            plsc.addupdate_scatter(
                hista_v, [lanebase + lax.shift_right_logical(u1, 21)], ones)

        b1, kk = search(2048, jnp.int32(_K))

        @plsc.parallel_loop(0, _CH, step=2, unroll=5)
        def _(c):
            u0 = to_key(data_v[pl.ds(c * 16, 16)])
            plsc.addupdate_scatter(
                hista_v,
                [lanebase + (lax.shift_right_logical(u0, 10) & 2047)], ones,
                mask=lax.shift_right_logical(u0, 21) == b1)
            u1 = to_key(data_v[pl.ds(c * 16 + 16, 16)])
            plsc.addupdate_scatter(
                hista_v,
                [lanebase + (lax.shift_right_logical(u1, 10) & 2047)], ones,
                mask=lax.shift_right_logical(u1, 21) == b1)

        b2, kk = search(2048, kk)
        p22 = (b1 << 11) | b2

        @plsc.parallel_loop(0, _CH, step=2, unroll=5)
        def _(c):
            u0 = to_key(data_v[pl.ds(c * 16, 16)])
            plsc.addupdate_scatter(
                hista_v, [lanebase + (u0 & 1023)], ones,
                mask=lax.shift_right_logical(u0, 10) == p22)
            u1 = to_key(data_v[pl.ds(c * 16 + 16, 16)])
            plsc.addupdate_scatter(
                hista_v, [lanebase + (u1 & 1023)], ones,
                mask=lax.shift_right_logical(u1, 10) == p22)

        b3, _ = search(1024, kk)
        stage_v[...] = jnp.full((16,), ((p22 << 10) | b3) ^ sign, jnp.int32)
        pltpu.sync_copy(stage_v, out_hbm.at[pl.ds(s * 16, 16)])

    process(wid)

    @pl.when(wid < _B - _NW)
    def _():
        process(wid + _NW)


def _sc_thresholds(xflat):
    mesh = plsc.VectorSubcoreMesh(core_axis_name="c", subcore_axis_name="s")
    f = functools.partial(
        pl.kernel,
        mesh=mesh,
        out_type=jax.ShapeDtypeStruct((_B * 16,), jnp.int32),
        scratch_types=[
            pltpu.VMEM((_NN,), jnp.float32),
            pltpu.VMEM((16 * _NBMAX,), jnp.int32),
            pltpu.VMEM((_NBMAX,), jnp.int32),
            pltpu.SMEM((128,), jnp.int32),
            pltpu.VMEM((16,), jnp.int32),
        ],
        compiler_params=pltpu.CompilerParams(needs_layout_passes=False),
    )(_sc_thresh_body)
    return f(xflat)


def _sortable(y):
    return jnp.where(y >= 0, y, y ^ jnp.int32(0x7FFFFFFF))


def _gcn_body(thr_ref, x_ref, w1_ref, b1_ref, w2_ref, b2_ref, o_ref):
    for j in range(_GB):
        xb = x_ref[j]
        t = thr_ref[pl.program_id(0) * _GB + j]
        xt = xb.T
        yt = _sortable(lax.bitcast_convert_type(xt, jnp.int32))
        st = jnp.where(yt >= t, xt, 0.0)
        deg = jnp.sum(st, axis=1, keepdims=True) + 1.0
        dis = jnp.where(deg > 0, lax.rsqrt(jnp.maximum(deg, 1e-12)), 0.0)
        d2 = dis * dis
        h0 = jnp.dot(xb, w1_ref[...], preferred_element_type=jnp.float32)
        a1 = (dis * jnp.dot(st, dis * h0, preferred_element_type=jnp.float32)
              + d2 * h0 + b1_ref[...])
        h1 = jnp.maximum(a1, 0.0)
        g1 = jnp.dot(h1, w2_ref[...], preferred_element_type=jnp.float32)
        a2 = (dis * jnp.dot(st, dis * g1, preferred_element_type=jnp.float32)
              + d2 * g1 + b2_ref[...])
        o_ref[j, 0, :] = jnp.mean(a2, axis=0)


def kernel(x, adj, W1, b1, W2, b2):
    del adj
    thr16 = _sc_thresholds(x.reshape(_B * _NN))
    thr = thr16.reshape(_B, 16)[:, 0]
    out = pl.pallas_call(
        _gcn_body,
        grid=(_B // _GB,),
        in_specs=[
            pl.BlockSpec((_B,), lambda b: (0,), memory_space=pltpu.SMEM),
            pl.BlockSpec((_GB, _N, _N), lambda b: (b, 0, 0)),
            pl.BlockSpec((_N, _H1), lambda b: (0, 0)),
            pl.BlockSpec((1, _H1), lambda b: (0, 0)),
            pl.BlockSpec((_H1, _H2), lambda b: (0, 0)),
            pl.BlockSpec((1, _H2), lambda b: (0, 0)),
        ],
        out_specs=pl.BlockSpec((_GB, 1, _H2), lambda b: (b, 0, 0)),
        out_shape=jax.ShapeDtypeStruct((_B, 1, _H2), jnp.float32),
    )(thr, x, W1, b1.reshape(1, _H1), W2, b2.reshape(1, _H2))
    return out.reshape(_B, _H2)

# --- scband reference (transcript-rebuilt; emitter-appended) ---
"""Pipeline reference for scband-predictor-67645734912742 (READ-ONLY COPY).

The authoritative reference and input builder live on the scoring server;
editing this copy changes nothing except your own understanding.
"""

import jax, jax.numpy as jnp
import numpy as np

B, N = 48, 200
HID1, HID2 = 128, 128

def setup_inputs(seed: int = 0) -> dict:
    key = jax.random.key(seed)
    k1, k2, k3, k4 = jax.random.split(key, 4)
    x = jax.random.normal(k1, (B, N, N), dtype=jnp.float32)
    adj = jax.random.normal(k2, (B, N, N), dtype=jnp.float32)  # overwritten inside forward, kept for signature fidelity
    W1 = jax.random.normal(k3, (N, HID1), dtype=jnp.float32) * (1.0 / np.sqrt(N))
    b1 = jnp.zeros((HID1,), jnp.float32)
    W2 = jax.random.normal(k4, (HID1, HID2), dtype=jnp.float32) * (1.0 / np.sqrt(HID1))
    b2 = jnp.zeros((HID2,), jnp.float32)
    return {"x": x, "adj": adj, "W1": W1, "b1": b1, "W2": W2, "b2": b2}

def _gcn_conv(x, W, b, src, dst, ew, num_nodes):
    # PyG GCNConv with edge_weight: add self-loops (weight 1), symmetric normalization,
    # aggregate src->dst with scatter-add, then bias.
    loop = jnp.arange(num_nodes)
    src_f = jnp.concatenate([src, loop])
    dst_f = jnp.concatenate([dst, loop])
    ew_f = jnp.concatenate([ew, jnp.ones((num_nodes,), x.dtype)])
    deg = jnp.zeros((num_nodes,), x.dtype).at[dst_f].add(ew_f)
    dis = jnp.where(deg > 0, jax.lax.rsqrt(jnp.maximum(deg, 1e-12)), 0.0)
    norm = dis[src_f] * ew_f * dis[dst_f]
    h = x @ W
    out = jnp.zeros((num_nodes, W.shape[1]), x.dtype).at[dst_f].add(norm[:, None] * h[src_f])
    return out + b

def reference(x, adj, W1, b1, W2, b2):
    Bx, Nn, _ = x.shape
    k = int(Nn * Nn * 0.2)
    # sparse(x, 0.2): per-sample top-20% entries kept; dense_to_sparse on the batched
    # (block-diagonal) adjacency yields edge_index offset by b*N and edge_attr = kept values.
    flat = x.reshape(Bx, -1)
    val, idx = jax.lax.top_k(flat, k)
    off = (jnp.arange(Bx) * Nn)[:, None]
    src = (idx // Nn + off).reshape(-1)
    dst = (idx % Nn + off).reshape(-1)
    ew = val.reshape(-1)
    num_nodes = Bx * Nn
    xf = x.reshape(num_nodes, Nn)
    h = _gcn_conv(xf, W1, b1, src, dst, ew, num_nodes)
    h = jax.nn.relu(h)
    h = _gcn_conv(h, W2, b2, src, dst, ew, num_nodes)
    return h.reshape(Bx, Nn, -1).mean(-2)

if __name__ == "__main__":
    import jax
    _d = setup_inputs()
    print(jax.jit(kernel)(*tuple(_d.values())))

</pallas_src>

<mosaic_0001>
#map = affine_map<(d0, d1) -> (0)>
module attributes {stable_mosaic.version = 14 : i64} {
  func.func @_sc_thresh_body(%arg0: i32, %arg1: i32, %arg2: memref<1920000xf32, #tpu.memory_space<hbm>>, %arg3: memref<768xi32, #tpu.memory_space<hbm>>, %arg4: memref<40000xf32, #tpu.memory_space<vmem>>, %arg5: memref<32768xi32, #tpu.memory_space<vmem>>, %arg6: memref<2048xi32, #tpu.memory_space<vmem>>, %arg7: memref<128xi32, #tpu.memory_space<smem>>, %arg8: memref<16xi32, #tpu.memory_space<vmem>>) attributes {dimension_semantics = [#tpu.dimension_semantics<core_parallel>, #tpu.dimension_semantics<subcore_parallel>], iteration_bounds = array<i64: 2, 16>, scalar_prefetch = 0 : i64, scratch_operands = 5 : i64, tpu.core_type = #tpu.core_type<sc_vector_subcore>, window_params = [{transform_indices = #map}, {transform_indices = #map}]} {
    %mul3A = arith.constant 2 : i32
    %mul3A_0 = arith.muli %arg1, %mul3A : i32
    %add3A = arith.addi %mul3A_0, %arg0 : i32
    %iota3A = tpu.iota {dimensions = array<i32: 0>} : vector<16xi32>
    %mul3A_1 = arith.constant 2048 : i32
    %mul3A_2 = vector.broadcast %mul3A_1 : i32 to vector<16xi32>
    %mul3A_3 = arith.muli %iota3A, %mul3A_2 : vector<16xi32>
    %broadcast_in_dim3A = arith.constant 1 : i32
    %broadcast_in_dim3A_4 = vector.broadcast %broadcast_in_dim3A : i32 to vector<16xi32>
    %broadcast_in_dim3A_5 = arith.constant 0 : i32
    %broadcast_in_dim3A_6 = vector.broadcast %broadcast_in_dim3A_5 : i32 to vector<16xi32>
    %parallel_loop3A = arith.constant 0 : i32
    %parallel_loop3A_7 = arith.constant 2048 : i32
    %parallel_loop3A_8 = arith.constant 1 : i32
    scf.for %parallel_loop3A_210 = %parallel_loop3A to %parallel_loop3A_7 step %parallel_loop3A_8  : i32 {
      %parallel_loop3A_211 = arith.constant 16 : i32
      %parallel_loop3A_212 = arith.muli %parallel_loop3A_210, %parallel_loop3A_211 : i32
      %parallel_loop3A_213 = arith.index_cast %parallel_loop3A_212 : i32 to index
      %parallel_loop3A_214 = tpu.vector_load %arg5[%parallel_loop3A_213] {strides = array<i32>} : memref<32768xi32, #tpu.memory_space<vmem>>, vector<16xi32>,
      tpu.vector_store %arg5[%parallel_loop3A_213], %broadcast_in_dim3A_6 {strides = array<i32>} : memref<32768xi32, #tpu.memory_space<vmem>>, vector<16xi32>,
    } {sc.loop_unroll_factor = 8 : i64, sc.parallel_access}
    %mul3A_9 = arith.constant 40000 : i32
    %mul3A_10 = arith.muli %add3A, %mul3A_9 : i32
    "tpu.region"() ({
      %run_scoped3A = tpu.sem_alloc : memref<!tpu.dma_semaphore, #tpu.memory_space<semaphore_mem>>
      %dma_start3A = tpu.memref_slice %arg2[%mul3A_10] : memref<1920000xf32, #tpu.memory_space<hbm>> -> memref<40000xf32, #tpu.memory_space<hbm>>
      %dma_start3A_210 = tpu.memref_slice %arg2[%mul3A_10] : memref<1920000xf32, #tpu.memory_space<hbm>> -> memref<40000xf32, #tpu.memory_space<hbm>>
      tpu.enqueue_dma source(%dma_start3A_210 : memref<40000xf32, #tpu.memory_space<hbm>>) target(%arg4 : memref<40000xf32, #tpu.memory_space<vmem>>) target_semaphore(%run_scoped3A : memref<!tpu.dma_semaphore, #tpu.memory_space<semaphore_mem>>)
      %dma_wait3A = tpu.memref_slice %arg2[%mul3A_10] : memref<1920000xf32, #tpu.memory_space<hbm>> -> memref<40000xf32, #tpu.memory_space<hbm>>
      %dma_wait3A_211 = tpu.memref_slice %arg2[%mul3A_10] : memref<1920000xf32, #tpu.memory_space<hbm>> -> memref<40000xf32, #tpu.memory_space<hbm>>
      tpu.wait_dma2 semaphore(%run_scoped3A : memref<!tpu.dma_semaphore, #tpu.memory_space<semaphore_mem>>) src(%dma_wait3A_211 : memref<40000xf32, #tpu.memory_space<hbm>>) dst(%arg4 : memref<40000xf32, #tpu.memory_space<vmem>>)
      tpu.yield
    }) : () -> ()
    %parallel_loop3A_11 = arith.constant 0 : i32
    %parallel_loop3A_12 = arith.constant 2500 : i32
    %parallel_loop3A_13 = arith.constant 2 : i32
    %parallel_loop3A_14 = arith.constant -2147483648 : i32
    scf.for %parallel_loop3A_210 = %parallel_loop3A_11 to %parallel_loop3A_12 step %parallel_loop3A_13  : i32 {
      %parallel_loop3A_211 = arith.constant 16 : i32
      %parallel_loop3A_212 = arith.muli %parallel_loop3A_210, %parallel_loop3A_211 : i32
      %parallel_loop3A_213 = arith.index_cast %parallel_loop3A_212 : i32 to index
      %parallel_loop3A_214 = tpu.vector_load %arg4[%parallel_loop3A_213] {strides = array<i32>} : memref<40000xf32, #tpu.memory_space<vmem>>, vector<16xf32>,
      %parallel_loop3A_215 = tpu.bitcast %parallel_loop3A_214 : vector<16xf32> -> vector<16xi32>
      %parallel_loop3A_216 = arith.constant 0 : i32
      %parallel_loop3A_217 = vector.broadcast %parallel_loop3A_216 : i32 to vector<16xi32>
      %parallel_loop3A_218 = arith.cmpi sge, %parallel_loop3A_215, %parallel_loop3A_217 : vector<16xi32>
      %parallel_loop3A_219 = vector.broadcast %parallel_loop3A_14 : i32 to vector<16xi32>
      %parallel_loop3A_220 = arith.xori %parallel_loop3A_215, %parallel_loop3A_219 : vector<16xi32>
      %parallel_loop3A_221 = arith.constant dense<-1> : vector<16xi32>
      %parallel_loop3A_222 = arith.xori %parallel_loop3A_215, %parallel_loop3A_221 : vector<16xi32>
      %parallel_loop3A_223 = arith.select %parallel_loop3A_218, %parallel_loop3A_220, %parallel_loop3A_222 : vector<16xi1>, vector<16xi32>
      %parallel_loop3A_224 = arith.constant 21 : i32
      %parallel_loop3A_225 = vector.broadcast %parallel_loop3A_224 : i32 to vector<16xi32>
      %parallel_loop3A_226 = arith.shrui %parallel_loop3A_223, %parallel_loop3A_225 : vector<16xi32>
      %parallel_loop3A_227 = arith.addi %mul3A_3, %parallel_loop3A_226 : vector<16xi32>
      tpu.vector_store_idx %arg5[%parallel_loop3A_227], %broadcast_in_dim3A_4 {add = true} : memref<32768xi32, #tpu.memory_space<vmem>>[vector<16xi32>], vector<16xi32>,
      %parallel_loop3A_228 = arith.constant 16 : i32
      %parallel_loop3A_229 = arith.muli %parallel_loop3A_210, %parallel_loop3A_228 : i32
      %parallel_loop3A_230 = arith.constant 16 : i32
      %parallel_loop3A_231 = arith.addi %parallel_loop3A_229, %parallel_loop3A_230 : i32
      %parallel_loop3A_232 = arith.index_cast %parallel_loop3A_231 : i32 to index
      %parallel_loop3A_233 = tpu.vector_load %arg4[%parallel_loop3A_232] {strides = array<i32>} : memref<40000xf32, #tpu.memory_space<vmem>>, vector<16xf32>,
      %parallel_loop3A_234 = tpu.bitcast %parallel_loop3A_233 : vector<16xf32> -> vector<16xi32>
      %parallel_loop3A_235 = arith.constant 0 : i32
      %parallel_loop3A_236 = vector.broadcast %parallel_loop3A_235 : i32 to vector<16xi32>
      %parallel_loop3A_237 = arith.cmpi sge, %parallel_loop3A_234, %parallel_loop3A_236 : vector<16xi32>
      %parallel_loop3A_238 = vector.broadcast %parallel_loop3A_14 : i32 to vector<16xi32>
      %parallel_loop3A_239 = arith.xori %parallel_loop3A_234, %parallel_loop3A_238 : vector<16xi32>
      %parallel_loop3A_240 = arith.constant dense<-1> : vector<16xi32>
      %parallel_loop3A_241 = arith.xori %parallel_loop3A_234, %parallel_loop3A_240 : vector<16xi32>
      %parallel_loop3A_242 = arith.select %parallel_loop3A_237, %parallel_loop3A_239, %parallel_loop3A_241 : vector<16xi1>, vector<16xi32>
      %parallel_loop3A_243 = arith.constant 21 : i32
      %parallel_loop3A_244 = vector.broadcast %parallel_loop3A_243 : i32 to vector<16xi32>
      %parallel_loop3A_245 = arith.shrui %parallel_loop3A_242, %parallel_loop3A_244 : vector<16xi32>
      %parallel_loop3A_246 = arith.addi %mul3A_3, %parallel_loop3A_245 : vector<16xi32>
      tpu.vector_store_idx %arg5[%parallel_loop3A_246], %broadcast_in_dim3A_4 {add = true} : memref<32768xi32, #tpu.memory_space<vmem>>[vector<16xi32>], vector<16xi32>,
    } {sc.loop_unroll_factor = 5 : i64, sc.parallel_access}
    %parallel_loop3A_15 = arith.constant 0 : i32
    %parallel_loop3A_16 = arith.constant 128 : i32
    %parallel_loop3A_17 = arith.constant 1 : i32
    scf.for %parallel_loop3A_210 = %parallel_loop3A_15 to %parallel_loop3A_16 step %parallel_loop3A_17  : i32 {
      %parallel_loop3A_211 = arith.constant 16 : i32
      %parallel_loop3A_212 = arith.muli %parallel_loop3A_210, %parallel_loop3A_211 : i32
      %parallel_loop3A_213 = arith.index_cast %parallel_loop3A_212 : i32 to index
      %parallel_loop3A_214 = tpu.vector_load %arg5[%parallel_loop3A_213] {strides = array<i32>} : memref<32768xi32, #tpu.memory_space<vmem>>, vector<16xi32>,
      %parallel_loop3A_215 = arith.index_cast %parallel_loop3A_212 : i32 to index
      %parallel_loop3A_216 = tpu.vector_load %arg5[%parallel_loop3A_215] {strides = array<i32>} : memref<32768xi32, #tpu.memory_space<vmem>>, vector<16xi32>,
      tpu.vector_store %arg5[%parallel_loop3A_215], %broadcast_in_dim3A_6 {strides = array<i32>} : memref<32768xi32, #tpu.memory_space<vmem>>, vector<16xi32>,
      %parallel_loop3A_217 = arith.constant 2048 : i32
      %parallel_loop3A_218 = arith.addi %parallel_loop3A_217, %parallel_loop3A_212 : i32
      %parallel_loop3A_219 = arith.index_cast %parallel_loop3A_218 : i32 to index
      %parallel_loop3A_220 = tpu.vector_load %arg5[%parallel_loop3A_219] {strides = array<i32>} : memref<32768xi32, #tpu.memory_space<vmem>>, vector<16xi32>,
      %parallel_loop3A_221 = arith.addi %parallel_loop3A_214, %parallel_loop3A_220 : vector<16xi32>
      %parallel_loop3A_222 = arith.constant 2048 : i32
      %parallel_loop3A_223 = arith.addi %parallel_loop3A_222, %parallel_loop3A_212 : i32
      %parallel_loop3A_224 = arith.index_cast %parallel_loop3A_223 : i32 to index
      %parallel_loop3A_225 = tpu.vector_load %arg5[%parallel_loop3A_224] {strides = array<i32>} : memref<32768xi32, #tpu.memory_space<vmem>>, vector<16xi32>,
      tpu.vector_store %arg5[%parallel_loop3A_224], %broadcast_in_dim3A_6 {strides = array<i32>} : memref<32768xi32, #tpu.memory_space<vmem>>, vector<16xi32>,
      %parallel_loop3A_226 = arith.constant 4096 : i32
      %parallel_loop3A_227 = arith.addi %parallel_loop3A_226, %parallel_loop3A_212 : i32
      %parallel_loop3A_228 = arith.index_cast %parallel_loop3A_227 : i32 to index
      %parallel_loop3A_229 = tpu.vector_load %arg5[%parallel_loop3A_228] {strides = array<i32>} : memref<32768xi32, #tpu.memory_space<vmem>>, vector<16xi32>,
      %parallel_loop3A_230 = arith.addi %parallel_loop3A_221, %parallel_loop3A_229 : vector<16xi32>
      %parallel_loop3A_231 = arith.constant 4096 : i32
      %parallel_loop3A_232 = arith.addi %parallel_loop3A_231, %parallel_loop3A_212 : i32
      %parallel_loop3A_233 = arith.index_cast %parallel_loop3A_232 : i32 to index
      %parallel_loop3A_234 = tpu.vector_load %arg5[%parallel_loop3A_233] {strides = array<i32>} : memref<32768xi32, #tpu.memory_space<vmem>>, vector<16xi32>,
      tpu.vector_store %arg5[%parallel_loop3A_233], %broadcast_in_dim3A_6 {strides = array<i32>} : memref<32768xi32, #tpu.memory_space<vmem>>, vector<16xi32>,
      %parallel_loop3A_235 = arith.constant 6144 : i32
      %parallel_loop3A_236 = arith.addi %parallel_loop3A_235, %parallel_loop3A_212 : i32
      %parallel_loop3A_237 = arith.index_cast %parallel_loop3A_236 : i32 to index
      %parallel_loop3A_238 = tpu.vector_load %arg5[%parallel_loop3A_237] {strides = array<i32>} : memref<32768xi32, #tpu.memory_space<vmem>>, vector<16xi32>,
      %parallel_loop3A_239 = arith.addi %parallel_loop3A_230, %parallel_loop3A_238 : vector<16xi32>
      %parallel_loop3A_240 = arith.constant 6144 : i32
      %parallel_loop3A_241 = arith.addi %parallel_loop3A_240, %parallel_loop3A_212 : i32
      %parallel_loop3A_242 = arith.index_cast %parallel_loop3A_241 : i32 to index
      %parallel_loop3A_243 = tpu.vector_load %arg5[%parallel_loop3A_242] {strides = array<i32>} : memref<32768xi32, #tpu.memory_space<vmem>>, vector<16xi32>,
      tpu.vector_store %arg5[%parallel_loop3A_242], %broadcast_in_dim3A_6 {strides = array<i32>} : memref<32768xi32, #tpu.memory_space<vmem>>, vector<16xi32>,
      %parallel_loop3A_244 = arith.constant 8192 : i32
      %parallel_loop3A_245 = arith.addi %parallel_loop3A_244, %parallel_loop3A_212 : i32
      %parallel_loop3A_246 = arith.index_cast %parallel_loop3A_245 : i32 to index
      %parallel_loop3A_247 = tpu.vector_load %arg5[%parallel_loop3A_246] {strides = array<i32>} : memref<32768xi32, #tpu.memory_space<vmem>>, vector<16xi32>,
      %parallel_loop3A_248 = arith.addi %parallel_loop3A_239, %parallel_loop3A_247 : vector<16xi32>
      %parallel_loop3A_249 = arith.constant 8192 : i32
      %parallel_loop3A_250 = arith.addi %parallel_loop3A_249, %parallel_loop3A_212 : i32
      %parallel_loop3A_251 = arith.index_cast %parallel_loop3A_250 : i32 to index
      %parallel_loop3A_252 = tpu.vector_load %arg5[%parallel_loop3A_251] {strides = array<i32>} : memref<32768xi32, #tpu.memory_space<vmem>>, vector<16xi32>,
      tpu.vector_store %arg5[%parallel_loop3A_251], %broadcast_in_dim3A_6 {strides = array<i32>} : memref<32768xi32, #tpu.memory_space<vmem>>, vector<16xi32>,
      %parallel_loop3A_253 = arith.constant 10240 : i32
      %parallel_loop3A_254 = arith.addi %parallel_loop3A_253, %parallel_loop3A_212 : i32
      %parallel_loop3A_255 = arith.index_cast %parallel_loop3A_254 : i32 to index
      %parallel_loop3A_256 = tpu.vector_load %arg5[%parallel_loop3A_255] {strides = array<i32>} : memref<32768xi32, #tpu.memory_space<vmem>>, vector<16xi32>,
      %parallel_loop3A_257 = arith.addi %parallel_loop3A_248, %parallel_loop3A_256 : vector<16xi32>
      %parallel_loop3A_258 = arith.constant 10240 : i32
      %parallel_loop3A_259 = arith.addi %parallel_loop3A_258, %parallel_loop3A_212 : i32
      %parallel_loop3A_260 = arith.index_cast %parallel_loop3A_259 : i32 to index
      %parallel_loop3A_261 = tpu.vector_load %arg5[%parallel_loop3A_260] {strides = array<i32>} : memref<32768xi32, #tpu.memory_space<vmem>>, vector<16xi32>,
      tpu.vector_store %arg5[%parallel_loop3A_260], %broadcast_in_dim3A_6 {strides = array<i32>} : memref<32768xi32, #tpu.memory_space<vmem>>, vector<16xi32>,
      %parallel_loop3A_262 = arith.constant 12288 : i32
      %parallel_loop3A_263 = arith.addi %parallel_loop3A_262, %parallel_loop3A_212 : i32
      %parallel_loop3A_264 = arith.index_cast %parallel_loop3A_263 : i32 to index
      %parallel_loop3A_265 = tpu.vector_load %arg5[%parallel_loop3A_264] {strides = array<i32>} : memref<32768xi32, #tpu.memory_space<vmem>>, vector<16xi32>,
      %parallel_loop3A_266 = arith.addi %parallel_loop3A_257, %parallel_loop3A_265 : vector<16xi32>
      %parallel_loop3A_267 = arith.constant 12288 : i32
      %parallel_loop3A_268 = arith.addi %parallel_loop3A_267, %parallel_loop3A_212 : i32
      %parallel_loop3A_269 = arith.index_cast %parallel_loop3A_268 : i32 to index
      %parallel_loop3A_270 = tpu.vector_load %arg5[%parallel_loop3A_269] {strides = array<i32>} : memref<32768xi32, #tpu.memory_space<vmem>>, vector<16xi32>,
      tpu.vector_store %arg5[%parallel_loop3A_269], %broadcast_in_dim3A_6 {strides = array<i32>} : memref<32768xi32, #tpu.memory_space<vmem>>, vector<16xi32>,
      %parallel_loop3A_271 = arith.constant 14336 : i32
      %parallel_loop3A_272 = arith.addi %parallel_loop3A_271, %parallel_loop3A_212 : i32
      %parallel_loop3A_273 = arith.index_cast %parallel_loop3A_272 : i32 to index
      %parallel_loop3A_274 = tpu.vector_load %arg5[%parallel_loop3A_273] {strides = array<i32>} : memref<32768xi32, #tpu.memory_space<vmem>>, vector<16xi32>,
      %parallel_loop3A_275 = arith.addi %parallel_loop3A_266, %parallel_loop3A_274 : vector<16xi32>
      %parallel_loop3A_276 = arith.constant 14336 : i32
      %parallel_loop3A_277 = arith.addi %parallel_loop3A_276, %parallel_loop3A_212 : i32
      %parallel_loop3A_278 = arith.index_cast %parallel_loop3A_277 : i32 to index
      %parallel_loop3A_279 = tpu.vector_load %arg5[%parallel_loop3A_278] {strides = array<i32>} : memref<32768xi32, #tpu.memory_space<vmem>>, vector<16xi32>,
      tpu.vector_store %arg5[%parallel_loop3A_278], %broadcast_in_dim3A_6 {strides = array<i32>} : memref<32768xi32, #tpu.memory_space<vmem>>, vector<16xi32>,
      %parallel_loop3A_280 = arith.constant 16384 : i32
      %parallel_loop3A_281 = arith.addi %parallel_loop3A_280, %parallel_loop3A_212 : i32
      %parallel_loop3A_282 = arith.index_cast %parallel_loop3A_281 : i32 to index
      %parallel_loop3A_283 = tpu.vector_load %arg5[%parallel_loop3A_282] {strides = array<i32>} : memref<32768xi32, #tpu.memory_space<vmem>>, vector<16xi32>,
      %parallel_loop3A_284 = arith.addi %parallel_loop3A_275, %parallel_loop3A_283 : vector<16xi32>
      %parallel_loop3A_285 = arith.constant 16384 : i32
      %parallel_loop3A_286 = arith.addi %parallel_loop3A_285, %parallel_loop3A_212 : i32
      %parallel_loop3A_287 = arith.index_cast %parallel_loop3A_286 : i32 to index
      %parallel_loop3A_288 = tpu.vector_load %arg5[%parallel_loop3A_287] {strides = array<i32>} : memref<32768xi32, #tpu.memory_space<vmem>>, vector<16xi32>,
      tpu.vector_store %arg5[%parallel_loop3A_287], %broadcast_in_dim3A_6 {strides = array<i32>} : memref<32768xi32, #tpu.memory_space<vmem>>, vector<16xi32>,
      %parallel_loop3A_289 = arith.constant 18432 : i32
      %parallel_loop3A_290 = arith.addi %parallel_loop3A_289, %parallel_loop3A_212 : i32
      %parallel_loop3A_291 = arith.index_cast %parallel_loop3A_290 : i32 to index
      %parallel_loop3A_292 = tpu.vector_load %arg5[%parallel_loop3A_291] {strides = array<i32>} : memref<32768xi32, #tpu.memory_space<vmem>>, vector<16xi32>,
      %parallel_loop3A_293 = arith.addi %parallel_loop3A_284, %parallel_loop3A_292 : vector<16xi32>
      %parallel_loop3A_294 = arith.constant 18432 : i32
      %parallel_loop3A_295 = arith.addi %parallel_loop3A_294, %parallel_loop3A_212 : i32
      %parallel_loop3A_296 = arith.index_cast %parallel_loop3A_295 : i32 to index
      %parallel_loop3A_297 = tpu.vector_load %arg5[%parallel_loop3A_296] {strides = array<i32>} : memref<32768xi32, #tpu.memory_space<vmem>>, vector<16xi32>,
      tpu.vector_store %arg5[%parallel_loop3A_296], %broadcast_in_dim3A_6 {strides = array<i32>} : memref<32768xi32, #tpu.memory_space<vmem>>, vector<16xi32>,
      %parallel_loop3A_298 = arith.constant 20480 : i32
      %parallel_loop3A_299 = arith.addi %parallel_loop3A_298, %parallel_loop3A_212 : i32
      %parallel_loop3A_300 = arith.index_cast %parallel_loop3A_299 : i32 to index
      %parallel_loop3A_301 = tpu.vector_load %arg5[%parallel_loop3A_300] {strides = array<i32>} : memref<32768xi32, #tpu.memory_space<vmem>>, vector<16xi32>,
      %parallel_loop3A_302 = arith.addi %parallel_loop3A_293, %parallel_loop3A_301 : vector<16xi32>
      %parallel_loop3A_303 = arith.constant 20480 : i32
      %parallel_loop3A_304 = arith.addi %parallel_loop3A_303, %parallel_loop3A_212 : i32
      %parallel_loop3A_305 = arith.index_cast %parallel_loop3A_304 : i32 to index
      %parallel_loop3A_306 = tpu.vector_load %arg5[%parallel_loop3A_305] {strides = array<i32>} : memref<32768xi32, #tpu.memory_space<vmem>>, vector<16xi32>,
      tpu.vector_store %arg5[%parallel_loop3A_305], %broadcast_in_dim3A_6 {strides = array<i32>} : memref<32768xi32, #tpu.memory_space<vmem>>, vector<16xi32>,
      %parallel_loop3A_307 = arith.constant 22528 : i32
      %parallel_loop3A_308 = arith.addi %parallel_loop3A_307, %parallel_loop3A_212 : i32
      %parallel_loop3A_309 = arith.index_cast %parallel_loop3A_308 : i32 to index
      %parallel_loop3A_310 = tpu.vector_load %arg5[%parallel_loop3A_309] {strides = array<i32>} : memref<32768xi32, #tpu.memory_space<vmem>>, vector<16xi32>,
      %parallel_loop3A_311 = arith.addi %parallel_loop3A_302, %parallel_loop3A_310 : vector<16xi32>
      %parallel_loop3A_312 = arith.constant 22528 : i32
      %parallel_loop3A_313 = arith.addi %parallel_loop3A_312, %parallel_loop3A_212 : i32
      %parallel_loop3A_314 = arith.index_cast %parallel_loop3A_313 : i32 to index
      %parallel_loop3A_315 = tpu.vector_load %arg5[%parallel_loop3A_314] {strides = array<i32>} : memref<32768xi32, #tpu.memory_space<vmem>>, vector<16xi32>,
      tpu.vector_store %arg5[%parallel_loop3A_314], %broadcast_in_dim3A_6 {strides = array<i32>} : memref<32768xi32, #tpu.memory_space<vmem>>, vector<16xi32>,
      %parallel_loop3A_316 = arith.constant 24576 : i32
      %parallel_loop3A_317 = arith.addi %parallel_loop3A_316, %parallel_loop3A_212 : i32
      %parallel_loop3A_318 = arith.index_cast %parallel_loop3A_317 : i32 to index
      %parallel_loop3A_319 = tpu.vector_load %arg5[%parallel_loop3A_318] {strides = array<i32>} : memref<32768xi32, #tpu.memory_space<vmem>>, vector<16xi32>,
      %parallel_loop3A_320 = arith.addi %parallel_loop3A_311, %parallel_loop3A_319 : vector<16xi32>
      %parallel_loop3A_321 = arith.constant 24576 : i32
      %parallel_loop3A_322 = arith.addi %parallel_loop3A_321, %parallel_loop3A_212 : i32
      %parallel_loop3A_323 = arith.index_cast %parallel_loop3A_322 : i32 to index
      %parallel_loop3A_324 = tpu.vector_load %arg5[%parallel_loop3A_323] {strides = array<i32>} : memref<32768xi32, #tpu.memory_space<vmem>>, vector<16xi32>,
      tpu.vector_store %arg5[%parallel_loop3A_323], %broadcast_in_dim3A_6 {strides = array<i32>} : memref<32768xi32, #tpu.memory_space<vmem>>, vector<16xi32>,
      %parallel_loop3A_325 = arith.constant 26624 : i32
      %parallel_loop3A_326 = arith.addi %parallel_loop3A_325, %parallel_loop3A_212 : i32
      %parallel_loop3A_327 = arith.index_cast %parallel_loop3A_326 : i32 to index
      %parallel_loop3A_328 = tpu.vector_load %arg5[%parallel_loop3A_327] {strides = array<i32>} : memref<32768xi32, #tpu.memory_space<vmem>>, vector<16xi32>,
      %parallel_loop3A_329 = arith.addi %parallel_loop3A_320, %parallel_loop3A_328 : vector<16xi32>
      %parallel_loop3A_330 = arith.constant 26624 : i32
      %parallel_loop3A_331 = arith.addi %parallel_loop3A_330, %parallel_loop3A_212 : i32
      %parallel_loop3A_332 = arith.index_cast %parallel_loop3A_331 : i32 to index
      %parallel_loop3A_333 = tpu.vector_load %arg5[%parallel_loop3A_332] {strides = array<i32>} : memref<32768xi32, #tpu.memory_space<vmem>>, vector<16xi32>,
      tpu.vector_store %arg5[%parallel_loop3A_332], %broadcast_in_dim3A_6 {strides = array<i32>} : memref<32768xi32, #tpu.memory_space<vmem>>, vector<16xi32>,
      %parallel_loop3A_334 = arith.constant 28672 : i32
      %parallel_loop3A_335 = arith.addi %parallel_loop3A_334, %parallel_loop3A_212 : i32
      %parallel_loop3A_336 = arith.index_cast %parallel_loop3A_335 : i32 to index
      %parallel_loop3A_337 = tpu.vector_load %arg5[%parallel_loop3A_336] {strides = array<i32>} : memref<32768xi32, #tpu.memory_space<vmem>>, vector<16xi32>,
      %parallel_loop3A_338 = arith.addi %parallel_loop3A_329, %parallel_loop3A_337 : vector<16xi32>
      %parallel_loop3A_339 = arith.constant 28672 : i32
      %parallel_loop3A_340 = arith.addi %parallel_loop3A_339, %parallel_loop3A_212 : i32
      %parallel_loop3A_341 = arith.index_cast %parallel_loop3A_340 : i32 to index
      %parallel_loop3A_342 = tpu.vector_load %arg5[%parallel_loop3A_341] {strides = array<i32>} : memref<32768xi32, #tpu.memory_space<vmem>>, vector<16xi32>,
      tpu.vector_store %arg5[%parallel_loop3A_341], %broadcast_in_dim3A_6 {strides = array<i32>} : memref<32768xi32, #tpu.memory_space<vmem>>, vector<16xi32>,
      %parallel_loop3A_343 = arith.constant 30720 : i32
      %parallel_loop3A_344 = arith.addi %parallel_loop3A_343, %parallel_loop3A_212 : i32
      %parallel_loop3A_345 = arith.index_cast %parallel_loop3A_344 : i32 to index
      %parallel_loop3A_346 = tpu.vector_load %arg5[%parallel_loop3A_345] {strides = array<i32>} : memref<32768xi32, #tpu.memory_space<vmem>>, vector<16xi32>,
      %parallel_loop3A_347 = arith.addi %parallel_loop3A_338, %parallel_loop3A_346 : vector<16xi32>
      %parallel_loop3A_348 = arith.constant 30720 : i32
      %parallel_loop3A_349 = arith.addi %parallel_loop3A_348, %parallel_loop3A_212 : i32
      %parallel_loop3A_350 = arith.index_cast %parallel_loop3A_349 : i32 to index
      %parallel_loop3A_351 = tpu.vector_load %arg5[%parallel_loop3A_350] {strides = array<i32>} : memref<32768xi32, #tpu.memory_space<vmem>>, vector<16xi32>,
      tpu.vector_store %arg5[%parallel_loop3A_350], %broadcast_in_dim3A_6 {strides = array<i32>} : memref<32768xi32, #tpu.memory_space<vmem>>, vector<16xi32>,
      %parallel_loop3A_352 = arith.index_cast %parallel_loop3A_212 : i32 to index
      %parallel_loop3A_353 = tpu.vector_load %arg6[%parallel_loop3A_352] {strides = array<i32>} : memref<2048xi32, #tpu.memory_space<vmem>>, vector<16xi32>,
      tpu.vector_store %arg6[%parallel_loop3A_352], %parallel_loop3A_347 {strides = array<i32>} : memref<2048xi32, #tpu.memory_space<vmem>>, vector<16xi32>,
      %parallel_loop3A_354 = arith.constant true
      %parallel_loop3A_355 = vector.broadcast %parallel_loop3A_354 : i1 to vector<16xi1>
      %parallel_loop3A_356 = tpu.scan <sum>, %parallel_loop3A_347 masked %parallel_loop3A_355 : vector<16xi32>, vector<16xi1> -> vector<16xi32>
      %parallel_loop3A_357 = vector.extract %parallel_loop3A_356[15] : i32 from vector<16xi32>
      %parallel_loop3A_358 = arith.index_cast %parallel_loop3A_210 : i32 to index
      %parallel_loop3A_359 = memref.load %arg7[%parallel_loop3A_358] : memref<128xi32, #tpu.memory_space<smem>>
      memref.store %parallel_loop3A_357, %arg7[%parallel_loop3A_358] : memref<128xi32, #tpu.memory_space<smem>>
    } {sc.loop_unroll_factor = 2 : i64, sc.parallel_access}
    %scan3A = arith.constant 8000 : i32
    %scan3A_18 = arith.constant 0 : i32
    %scan3A_19 = arith.constant false
    %scan3A_20 = arith.constant 0 : i32
    %scan3A_21 = arith.constant 0 : i32
    %scan3A_22 = arith.constant 0 : i32
    %scan3A_23 = arith.constant 128 : i32
    %scan3A_24 = arith.addi %scan3A_22, %scan3A_23 : i32
    %scan3A_25 = arith.constant 1 : i32
    %scan3A_26:4 = scf.for %scan3A_210 = %scan3A_22 to %scan3A_24 step %scan3A_25 iter_args(%scan3A_211 = %scan3A_18, %scan3A_212 = %scan3A_19, %scan3A_213 = %scan3A_20, %scan3A_214 = %scan3A_21) -> (i32, i1, i32, i32)  : i32 {
      %sub3A_215 = arith.constant 127 : i32
      %sub3A_216 = arith.subi %sub3A_215, %scan3A_210 : i32
      %get3A_217 = arith.index_cast %sub3A_216 : i32 to index
      %get3A_218 = memref.load %arg7[%get3A_217] : memref<128xi32, #tpu.memory_space<smem>>
      %add3A_219 = arith.addi %scan3A_211, %get3A_218 : i32
      %ge3A_220 = arith.cmpi sge, %add3A_219, %scan3A : i32
      %not3A = arith.constant true
      %not3A_221 = arith.xori %scan3A_212, %not3A : i1
      %and3A = arith.andi %ge3A_220, %not3A_221 : i1
      %select_n3A_222 = arith.select %and3A, %sub3A_216, %scan3A_213 : i32
      %sub3A_223 = arith.subi %scan3A, %scan3A_211 : i32
      %select_n3A_224 = arith.select %and3A, %sub3A_223, %scan3A_214 : i32
      %or3A_225 = arith.ori %scan3A_212, %and3A : i1
      %add3A_226 = arith.addi %scan3A_211, %get3A_218 : i32
      scf.yield %add3A_226, %or3A_225, %select_n3A_222, %select_n3A_224 : i32, i1, i32, i32
    }
    %scan3A_27 = arith.constant 128 : i32
    %mul3A_28 = arith.constant 16 : i32
    %mul3A_29 = arith.muli %scan3A_26#2, %mul3A_28 : i32
    %get3A = arith.index_cast %mul3A_29 : i32 to index
    %get3A_30 = tpu.vector_load %arg6[%get3A] {strides = array<i32>} : memref<2048xi32, #tpu.memory_space<vmem>>, vector<16xi32>,
    %rev3A = arith.constant 15 : i32
    %rev3A_31 = vector.broadcast %rev3A : i32 to vector<16xi32>
    %rev3A_32 = tpu.iota {dimensions = array<i32: 0>} : vector<16xi32>
    %rev3A_33 = arith.subi %rev3A_31, %rev3A_32 : vector<16xi32>
    %rev3A_34 = tpu.dynamic_gather %get3A_30[%rev3A_33] in [0] : vector<16xi32>, vector<16xi32> -> vector<16xi32>
    %broadcast_in_dim3A_35 = arith.constant true
    %broadcast_in_dim3A_36 = vector.broadcast %broadcast_in_dim3A_35 : i1 to vector<16xi1>
    %masked_cumsum3A = tpu.scan <sum>, %rev3A_34 masked %broadcast_in_dim3A_36 : vector<16xi32>, vector<16xi1> -> vector<16xi32>
    %rev3A_37 = arith.constant 15 : i32
    %rev3A_38 = vector.broadcast %rev3A_37 : i32 to vector<16xi32>
    %rev3A_39 = tpu.iota {dimensions = array<i32: 0>} : vector<16xi32>
    %rev3A_40 = arith.subi %rev3A_38, %rev3A_39 : vector<16xi32>
    %rev3A_41 = tpu.dynamic_gather %masked_cumsum3A[%rev3A_40] in [0] : vector<16xi32>, vector<16xi32> -> vector<16xi32>
    %add3A_42 = arith.constant 0 : i32
    %add3A_43 = vector.broadcast %add3A_42 : i32 to vector<16xi32>
    %add3A_44 = arith.addi %add3A_43, %rev3A_41 : vector<16xi32>
    %ge3A = vector.broadcast %scan3A_26#3 : i32 to vector<16xi32>
    %ge3A_45 = arith.cmpi sge, %add3A_44, %ge3A : vector<16xi32>
    %jit3A = arith.constant 1 : i32
    %jit3A_46 = arith.constant 0 : i32
    %broadcast_in_dim3A_47 = vector.broadcast %jit3A : i32 to vector<16xi32>
    %broadcast_in_dim3A_48 = vector.broadcast %jit3A_46 : i32 to vector<16xi32>
    %select_n3A = arith.select %ge3A_45, %broadcast_in_dim3A_47, %broadcast_in_dim3A_48 : vector<16xi1>, vector<16xi32>
    %reduce_sum3A = arith.constant true
    %reduce_sum3A_49 = vector.broadcast %reduce_sum3A : i1 to vector<16xi1>
    %reduce_sum3A_50 = tpu.scan <sum>, %select_n3A masked %reduce_sum3A_49 : vector<16xi32>, vector<16xi1> -> vector<16xi32>
    %reduce_sum3A_51 = vector.extract %reduce_sum3A_50[15] : i32 from vector<16xi32>
    %jit3A_52 = arith.constant 0 : i32
    %broadcast_in_dim3A_53 = vector.broadcast %jit3A_52 : i32 to vector<16xi32>
    %select_n3A_54 = arith.select %ge3A_45, %broadcast_in_dim3A_53, %get3A_30 : vector<16xi1>, vector<16xi32>
    %reduce_sum3A_55 = arith.constant true
    %reduce_sum3A_56 = vector.broadcast %reduce_sum3A_55 : i1 to vector<16xi1>
    %reduce_sum3A_57 = tpu.scan <sum>, %select_n3A_54 masked %reduce_sum3A_56 : vector<16xi32>, vector<16xi1> -> vector<16xi32>
    %reduce_sum3A_58 = vector.extract %reduce_sum3A_57[15] : i32 from vector<16xi32>
    %reduce_sum3A_59 = arith.constant true
    %reduce_sum3A_60 = vector.broadcast %reduce_sum3A_59 : i1 to vector<16xi1>
    %reduce_sum3A_61 = tpu.scan <sum>, %get3A_30 masked %reduce_sum3A_60 : vector<16xi32>, vector<16xi1> -> vector<16xi32>
    %reduce_sum3A_62 = vector.extract %reduce_sum3A_61[15] : i32 from vector<16xi32>
    %mul3A_63 = arith.constant 16 : i32
    %mul3A_64 = arith.muli %scan3A_26#2, %mul3A_63 : i32
    %add3A_65 = arith.addi %mul3A_64, %reduce_sum3A_51 : i32
    %sub3A = arith.constant 1 : i32
    %sub3A_66 = arith.subi %add3A_65, %sub3A : i32
    %sub3A_67 = arith.subi %scan3A_26#3, %reduce_sum3A_58 : i32
    %parallel_loop3A_68 = arith.constant 0 : i32
    %parallel_loop3A_69 = arith.constant 2500 : i32
    %parallel_loop3A_70 = arith.constant 2 : i32
    %parallel_loop3A_71 = arith.constant -2147483648 : i32
    scf.for %parallel_loop3A_210 = %parallel_loop3A_68 to %parallel_loop3A_69 step %parallel_loop3A_70  : i32 {
      %parallel_loop3A_211 = arith.constant 16 : i32
      %parallel_loop3A_212 = arith.muli %parallel_loop3A_210, %parallel_loop3A_211 : i32
      %parallel_loop3A_213 = arith.index_cast %parallel_loop3A_212 : i32 to index
      %parallel_loop3A_214 = tpu.vector_load %arg4[%parallel_loop3A_213] {strides = array<i32>} : memref<40000xf32, #tpu.memory_space<vmem>>, vector<16xf32>,
      %parallel_loop3A_215 = tpu.bitcast %parallel_loop3A_214 : vector<16xf32> -> vector<16xi32>
      %parallel_loop3A_216 = arith.constant 0 : i32
      %parallel_loop3A_217 = vector.broadcast %parallel_loop3A_216 : i32 to vector<16xi32>
      %parallel_loop3A_218 = arith.cmpi sge, %parallel_loop3A_215, %parallel_loop3A_217 : vector<16xi32>
      %parallel_loop3A_219 = vector.broadcast %parallel_loop3A_71 : i32 to vector<16xi32>
      %parallel_loop3A_220 = arith.xori %parallel_loop3A_215, %parallel_loop3A_219 : vector<16xi32>
      %parallel_loop3A_221 = arith.constant dense<-1> : vector<16xi32>
      %parallel_loop3A_222 = arith.xori %parallel_loop3A_215, %parallel_loop3A_221 : vector<16xi32>
      %parallel_loop3A_223 = arith.select %parallel_loop3A_218, %parallel_loop3A_220, %parallel_loop3A_222 : vector<16xi1>, vector<16xi32>
      %parallel_loop3A_224 = arith.constant 10 : i32
      %parallel_loop3A_225 = vector.broadcast %parallel_loop3A_224 : i32 to vector<16xi32>
      %parallel_loop3A_226 = arith.shrui %parallel_loop3A_223, %parallel_loop3A_225 : vector<16xi32>
      %parallel_loop3A_227 = arith.constant 2047 : i32
      %parallel_loop3A_228 = vector.broadcast %parallel_loop3A_227 : i32 to vector<16xi32>
      %parallel_loop3A_229 = arith.andi %parallel_loop3A_226, %parallel_loop3A_228 : vector<16xi32>
      %parallel_loop3A_230 = arith.addi %mul3A_3, %parallel_loop3A_229 : vector<16xi32>
      %parallel_loop3A_231 = arith.constant 21 : i32
      %parallel_loop3A_232 = vector.broadcast %parallel_loop3A_231 : i32 to vector<16xi32>
      %parallel_loop3A_233 = arith.shrui %parallel_loop3A_223, %parallel_loop3A_232 : vector<16xi32>
      %parallel_loop3A_234 = vector.broadcast %sub3A_66 : i32 to vector<16xi32>
      %parallel_loop3A_235 = arith.cmpi eq, %parallel_loop3A_233, %parallel_loop3A_234 : vector<16xi32>
      tpu.vector_store_idx %arg5[%parallel_loop3A_230], %broadcast_in_dim3A_4 masked %parallel_loop3A_235 {add = true} : memref<32768xi32, #tpu.memory_space<vmem>>[vector<16xi32>], vector<16xi32>, vector<16xi1>
      %parallel_loop3A_236 = arith.constant 16 : i32
      %parallel_loop3A_237 = arith.muli %parallel_loop3A_210, %parallel_loop3A_236 : i32
      %parallel_loop3A_238 = arith.constant 16 : i32
      %parallel_loop3A_239 = arith.addi %parallel_loop3A_237, %parallel_loop3A_238 : i32
      %parallel_loop3A_240 = arith.index_cast %parallel_loop3A_239 : i32 to index
      %parallel_loop3A_241 = tpu.vector_load %arg4[%parallel_loop3A_240] {strides = array<i32>} : memref<40000xf32, #tpu.memory_space<vmem>>, vector<16xf32>,
      %parallel_loop3A_242 = tpu.bitcast %parallel_loop3A_241 : vector<16xf32> -> vector<16xi32>
      %parallel_loop3A_243 = arith.constant 0 : i32
      %parallel_loop3A_244 = vector.broadcast %parallel_loop3A_243 : i32 to vector<16xi32>
      %parallel_loop3A_245 = arith.cmpi sge, %parallel_loop3A_242, %parallel_loop3A_244 : vector<16xi32>
      %parallel_loop3A_246 = vector.broadcast %parallel_loop3A_71 : i32 to vector<16xi32>
      %parallel_loop3A_247 = arith.xori %parallel_loop3A_242, %parallel_loop3A_246 : vector<16xi32>
      %parallel_loop3A_248 = arith.constant dense<-1> : vector<16xi32>
      %parallel_loop3A_249 = arith.xori %parallel_loop3A_242, %parallel_loop3A_248 : vector<16xi32>
      %parallel_loop3A_250 = arith.select %parallel_loop3A_245, %parallel_loop3A_247, %parallel_loop3A_249 : vector<16xi1>, vector<16xi32>
      %parallel_loop3A_251 = arith.constant 10 : i32
      %parallel_loop3A_252 = vector.broadcast %parallel_loop3A_251 : i32 to vector<16xi32>
      %parallel_loop3A_253 = arith.shrui %parallel_loop3A_250, %parallel_loop3A_252 : vector<16xi32>
      %parallel_loop3A_254 = arith.constant 2047 : i32
      %parallel_loop3A_255 = vector.broadcast %parallel_loop3A_254 : i32 to vector<16xi32>
      %parallel_loop3A_256 = arith.andi %parallel_loop3A_253, %parallel_loop3A_255 : vector<16xi32>
      %parallel_loop3A_257 = arith.addi %mul3A_3, %parallel_loop3A_256 : vector<16xi32>
      %parallel_loop3A_258 = arith.constant 21 : i32
      %parallel_loop3A_259 = vector.broadcast %parallel_loop3A_258 : i32 to vector<16xi32>
      %parallel_loop3A_260 = arith.shrui %parallel_loop3A_250, %parallel_loop3A_259 : vector<16xi32>
      %parallel_loop3A_261 = vector.broadcast %sub3A_66 : i32 to vector<16xi32>
      %parallel_loop3A_262 = arith.cmpi eq, %parallel_loop3A_260, %parallel_loop3A_261 : vector<16xi32>
      tpu.vector_store_idx %arg5[%parallel_loop3A_257], %broadcast_in_dim3A_4 masked %parallel_loop3A_262 {add = true} : memref<32768xi32, #tpu.memory_space<vmem>>[vector<16xi32>], vector<16xi32>, vector<16xi1>
    } {sc.loop_unroll_factor = 5 : i64, sc.parallel_access}
    %parallel_loop3A_72 = arith.constant 0 : i32
    %parallel_loop3A_73 = arith.constant 128 : i32
    %parallel_loop3A_74 = arith.constant 1 : i32
    scf.for %parallel_loop3A_210 = %parallel_loop3A_72 to %parallel_loop3A_73 step %parallel_loop3A_74  : i32 {
      %parallel_loop3A_211 = arith.constant 16 : i32
      %parallel_loop3A_212 = arith.muli %parallel_loop3A_210, %parallel_loop3A_211 : i32
      %parallel_loop3A_213 = arith.index_cast %parallel_loop3A_212 : i32 to index
      %parallel_loop3A_214 = tpu.vector_load %arg5[%parallel_loop3A_213] {strides = array<i32>} : memref<32768xi32, #tpu.memory_space<vmem>>, vector<16xi32>,
      %parallel_loop3A_215 = arith.index_cast %parallel_loop3A_212 : i32 to index
      %parallel_loop3A_216 = tpu.vector_load %arg5[%parallel_loop3A_215] {strides = array<i32>} : memref<32768xi32, #tpu.memory_space<vmem>>, vector<16xi32>,
      tpu.vector_store %arg5[%parallel_loop3A_215], %broadcast_in_dim3A_6 {strides = array<i32>} : memref<32768xi32, #tpu.memory_space<vmem>>, vector<16xi32>,
      %parallel_loop3A_217 = arith.constant 2048 : i32
      %parallel_loop3A_218 = arith.addi %parallel_loop3A_217, %parallel_loop3A_212 : i32
      %parallel_loop3A_219 = arith.index_cast %parallel_loop3A_218 : i32 to index
      %parallel_loop3A_220 = tpu.vector_load %arg5[%parallel_loop3A_219] {strides = array<i32>} : memref<32768xi32, #tpu.memory_space<vmem>>, vector<16xi32>,
      %parallel_loop3A_221 = arith.addi %parallel_loop3A_214, %parallel_loop3A_220 : vector<16xi32>
      %parallel_loop3A_222 = arith.constant 2048 : i32
      %parallel_loop3A_223 = arith.addi %parallel_loop3A_222, %parallel_loop3A_212 : i32
      %parallel_loop3A_224 = arith.index_cast %parallel_loop3A_223 : i32 to index
      %parallel_loop3A_225 = tpu.vector_load %arg5[%parallel_loop3A_224] {strides = array<i32>} : memref<32768xi32, #tpu.memory_space<vmem>>, vector<16xi32>,
      tpu.vector_store %arg5[%parallel_loop3A_224], %broadcast_in_dim3A_6 {strides = array<i32>} : memref<32768xi32, #tpu.memory_space<vmem>>, vector<16xi32>,
      %parallel_loop3A_226 = arith.constant 4096 : i32
      %parallel_loop3A_227 = arith.addi %parallel_loop3A_226, %parallel_loop3A_212 : i32
      %parallel_loop3A_228 = arith.index_cast %parallel_loop3A_227 : i32 to index
      %parallel_loop3A_229 = tpu.vector_load %arg5[%parallel_loop3A_228] {strides = array<i32>} : memref<32768xi32, #tpu.memory_space<vmem>>, vector<16xi32>,
      %parallel_loop3A_230 = arith.addi %parallel_loop3A_221, %parallel_loop3A_229 : vector<16xi32>
      %parallel_loop3A_231 = arith.constant 4096 : i32
      %parallel_loop3A_232 = arith.addi %parallel_loop3A_231, %parallel_loop3A_212 : i32
      %parallel_loop3A_233 = arith.index_cast %parallel_loop3A_232 : i32 to index
      %parallel_loop3A_234 = tpu.vector_load %arg5[%parallel_loop3A_233] {strides = array<i32>} : memref<32768xi32, #tpu.memory_space<vmem>>, vector<16xi32>,
      tpu.vector_store %arg5[%parallel_loop3A_233], %broadcast_in_dim3A_6 {strides = array<i32>} : memref<32768xi32, #tpu.memory_space<vmem>>, vector<16xi32>,
      %parallel_loop3A_235 = arith.constant 6144 : i32
      %parallel_loop3A_236 = arith.addi %parallel_loop3A_235, %parallel_loop3A_212 : i32
      %parallel_loop3A_237 = arith.index_cast %parallel_loop3A_236 : i32 to index
      %parallel_loop3A_238 = tpu.vector_load %arg5[%parallel_loop3A_237] {strides = array<i32>} : memref<32768xi32, #tpu.memory_space<vmem>>, vector<16xi32>,
      %parallel_loop3A_239 = arith.addi %parallel_loop3A_230, %parallel_loop3A_238 : vector<16xi32>
      %parallel_loop3A_240 = arith.constant 6144 : i32
      %parallel_loop3A_241 = arith.addi %parallel_loop3A_240, %parallel_loop3A_212 : i32
      %parallel_loop3A_242 = arith.index_cast %parallel_loop3A_241 : i32 to index
      %parallel_loop3A_243 = tpu.vector_load %arg5[%parallel_loop3A_242] {strides = array<i32>} : memref<32768xi32, #tpu.memory_space<vmem>>, vector<16xi32>,
      tpu.vector_store %arg5[%parallel_loop3A_242], %broadcast_in_dim3A_6 {strides = array<i32>} : memref<32768xi32, #tpu.memory_space<vmem>>, vector<16xi32>,
      %parallel_loop3A_244 = arith.constant 8192 : i32
      %parallel_loop3A_245 = arith.addi %parallel_loop3A_244, %parallel_loop3A_212 : i32
      %parallel_loop3A_246 = arith.index_cast %parallel_loop3A_245 : i32 to index
      %parallel_loop3A_247 = tpu.vector_load %arg5[%parallel_loop3A_246] {strides = array<i32>} : memref<32768xi32, #tpu.memory_space<vmem>>, vector<16xi32>,
      %parallel_loop3A_248 = arith.addi %parallel_loop3A_239, %parallel_loop3A_247 : vector<16xi32>
      %parallel_loop3A_249 = arith.constant 8192 : i32
      %parallel_loop3A_250 = arith.addi %parallel_loop3A_249, %parallel_loop3A_212 : i32
      %parallel_loop3A_251 = arith.index_cast %parallel_loop3A_250 : i32 to index
      %parallel_loop3A_252 = tpu.vector_load %arg5[%parallel_loop3A_251] {strides = array<i32>} : memref<32768xi32, #tpu.memory_space<vmem>>, vector<16xi32>,
      tpu.vector_store %arg5[%parallel_loop3A_251], %broadcast_in_dim3A_6 {strides = array<i32>} : memref<32768xi32, #tpu.memory_space<vmem>>, vector<16xi32>,
      %parallel_loop3A_253 = arith.constant 10240 : i32
      %parallel_loop3A_254 = arith.addi %parallel_loop3A_253, %parallel_loop3A_212 : i32
      %parallel_loop3A_255 = arith.index_cast %parallel_loop3A_254 : i32 to index
      %parallel_loop3A_256 = tpu.vector_load %arg5[%parallel_loop3A_255] {strides = array<i32>} : memref<32768xi32, #tpu.memory_space<vmem>>, vector<16xi32>,
      %parallel_loop3A_257 = arith.addi %parallel_loop3A_248, %parallel_loop3A_256 : vector<16xi32>
      %parallel_loop3A_258 = arith.constant 10240 : i32
      %parallel_loop3A_259 = arith.addi %parallel_loop3A_258, %parallel_loop3A_212 : i32
      %parallel_loop3A_260 = arith.index_cast %parallel_loop3A_259 : i32 to index
      %parallel_loop3A_261 = tpu.vector_load %arg5[%parallel_loop3A_260] {strides = array<i32>} : memref<32768xi32, #tpu.memory_space<vmem>>, vector<16xi32>,
      tpu.vector_store %arg5[%parallel_loop3A_260], %broadcast_in_dim3A_6 {strides = array<i32>} : memref<32768xi32, #tpu.memory_space<vmem>>, vector<16xi32>,
      %parallel_loop3A_262 = arith.constant 12288 : i32
      %parallel_loop3A_263 = arith.addi %parallel_loop3A_262, %parallel_loop3A_212 : i32
      %parallel_loop3A_264 = arith.index_cast %parallel_loop3A_263 : i32 to index
      %parallel_loop3A_265 = tpu.vector_load %arg5[%parallel_loop3A_264] {strides = array<i32>} : memref<32768xi32, #tpu.memory_space<vmem>>, vector<16xi32>,
      %parallel_loop3A_266 = arith.addi %parallel_loop3A_257, %parallel_loop3A_265 : vector<16xi32>
      %parallel_loop3A_267 = arith.constant 12288 : i32
      %parallel_loop3A_268 = arith.addi %parallel_loop3A_267, %parallel_loop3A_212 : i32
      %parallel_loop3A_269 = arith.index_cast %parallel_loop3A_268 : i32 to index
      %parallel_loop3A_270 = tpu.vector_load %arg5[%parallel_loop3A_269] {strides = array<i32>} : memref<32768xi32, #tpu.memory_space<vmem>>, vector<16xi32>,
      tpu.vector_store %arg5[%parallel_loop3A_269], %broadcast_in_dim3A_6 {strides = array<i32>} : memref<32768xi32, #tpu.memory_space<vmem>>, vector<16xi32>,
      %parallel_loop3A_271 = arith.constant 14336 : i32
      %parallel_loop3A_272 = arith.addi %parallel_loop3A_271, %parallel_loop3A_212 : i32
      %parallel_loop3A_273 = arith.index_cast %parallel_loop3A_272 : i32 to index
      %parallel_loop3A_274 = tpu.vector_load %arg5[%parallel_loop3A_273] {strides = array<i32>} : memref<32768xi32, #tpu.memory_space<vmem>>, vector<16xi32>,
      %parallel_loop3A_275 = arith.addi %parallel_loop3A_266, %parallel_loop3A_274 : vector<16xi32>
      %parallel_loop3A_276 = arith.constant 14336 : i32
      %parallel_loop3A_277 = arith.addi %parallel_loop3A_276, %parallel_loop3A_212 : i32
      %parallel_loop3A_278 = arith.index_cast %parallel_loop3A_277 : i32 to index
      %parallel_loop3A_279 = tpu.vector_load %arg5[%parallel_loop3A_278] {strides = array<i32>} : memref<32768xi32, #tpu.memory_space<vmem>>, vector<16xi32>,
      tpu.vector_store %arg5[%parallel_loop3A_278], %broadcast_in_dim3A_6 {strides = array<i32>} : memref<32768xi32, #tpu.memory_space<vmem>>, vector<16xi32>,
      %parallel_loop3A_280 = arith.constant 16384 : i32
      %parallel_loop3A_281 = arith.addi %parallel_loop3A_280, %parallel_loop3A_212 : i32
      %parallel_loop3A_282 = arith.index_cast %parallel_loop3A_281 : i32 to index
      %parallel_loop3A_283 = tpu.vector_load %arg5[%parallel_loop3A_282] {strides = array<i32>} : memref<32768xi32, #tpu.memory_space<vmem>>, vector<16xi32>,
      %parallel_loop3A_284 = arith.addi %parallel_loop3A_275, %parallel_loop3A_283 : vector<16xi32>
      %parallel_loop3A_285 = arith.constant 16384 : i32
      %parallel_loop3A_286 = arith.addi %parallel_loop3A_285, %parallel_loop3A_212 : i32
      %parallel_loop3A_287 = arith.index_cast %parallel_loop3A_286 : i32 to index
      %parallel_loop3A_288 = tpu.vector_load %arg5[%parallel_loop3A_287] {strides = array<i32>} : memref<32768xi32, #tpu.memory_space<vmem>>, vector<16xi32>,
      tpu.vector_store %arg5[%parallel_loop3A_287], %broadcast_in_dim3A_6 {strides = array<i32>} : memref<32768xi32, #tpu.memory_space<vmem>>, vector<16xi32>,
      %parallel_loop3A_289 = arith.constant 18432 : i32
      %parallel_loop3A_290 = arith.addi %parallel_loop3A_289, %parallel_loop3A_212 : i32
      %parallel_loop3A_291 = arith.index_cast %parallel_loop3A_290 : i32 to index
      %parallel_loop3A_292 = tpu.vector_load %arg5[%parallel_loop3A_291] {strides = array<i32>} : memref<32768xi32, #tpu.memory_space<vmem>>, vector<16xi32>,
      %parallel_loop3A_293 = arith.addi %parallel_loop3A_284, %parallel_loop3A_292 : vector<16xi32>
      %parallel_loop3A_294 = arith.constant 18432 : i32
      %parallel_loop3A_295 = arith.addi %parallel_loop3A_294, %parallel_loop3A_212 : i32
      %parallel_loop3A_296 = arith.index_cast %parallel_loop3A_295 : i32 to index
      %parallel_loop3A_297 = tpu.vector_load %arg5[%parallel_loop3A_296] {strides = array<i32>} : memref<32768xi32, #tpu.memory_space<vmem>>, vector<16xi32>,
      tpu.vector_store %arg5[%parallel_loop3A_296], %broadcast_in_dim3A_6 {strides = array<i32>} : memref<32768xi32, #tpu.memory_space<vmem>>, vector<16xi32>,
      %parallel_loop3A_298 = arith.constant 20480 : i32
      %parallel_loop3A_299 = arith.addi %parallel_loop3A_298, %parallel_loop3A_212 : i32
      %parallel_loop3A_300 = arith.index_cast %parallel_loop3A_299 : i32 to index
      %parallel_loop3A_301 = tpu.vector_load %arg5[%parallel_loop3A_300] {strides = array<i32>} : memref<32768xi32, #tpu.memory_space<vmem>>, vector<16xi32>,
      %parallel_loop3A_302 = arith.addi %parallel_loop3A_293, %parallel_loop3A_301 : vector<16xi32>
      %parallel_loop3A_303 = arith.constant 20480 : i32
      %parallel_loop3A_304 = arith.addi %parallel_loop3A_303, %parallel_loop3A_212 : i32
      %parallel_loop3A_305 = arith.index_cast %parallel_loop3A_304 : i32 to index
      %parallel_loop3A_306 = tpu.vector_load %arg5[%parallel_loop3A_305] {strides = array<i32>} : memref<32768xi32, #tpu.memory_space<vmem>>, vector<16xi32>,
      tpu.vector_store %arg5[%parallel_loop3A_305], %broadcast_in_dim3A_6 {strides = array<i32>} : memref<32768xi32, #tpu.memory_space<vmem>>, vector<16xi32>,
      %parallel_loop3A_307 = arith.constant 22528 : i32
      %parallel_loop3A_308 = arith.addi %parallel_loop3A_307, %parallel_loop3A_212 : i32
      %parallel_loop3A_309 = arith.index_cast %parallel_loop3A_308 : i32 to index
      %parallel_loop3A_310 = tpu.vector_load %arg5[%parallel_loop3A_309] {strides = array<i32>} : memref<32768xi32, #tpu.memory_space<vmem>>, vector<16xi32>,
      %parallel_loop3A_311 = arith.addi %parallel_loop3A_302, %parallel_loop3A_310 : vector<16xi32>
      %parallel_loop3A_312 = arith.constant 22528 : i32
      %parallel_loop3A_313 = arith.addi %parallel_loop3A_312, %parallel_loop3A_212 : i32
      %parallel_loop3A_314 = arith.index_cast %parallel_loop3A_313 : i32 to index
      %parallel_loop3A_315 = tpu.vector_load %arg5[%parallel_loop3A_314] {strides = array<i32>} : memref<32768xi32, #tpu.memory_space<vmem>>, vector<16xi32>,
      tpu.vector_store %arg5[%parallel_loop3A_314], %broadcast_in_dim3A_6 {strides = array<i32>} : memref<32768xi32, #tpu.memory_space<vmem>>, vector<16xi32>,
      %parallel_loop3A_316 = arith.constant 24576 : i32
      %parallel_loop3A_317 = arith.addi %parallel_loop3A_316, %parallel_loop3A_212 : i32
      %parallel_loop3A_318 = arith.index_cast %parallel_loop3A_317 : i32 to index
      %parallel_loop3A_319 = tpu.vector_load %arg5[%parallel_loop3A_318] {strides = array<i32>} : memref<32768xi32, #tpu.memory_space<vmem>>, vector<16xi32>,
      %parallel_loop3A_320 = arith.addi %parallel_loop3A_311, %parallel_loop3A_319 : vector<16xi32>
      %parallel_loop3A_321 = arith.constant 24576 : i32
      %parallel_loop3A_322 = arith.addi %parallel_loop3A_321, %parallel_loop3A_212 : i32
      %parallel_loop3A_323 = arith.index_cast %parallel_loop3A_322 : i32 to index
      %parallel_loop3A_324 = tpu.vector_load %arg5[%parallel_loop3A_323] {strides = array<i32>} : memref<32768xi32, #tpu.memory_space<vmem>>, vector<16xi32>,
      tpu.vector_store %arg5[%parallel_loop3A_323], %broadcast_in_dim3A_6 {strides = array<i32>} : memref<32768xi32, #tpu.memory_space<vmem>>, vector<16xi32>,
      %parallel_loop3A_325 = arith.constant 26624 : i32
      %parallel_loop3A_326 = arith.addi %parallel_loop3A_325, %parallel_loop3A_212 : i32
      %parallel_loop3A_327 = arith.index_cast %parallel_loop3A_326 : i32 to index
      %parallel_loop3A_328 = tpu.vector_load %arg5[%parallel_loop3A_327] {strides = array<i32>} : memref<32768xi32, #tpu.memory_space<vmem>>, vector<16xi32>,
      %parallel_loop3A_329 = arith.addi %parallel_loop3A_320, %parallel_loop3A_328 : vector<16xi32>
      %parallel_loop3A_330 = arith.constant 26624 : i32
      %parallel_loop3A_331 = arith.addi %parallel_loop3A_330, %parallel_loop3A_212 : i32
      %parallel_loop3A_332 = arith.index_cast %parallel_loop3A_331 : i32 to index
      %parallel_loop3A_333 = tpu.vector_load %arg5[%parallel_loop3A_332] {strides = array<i32>} : memref<32768xi32, #tpu.memory_space<vmem>>, vector<16xi32>,
      tpu.vector_store %arg5[%parallel_loop3A_332], %broadcast_in_dim3A_6 {strides = array<i32>} : memref<32768xi32, #tpu.memory_space<vmem>>, vector<16xi32>,
      %parallel_loop3A_334 = arith.constant 28672 : i32
      %parallel_loop3A_335 = arith.addi %parallel_loop3A_334, %parallel_loop3A_212 : i32
      %parallel_loop3A_336 = arith.index_cast %parallel_loop3A_335 : i32 to index
      %parallel_loop3A_337 = tpu.vector_load %arg5[%parallel_loop3A_336] {strides = array<i32>} : memref<32768xi32, #tpu.memory_space<vmem>>, vector<16xi32>,
      %parallel_loop3A_338 = arith.addi %parallel_loop3A_329, %parallel_loop3A_337 : vector<16xi32>
      %parallel_loop3A_339 = arith.constant 28672 : i32
      %parallel_loop3A_340 = arith.addi %parallel_loop3A_339, %parallel_loop3A_212 : i32
      %parallel_loop3A_341 = arith.index_cast %parallel_loop3A_340 : i32 to index
      %parallel_loop3A_342 = tpu.vector_load %arg5[%parallel_loop3A_341] {strides = array<i32>} : memref<32768xi32, #tpu.memory_space<vmem>>, vector<16xi32>,
      tpu.vector_store %arg5[%parallel_loop3A_341], %broadcast_in_dim3A_6 {strides = array<i32>} : memref<32768xi32, #tpu.memory_space<vmem>>, vector<16xi32>,
      %parallel_loop3A_343 = arith.constant 30720 : i32
      %parallel_loop3A_344 = arith.addi %parallel_loop3A_343, %parallel_loop3A_212 : i32
      %parallel_loop3A_345 = arith.index_cast %parallel_loop3A_344 : i32 to index
      %parallel_loop3A_346 = tpu.vector_load %arg5[%parallel_loop3A_345] {strides = array<i32>} : memref<32768xi32, #tpu.memory_space<vmem>>, vector<16xi32>,
      %parallel_loop3A_347 = arith.addi %parallel_loop3A_338, %parallel_loop3A_346 : vector<16xi32>
      %parallel_loop3A_348 = arith.constant 30720 : i32
      %parallel_loop3A_349 = arith.addi %parallel_loop3A_348, %parallel_loop3A_212 : i32
      %parallel_loop3A_350 = arith.index_cast %parallel_loop3A_349 : i32 to index
      %parallel_loop3A_351 = tpu.vector_load %arg5[%parallel_loop3A_350] {strides = array<i32>} : memref<32768xi32, #tpu.memory_space<vmem>>, vector<16xi32>,
      tpu.vector_store %arg5[%parallel_loop3A_350], %broadcast_in_dim3A_6 {strides = array<i32>} : memref<32768xi32, #tpu.memory_space<vmem>>, vector<16xi32>,
      %parallel_loop3A_352 = arith.index_cast %parallel_loop3A_212 : i32 to index
      %parallel_loop3A_353 = tpu.vector_load %arg6[%parallel_loop3A_352] {strides = array<i32>} : memref<2048xi32, #tpu.memory_space<vmem>>, vector<16xi32>,
      tpu.vector_store %arg6[%parallel_loop3A_352], %parallel_loop3A_347 {strides = array<i32>} : memref<2048xi32, #tpu.memory_space<vmem>>, vector<16xi32>,
      %parallel_loop3A_354 = arith.constant true
      %parallel_loop3A_355 = vector.broadcast %parallel_loop3A_354 : i1 to vector<16xi1>
      %parallel_loop3A_356 = tpu.scan <sum>, %parallel_loop3A_347 masked %parallel_loop3A_355 : vector<16xi32>, vector<16xi1> -> vector<16xi32>
      %parallel_loop3A_357 = vector.extract %parallel_loop3A_356[15] : i32 from vector<16xi32>
      %parallel_loop3A_358 = arith.index_cast %parallel_loop3A_210 : i32 to index
      %parallel_loop3A_359 = memref.load %arg7[%parallel_loop3A_358] : memref<128xi32, #tpu.memory_space<smem>>
      memref.store %parallel_loop3A_357, %arg7[%parallel_loop3A_358] : memref<128xi32, #tpu.memory_space<smem>>
    } {sc.loop_unroll_factor = 2 : i64, sc.parallel_access}
    %scan3A_75 = arith.constant 0 : i32
    %scan3A_76 = arith.constant false
    %scan3A_77 = arith.constant 0 : i32
    %scan3A_78 = arith.constant 0 : i32
    %scan3A_79 = arith.constant 0 : i32
    %scan3A_80 = arith.constant 128 : i32
    %scan3A_81 = arith.addi %scan3A_79, %scan3A_80 : i32
    %scan3A_82 = arith.constant 1 : i32
    %scan3A_83:4 = scf.for %scan3A_210 = %scan3A_79 to %scan3A_81 step %scan3A_82 iter_args(%scan3A_211 = %scan3A_75, %scan3A_212 = %scan3A_76, %scan3A_213 = %scan3A_77, %scan3A_214 = %scan3A_78) -> (i32, i1, i32, i32)  : i32 {
      %sub3A_215 = arith.constant 127 : i32
      %sub3A_216 = arith.subi %sub3A_215, %scan3A_210 : i32
      %get3A_217 = arith.index_cast %sub3A_216 : i32 to index
      %get3A_218 = memref.load %arg7[%get3A_217] : memref<128xi32, #tpu.memory_space<smem>>
      %add3A_219 = arith.addi %scan3A_211, %get3A_218 : i32
      %ge3A_220 = arith.cmpi sge, %add3A_219, %sub3A_67 : i32
      %not3A = arith.constant true
      %not3A_221 = arith.xori %scan3A_212, %not3A : i1
      %and3A = arith.andi %ge3A_220, %not3A_221 : i1
      %select_n3A_222 = arith.select %and3A, %sub3A_216, %scan3A_213 : i32
      %sub3A_223 = arith.subi %sub3A_67, %scan3A_211 : i32
      %select_n3A_224 = arith.select %and3A, %sub3A_223, %scan3A_214 : i32
      %or3A_225 = arith.ori %scan3A_212, %and3A : i1
      %add3A_226 = arith.addi %scan3A_211, %get3A_218 : i32
      scf.yield %add3A_226, %or3A_225, %select_n3A_222, %select_n3A_224 : i32, i1, i32, i32
    }
    %scan3A_84 = arith.constant 128 : i32
    %mul3A_85 = arith.constant 16 : i32
    %mul3A_86 = arith.muli %scan3A_83#2, %mul3A_85 : i32
    %get3A_87 = arith.index_cast %mul3A_86 : i32 to index
    %get3A_88 = tpu.vector_load %arg6[%get3A_87] {strides = array<i32>} : memref<2048xi32, #tpu.memory_space<vmem>>, vector<16xi32>,
    %rev3A_89 = arith.constant 15 : i32
    %rev3A_90 = vector.broadcast %rev3A_89 : i32 to vector<16xi32>
    %rev3A_91 = tpu.iota {dimensions = array<i32: 0>} : vector<16xi32>
    %rev3A_92 = arith.subi %rev3A_90, %rev3A_91 : vector<16xi32>
    %rev3A_93 = tpu.dynamic_gather %get3A_88[%rev3A_92] in [0] : vector<16xi32>, vector<16xi32> -> vector<16xi32>
    %broadcast_in_dim3A_94 = arith.constant true
    %broadcast_in_dim3A_95 = vector.broadcast %broadcast_in_dim3A_94 : i1 to vector<16xi1>
    %masked_cumsum3A_96 = tpu.scan <sum>, %rev3A_93 masked %broadcast_in_dim3A_95 : vector<16xi32>, vector<16xi1> -> vector<16xi32>
    %rev3A_97 = arith.constant 15 : i32
    %rev3A_98 = vector.broadcast %rev3A_97 : i32 to vector<16xi32>
    %rev3A_99 = tpu.iota {dimensions = array<i32: 0>} : vector<16xi32>
    %rev3A_100 = arith.subi %rev3A_98, %rev3A_99 : vector<16xi32>
    %rev3A_101 = tpu.dynamic_gather %masked_cumsum3A_96[%rev3A_100] in [0] : vector<16xi32>, vector<16xi32> -> vector<16xi32>
    %add3A_102 = arith.constant 0 : i32
    %add3A_103 = vector.broadcast %add3A_102 : i32 to vector<16xi32>
    %add3A_104 = arith.addi %add3A_103, %rev3A_101 : vector<16xi32>
    %ge3A_105 = vector.broadcast %scan3A_83#3 : i32 to vector<16xi32>
    %ge3A_106 = arith.cmpi sge, %add3A_104, %ge3A_105 : vector<16xi32>
    %jit3A_107 = arith.constant 1 : i32
    %jit3A_108 = arith.constant 0 : i32
    %broadcast_in_dim3A_109 = vector.broadcast %jit3A_107 : i32 to vector<16xi32>
    %broadcast_in_dim3A_110 = vector.broadcast %jit3A_108 : i32 to vector<16xi32>
    %select_n3A_111 = arith.select %ge3A_106, %broadcast_in_dim3A_109, %broadcast_in_dim3A_110 : vector<16xi1>, vector<16xi32>
    %reduce_sum3A_112 = arith.constant true
    %reduce_sum3A_113 = vector.broadcast %reduce_sum3A_112 : i1 to vector<16xi1>
    %reduce_sum3A_114 = tpu.scan <sum>, %select_n3A_111 masked %reduce_sum3A_113 : vector<16xi32>, vector<16xi1> -> vector<16xi32>
    %reduce_sum3A_115 = vector.extract %reduce_sum3A_114[15] : i32 from vector<16xi32>
    %jit3A_116 = arith.constant 0 : i32
    %broadcast_in_dim3A_117 = vector.broadcast %jit3A_116 : i32 to vector<16xi32>
    %select_n3A_118 = arith.select %ge3A_106, %broadcast_in_dim3A_117, %get3A_88 : vector<16xi1>, vector<16xi32>
    %reduce_sum3A_119 = arith.constant true
    %reduce_sum3A_120 = vector.broadcast %reduce_sum3A_119 : i1 to vector<16xi1>
    %reduce_sum3A_121 = tpu.scan <sum>, %select_n3A_118 masked %reduce_sum3A_120 : vector<16xi32>, vector<16xi1> -> vector<16xi32>
    %reduce_sum3A_122 = vector.extract %reduce_sum3A_121[15] : i32 from vector<16xi32>
    %reduce_sum3A_123 = arith.constant true
    %reduce_sum3A_124 = vector.broadcast %reduce_sum3A_123 : i1 to vector<16xi1>
    %reduce_sum3A_125 = tpu.scan <sum>, %get3A_88 masked %reduce_sum3A_124 : vector<16xi32>, vector<16xi1> -> vector<16xi32>
    %reduce_sum3A_126 = vector.extract %reduce_sum3A_125[15] : i32 from vector<16xi32>
    %mul3A_127 = arith.constant 16 : i32
    %mul3A_128 = arith.muli %scan3A_83#2, %mul3A_127 : i32
    %add3A_129 = arith.addi %mul3A_128, %reduce_sum3A_115 : i32
    %sub3A_130 = arith.constant 1 : i32
    %sub3A_131 = arith.subi %add3A_129, %sub3A_130 : i32
    %sub3A_132 = arith.subi %scan3A_83#3, %reduce_sum3A_122 : i32
    %shift_left3A = arith.constant 11 : i32
    %shift_left3A_133 = arith.shli %sub3A_66, %shift_left3A : i32
    %or3A = arith.ori %shift_left3A_133, %sub3A_131 : i32
    %parallel_loop3A_134 = arith.constant 0 : i32
    %parallel_loop3A_135 = arith.constant 2500 : i32
    %parallel_loop3A_136 = arith.constant 2 : i32
    %parallel_loop3A_137 = arith.constant -2147483648 : i32
    scf.for %parallel_loop3A_210 = %parallel_loop3A_134 to %parallel_loop3A_135 step %parallel_loop3A_136  : i32 {
      %parallel_loop3A_211 = arith.constant 16 : i32
      %parallel_loop3A_212 = arith.muli %parallel_loop3A_210, %parallel_loop3A_211 : i32
      %parallel_loop3A_213 = arith.index_cast %parallel_loop3A_212 : i32 to index
      %parallel_loop3A_214 = tpu.vector_load %arg4[%parallel_loop3A_213] {strides = array<i32>} : memref<40000xf32, #tpu.memory_space<vmem>>, vector<16xf32>,
      %parallel_loop3A_215 = tpu.bitcast %parallel_loop3A_214 : vector<16xf32> -> vector<16xi32>
      %parallel_loop3A_216 = arith.constant 0 : i32
      %parallel_loop3A_217 = vector.broadcast %parallel_loop3A_216 : i32 to vector<16xi32>
      %parallel_loop3A_218 = arith.cmpi sge, %parallel_loop3A_215, %parallel_loop3A_217 : vector<16xi32>
      %parallel_loop3A_219 = vector.broadcast %parallel_loop3A_137 : i32 to vector<16xi32>
      %parallel_loop3A_220 = arith.xori %parallel_loop3A_215, %parallel_loop3A_219 : vector<16xi32>
      %parallel_loop3A_221 = arith.constant dense<-1> : vector<16xi32>
      %parallel_loop3A_222 = arith.xori %parallel_loop3A_215, %parallel_loop3A_221 : vector<16xi32>
      %parallel_loop3A_223 = arith.select %parallel_loop3A_218, %parallel_loop3A_220, %parallel_loop3A_222 : vector<16xi1>, vector<16xi32>
      %parallel_loop3A_224 = arith.constant 1023 : i32
      %parallel_loop3A_225 = vector.broadcast %parallel_loop3A_224 : i32 to vector<16xi32>
      %parallel_loop3A_226 = arith.andi %parallel_loop3A_223, %parallel_loop3A_225 : vector<16xi32>
      %parallel_loop3A_227 = arith.addi %mul3A_3, %parallel_loop3A_226 : vector<16xi32>
      %parallel_loop3A_228 = arith.constant 10 : i32
      %parallel_loop3A_229 = vector.broadcast %parallel_loop3A_228 : i32 to vector<16xi32>
      %parallel_loop3A_230 = arith.shrui %parallel_loop3A_223, %parallel_loop3A_229 : vector<16xi32>
      %parallel_loop3A_231 = vector.broadcast %or3A : i32 to vector<16xi32>
      %parallel_loop3A_232 = arith.cmpi eq, %parallel_loop3A_230, %parallel_loop3A_231 : vector<16xi32>
      tpu.vector_store_idx %arg5[%parallel_loop3A_227], %broadcast_in_dim3A_4 masked %parallel_loop3A_232 {add = true} : memref<32768xi32, #tpu.memory_space<vmem>>[vector<16xi32>], vector<16xi32>, vector<16xi1>
      %parallel_loop3A_233 = arith.constant 16 : i32
      %parallel_loop3A_234 = arith.muli %parallel_loop3A_210, %parallel_loop3A_233 : i32
      %parallel_loop3A_235 = arith.constant 16 : i32
      %parallel_loop3A_236 = arith.addi %parallel_loop3A_234, %parallel_loop3A_235 : i32
      %parallel_loop3A_237 = arith.index_cast %parallel_loop3A_236 : i32 to index
      %parallel_loop3A_238 = tpu.vector_load %arg4[%parallel_loop3A_237] {strides = array<i32>} : memref<40000xf32, #tpu.memory_space<vmem>>, vector<16xf32>,
      %parallel_loop3A_239 = tpu.bitcast %parallel_loop3A_238 : vector<16xf32> -> vector<16xi32>
      %parallel_loop3A_240 = arith.constant 0 : i32
      %parallel_loop3A_241 = vector.broadcast %parallel_loop3A_240 : i32 to vector<16xi32>
      %parallel_loop3A_242 = arith.cmpi sge, %parallel_loop3A_239, %parallel_loop3A_241 : vector<16xi32>
      %parallel_loop3A_243 = vector.broadcast %parallel_loop3A_137 : i32 to vector<16xi32>
      %parallel_loop3A_244 = arith.xori %parallel_loop3A_239, %parallel_loop3A_243 : vector<16xi32>
      %parallel_loop3A_245 = arith.constant dense<-1> : vector<16xi32>
      %parallel_loop3A_246 = arith.xori %parallel_loop3A_239, %parallel_loop3A_245 : vector<16xi32>
      %parallel_loop3A_247 = arith.select %parallel_loop3A_242, %parallel_loop3A_244, %parallel_loop3A_246 : vector<16xi1>, vector<16xi32>
      %parallel_loop3A_248 = arith.constant 1023 : i32
      %parallel_loop3A_249 = vector.broadcast %parallel_loop3A_248 : i32 to vector<16xi32>
      %parallel_loop3A_250 = arith.andi %parallel_loop3A_247, %parallel_loop3A_249 : vector<16xi32>
      %parallel_loop3A_251 = arith.addi %mul3A_3, %parallel_loop3A_250 : vector<16xi32>
      %parallel_loop3A_252 = arith.constant 10 : i32
      %parallel_loop3A_253 = vector.broadcast %parallel_loop3A_252 : i32 to vector<16xi32>
      %parallel_loop3A_254 = arith.shrui %parallel_loop3A_247, %parallel_loop3A_253 : vector<16xi32>
      %parallel_loop3A_255 = vector.broadcast %or3A : i32 to vector<16xi32>
      %parallel_loop3A_256 = arith.cmpi eq, %parallel_loop3A_254, %parallel_loop3A_255 : vector<16xi32>
      tpu.vector_store_idx %arg5[%parallel_loop3A_251], %broadcast_in_dim3A_4 masked %parallel_loop3A_256 {add = true} : memref<32768xi32, #tpu.memory_space<vmem>>[vector<16xi32>], vector<16xi32>, vector<16xi1>
    } {sc.loop_unroll_factor = 5 : i64, sc.parallel_access}
    %parallel_loop3A_138 = arith.constant 0 : i32
    %parallel_loop3A_139 = arith.constant 64 : i32
    %parallel_loop3A_140 = arith.constant 1 : i32
    scf.for %parallel_loop3A_210 = %parallel_loop3A_138 to %parallel_loop3A_139 step %parallel_loop3A_140  : i32 {
      %parallel_loop3A_211 = arith.constant 16 : i32
      %parallel_loop3A_212 = arith.muli %parallel_loop3A_210, %parallel_loop3A_211 : i32
      %parallel_loop3A_213 = arith.index_cast %parallel_loop3A_212 : i32 to index
      %parallel_loop3A_214 = tpu.vector_load %arg5[%parallel_loop3A_213] {strides = array<i32>} : memref<32768xi32, #tpu.memory_space<vmem>>, vector<16xi32>,
      %parallel_loop3A_215 = arith.index_cast %parallel_loop3A_212 : i32 to index
      %parallel_loop3A_216 = tpu.vector_load %arg5[%parallel_loop3A_215] {strides = array<i32>} : memref<32768xi32, #tpu.memory_space<vmem>>, vector<16xi32>,
      tpu.vector_store %arg5[%parallel_loop3A_215], %broadcast_in_dim3A_6 {strides = array<i32>} : memref<32768xi32, #tpu.memory_space<vmem>>, vector<16xi32>,
      %parallel_loop3A_217 = arith.constant 2048 : i32
      %parallel_loop3A_218 = arith.addi %parallel_loop3A_217, %parallel_loop3A_212 : i32
      %parallel_loop3A_219 = arith.index_cast %parallel_loop3A_218 : i32 to index
      %parallel_loop3A_220 = tpu.vector_load %arg5[%parallel_loop3A_219] {strides = array<i32>} : memref<32768xi32, #tpu.memory_space<vmem>>, vector<16xi32>,
      %parallel_loop3A_221 = arith.addi %parallel_loop3A_214, %parallel_loop3A_220 : vector<16xi32>
      %parallel_loop3A_222 = arith.constant 2048 : i32
      %parallel_loop3A_223 = arith.addi %parallel_loop3A_222, %parallel_loop3A_212 : i32
      %parallel_loop3A_224 = arith.index_cast %parallel_loop3A_223 : i32 to index
      %parallel_loop3A_225 = tpu.vector_load %arg5[%parallel_loop3A_224] {strides = array<i32>} : memref<32768xi32, #tpu.memory_space<vmem>>, vector<16xi32>,
      tpu.vector_store %arg5[%parallel_loop3A_224], %broadcast_in_dim3A_6 {strides = array<i32>} : memref<32768xi32, #tpu.memory_space<vmem>>, vector<16xi32>,
      %parallel_loop3A_226 = arith.constant 4096 : i32
      %parallel_loop3A_227 = arith.addi %parallel_loop3A_226, %parallel_loop3A_212 : i32
      %parallel_loop3A_228 = arith.index_cast %parallel_loop3A_227 : i32 to index
      %parallel_loop3A_229 = tpu.vector_load %arg5[%parallel_loop3A_228] {strides = array<i32>} : memref<32768xi32, #tpu.memory_space<vmem>>, vector<16xi32>,
      %parallel_loop3A_230 = arith.addi %parallel_loop3A_221, %parallel_loop3A_229 : vector<16xi32>
      %parallel_loop3A_231 = arith.constant 4096 : i32
      %parallel_loop3A_232 = arith.addi %parallel_loop3A_231, %parallel_loop3A_212 : i32
      %parallel_loop3A_233 = arith.index_cast %parallel_loop3A_232 : i32 to index
      %parallel_loop3A_234 = tpu.vector_load %arg5[%parallel_loop3A_233] {strides = array<i32>} : memref<32768xi32, #tpu.memory_space<vmem>>, vector<16xi32>,
      tpu.vector_store %arg5[%parallel_loop3A_233], %broadcast_in_dim3A_6 {strides = array<i32>} : memref<32768xi32, #tpu.memory_space<vmem>>, vector<16xi32>,
      %parallel_loop3A_235 = arith.constant 6144 : i32
      %parallel_loop3A_236 = arith.addi %parallel_loop3A_235, %parallel_loop3A_212 : i32
      %parallel_loop3A_237 = arith.index_cast %parallel_loop3A_236 : i32 to index
      %parallel_loop3A_238 = tpu.vector_load %arg5[%parallel_loop3A_237] {strides = array<i32>} : memref<32768xi32, #tpu.memory_space<vmem>>, vector<16xi32>,
      %parallel_loop3A_239 = arith.addi %parallel_loop3A_230, %parallel_loop3A_238 : vector<16xi32>
      %parallel_loop3A_240 = arith.constant 6144 : i32
      %parallel_loop3A_241 = arith.addi %parallel_loop3A_240, %parallel_loop3A_212 : i32
      %parallel_loop3A_242 = arith.index_cast %parallel_loop3A_241 : i32 to index
      %parallel_loop3A_243 = tpu.vector_load %arg5[%parallel_loop3A_242] {strides = array<i32>} : memref<32768xi32, #tpu.memory_space<vmem>>, vector<16xi32>,
      tpu.vector_store %arg5[%parallel_loop3A_242], %broadcast_in_dim3A_6 {strides = array<i32>} : memref<32768xi32, #tpu.memory_space<vmem>>, vector<16xi32>,
      %parallel_loop3A_244 = arith.constant 8192 : i32
      %parallel_loop3A_245 = arith.addi %parallel_loop3A_244, %parallel_loop3A_212 : i32
      %parallel_loop3A_246 = arith.index_cast %parallel_loop3A_245 : i32 to index
      %parallel_loop3A_247 = tpu.vector_load %arg5[%parallel_loop3A_246] {strides = array<i32>} : memref<32768xi32, #tpu.memory_space<vmem>>, vector<16xi32>,
      %parallel_loop3A_248 = arith.addi %parallel_loop3A_239, %parallel_loop3A_247 : vector<16xi32>
      %parallel_loop3A_249 = arith.constant 8192 : i32
      %parallel_loop3A_250 = arith.addi %parallel_loop3A_249, %parallel_loop3A_212 : i32
      %parallel_loop3A_251 = arith.index_cast %parallel_loop3A_250 : i32 to index
      %parallel_loop3A_252 = tpu.vector_load %arg5[%parallel_loop3A_251] {strides = array<i32>} : memref<32768xi32, #tpu.memory_space<vmem>>, vector<16xi32>,
      tpu.vector_store %arg5[%parallel_loop3A_251], %broadcast_in_dim3A_6 {strides = array<i32>} : memref<32768xi32, #tpu.memory_space<vmem>>, vector<16xi32>,
      %parallel_loop3A_253 = arith.constant 10240 : i32
      %parallel_loop3A_254 = arith.addi %parallel_loop3A_253, %parallel_loop3A_212 : i32
      %parallel_loop3A_255 = arith.index_cast %parallel_loop3A_254 : i32 to index
      %parallel_loop3A_256 = tpu.vector_load %arg5[%parallel_loop3A_255] {strides = array<i32>} : memref<32768xi32, #tpu.memory_space<vmem>>, vector<16xi32>,
      %parallel_loop3A_257 = arith.addi %parallel_loop3A_248, %parallel_loop3A_256 : vector<16xi32>
      %parallel_loop3A_258 = arith.constant 10240 : i32
      %parallel_loop3A_259 = arith.addi %parallel_loop3A_258, %parallel_loop3A_212 : i32
      %parallel_loop3A_260 = arith.index_cast %parallel_loop3A_259 : i32 to index
      %parallel_loop3A_261 = tpu.vector_load %arg5[%parallel_loop3A_260] {strides = array<i32>} : memref<32768xi32, #tpu.memory_space<vmem>>, vector<16xi32>,
      tpu.vector_store %arg5[%parallel_loop3A_260], %broadcast_in_dim3A_6 {strides = array<i32>} : memref<32768xi32, #tpu.memory_space<vmem>>, vector<16xi32>,
      %parallel_loop3A_262 = arith.constant 12288 : i32
      %parallel_loop3A_263 = arith.addi %parallel_loop3A_262, %parallel_loop3A_212 : i32
      %parallel_loop3A_264 = arith.index_cast %parallel_loop3A_263 : i32 to index
      %parallel_loop3A_265 = tpu.vector_load %arg5[%parallel_loop3A_264] {strides = array<i32>} : memref<32768xi32, #tpu.memory_space<vmem>>, vector<16xi32>,
      %parallel_loop3A_266 = arith.addi %parallel_loop3A_257, %parallel_loop3A_265 : vector<16xi32>
      %parallel_loop3A_267 = arith.constant 12288 : i32
      %parallel_loop3A_268 = arith.addi %parallel_loop3A_267, %parallel_loop3A_212 : i32
      %parallel_loop3A_269 = arith.index_cast %parallel_loop3A_268 : i32 to index
      %parallel_loop3A_270 = tpu.vector_load %arg5[%parallel_loop3A_269] {strides = array<i32>} : memref<32768xi32, #tpu.memory_space<vmem>>, vector<16xi32>,
      tpu.vector_store %arg5[%parallel_loop3A_269], %broadcast_in_dim3A_6 {strides = array<i32>} : memref<32768xi32, #tpu.memory_space<vmem>>, vector<16xi32>,
      %parallel_loop3A_271 = arith.constant 14336 : i32
      %parallel_loop3A_272 = arith.addi %parallel_loop3A_271, %parallel_loop3A_212 : i32
      %parallel_loop3A_273 = arith.index_cast %parallel_loop3A_272 : i32 to index
      %parallel_loop3A_274 = tpu.vector_load %arg5[%parallel_loop3A_273] {strides = array<i32>} : memref<32768xi32, #tpu.memory_space<vmem>>, vector<16xi32>,
      %parallel_loop3A_275 = arith.addi %parallel_loop3A_266, %parallel_loop3A_274 : vector<16xi32>
      %parallel_loop3A_276 = arith.constant 14336 : i32
      %parallel_loop3A_277 = arith.addi %parallel_loop3A_276, %parallel_loop3A_212 : i32
      %parallel_loop3A_278 = arith.index_cast %parallel_loop3A_277 : i32 to index
      %parallel_loop3A_279 = tpu.vector_load %arg5[%parallel_loop3A_278] {strides = array<i32>} : memref<32768xi32, #tpu.memory_space<vmem>>, vector<16xi32>,
      tpu.vector_store %arg5[%parallel_loop3A_278], %broadcast_in_dim3A_6 {strides = array<i32>} : memref<32768xi32, #tpu.memory_space<vmem>>, vector<16xi32>,
      %parallel_loop3A_280 = arith.constant 16384 : i32
      %parallel_loop3A_281 = arith.addi %parallel_loop3A_280, %parallel_loop3A_212 : i32
      %parallel_loop3A_282 = arith.index_cast %parallel_loop3A_281 : i32 to index
      %parallel_loop3A_283 = tpu.vector_load %arg5[%parallel_loop3A_282] {strides = array<i32>} : memref<32768xi32, #tpu.memory_space<vmem>>, vector<16xi32>,
      %parallel_loop3A_284 = arith.addi %parallel_loop3A_275, %parallel_loop3A_283 : vector<16xi32>
      %parallel_loop3A_285 = arith.constant 16384 : i32
      %parallel_loop3A_286 = arith.addi %parallel_loop3A_285, %parallel_loop3A_212 : i32
      %parallel_loop3A_287 = arith.index_cast %parallel_loop3A_286 : i32 to index
      %parallel_loop3A_288 = tpu.vector_load %arg5[%parallel_loop3A_287] {strides = array<i32>} : memref<32768xi32, #tpu.memory_space<vmem>>, vector<16xi32>,
      tpu.vector_store %arg5[%parallel_loop3A_287], %broadcast_in_dim3A_6 {strides = array<i32>} : memref<32768xi32, #tpu.memory_space<vmem>>, vector<16xi32>,
      %parallel_loop3A_289 = arith.constant 18432 : i32
      %parallel_loop3A_290 = arith.addi %parallel_loop3A_289, %parallel_loop3A_212 : i32
      %parallel_loop3A_291 = arith.index_cast %parallel_loop3A_290 : i32 to index
      %parallel_loop3A_292 = tpu.vector_load %arg5[%parallel_loop3A_291] {strides = array<i32>} : memref<32768xi32, #tpu.memory_space<vmem>>, vector<16xi32>,
      %parallel_loop3A_293 = arith.addi %parallel_loop3A_284, %parallel_loop3A_292 : vector<16xi32>
      %parallel_loop3A_294 = arith.constant 18432 : i32
      %parallel_loop3A_295 = arith.addi %parallel_loop3A_294, %parallel_loop3A_212 : i32
      %parallel_loop3A_296 = arith.index_cast %parallel_loop3A_295 : i32 to index
      %parallel_loop3A_297 = tpu.vector_load %arg5[%parallel_loop3A_296] {strides = array<i32>} : memref<32768xi32, #tpu.memory_space<vmem>>, vector<16xi32>,
      tpu.vector_store %arg5[%parallel_loop3A_296], %broadcast_in_dim3A_6 {strides = array<i32>} : memref<32768xi32, #tpu.memory_space<vmem>>, vector<16xi32>,
      %parallel_loop3A_298 = arith.constant 20480 : i32
      %parallel_loop3A_299 = arith.addi %parallel_loop3A_298, %parallel_loop3A_212 : i32
      %parallel_loop3A_300 = arith.index_cast %parallel_loop3A_299 : i32 to index
      %parallel_loop3A_301 = tpu.vector_load %arg5[%parallel_loop3A_300] {strides = array<i32>} : memref<32768xi32, #tpu.memory_space<vmem>>, vector<16xi32>,
      %parallel_loop3A_302 = arith.addi %parallel_loop3A_293, %parallel_loop3A_301 : vector<16xi32>
      %parallel_loop3A_303 = arith.constant 20480 : i32
      %parallel_loop3A_304 = arith.addi %parallel_loop3A_303, %parallel_loop3A_212 : i32
      %parallel_loop3A_305 = arith.index_cast %parallel_loop3A_304 : i32 to index
      %parallel_loop3A_306 = tpu.vector_load %arg5[%parallel_loop3A_305] {strides = array<i32>} : memref<32768xi32, #tpu.memory_space<vmem>>, vector<16xi32>,
      tpu.vector_store %arg5[%parallel_loop3A_305], %broadcast_in_dim3A_6 {strides = array<i32>} : memref<32768xi32, #tpu.memory_space<vmem>>, vector<16xi32>,
      %parallel_loop3A_307 = arith.constant 22528 : i32
      %parallel_loop3A_308 = arith.addi %parallel_loop3A_307, %parallel_loop3A_212 : i32
      %parallel_loop3A_309 = arith.index_cast %parallel_loop3A_308 : i32 to index
      %parallel_loop3A_310 = tpu.vector_load %arg5[%parallel_loop3A_309] {strides = array<i32>} : memref<32768xi32, #tpu.memory_space<vmem>>, vector<16xi32>,
      %parallel_loop3A_311 = arith.addi %parallel_loop3A_302, %parallel_loop3A_310 : vector<16xi32>
      %parallel_loop3A_312 = arith.constant 22528 : i32
      %parallel_loop3A_313 = arith.addi %parallel_loop3A_312, %parallel_loop3A_212 : i32
      %parallel_loop3A_314 = arith.index_cast %parallel_loop3A_313 : i32 to index
      %parallel_loop3A_315 = tpu.vector_load %arg5[%parallel_loop3A_314] {strides = array<i32>} : memref<32768xi32, #tpu.memory_space<vmem>>, vector<16xi32>,
      tpu.vector_store %arg5[%parallel_loop3A_314], %broadcast_in_dim3A_6 {strides = array<i32>} : memref<32768xi32, #tpu.memory_space<vmem>>, vector<16xi32>,
      %parallel_loop3A_316 = arith.constant 24576 : i32
      %parallel_loop3A_317 = arith.addi %parallel_loop3A_316, %parallel_loop3A_212 : i32
      %parallel_loop3A_318 = arith.index_cast %parallel_loop3A_317 : i32 to index
      %parallel_loop3A_319 = tpu.vector_load %arg5[%parallel_loop3A_318] {strides = array<i32>} : memref<32768xi32, #tpu.memory_space<vmem>>, vector<16xi32>,
      %parallel_loop3A_320 = arith.addi %parallel_loop3A_311, %parallel_loop3A_319 : vector<16xi32>
      %parallel_loop3A_321 = arith.constant 24576 : i32
      %parallel_loop3A_322 = arith.addi %parallel_loop3A_321, %parallel_loop3A_212 : i32
      %parallel_loop3A_323 = arith.index_cast %parallel_loop3A_322 : i32 to index
      %parallel_loop3A_324 = tpu.vector_load %arg5[%parallel_loop3A_323] {strides = array<i32>} : memref<32768xi32, #tpu.memory_space<vmem>>, vector<16xi32>,
      tpu.vector_store %arg5[%parallel_loop3A_323], %broadcast_in_dim3A_6 {strides = array<i32>} : memref<32768xi32, #tpu.memory_space<vmem>>, vector<16xi32>,
      %parallel_loop3A_325 = arith.constant 26624 : i32
      %parallel_loop3A_326 = arith.addi %parallel_loop3A_325, %parallel_loop3A_212 : i32
      %parallel_loop3A_327 = arith.index_cast %parallel_loop3A_326 : i32 to index
      %parallel_loop3A_328 = tpu.vector_load %arg5[%parallel_loop3A_327] {strides = array<i32>} : memref<32768xi32, #tpu.memory_space<vmem>>, vector<16xi32>,
      %parallel_loop3A_329 = arith.addi %parallel_loop3A_320, %parallel_loop3A_328 : vector<16xi32>
      %parallel_loop3A_330 = arith.constant 26624 : i32
      %parallel_loop3A_331 = arith.addi %parallel_loop3A_330, %parallel_loop3A_212 : i32
      %parallel_loop3A_332 = arith.index_cast %parallel_loop3A_331 : i32 to index
      %parallel_loop3A_333 = tpu.vector_load %arg5[%parallel_loop3A_332] {strides = array<i32>} : memref<32768xi32, #tpu.memory_space<vmem>>, vector<16xi32>,
      tpu.vector_store %arg5[%parallel_loop3A_332], %broadcast_in_dim3A_6 {strides = array<i32>} : memref<32768xi32, #tpu.memory_space<vmem>>, vector<16xi32>,
      %parallel_loop3A_334 = arith.constant 28672 : i32
      %parallel_loop3A_335 = arith.addi %parallel_loop3A_334, %parallel_loop3A_212 : i32
      %parallel_loop3A_336 = arith.index_cast %parallel_loop3A_335 : i32 to index
      %parallel_loop3A_337 = tpu.vector_load %arg5[%parallel_loop3A_336] {strides = array<i32>} : memref<32768xi32, #tpu.memory_space<vmem>>, vector<16xi32>,
      %parallel_loop3A_338 = arith.addi %parallel_loop3A_329, %parallel_loop3A_337 : vector<16xi32>
      %parallel_loop3A_339 = arith.constant 28672 : i32
      %parallel_loop3A_340 = arith.addi %parallel_loop3A_339, %parallel_loop3A_212 : i32
      %parallel_loop3A_341 = arith.index_cast %parallel_loop3A_340 : i32 to index
      %parallel_loop3A_342 = tpu.vector_load %arg5[%parallel_loop3A_341] {strides = array<i32>} : memref<32768xi32, #tpu.memory_space<vmem>>, vector<16xi32>,
      tpu.vector_store %arg5[%parallel_loop3A_341], %broadcast_in_dim3A_6 {strides = array<i32>} : memref<32768xi32, #tpu.memory_space<vmem>>, vector<16xi32>,
      %parallel_loop3A_343 = arith.constant 30720 : i32
      %parallel_loop3A_344 = arith.addi %parallel_loop3A_343, %parallel_loop3A_212 : i32
      %parallel_loop3A_345 = arith.index_cast %parallel_loop3A_344 : i32 to index
      %parallel_loop3A_346 = tpu.vector_load %arg5[%parallel_loop3A_345] {strides = array<i32>} : memref<32768xi32, #tpu.memory_space<vmem>>, vector<16xi32>,
      %parallel_loop3A_347 = arith.addi %parallel_loop3A_338, %parallel_loop3A_346 : vector<16xi32>
      %parallel_loop3A_348 = arith.constant 30720 : i32
      %parallel_loop3A_349 = arith.addi %parallel_loop3A_348, %parallel_loop3A_212 : i32
      %parallel_loop3A_350 = arith.index_cast %parallel_loop3A_349 : i32 to index
      %parallel_loop3A_351 = tpu.vector_load %arg5[%parallel_loop3A_350] {strides = array<i32>} : memref<32768xi32, #tpu.memory_space<vmem>>, vector<16xi32>,
      tpu.vector_store %arg5[%parallel_loop3A_350], %broadcast_in_dim3A_6 {strides = array<i32>} : memref<32768xi32, #tpu.memory_space<vmem>>, vector<16xi32>,
      %parallel_loop3A_352 = arith.index_cast %parallel_loop3A_212 : i32 to index
      %parallel_loop3A_353 = tpu.vector_load %arg6[%parallel_loop3A_352] {strides = array<i32>} : memref<2048xi32, #tpu.memory_space<vmem>>, vector<16xi32>,
      tpu.vector_store %arg6[%parallel_loop3A_352], %parallel_loop3A_347 {strides = array<i32>} : memref<2048xi32, #tpu.memory_space<vmem>>, vector<16xi32>,
      %parallel_loop3A_354 = arith.constant true
      %parallel_loop3A_355 = vector.broadcast %parallel_loop3A_354 : i1 to vector<16xi1>
      %parallel_loop3A_356 = tpu.scan <sum>, %parallel_loop3A_347 masked %parallel_loop3A_355 : vector<16xi32>, vector<16xi1> -> vector<16xi32>
      %parallel_loop3A_357 = vector.extract %parallel_loop3A_356[15] : i32 from vector<16xi32>
      %parallel_loop3A_358 = arith.index_cast %parallel_loop3A_210 : i32 to index
      %parallel_loop3A_359 = memref.load %arg7[%parallel_loop3A_358] : memref<128xi32, #tpu.memory_space<smem>>
      memref.store %parallel_loop3A_357, %arg7[%parallel_loop3A_358] : memref<128xi32, #tpu.memory_space<smem>>
    } {sc.loop_unroll_factor = 2 : i64, sc.parallel_access}
    %scan3A_141 = arith.constant 0 : i32
    %scan3A_142 = arith.constant false
    %scan3A_143 = arith.constant 0 : i32
    %scan3A_144 = arith.constant 0 : i32
    %scan3A_145 = arith.constant 0 : i32
    %scan3A_146 = arith.constant 64 : i32
    %scan3A_147 = arith.addi %scan3A_145, %scan3A_146 : i32
    %scan3A_148 = arith.constant 1 : i32
    %scan3A_149:4 = scf.for %scan3A_210 = %scan3A_145 to %scan3A_147 step %scan3A_148 iter_args(%scan3A_211 = %scan3A_141, %scan3A_212 = %scan3A_142, %scan3A_213 = %scan3A_143, %scan3A_214 = %scan3A_144) -> (i32, i1, i32, i32)  : i32 {
      %sub3A_215 = arith.constant 63 : i32
      %sub3A_216 = arith.subi %sub3A_215, %scan3A_210 : i32
      %get3A_217 = arith.index_cast %sub3A_216 : i32 to index
      %get3A_218 = memref.load %arg7[%get3A_217] : memref<128xi32, #tpu.memory_space<smem>>
      %add3A_219 = arith.addi %scan3A_211, %get3A_218 : i32
      %ge3A_220 = arith.cmpi sge, %add3A_219, %sub3A_132 : i32
      %not3A = arith.constant true
      %not3A_221 = arith.xori %scan3A_212, %not3A : i1
      %and3A = arith.andi %ge3A_220, %not3A_221 : i1
      %select_n3A_222 = arith.select %and3A, %sub3A_216, %scan3A_213 : i32
      %sub3A_223 = arith.subi %sub3A_132, %scan3A_211 : i32
      %select_n3A_224 = arith.select %and3A, %sub3A_223, %scan3A_214 : i32
      %or3A_225 = arith.ori %scan3A_212, %and3A : i1
      %add3A_226 = arith.addi %scan3A_211, %get3A_218 : i32
      scf.yield %add3A_226, %or3A_225, %select_n3A_222, %select_n3A_224 : i32, i1, i32, i32
    }
    %scan3A_150 = arith.constant 64 : i32
    %mul3A_151 = arith.constant 16 : i32
    %mul3A_152 = arith.muli %scan3A_149#2, %mul3A_151 : i32
    %get3A_153 = arith.index_cast %mul3A_152 : i32 to index
    %get3A_154 = tpu.vector_load %arg6[%get3A_153] {strides = array<i32>} : memref<2048xi32, #tpu.memory_space<vmem>>, vector<16xi32>,
    %rev3A_155 = arith.constant 15 : i32
    %rev3A_156 = vector.broadcast %rev3A_155 : i32 to vector<16xi32>
    %rev3A_157 = tpu.iota {dimensions = array<i32: 0>} : vector<16xi32>
    %rev3A_158 = arith.subi %rev3A_156, %rev3A_157 : vector<16xi32>
    %rev3A_159 = tpu.dynamic_gather %get3A_154[%rev3A_158] in [0] : vector<16xi32>, vector<16xi32> -> vector<16xi32>
    %broadcast_in_dim3A_160 = arith.constant true
    %broadcast_in_dim3A_161 = vector.broadcast %broadcast_in_dim3A_160 : i1 to vector<16xi1>
    %masked_cumsum3A_162 = tpu.scan <sum>, %rev3A_159 masked %broadcast_in_dim3A_161 : vector<16xi32>, vector<16xi1> -> vector<16xi32>
    %rev3A_163 = arith.constant 15 : i32
    %rev3A_164 = vector.broadcast %rev3A_163 : i32 to vector<16xi32>
    %rev3A_165 = tpu.iota {dimensions = array<i32: 0>} : vector<16xi32>
    %rev3A_166 = arith.subi %rev3A_164, %rev3A_165 : vector<16xi32>
    %rev3A_167 = tpu.dynamic_gather %masked_cumsum3A_162[%rev3A_166] in [0] : vector<16xi32>, vector<16xi32> -> vector<16xi32>
    %add3A_168 = arith.constant 0 : i32
    %add3A_169 = vector.broadcast %add3A_168 : i32 to vector<16xi32>
    %add3A_170 = arith.addi %add3A_169, %rev3A_167 : vector<16xi32>
    %ge3A_171 = vector.broadcast %scan3A_149#3 : i32 to vector<16xi32>
    %ge3A_172 = arith.cmpi sge, %add3A_170, %ge3A_171 : vector<16xi32>
    %jit3A_173 = arith.constant 1 : i32
    %jit3A_174 = arith.constant 0 : i32
    %broadcast_in_dim3A_175 = vector.broadcast %jit3A_173 : i32 to vector<16xi32>
    %broadcast_in_dim3A_176 = vector.broadcast %jit3A_174 : i32 to vector<16xi32>
    %select_n3A_177 = arith.select %ge3A_172, %broadcast_in_dim3A_175, %broadcast_in_dim3A_176 : vector<16xi1>, vector<16xi32>
    %reduce_sum3A_178 = arith.constant true
    %reduce_sum3A_179 = vector.broadcast %reduce_sum3A_178 : i1 to vector<16xi1>
    %reduce_sum3A_180 = tpu.scan <sum>, %select_n3A_177 masked %reduce_sum3A_179 : vector<16xi32>, vector<16xi1> -> vector<16xi32>
    %reduce_sum3A_181 = vector.extract %reduce_sum3A_180[15] : i32 from vector<16xi32>
    %jit3A_182 = arith.constant 0 : i32
    %broadcast_in_dim3A_183 = vector.broadcast %jit3A_182 : i32 to vector<16xi32>
    %select_n3A_184 = arith.select %ge3A_172, %broadcast_in_dim3A_183, %get3A_154 : vector<16xi1>, vector<16xi32>
    %reduce_sum3A_185 = arith.constant true
    %reduce_sum3A_186 = vector.broadcast %reduce_sum3A_185 : i1 to vector<16xi1>
    %reduce_sum3A_187 = tpu.scan <sum>, %select_n3A_184 masked %reduce_sum3A_186 : vector<16xi32>, vector<16xi1> -> vector<16xi32>
    %reduce_sum3A_188 = vector.extract %reduce_sum3A_187[15] : i32 from vector<16xi32>
    %reduce_sum3A_189 = arith.constant true
    %reduce_sum3A_190 = vector.broadcast %reduce_sum3A_189 : i1 to vector<16xi1>
    %reduce_sum3A_191 = tpu.scan <sum>, %get3A_154 masked %reduce_sum3A_190 : vector<16xi32>, vector<16xi1> -> vector<16xi32>
    %reduce_sum3A_192 = vector.extract %reduce_sum3A_191[15] : i32 from vector<16xi32>
    %mul3A_193 = arith.constant 16 : i32
    %mul3A_194 = arith.muli %scan3A_149#2, %mul3A_193 : i32
    %add3A_195 = arith.addi %mul3A_194, %reduce_sum3A_181 : i32
    %sub3A_196 = arith.constant 1 : i32
    %sub3A_197 = arith.subi %add3A_195, %sub3A_196 : i32
    %sub3A_198 = arith.subi %scan3A_149#3, %reduce_sum3A_188 : i32
    %shift_left3A_199 = arith.constant 10 : i32
    %shift_left3A_200 = arith.shli %or3A, %shift_left3A_199 : i32
    %or3A_201 = arith.ori %shift_left3A_200, %sub3A_197 : i32
    %xor3A = arith.constant -2147483648 : i32
    %xor3A_202 = arith.xori %or3A_201, %xor3A : i32
    %broadcast_in_dim3A_203 = vector.broadcast %xor3A_202 : i32 to vector<16xi32>
    %swap3A = arith.constant 0 : index
    %swap3A_204 = tpu.vector_load %arg8[%swap3A] {strides = array<i32>} : memref<16xi32, #tpu.memory_space<vmem>>, vector<16xi32>,
    tpu.vector_store %arg8[%swap3A], %broadcast_in_dim3A_203 {strides = array<i32>} : memref<16xi32, #tpu.memory_space<vmem>>, vector<16xi32>,
    %mul3A_205 = arith.constant 16 : i32
    %mul3A_206 = arith.muli %add3A, %mul3A_205 : i32
    "tpu.region"() ({
      %run_scoped3A = tpu.sem_alloc : memref<!tpu.dma_semaphore, #tpu.memory_space<semaphore_mem>>
      %dma_start3A = tpu.memref_slice %arg3[%mul3A_206] : memref<768xi32, #tpu.memory_space<hbm>> -> memref<16xi32, #tpu.memory_space<hbm>>
      %dma_start3A_210 = tpu.memref_slice %arg3[%mul3A_206] : memref<768xi32, #tpu.memory_space<hbm>> -> memref<16xi32, #tpu.memory_space<hbm>>
      tpu.enqueue_dma source(%arg8 : memref<16xi32, #tpu.memory_space<vmem>>) target(%dma_start3A_210 : memref<16xi32, #tpu.memory_space<hbm>>) target_semaphore(%run_scoped3A : memref<!tpu.dma_semaphore, #tpu.memory_space<semaphore_mem>>)
      %dma_wait3A = tpu.memref_slice %arg3[%mul3A_206] : memref<768xi32, #tpu.memory_space<hbm>> -> memref<16xi32, #tpu.memory_space<hbm>>
      %dma_wait3A_211 = tpu.memref_slice %arg3[%mul3A_206] : memref<768xi32, #tpu.memory_space<hbm>> -> memref<16xi32, #tpu.memory_space<hbm>>
      tpu.wait_dma2 semaphore(%run_scoped3A : memref<!tpu.dma_semaphore, #tpu.memory_space<semaphore_mem>>) src(%arg8 : memref<16xi32, #tpu.memory_space<vmem>>) dst(%dma_wait3A_211 : memref<16xi32, #tpu.memory_space<hbm>>)
      tpu.yield
    }) : () -> ()
    %lt3A = arith.constant 16 : i32
    %lt3A_207 = arith.cmpi slt, %add3A, %lt3A : i32
    %convert_element_type3A = arith.extui %lt3A_207 : i1 to i32
    %cond3A = arith.constant -2147483648 : i32
    %cond3A_208 = arith.constant 0 : i32
    %cond3A_209 = arith.cmpi ne, %convert_element_type3A, %cond3A_208 : i32
    scf.if %cond3A_209 {
      %add3A_210 = arith.constant 32 : i32
      %add3A_211 = arith.addi %add3A, %add3A_210 : i32
      %mul3A_212 = arith.constant 40000 : i32
      %mul3A_213 = arith.muli %add3A_211, %mul3A_212 : i32
      "tpu.region"() ({
        %run_scoped3A = tpu.sem_alloc : memref<!tpu.dma_semaphore, #tpu.memory_space<semaphore_mem>>
        %dma_start3A = tpu.memref_slice %arg2[%mul3A_213] : memref<1920000xf32, #tpu.memory_space<hbm>> -> memref<40000xf32, #tpu.memory_space<hbm>>
        %dma_start3A_419 = tpu.memref_slice %arg2[%mul3A_213] : memref<1920000xf32, #tpu.memory_space<hbm>> -> memref<40000xf32, #tpu.memory_space<hbm>>
        tpu.enqueue_dma source(%dma_start3A_419 : memref<40000xf32, #tpu.memory_space<hbm>>) target(%arg4 : memref<40000xf32, #tpu.memory_space<vmem>>) target_semaphore(%run_scoped3A : memref<!tpu.dma_semaphore, #tpu.memory_space<semaphore_mem>>)
        %dma_wait3A = tpu.memref_slice %arg2[%mul3A_213] : memref<1920000xf32, #tpu.memory_space<hbm>> -> memref<40000xf32, #tpu.memory_space<hbm>>
        %dma_wait3A_420 = tpu.memref_slice %arg2[%mul3A_213] : memref<1920000xf32, #tpu.memory_space<hbm>> -> memref<40000xf32, #tpu.memory_space<hbm>>
        tpu.wait_dma2 semaphore(%run_scoped3A : memref<!tpu.dma_semaphore, #tpu.memory_space<semaphore_mem>>) src(%dma_wait3A_420 : memref<40000xf32, #tpu.memory_space<hbm>>) dst(%arg4 : memref<40000xf32, #tpu.memory_space<vmem>>)
        tpu.yield
      }) : () -> ()
      %parallel_loop3A_214 = arith.constant 0 : i32
      %parallel_loop3A_215 = arith.constant 2500 : i32
      %parallel_loop3A_216 = arith.constant 2 : i32
      scf.for %parallel_loop3A_419 = %parallel_loop3A_214 to %parallel_loop3A_215 step %parallel_loop3A_216  : i32 {
        %parallel_loop3A_420 = arith.constant 16 : i32
        %parallel_loop3A_421 = arith.muli %parallel_loop3A_419, %parallel_loop3A_420 : i32
        %parallel_loop3A_422 = arith.index_cast %parallel_loop3A_421 : i32 to index
        %parallel_loop3A_423 = tpu.vector_load %arg4[%parallel_loop3A_422] {strides = array<i32>} : memref<40000xf32, #tpu.memory_space<vmem>>, vector<16xf32>,
        %parallel_loop3A_424 = tpu.bitcast %parallel_loop3A_423 : vector<16xf32> -> vector<16xi32>
        %parallel_loop3A_425 = arith.constant 0 : i32
        %parallel_loop3A_426 = vector.broadcast %parallel_loop3A_425 : i32 to vector<16xi32>
        %parallel_loop3A_427 = arith.cmpi sge, %parallel_loop3A_424, %parallel_loop3A_426 : vector<16xi32>
        %parallel_loop3A_428 = vector.broadcast %cond3A : i32 to vector<16xi32>
        %parallel_loop3A_429 = arith.xori %parallel_loop3A_424, %parallel_loop3A_428 : vector<16xi32>
        %parallel_loop3A_430 = arith.constant dense<-1> : vector<16xi32>
        %parallel_loop3A_431 = arith.xori %parallel_loop3A_424, %parallel_loop3A_430 : vector<16xi32>
        %parallel_loop3A_432 = arith.select %parallel_loop3A_427, %parallel_loop3A_429, %parallel_loop3A_431 : vector<16xi1>, vector<16xi32>
        %parallel_loop3A_433 = arith.constant 21 : i32
        %parallel_loop3A_434 = vector.broadcast %parallel_loop3A_433 : i32 to vector<16xi32>
        %parallel_loop3A_435 = arith.shrui %parallel_loop3A_432, %parallel_loop3A_434 : vector<16xi32>
        %parallel_loop3A_436 = arith.addi %mul3A_3, %parallel_loop3A_435 : vector<16xi32>
        tpu.vector_store_idx %arg5[%parallel_loop3A_436], %broadcast_in_dim3A_4 {add = true} : memref<32768xi32, #tpu.memory_space<vmem>>[vector<16xi32>], vector<16xi32>,
        %parallel_loop3A_437 = arith.constant 16 : i32
        %parallel_loop3A_438 = arith.muli %parallel_loop3A_419, %parallel_loop3A_437 : i32
        %parallel_loop3A_439 = arith.constant 16 : i32
        %parallel_loop3A_440 = arith.addi %parallel_loop3A_438, %parallel_loop3A_439 : i32
        %parallel_loop3A_441 = arith.index_cast %parallel_loop3A_440 : i32 to index
        %parallel_loop3A_442 = tpu.vector_load %arg4[%parallel_loop3A_441] {strides = array<i32>} : memref<40000xf32, #tpu.memory_space<vmem>>, vector<16xf32>,
        %parallel_loop3A_443 = tpu.bitcast %parallel_loop3A_442 : vector<16xf32> -> vector<16xi32>
        %parallel_loop3A_444 = arith.constant 0 : i32
        %parallel_loop3A_445 = vector.broadcast %parallel_loop3A_444 : i32 to vector<16xi32>
        %parallel_loop3A_446 = arith.cmpi sge, %parallel_loop3A_443, %parallel_loop3A_445 : vector<16xi32>
        %parallel_loop3A_447 = vector.broadcast %cond3A : i32 to vector<16xi32>
        %parallel_loop3A_448 = arith.xori %parallel_loop3A_443, %parallel_loop3A_447 : vector<16xi32>
        %parallel_loop3A_449 = arith.constant dense<-1> : vector<16xi32>
        %parallel_loop3A_450 = arith.xori %parallel_loop3A_443, %parallel_loop3A_449 : vector<16xi32>
        %parallel_loop3A_451 = arith.select %parallel_loop3A_446, %parallel_loop3A_448, %parallel_loop3A_450 : vector<16xi1>, vector<16xi32>
        %parallel_loop3A_452 = arith.constant 21 : i32
        %parallel_loop3A_453 = vector.broadcast %parallel_loop3A_452 : i32 to vector<16xi32>
        %parallel_loop3A_454 = arith.shrui %parallel_loop3A_451, %parallel_loop3A_453 : vector<16xi32>
        %parallel_loop3A_455 = arith.addi %mul3A_3, %parallel_loop3A_454 : vector<16xi32>
        tpu.vector_store_idx %arg5[%parallel_loop3A_455], %broadcast_in_dim3A_4 {add = true} : memref<32768xi32, #tpu.memory_space<vmem>>[vector<16xi32>], vector<16xi32>,
      } {sc.loop_unroll_factor = 5 : i64, sc.parallel_access}
      %parallel_loop3A_217 = arith.constant 0 : i32
      %parallel_loop3A_218 = arith.constant 128 : i32
      %parallel_loop3A_219 = arith.constant 1 : i32
      scf.for %parallel_loop3A_419 = %parallel_loop3A_217 to %parallel_loop3A_218 step %parallel_loop3A_219  : i32 {
        %parallel_loop3A_420 = arith.constant 16 : i32
        %parallel_loop3A_421 = arith.muli %parallel_loop3A_419, %parallel_loop3A_420 : i32
        %parallel_loop3A_422 = arith.index_cast %parallel_loop3A_421 : i32 to index
        %parallel_loop3A_423 = tpu.vector_load %arg5[%parallel_loop3A_422] {strides = array<i32>} : memref<32768xi32, #tpu.memory_space<vmem>>, vector<16xi32>,
        %parallel_loop3A_424 = arith.index_cast %parallel_loop3A_421 : i32 to index
        %parallel_loop3A_425 = tpu.vector_load %arg5[%parallel_loop3A_424] {strides = array<i32>} : memref<32768xi32, #tpu.memory_space<vmem>>, vector<16xi32>,
        tpu.vector_store %arg5[%parallel_loop3A_424], %broadcast_in_dim3A_6 {strides = array<i32>} : memref<32768xi32, #tpu.memory_space<vmem>>, vector<16xi32>,
        %parallel_loop3A_426 = arith.constant 2048 : i32
        %parallel_loop3A_427 = arith.addi %parallel_loop3A_426, %parallel_loop3A_421 : i32
        %parallel_loop3A_428 = arith.index_cast %parallel_loop3A_427 : i32 to index
        %parallel_loop3A_429 = tpu.vector_load %arg5[%parallel_loop3A_428] {strides = array<i32>} : memref<32768xi32, #tpu.memory_space<vmem>>, vector<16xi32>,
        %parallel_loop3A_430 = arith.addi %parallel_loop3A_423, %parallel_loop3A_429 : vector<16xi32>
        %parallel_loop3A_431 = arith.constant 2048 : i32
        %parallel_loop3A_432 = arith.addi %parallel_loop3A_431, %parallel_loop3A_421 : i32
        %parallel_loop3A_433 = arith.index_cast %parallel_loop3A_432 : i32 to index
        %parallel_loop3A_434 = tpu.vector_load %arg5[%parallel_loop3A_433] {strides = array<i32>} : memref<32768xi32, #tpu.memory_space<vmem>>, vector<16xi32>,
        tpu.vector_store %arg5[%parallel_loop3A_433], %broadcast_in_dim3A_6 {strides = array<i32>} : memref<32768xi32, #tpu.memory_space<vmem>>, vector<16xi32>,
        %parallel_loop3A_435 = arith.constant 4096 : i32
        %parallel_loop3A_436 = arith.addi %parallel_loop3A_435, %parallel_loop3A_421 : i32
        %parallel_loop3A_437 = arith.index_cast %parallel_loop3A_436 : i32 to index
        %parallel_loop3A_438 = tpu.vector_load %arg5[%parallel_loop3A_437] {strides = array<i32>} : memref<32768xi32, #tpu.memory_space<vmem>>, vector<16xi32>,
        %parallel_loop3A_439 = arith.addi %parallel_loop3A_430, %parallel_loop3A_438 : vector<16xi32>
        %parallel_loop3A_440 = arith.constant 4096 : i32
        %parallel_loop3A_441 = arith.addi %parallel_loop3A_440, %parallel_loop3A_421 : i32
        %parallel_loop3A_442 = arith.index_cast %parallel_loop3A_441 : i32 to index
        %parallel_loop3A_443 = tpu.vector_load %arg5[%parallel_loop3A_442] {strides = array<i32>} : memref<32768xi32, #tpu.memory_space<vmem>>, vector<16xi32>,
        tpu.vector_store %arg5[%parallel_loop3A_442], %broadcast_in_dim3A_6 {strides = array<i32>} : memref<32768xi32, #tpu.memory_space<vmem>>, vector<16xi32>,
        %parallel_loop3A_444 = arith.constant 6144 : i32
        %parallel_loop3A_445 = arith.addi %parallel_loop3A_444, %parallel_loop3A_421 : i32
        %parallel_loop3A_446 = arith.index_cast %parallel_loop3A_445 : i32 to index
        %parallel_loop3A_447 = tpu.vector_load %arg5[%parallel_loop3A_446] {strides = array<i32>} : memref<32768xi32, #tpu.memory_space<vmem>>, vector<16xi32>,
        %parallel_loop3A_448 = arith.addi %parallel_loop3A_439, %parallel_loop3A_447 : vector<16xi32>
        %parallel_loop3A_449 = arith.constant 6144 : i32
        %parallel_loop3A_450 = arith.addi %parallel_loop3A_449, %parallel_loop3A_421 : i32
        %parallel_loop3A_451 = arith.index_cast %parallel_loop3A_450 : i32 to index
        %parallel_loop3A_452 = tpu.vector_load %arg5[%parallel_loop3A_451] {strides = array<i32>} : memref<32768xi32, #tpu.memory_space<vmem>>, vector<16xi32>,
        tpu.vector_store %arg5[%parallel_loop3A_451], %broadcast_in_dim3A_6 {strides = array<i32>} : memref<32768xi32, #tpu.memory_space<vmem>>, vector<16xi32>,
        %parallel_loop3A_453 = arith.constant 8192 : i32
        %parallel_loop3A_454 = arith.addi %parallel_loop3A_453, %parallel_loop3A_421 : i32
        %parallel_loop3A_455 = arith.index_cast %parallel_loop3A_454 : i32 to index
        %parallel_loop3A_456 = tpu.vector_load %arg5[%parallel_loop3A_455] {strides = array<i32>} : memref<32768xi32, #tpu.memory_space<vmem>>, vector<16xi32>,
        %parallel_loop3A_457 = arith.addi %parallel_loop3A_448, %parallel_loop3A_456 : vector<16xi32>
        %parallel_loop3A_458 = arith.constant 8192 : i32
        %parallel_loop3A_459 = arith.addi %parallel_loop3A_458, %parallel_loop3A_421 : i32
        %parallel_loop3A_460 = arith.index_cast %parallel_loop3A_459 : i32 to index
        %parallel_loop3A_461 = tpu.vector_load %arg5[%parallel_loop3A_460] {strides = array<i32>} : memref<32768xi32, #tpu.memory_space<vmem>>, vector<16xi32>,
        tpu.vector_store %arg5[%parallel_loop3A_460], %broadcast_in_dim3A_6 {strides = array<i32>} : memref<32768xi32, #tpu.memory_space<vmem>>, vector<16xi32>,
        %parallel_loop3A_462 = arith.constant 10240 : i32
        %parallel_loop3A_463 = arith.addi %parallel_loop3A_462, %parallel_loop3A_421 : i32
        %parallel_loop3A_464 = arith.index_cast %parallel_loop3A_463 : i32 to index
        %parallel_loop3A_465 = tpu.vector_load %arg5[%parallel_loop3A_464] {strides = array<i32>} : memref<32768xi32, #tpu.memory_space<vmem>>, vector<16xi32>,
        %parallel_loop3A_466 = arith.addi %parallel_loop3A_457, %parallel_loop3A_465 : vector<16xi32>
        %parallel_loop3A_467 = arith.constant 10240 : i32
        %parallel_loop3A_468 = arith.addi %parallel_loop3A_467, %parallel_loop3A_421 : i32
        %parallel_loop3A_469 = arith.index_cast %parallel_loop3A_468 : i32 to index
        %parallel_loop3A_470 = tpu.vector_load %arg5[%parallel_loop3A_469] {strides = array<i32>} : memref<32768xi32, #tpu.memory_space<vmem>>, vector<16xi32>,
        tpu.vector_store %arg5[%parallel_loop3A_469], %broadcast_in_dim3A_6 {strides = array<i32>} : memref<32768xi32, #tpu.memory_space<vmem>>, vector<16xi32>,
        %parallel_loop3A_471 = arith.constant 12288 : i32
        %parallel_loop3A_472 = arith.addi %parallel_loop3A_471, %parallel_loop3A_421 : i32
        %parallel_loop3A_473 = arith.index_cast %parallel_loop3A_472 : i32 to index
        %parallel_loop3A_474 = tpu.vector_load %arg5[%parallel_loop3A_473] {strides = array<i32>} : memref<32768xi32, #tpu.memory_space<vmem>>, vector<16xi32>,
        %parallel_loop3A_475 = arith.addi %parallel_loop3A_466, %parallel_loop3A_474 : vector<16xi32>
        %parallel_loop3A_476 = arith.constant 12288 : i32
        %parallel_loop3A_477 = arith.addi %parallel_loop3A_476, %parallel_loop3A_421 : i32
        %parallel_loop3A_478 = arith.index_cast %parallel_loop3A_477 : i32 to index
        %parallel_loop3A_479 = tpu.vector_load %arg5[%parallel_loop3A_478] {strides = array<i32>} : memref<32768xi32, #tpu.memory_space<vmem>>, vector<16xi32>,
        tpu.vector_store %arg5[%parallel_loop3A_478], %broadcast_in_dim3A_6 {strides = array<i32>} : memref<32768xi32, #tpu.memory_space<vmem>>, vector<16xi32>,
        %parallel_loop3A_480 = arith.constant 14336 : i32
        %parallel_loop3A_481 = arith.addi %parallel_loop3A_480, %parallel_loop3A_421 : i32
        %parallel_loop3A_482 = arith.index_cast %parallel_loop3A_481 : i32 to index
        %parallel_loop3A_483 = tpu.vector_load %arg5[%parallel_loop3A_482] {strides = array<i32>} : memref<32768xi32, #tpu.memory_space<vmem>>, vector<16xi32>,
        %parallel_loop3A_484 = arith.addi %parallel_loop3A_475, %parallel_loop3A_483 : vector<16xi32>
        %parallel_loop3A_485 = arith.constant 14336 : i32
        %parallel_loop3A_486 = arith.addi %parallel_loop3A_485, %parallel_loop3A_421 : i32
        %parallel_loop3A_487 = arith.index_cast %parallel_loop3A_486 : i32 to index
        %parallel_loop3A_488 = tpu.vector_load %arg5[%parallel_loop3A_487] {strides = array<i32>} : memref<32768xi32, #tpu.memory_space<vmem>>, vector<16xi32>,
        tpu.vector_store %arg5[%parallel_loop3A_487], %broadcast_in_dim3A_6 {strides = array<i32>} : memref<32768xi32, #tpu.memory_space<vmem>>, vector<16xi32>,
        %parallel_loop3A_489 = arith.constant 16384 : i32
        %parallel_loop3A_490 = arith.addi %parallel_loop3A_489, %parallel_loop3A_421 : i32
        %parallel_loop3A_491 = arith.index_cast %parallel_loop3A_490 : i32 to index
        %parallel_loop3A_492 = tpu.vector_load %arg5[%parallel_loop3A_491] {strides = array<i32>} : memref<32768xi32, #tpu.memory_space<vmem>>, vector<16xi32>,
        %parallel_loop3A_493 = arith.addi %parallel_loop3A_484, %parallel_loop3A_492 : vector<16xi32>
        %parallel_loop3A_494 = arith.constant 16384 : i32
        %parallel_loop3A_495 = arith.addi %parallel_loop3A_494, %parallel_loop3A_421 : i32
        %parallel_loop3A_496 = arith.index_cast %parallel_loop3A_495 : i32 to index
        %parallel_loop3A_497 = tpu.vector_load %arg5[%parallel_loop3A_496] {strides = array<i32>} : memref<32768xi32, #tpu.memory_space<vmem>>, vector<16xi32>,
        tpu.vector_store %arg5[%parallel_loop3A_496], %broadcast_in_dim3A_6 {strides = array<i32>} : memref<32768xi32, #tpu.memory_space<vmem>>, vector<16xi32>,
        %parallel_loop3A_498 = arith.constant 18432 : i32
        %parallel_loop3A_499 = arith.addi %parallel_loop3A_498, %parallel_loop3A_421 : i32
        %parallel_loop3A_500 = arith.index_cast %parallel_loop3A_499 : i32 to index
        %parallel_loop3A_501 = tpu.vector_load %arg5[%parallel_loop3A_500] {strides = array<i32>} : memref<32768xi32, #tpu.memory_space<vmem>>, vector<16xi32>,
        %parallel_loop3A_502 = arith.addi %parallel_loop3A_493, %parallel_loop3A_501 : vector<16xi32>
        %parallel_loop3A_503 = arith.constant 18432 : i32
        %parallel_loop3A_504 = arith.addi %parallel_loop3A_503, %parallel_loop3A_421 : i32
        %parallel_loop3A_505 = arith.index_cast %parallel_loop3A_504 : i32 to index
        %parallel_loop3A_506 = tpu.vector_load %arg5[%parallel_loop3A_505] {strides = array<i32>} : memref<32768xi32, #tpu.memory_space<vmem>>, vector<16xi32>,
        tpu.vector_store %arg5[%parallel_loop3A_505], %broadcast_in_dim3A_6 {strides = array<i32>} : memref<32768xi32, #tpu.memory_space<vmem>>, vector<16xi32>,
        %parallel_loop3A_507 = arith.constant 20480 : i32
        %parallel_loop3A_508 = arith.addi %parallel_loop3A_507, %parallel_loop3A_421 : i32
        %parallel_loop3A_509 = arith.index_cast %parallel_loop3A_508 : i32 to index
        %parallel_loop3A_510 = tpu.vector_load %arg5[%parallel_loop3A_509] {strides = array<i32>} : memref<32768xi32, #tpu.memory_space<vmem>>, vector<16xi32>,
        %parallel_loop3A_511 = arith.addi %parallel_loop3A_502, %parallel_loop3A_510 : vector<16xi32>
        %parallel_loop3A_512 = arith.constant 20480 : i32
        %parallel_loop3A_513 = arith.addi %parallel_loop3A_512, %parallel_loop3A_421 : i32
        %parallel_loop3A_514 = arith.index_cast %parallel_loop3A_513 : i32 to index
        %parallel_loop3A_515 = tpu.vector_load %arg5[%parallel_loop3A_514] {strides = array<i32>} : memref<32768xi32, #tpu.memory_space<vmem>>, vector<16xi32>,
        tpu.vector_store %arg5[%parallel_loop3A_514], %broadcast_in_dim3A_6 {strides = array<i32>} : memref<32768xi32, #tpu.memory_space<vmem>>, vector<16xi32>,
        %parallel_loop3A_516 = arith.constant 22528 : i32
        %parallel_loop3A_517 = arith.addi %parallel_loop3A_516, %parallel_loop3A_421 : i32
        %parallel_loop3A_518 = arith.index_cast %parallel_loop3A_517 : i32 to index
        %parallel_loop3A_519 = tpu.vector_load %arg5[%parallel_loop3A_518] {strides = array<i32>} : memref<32768xi32, #tpu.memory_space<vmem>>, vector<16xi32>,
        %parallel_loop3A_520 = arith.addi %parallel_loop3A_511, %parallel_loop3A_519 : vector<16xi32>
        %parallel_loop3A_521 = arith.constant 22528 : i32
        %parallel_loop3A_522 = arith.addi %parallel_loop3A_521, %parallel_loop3A_421 : i32
        %parallel_loop3A_523 = arith.index_cast %parallel_loop3A_522 : i32 to index
        %parallel_loop3A_524 = tpu.vector_load %arg5[%parallel_loop3A_523] {strides = array<i32>} : memref<32768xi32, #tpu.memory_space<vmem>>, vector<16xi32>,
        tpu.vector_store %arg5[%parallel_loop3A_523], %broadcast_in_dim3A_6 {strides = array<i32>} : memref<32768xi32, #tpu.memory_space<vmem>>, vector<16xi32>,
        %parallel_loop3A_525 = arith.constant 24576 : i32
        %parallel_loop3A_526 = arith.addi %parallel_loop3A_525, %parallel_loop3A_421 : i32
        %parallel_loop3A_527 = arith.index_cast %parallel_loop3A_526 : i32 to index
        %parallel_loop3A_528 = tpu.vector_load %arg5[%parallel_loop3A_527] {strides = array<i32>} : memref<32768xi32, #tpu.memory_space<vmem>>, vector<16xi32>,
        %parallel_loop3A_529 = arith.addi %parallel_loop3A_520, %parallel_loop3A_528 : vector<16xi32>
        %parallel_loop3A_530 = arith.constant 24576 : i32
        %parallel_loop3A_531 = arith.addi %parallel_loop3A_530, %parallel_loop3A_421 : i32
        %parallel_loop3A_532 = arith.index_cast %parallel_loop3A_531 : i32 to index
        %parallel_loop3A_533 = tpu.vector_load %arg5[%parallel_loop3A_532] {strides = array<i32>} : memref<32768xi32, #tpu.memory_space<vmem>>, vector<16xi32>,
        tpu.vector_store %arg5[%parallel_loop3A_532], %broadcast_in_dim3A_6 {strides = array<i32>} : memref<32768xi32, #tpu.memory_space<vmem>>, vector<16xi32>,
        %parallel_loop3A_534 = arith.constant 26624 : i32
        %parallel_loop3A_535 = arith.addi %parallel_loop3A_534, %parallel_loop3A_421 : i32
        %parallel_loop3A_536 = arith.index_cast %parallel_loop3A_535 : i32 to index
        %parallel_loop3A_537 = tpu.vector_load %arg5[%parallel_loop3A_536] {strides = array<i32>} : memref<32768xi32, #tpu.memory_space<vmem>>, vector<16xi32>,
        %parallel_loop3A_538 = arith.addi %parallel_loop3A_529, %parallel_loop3A_537 : vector<16xi32>
        %parallel_loop3A_539 = arith.constant 26624 : i32
        %parallel_loop3A_540 = arith.addi %parallel_loop3A_539, %parallel_loop3A_421 : i32
        %parallel_loop3A_541 = arith.index_cast %parallel_loop3A_540 : i32 to index
        %parallel_loop3A_542 = tpu.vector_load %arg5[%parallel_loop3A_541] {strides = array<i32>} : memref<32768xi32, #tpu.memory_space<vmem>>, vector<16xi32>,
        tpu.vector_store %arg5[%parallel_loop3A_541], %broadcast_in_dim3A_6 {strides = array<i32>} : memref<32768xi32, #tpu.memory_space<vmem>>, vector<16xi32>,
        %parallel_loop3A_543 = arith.constant 28672 : i32
        %parallel_loop3A_544 = arith.addi %parallel_loop3A_543, %parallel_loop3A_421 : i32
        %parallel_loop3A_545 = arith.index_cast %parallel_loop3A_544 : i32 to index
        %parallel_loop3A_546 = tpu.vector_load %arg5[%parallel_loop3A_545] {strides = array<i32>} : memref<32768xi32, #tpu.memory_space<vmem>>, vector<16xi32>,
        %parallel_loop3A_547 = arith.addi %parallel_loop3A_538, %parallel_loop3A_546 : vector<16xi32>
        %parallel_loop3A_548 = arith.constant 28672 : i32
        %parallel_loop3A_549 = arith.addi %parallel_loop3A_548, %parallel_loop3A_421 : i32
        %parallel_loop3A_550 = arith.index_cast %parallel_loop3A_549 : i32 to index
        %parallel_loop3A_551 = tpu.vector_load %arg5[%parallel_loop3A_550] {strides = array<i32>} : memref<32768xi32, #tpu.memory_space<vmem>>, vector<16xi32>,
        tpu.vector_store %arg5[%parallel_loop3A_550], %broadcast_in_dim3A_6 {strides = array<i32>} : memref<32768xi32, #tpu.memory_space<vmem>>, vector<16xi32>,
        %parallel_loop3A_552 = arith.constant 30720 : i32
        %parallel_loop3A_553 = arith.addi %parallel_loop3A_552, %parallel_loop3A_421 : i32
        %parallel_loop3A_554 = arith.index_cast %parallel_loop3A_553 : i32 to index
        %parallel_loop3A_555 = tpu.vector_load %arg5[%parallel_loop3A_554] {strides = array<i32>} : memref<32768xi32, #tpu.memory_space<vmem>>, vector<16xi32>,
        %parallel_loop3A_556 = arith.addi %parallel_loop3A_547, %parallel_loop3A_555 : vector<16xi32>
        %parallel_loop3A_557 = arith.constant 30720 : i32
        %parallel_loop3A_558 = arith.addi %parallel_loop3A_557, %parallel_loop3A_421 : i32
        %parallel_loop3A_559 = arith.index_cast %parallel_loop3A_558 : i32 to index
        %parallel_loop3A_560 = tpu.vector_load %arg5[%parallel_loop3A_559] {strides = array<i32>} : memref<32768xi32, #tpu.memory_space<vmem>>, vector<16xi32>,
        tpu.vector_store %arg5[%parallel_loop3A_559], %broadcast_in_dim3A_6 {strides = array<i32>} : memref<32768xi32, #tpu.memory_space<vmem>>, vector<16xi32>,
        %parallel_loop3A_561 = arith.index_cast %parallel_loop3A_421 : i32 to index
        %parallel_loop3A_562 = tpu.vector_load %arg6[%parallel_loop3A_561] {strides = array<i32>} : memref<2048xi32, #tpu.memory_space<vmem>>, vector<16xi32>,
        tpu.vector_store %arg6[%parallel_loop3A_561], %parallel_loop3A_556 {strides = array<i32>} : memref<2048xi32, #tpu.memory_space<vmem>>, vector<16xi32>,
        %parallel_loop3A_563 = arith.constant true
        %parallel_loop3A_564 = vector.broadcast %parallel_loop3A_563 : i1 to vector<16xi1>
        %parallel_loop3A_565 = tpu.scan <sum>, %parallel_loop3A_556 masked %parallel_loop3A_564 : vector<16xi32>, vector<16xi1> -> vector<16xi32>
        %parallel_loop3A_566 = vector.extract %parallel_loop3A_565[15] : i32 from vector<16xi32>
        %parallel_loop3A_567 = arith.index_cast %parallel_loop3A_419 : i32 to index
        %parallel_loop3A_568 = memref.load %arg7[%parallel_loop3A_567] : memref<128xi32, #tpu.memory_space<smem>>
        memref.store %parallel_loop3A_566, %arg7[%parallel_loop3A_567] : memref<128xi32, #tpu.memory_space<smem>>
      } {sc.loop_unroll_factor = 2 : i64, sc.parallel_access}
      %scan3A_220 = arith.constant 8000 : i32
      %scan3A_221 = arith.constant 0 : i32
      %scan3A_222 = arith.constant false
      %scan3A_223 = arith.constant 0 : i32
      %scan3A_224 = arith.constant 0 : i32
      %scan3A_225 = arith.constant 0 : i32
      %scan3A_226 = arith.constant 128 : i32
      %scan3A_227 = arith.addi %scan3A_225, %scan3A_226 : i32
      %scan3A_228 = arith.constant 1 : i32
      %scan3A_229:4 = scf.for %scan3A_419 = %scan3A_225 to %scan3A_227 step %scan3A_228 iter_args(%scan3A_420 = %scan3A_221, %scan3A_421 = %scan3A_222, %scan3A_422 = %scan3A_223, %scan3A_423 = %scan3A_224) -> (i32, i1, i32, i32)  : i32 {
        %sub3A_424 = arith.constant 127 : i32
        %sub3A_425 = arith.subi %sub3A_424, %scan3A_419 : i32
        %get3A_426 = arith.index_cast %sub3A_425 : i32 to index
        %get3A_427 = memref.load %arg7[%get3A_426] : memref<128xi32, #tpu.memory_space<smem>>
        %add3A_428 = arith.addi %scan3A_420, %get3A_427 : i32
        %ge3A_429 = arith.cmpi sge, %add3A_428, %scan3A_220 : i32
        %not3A = arith.constant true
        %not3A_430 = arith.xori %scan3A_421, %not3A : i1
        %and3A = arith.andi %ge3A_429, %not3A_430 : i1
        %select_n3A_431 = arith.select %and3A, %sub3A_425, %scan3A_422 : i32
        %sub3A_432 = arith.subi %scan3A_220, %scan3A_420 : i32
        %select_n3A_433 = arith.select %and3A, %sub3A_432, %scan3A_423 : i32
        %or3A_434 = arith.ori %scan3A_421, %and3A : i1
        %add3A_435 = arith.addi %scan3A_420, %get3A_427 : i32
        scf.yield %add3A_435, %or3A_434, %select_n3A_431, %select_n3A_433 : i32, i1, i32, i32
      }
      %scan3A_230 = arith.constant 128 : i32
      %mul3A_231 = arith.constant 16 : i32
      %mul3A_232 = arith.muli %scan3A_229#2, %mul3A_231 : i32
      %get3A_233 = arith.index_cast %mul3A_232 : i32 to index
      %get3A_234 = tpu.vector_load %arg6[%get3A_233] {strides = array<i32>} : memref<2048xi32, #tpu.memory_space<vmem>>, vector<16xi32>,
      %rev3A_235 = arith.constant 15 : i32
      %rev3A_236 = vector.broadcast %rev3A_235 : i32 to vector<16xi32>
      %rev3A_237 = tpu.iota {dimensions = array<i32: 0>} : vector<16xi32>
      %rev3A_238 = arith.subi %rev3A_236, %rev3A_237 : vector<16xi32>
      %rev3A_239 = tpu.dynamic_gather %get3A_234[%rev3A_238] in [0] : vector<16xi32>, vector<16xi32> -> vector<16xi32>
      %broadcast_in_dim3A_240 = arith.constant true
      %broadcast_in_dim3A_241 = vector.broadcast %broadcast_in_dim3A_240 : i1 to vector<16xi1>
      %masked_cumsum3A_242 = tpu.scan <sum>, %rev3A_239 masked %broadcast_in_dim3A_241 : vector<16xi32>, vector<16xi1> -> vector<16xi32>
      %rev3A_243 = arith.constant 15 : i32
      %rev3A_244 = vector.broadcast %rev3A_243 : i32 to vector<16xi32>
      %rev3A_245 = tpu.iota {dimensions = array<i32: 0>} : vector<16xi32>
      %rev3A_246 = arith.subi %rev3A_244, %rev3A_245 : vector<16xi32>
      %rev3A_247 = tpu.dynamic_gather %masked_cumsum3A_242[%rev3A_246] in [0] : vector<16xi32>, vector<16xi32> -> vector<16xi32>
      %add3A_248 = arith.constant 0 : i32
      %add3A_249 = vector.broadcast %add3A_248 : i32 to vector<16xi32>
      %add3A_250 = arith.addi %add3A_249, %rev3A_247 : vector<16xi32>
      %ge3A_251 = vector.broadcast %scan3A_229#3 : i32 to vector<16xi32>
      %ge3A_252 = arith.cmpi sge, %add3A_250, %ge3A_251 : vector<16xi32>
      %jit3A_253 = arith.constant 1 : i32
      %jit3A_254 = arith.constant 0 : i32
      %broadcast_in_dim3A_255 = vector.broadcast %jit3A_253 : i32 to vector<16xi32>
      %broadcast_in_dim3A_256 = vector.broadcast %jit3A_254 : i32 to vector<16xi32>
      %select_n3A_257 = arith.select %ge3A_252, %broadcast_in_dim3A_255, %broadcast_in_dim3A_256 : vector<16xi1>, vector<16xi32>
      %reduce_sum3A_258 = arith.constant true
      %reduce_sum3A_259 = vector.broadcast %reduce_sum3A_258 : i1 to vector<16xi1>
      %reduce_sum3A_260 = tpu.scan <sum>, %select_n3A_257 masked %reduce_sum3A_259 : vector<16xi32>, vector<16xi1> -> vector<16xi32>
      %reduce_sum3A_261 = vector.extract %reduce_sum3A_260[15] : i32 from vector<16xi32>
      %jit3A_262 = arith.constant 0 : i32
      %broadcast_in_dim3A_263 = vector.broadcast %jit3A_262 : i32 to vector<16xi32>
      %select_n3A_264 = arith.select %ge3A_252, %broadcast_in_dim3A_263, %get3A_234 : vector<16xi1>, vector<16xi32>
      %reduce_sum3A_265 = arith.constant true
      %reduce_sum3A_266 = vector.broadcast %reduce_sum3A_265 : i1 to vector<16xi1>
      %reduce_sum3A_267 = tpu.scan <sum>, %select_n3A_264 masked %reduce_sum3A_266 : vector<16xi32>, vector<16xi1> -> vector<16xi32>
      %reduce_sum3A_268 = vector.extract %reduce_sum3A_267[15] : i32 from vector<16xi32>
      %reduce_sum3A_269 = arith.constant true
      %reduce_sum3A_270 = vector.broadcast %reduce_sum3A_269 : i1 to vector<16xi1>
      %reduce_sum3A_271 = tpu.scan <sum>, %get3A_234 masked %reduce_sum3A_270 : vector<16xi32>, vector<16xi1> -> vector<16xi32>
      %reduce_sum3A_272 = vector.extract %reduce_sum3A_271[15] : i32 from vector<16xi32>
      %mul3A_273 = arith.constant 16 : i32
      %mul3A_274 = arith.muli %scan3A_229#2, %mul3A_273 : i32
      %add3A_275 = arith.addi %mul3A_274, %reduce_sum3A_261 : i32
      %sub3A_276 = arith.constant 1 : i32
      %sub3A_277 = arith.subi %add3A_275, %sub3A_276 : i32
      %sub3A_278 = arith.subi %scan3A_229#3, %reduce_sum3A_268 : i32
      %parallel_loop3A_279 = arith.constant 0 : i32
      %parallel_loop3A_280 = arith.constant 2500 : i32
      %parallel_loop3A_281 = arith.constant 2 : i32
      scf.for %parallel_loop3A_419 = %parallel_loop3A_279 to %parallel_loop3A_280 step %parallel_loop3A_281  : i32 {
        %parallel_loop3A_420 = arith.constant 16 : i32
        %parallel_loop3A_421 = arith.muli %parallel_loop3A_419, %parallel_loop3A_420 : i32
        %parallel_loop3A_422 = arith.index_cast %parallel_loop3A_421 : i32 to index
        %parallel_loop3A_423 = tpu.vector_load %arg4[%parallel_loop3A_422] {strides = array<i32>} : memref<40000xf32, #tpu.memory_space<vmem>>, vector<16xf32>,
        %parallel_loop3A_424 = tpu.bitcast %parallel_loop3A_423 : vector<16xf32> -> vector<16xi32>
        %parallel_loop3A_425 = arith.constant 0 : i32
        %parallel_loop3A_426 = vector.broadcast %parallel_loop3A_425 : i32 to vector<16xi32>
        %parallel_loop3A_427 = arith.cmpi sge, %parallel_loop3A_424, %parallel_loop3A_426 : vector<16xi32>
        %parallel_loop3A_428 = vector.broadcast %cond3A : i32 to vector<16xi32>
        %parallel_loop3A_429 = arith.xori %parallel_loop3A_424, %parallel_loop3A_428 : vector<16xi32>
        %parallel_loop3A_430 = arith.constant dense<-1> : vector<16xi32>
        %parallel_loop3A_431 = arith.xori %parallel_loop3A_424, %parallel_loop3A_430 : vector<16xi32>
        %parallel_loop3A_432 = arith.select %parallel_loop3A_427, %parallel_loop3A_429, %parallel_loop3A_431 : vector<16xi1>, vector<16xi32>
        %parallel_loop3A_433 = arith.constant 10 : i32
        %parallel_loop3A_434 = vector.broadcast %parallel_loop3A_433 : i32 to vector<16xi32>
        %parallel_loop3A_435 = arith.shrui %parallel_loop3A_432, %parallel_loop3A_434 : vector<16xi32>
        %parallel_loop3A_436 = arith.constant 2047 : i32
        %parallel_loop3A_437 = vector.broadcast %parallel_loop3A_436 : i32 to vector<16xi32>
        %parallel_loop3A_438 = arith.andi %parallel_loop3A_435, %parallel_loop3A_437 : vector<16xi32>
        %parallel_loop3A_439 = arith.addi %mul3A_3, %parallel_loop3A_438 : vector<16xi32>
        %parallel_loop3A_440 = arith.constant 21 : i32
        %parallel_loop3A_441 = vector.broadcast %parallel_loop3A_440 : i32 to vector<16xi32>
        %parallel_loop3A_442 = arith.shrui %parallel_loop3A_432, %parallel_loop3A_441 : vector<16xi32>
        %parallel_loop3A_443 = vector.broadcast %sub3A_277 : i32 to vector<16xi32>
        %parallel_loop3A_444 = arith.cmpi eq, %parallel_loop3A_442, %parallel_loop3A_443 : vector<16xi32>
        tpu.vector_store_idx %arg5[%parallel_loop3A_439], %broadcast_in_dim3A_4 masked %parallel_loop3A_444 {add = true} : memref<32768xi32, #tpu.memory_space<vmem>>[vector<16xi32>], vector<16xi32>, vector<16xi1>
        %parallel_loop3A_445 = arith.constant 16 : i32
        %parallel_loop3A_446 = arith.muli %parallel_loop3A_419, %parallel_loop3A_445 : i32
        %parallel_loop3A_447 = arith.constant 16 : i32
        %parallel_loop3A_448 = arith.addi %parallel_loop3A_446, %parallel_loop3A_447 : i32
        %parallel_loop3A_449 = arith.index_cast %parallel_loop3A_448 : i32 to index
        %parallel_loop3A_450 = tpu.vector_load %arg4[%parallel_loop3A_449] {strides = array<i32>} : memref<40000xf32, #tpu.memory_space<vmem>>, vector<16xf32>,
        %parallel_loop3A_451 = tpu.bitcast %parallel_loop3A_450 : vector<16xf32> -> vector<16xi32>
        %parallel_loop3A_452 = arith.constant 0 : i32
        %parallel_loop3A_453 = vector.broadcast %parallel_loop3A_452 : i32 to vector<16xi32>
        %parallel_loop3A_454 = arith.cmpi sge, %parallel_loop3A_451, %parallel_loop3A_453 : vector<16xi32>
        %parallel_loop3A_455 = vector.broadcast %cond3A : i32 to vector<16xi32>
        %parallel_loop3A_456 = arith.xori %parallel_loop3A_451, %parallel_loop3A_455 : vector<16xi32>
        %parallel_loop3A_457 = arith.constant dense<-1> : vector<16xi32>
        %parallel_loop3A_458 = arith.xori %parallel_loop3A_451, %parallel_loop3A_457 : vector<16xi32>
        %parallel_loop3A_459 = arith.select %parallel_loop3A_454, %parallel_loop3A_456, %parallel_loop3A_458 : vector<16xi1>, vector<16xi32>
        %parallel_loop3A_460 = arith.constant 10 : i32
        %parallel_loop3A_461 = vector.broadcast %parallel_loop3A_460 : i32 to vector<16xi32>
        %parallel_loop3A_462 = arith.shrui %parallel_loop3A_459, %parallel_loop3A_461 : vector<16xi32>
        %parallel_loop3A_463 = arith.constant 2047 : i32
        %parallel_loop3A_464 = vector.broadcast %parallel_loop3A_463 : i32 to vector<16xi32>
        %parallel_loop3A_465 = arith.andi %parallel_loop3A_462, %parallel_loop3A_464 : vector<16xi32>
        %parallel_loop3A_466 = arith.addi %mul3A_3, %parallel_loop3A_465 : vector<16xi32>
        %parallel_loop3A_467 = arith.constant 21 : i32
        %parallel_loop3A_468 = vector.broadcast %parallel_loop3A_467 : i32 to vector<16xi32>
        %parallel_loop3A_469 = arith.shrui %parallel_loop3A_459, %parallel_loop3A_468 : vector<16xi32>
        %parallel_loop3A_470 = vector.broadcast %sub3A_277 : i32 to vector<16xi32>
        %parallel_loop3A_471 = arith.cmpi eq, %parallel_loop3A_469, %parallel_loop3A_470 : vector<16xi32>
        tpu.vector_store_idx %arg5[%parallel_loop3A_466], %broadcast_in_dim3A_4 masked %parallel_loop3A_471 {add = true} : memref<32768xi32, #tpu.memory_space<vmem>>[vector<16xi32>], vector<16xi32>, vector<16xi1>
      } {sc.loop_unroll_factor = 5 : i64, sc.parallel_access}
      %parallel_loop3A_282 = arith.constant 0 : i32
      %parallel_loop3A_283 = arith.constant 128 : i32
      %parallel_loop3A_284 = arith.constant 1 : i32
      scf.for %parallel_loop3A_419 = %parallel_loop3A_282 to %parallel_loop3A_283 step %parallel_loop3A_284  : i32 {
        %parallel_loop3A_420 = arith.constant 16 : i32
        %parallel_loop3A_421 = arith.muli %parallel_loop3A_419, %parallel_loop3A_420 : i32
        %parallel_loop3A_422 = arith.index_cast %parallel_loop3A_421 : i32 to index
        %parallel_loop3A_423 = tpu.vector_load %arg5[%parallel_loop3A_422] {strides = array<i32>} : memref<32768xi32, #tpu.memory_space<vmem>>, vector<16xi32>,
        %parallel_loop3A_424 = arith.index_cast %parallel_loop3A_421 : i32 to index
        %parallel_loop3A_425 = tpu.vector_load %arg5[%parallel_loop3A_424] {strides = array<i32>} : memref<32768xi32, #tpu.memory_space<vmem>>, vector<16xi32>,
        tpu.vector_store %arg5[%parallel_loop3A_424], %broadcast_in_dim3A_6 {strides = array<i32>} : memref<32768xi32, #tpu.memory_space<vmem>>, vector<16xi32>,
        %parallel_loop3A_426 = arith.constant 2048 : i32
        %parallel_loop3A_427 = arith.addi %parallel_loop3A_426, %parallel_loop3A_421 : i32
        %parallel_loop3A_428 = arith.index_cast %parallel_loop3A_427 : i32 to index
        %parallel_loop3A_429 = tpu.vector_load %arg5[%parallel_loop3A_428] {strides = array<i32>} : memref<32768xi32, #tpu.memory_space<vmem>>, vector<16xi32>,
        %parallel_loop3A_430 = arith.addi %parallel_loop3A_423, %parallel_loop3A_429 : vector<16xi32>
        %parallel_loop3A_431 = arith.constant 2048 : i32
        %parallel_loop3A_432 = arith.addi %parallel_loop3A_431, %parallel_loop3A_421 : i32
        %parallel_loop3A_433 = arith.index_cast %parallel_loop3A_432 : i32 to index
        %parallel_loop3A_434 = tpu.vector_load %arg5[%parallel_loop3A_433] {strides = array<i32>} : memref<32768xi32, #tpu.memory_space<vmem>>, vector<16xi32>,
        tpu.vector_store %arg5[%parallel_loop3A_433], %broadcast_in_dim3A_6 {strides = array<i32>} : memref<32768xi32, #tpu.memory_space<vmem>>, vector<16xi32>,
        %parallel_loop3A_435 = arith.constant 4096 : i32
        %parallel_loop3A_436 = arith.addi %parallel_loop3A_435, %parallel_loop3A_421 : i32
        %parallel_loop3A_437 = arith.index_cast %parallel_loop3A_436 : i32 to index
        %parallel_loop3A_438 = tpu.vector_load %arg5[%parallel_loop3A_437] {strides = array<i32>} : memref<32768xi32, #tpu.memory_space<vmem>>, vector<16xi32>,
        %parallel_loop3A_439 = arith.addi %parallel_loop3A_430, %parallel_loop3A_438 : vector<16xi32>
        %parallel_loop3A_440 = arith.constant 4096 : i32
        %parallel_loop3A_441 = arith.addi %parallel_loop3A_440, %parallel_loop3A_421 : i32
        %parallel_loop3A_442 = arith.index_cast %parallel_loop3A_441 : i32 to index
        %parallel_loop3A_443 = tpu.vector_load %arg5[%parallel_loop3A_442] {strides = array<i32>} : memref<32768xi32, #tpu.memory_space<vmem>>, vector<16xi32>,
        tpu.vector_store %arg5[%parallel_loop3A_442], %broadcast_in_dim3A_6 {strides = array<i32>} : memref<32768xi32, #tpu.memory_space<vmem>>, vector<16xi32>,
        %parallel_loop3A_444 = arith.constant 6144 : i32
        %parallel_loop3A_445 = arith.addi %parallel_loop3A_444, %parallel_loop3A_421 : i32
        %parallel_loop3A_446 = arith.index_cast %parallel_loop3A_445 : i32 to index
        %parallel_loop3A_447 = tpu.vector_load %arg5[%parallel_loop3A_446] {strides = array<i32>} : memref<32768xi32, #tpu.memory_space<vmem>>, vector<16xi32>,
        %parallel_loop3A_448 = arith.addi %parallel_loop3A_439, %parallel_loop3A_447 : vector<16xi32>
        %parallel_loop3A_449 = arith.constant 6144 : i32
        %parallel_loop3A_450 = arith.addi %parallel_loop3A_449, %parallel_loop3A_421 : i32
        %parallel_loop3A_451 = arith.index_cast %parallel_loop3A_450 : i32 to index
        %parallel_loop3A_452 = tpu.vector_load %arg5[%parallel_loop3A_451] {strides = array<i32>} : memref<32768xi32, #tpu.memory_space<vmem>>, vector<16xi32>,
        tpu.vector_store %arg5[%parallel_loop3A_451], %broadcast_in_dim3A_6 {strides = array<i32>} : memref<32768xi32, #tpu.memory_space<vmem>>, vector<16xi32>,
        %parallel_loop3A_453 = arith.constant 8192 : i32
        %parallel_loop3A_454 = arith.addi %parallel_loop3A_453, %parallel_loop3A_421 : i32
        %parallel_loop3A_455 = arith.index_cast %parallel_loop3A_454 : i32 to index
        %parallel_loop3A_456 = tpu.vector_load %arg5[%parallel_loop3A_455] {strides = array<i32>} : memref<32768xi32, #tpu.memory_space<vmem>>, vector<16xi32>,
        %parallel_loop3A_457 = arith.addi %parallel_loop3A_448, %parallel_loop3A_456 : vector<16xi32>
        %parallel_loop3A_458 = arith.constant 8192 : i32
        %parallel_loop3A_459 = arith.addi %parallel_loop3A_458, %parallel_loop3A_421 : i32
        %parallel_loop3A_460 = arith.index_cast %parallel_loop3A_459 : i32 to index
        %parallel_loop3A_461 = tpu.vector_load %arg5[%parallel_loop3A_460] {strides = array<i32>} : memref<32768xi32, #tpu.memory_space<vmem>>, vector<16xi32>,
        tpu.vector_store %arg5[%parallel_loop3A_460], %broadcast_in_dim3A_6 {strides = array<i32>} : memref<32768xi32, #tpu.memory_space<vmem>>, vector<16xi32>,
        %parallel_loop3A_462 = arith.constant 10240 : i32
        %parallel_loop3A_463 = arith.addi %parallel_loop3A_462, %parallel_loop3A_421 : i32
        %parallel_loop3A_464 = arith.index_cast %parallel_loop3A_463 : i32 to index
        %parallel_loop3A_465 = tpu.vector_load %arg5[%parallel_loop3A_464] {strides = array<i32>} : memref<32768xi32, #tpu.memory_space<vmem>>, vector<16xi32>,
        %parallel_loop3A_466 = arith.addi %parallel_loop3A_457, %parallel_loop3A_465 : vector<16xi32>
        %parallel_loop3A_467 = arith.constant 10240 : i32
        %parallel_loop3A_468 = arith.addi %parallel_loop3A_467, %parallel_loop3A_421 : i32
        %parallel_loop3A_469 = arith.index_cast %parallel_loop3A_468 : i32 to index
        %parallel_loop3A_470 = tpu.vector_load %arg5[%parallel_loop3A_469] {strides = array<i32>} : memref<32768xi32, #tpu.memory_space<vmem>>, vector<16xi32>,
        tpu.vector_store %arg5[%parallel_loop3A_469], %broadcast_in_dim3A_6 {strides = array<i32>} : memref<32768xi32, #tpu.memory_space<vmem>>, vector<16xi32>,
        %parallel_loop3A_471 = arith.constant 12288 : i32
        %parallel_loop3A_472 = arith.addi %parallel_loop3A_471, %parallel_loop3A_421 : i32
        %parallel_loop3A_473 = arith.index_cast %parallel_loop3A_472 : i32 to index
        %parallel_loop3A_474 = tpu.vector_load %arg5[%parallel_loop3A_473] {strides = array<i32>} : memref<32768xi32, #tpu.memory_space<vmem>>, vector<16xi32>,
        %parallel_loop3A_475 = arith.addi %parallel_loop3A_466, %parallel_loop3A_474 : vector<16xi32>
        %parallel_loop3A_476 = arith.constant 12288 : i32
        %parallel_loop3A_477 = arith.addi %parallel_loop3A_476, %parallel_loop3A_421 : i32
        %parallel_loop3A_478 = arith.index_cast %parallel_loop3A_477 : i32 to index
        %parallel_loop3A_479 = tpu.vector_load %arg5[%parallel_loop3A_478] {strides = array<i32>} : memref<32768xi32, #tpu.memory_space<vmem>>, vector<16xi32>,
        tpu.vector_store %arg5[%parallel_loop3A_478], %broadcast_in_dim3A_6 {strides = array<i32>} : memref<32768xi32, #tpu.memory_space<vmem>>, vector<16xi32>,
        %parallel_loop3A_480 = arith.constant 14336 : i32
        %parallel_loop3A_481 = arith.addi %parallel_loop3A_480, %parallel_loop3A_421 : i32
        %parallel_loop3A_482 = arith.index_cast %parallel_loop3A_481 : i32 to index
        %parallel_loop3A_483 = tpu.vector_load %arg5[%parallel_loop3A_482] {strides = array<i32>} : memref<32768xi32, #tpu.memory_space<vmem>>, vector<16xi32>,
        %parallel_loop3A_484 = arith.addi %parallel_loop3A_475, %parallel_loop3A_483 : vector<16xi32>
        %parallel_loop3A_485 = arith.constant 14336 : i32
        %parallel_loop3A_486 = arith.addi %parallel_loop3A_485, %parallel_loop3A_421 : i32
        %parallel_loop3A_487 = arith.index_cast %parallel_loop3A_486 : i32 to index
        %parallel_loop3A_488 = tpu.vector_load %arg5[%parallel_loop3A_487] {strides = array<i32>} : memref<32768xi32, #tpu.memory_space<vmem>>, vector<16xi32>,
        tpu.vector_store %arg5[%parallel_loop3A_487], %broadcast_in_dim3A_6 {strides = array<i32>} : memref<32768xi32, #tpu.memory_space<vmem>>, vector<16xi32>,
        %parallel_loop3A_489 = arith.constant 16384 : i32
        %parallel_loop3A_490 = arith.addi %parallel_loop3A_489, %parallel_loop3A_421 : i32
        %parallel_loop3A_491 = arith.index_cast %parallel_loop3A_490 : i32 to index
        %parallel_loop3A_492 = tpu.vector_load %arg5[%parallel_loop3A_491] {strides = array<i32>} : memref<32768xi32, #tpu.memory_space<vmem>>, vector<16xi32>,
        %parallel_loop3A_493 = arith.addi %parallel_loop3A_484, %parallel_loop3A_492 : vector<16xi32>
        %parallel_loop3A_494 = arith.constant 16384 : i32
        %parallel_loop3A_495 = arith.addi %parallel_loop3A_494, %parallel_loop3A_421 : i32
        %parallel_loop3A_496 = arith.index_cast %parallel_loop3A_495 : i32 to index
        %parallel_loop3A_497 = tpu.vector_load %arg5[%parallel_loop3A_496] {strides = array<i32>} : memref<32768xi32, #tpu.memory_space<vmem>>, vector<16xi32>,
        tpu.vector_store %arg5[%parallel_loop3A_496], %broadcast_in_dim3A_6 {strides = array<i32>} : memref<32768xi32, #tpu.memory_space<vmem>>, vector<16xi32>,
        %parallel_loop3A_498 = arith.constant 18432 : i32
        %parallel_loop3A_499 = arith.addi %parallel_loop3A_498, %parallel_loop3A_421 : i32
        %parallel_loop3A_500 = arith.index_cast %parallel_loop3A_499 : i32 to index
        %parallel_loop3A_501 = tpu.vector_load %arg5[%parallel_loop3A_500] {strides = array<i32>} : memref<32768xi32, #tpu.memory_space<vmem>>, vector<16xi32>,
        %parallel_loop3A_502 = arith.addi %parallel_loop3A_493, %parallel_loop3A_501 : vector<16xi32>
        %parallel_loop3A_503 = arith.constant 18432 : i32
        %parallel_loop3A_504 = arith.addi %parallel_loop3A_503, %parallel_loop3A_421 : i32
        %parallel_loop3A_505 = arith.index_cast %parallel_loop3A_504 : i32 to index
        %parallel_loop3A_506 = tpu.vector_load %arg5[%parallel_loop3A_505] {strides = array<i32>} : memref<32768xi32, #tpu.memory_space<vmem>>, vector<16xi32>,
        tpu.vector_store %arg5[%parallel_loop3A_505], %broadcast_in_dim3A_6 {strides = array<i32>} : memref<32768xi32, #tpu.memory_space<vmem>>, vector<16xi32>,
        %parallel_loop3A_507 = arith.constant 20480 : i32
        %parallel_loop3A_508 = arith.addi %parallel_loop3A_507, %parallel_loop3A_421 : i32
        %parallel_loop3A_509 = arith.index_cast %parallel_loop3A_508 : i32 to index
        %parallel_loop3A_510 = tpu.vector_load %arg5[%parallel_loop3A_509] {strides = array<i32>} : memref<32768xi32, #tpu.memory_space<vmem>>, vector<16xi32>,
        %parallel_loop3A_511 = arith.addi %parallel_loop3A_502, %parallel_loop3A_510 : vector<16xi32>
        %parallel_loop3A_512 = arith.constant 20480 : i32
        %parallel_loop3A_513 = arith.addi %parallel_loop3A_512, %parallel_loop3A_421 : i32
        %parallel_loop3A_514 = arith.index_cast %parallel_loop3A_513 : i32 to index
        %parallel_loop3A_515 = tpu.vector_load %arg5[%parallel_loop3A_514] {strides = array<i32>} : memref<32768xi32, #tpu.memory_space<vmem>>, vector<16xi32>,
        tpu.vector_store %arg5[%parallel_loop3A_514], %broadcast_in_dim3A_6 {strides = array<i32>} : memref<32768xi32, #tpu.memory_space<vmem>>, vector<16xi32>,
        %parallel_loop3A_516 = arith.constant 22528 : i32
        %parallel_loop3A_517 = arith.addi %parallel_loop3A_516, %parallel_loop3A_421 : i32
        %parallel_loop3A_518 = arith.index_cast %parallel_loop3A_517 : i32 to index
        %parallel_loop3A_519 = tpu.vector_load %arg5[%parallel_loop3A_518] {strides = array<i32>} : memref<32768xi32, #tpu.memory_space<vmem>>, vector<16xi32>,
        %parallel_loop3A_520 = arith.addi %parallel_loop3A_511, %parallel_loop3A_519 : vector<16xi32>
        %parallel_loop3A_521 = arith.constant 22528 : i32
        %parallel_loop3A_522 = arith.addi %parallel_loop3A_521, %parallel_loop3A_421 : i32
        %parallel_loop3A_523 = arith.index_cast %parallel_loop3A_522 : i32 to index
        %parallel_loop3A_524 = tpu.vector_load %arg5[%parallel_loop3A_523] {strides = array<i32>} : memref<32768xi32, #tpu.memory_space<vmem>>, vector<16xi32>,
        tpu.vector_store %arg5[%parallel_loop3A_523], %broadcast_in_dim3A_6 {strides = array<i32>} : memref<32768xi32, #tpu.memory_space<vmem>>, vector<16xi32>,
        %parallel_loop3A_525 = arith.constant 24576 : i32
        %parallel_loop3A_526 = arith.addi %parallel_loop3A_525, %parallel_loop3A_421 : i32
        %parallel_loop3A_527 = arith.index_cast %parallel_loop3A_526 : i32 to index
        %parallel_loop3A_528 = tpu.vector_load %arg5[%parallel_loop3A_527] {strides = array<i32>} : memref<32768xi32, #tpu.memory_space<vmem>>, vector<16xi32>,
        %parallel_loop3A_529 = arith.addi %parallel_loop3A_520, %parallel_loop3A_528 : vector<16xi32>
        %parallel_loop3A_530 = arith.constant 24576 : i32
        %parallel_loop3A_531 = arith.addi %parallel_loop3A_530, %parallel_loop3A_421 : i32
        %parallel_loop3A_532 = arith.index_cast %parallel_loop3A_531 : i32 to index
        %parallel_loop3A_533 = tpu.vector_load %arg5[%parallel_loop3A_532] {strides = array<i32>} : memref<32768xi32, #tpu.memory_space<vmem>>, vector<16xi32>,
        tpu.vector_store %arg5[%parallel_loop3A_532], %broadcast_in_dim3A_6 {strides = array<i32>} : memref<32768xi32, #tpu.memory_space<vmem>>, vector<16xi32>,
        %parallel_loop3A_534 = arith.constant 26624 : i32
        %parallel_loop3A_535 = arith.addi %parallel_loop3A_534, %parallel_loop3A_421 : i32
        %parallel_loop3A_536 = arith.index_cast %parallel_loop3A_535 : i32 to index
        %parallel_loop3A_537 = tpu.vector_load %arg5[%parallel_loop3A_536] {strides = array<i32>} : memref<32768xi32, #tpu.memory_space<vmem>>, vector<16xi32>,
        %parallel_loop3A_538 = arith.addi %parallel_loop3A_529, %parallel_loop3A_537 : vector<16xi32>
        %parallel_loop3A_539 = arith.constant 26624 : i32
        %parallel_loop3A_540 = arith.addi %parallel_loop3A_539, %parallel_loop3A_421 : i32
        %parallel_loop3A_541 = arith.index_cast %parallel_loop3A_540 : i32 to index
        %parallel_loop3A_542 = tpu.vector_load %arg5[%parallel_loop3A_541] {strides = array<i32>} : memref<32768xi32, #tpu.memory_space<vmem>>, vector<16xi32>,
        tpu.vector_store %arg5[%parallel_loop3A_541], %broadcast_in_dim3A_6 {strides = array<i32>} : memref<32768xi32, #tpu.memory_space<vmem>>, vector<16xi32>,
        %parallel_loop3A_543 = arith.constant 28672 : i32
        %parallel_loop3A_544 = arith.addi %parallel_loop3A_543, %parallel_loop3A_421 : i32
        %parallel_loop3A_545 = arith.index_cast %parallel_loop3A_544 : i32 to index
        %parallel_loop3A_546 = tpu.vector_load %arg5[%parallel_loop3A_545] {strides = array<i32>} : memref<32768xi32, #tpu.memory_space<vmem>>, vector<16xi32>,
        %parallel_loop3A_547 = arith.addi %parallel_loop3A_538, %parallel_loop3A_546 : vector<16xi32>
        %parallel_loop3A_548 = arith.constant 28672 : i32
        %parallel_loop3A_549 = arith.addi %parallel_loop3A_548, %parallel_loop3A_421 : i32
        %parallel_loop3A_550 = arith.index_cast %parallel_loop3A_549 : i32 to index
        %parallel_loop3A_551 = tpu.vector_load %arg5[%parallel_loop3A_550] {strides = array<i32>} : memref<32768xi32, #tpu.memory_space<vmem>>, vector<16xi32>,
        tpu.vector_store %arg5[%parallel_loop3A_550], %broadcast_in_dim3A_6 {strides = array<i32>} : memref<32768xi32, #tpu.memory_space<vmem>>, vector<16xi32>,
        %parallel_loop3A_552 = arith.constant 30720 : i32
        %parallel_loop3A_553 = arith.addi %parallel_loop3A_552, %parallel_loop3A_421 : i32
        %parallel_loop3A_554 = arith.index_cast %parallel_loop3A_553 : i32 to index
        %parallel_loop3A_555 = tpu.vector_load %arg5[%parallel_loop3A_554] {strides = array<i32>} : memref<32768xi32, #tpu.memory_space<vmem>>, vector<16xi32>,
        %parallel_loop3A_556 = arith.addi %parallel_loop3A_547, %parallel_loop3A_555 : vector<16xi32>
        %parallel_loop3A_557 = arith.constant 30720 : i32
        %parallel_loop3A_558 = arith.addi %parallel_loop3A_557, %parallel_loop3A_421 : i32
        %parallel_loop3A_559 = arith.index_cast %parallel_loop3A_558 : i32 to index
        %parallel_loop3A_560 = tpu.vector_load %arg5[%parallel_loop3A_559] {strides = array<i32>} : memref<32768xi32, #tpu.memory_space<vmem>>, vector<16xi32>,
        tpu.vector_store %arg5[%parallel_loop3A_559], %broadcast_in_dim3A_6 {strides = array<i32>} : memref<32768xi32, #tpu.memory_space<vmem>>, vector<16xi32>,
        %parallel_loop3A_561 = arith.index_cast %parallel_loop3A_421 : i32 to index
        %parallel_loop3A_562 = tpu.vector_load %arg6[%parallel_loop3A_561] {strides = array<i32>} : memref<2048xi32, #tpu.memory_space<vmem>>, vector<16xi32>,
        tpu.vector_store %arg6[%parallel_loop3A_561], %parallel_loop3A_556 {strides = array<i32>} : memref<2048xi32, #tpu.memory_space<vmem>>, vector<16xi32>,
        %parallel_loop3A_563 = arith.constant true
        %parallel_loop3A_564 = vector.broadcast %parallel_loop3A_563 : i1 to vector<16xi1>
        %parallel_loop3A_565 = tpu.scan <sum>, %parallel_loop3A_556 masked %parallel_loop3A_564 : vector<16xi32>, vector<16xi1> -> vector<16xi32>
        %parallel_loop3A_566 = vector.extract %parallel_loop3A_565[15] : i32 from vector<16xi32>
        %parallel_loop3A_567 = arith.index_cast %parallel_loop3A_419 : i32 to index
        %parallel_loop3A_568 = memref.load %arg7[%parallel_loop3A_567] : memref<128xi32, #tpu.memory_space<smem>>
        memref.store %parallel_loop3A_566, %arg7[%parallel_loop3A_567] : memref<128xi32, #tpu.memory_space<smem>>
      } {sc.loop_unroll_factor = 2 : i64, sc.parallel_access}
      %scan3A_285 = arith.constant 0 : i32
      %scan3A_286 = arith.constant false
      %scan3A_287 = arith.constant 0 : i32
      %scan3A_288 = arith.constant 0 : i32
      %scan3A_289 = arith.constant 0 : i32
      %scan3A_290 = arith.constant 128 : i32
      %scan3A_291 = arith.addi %scan3A_289, %scan3A_290 : i32
      %scan3A_292 = arith.constant 1 : i32
      %scan3A_293:4 = scf.for %scan3A_419 = %scan3A_289 to %scan3A_291 step %scan3A_292 iter_args(%scan3A_420 = %scan3A_285, %scan3A_421 = %scan3A_286, %scan3A_422 = %scan3A_287, %scan3A_423 = %scan3A_288) -> (i32, i1, i32, i32)  : i32 {
        %sub3A_424 = arith.constant 127 : i32
        %sub3A_425 = arith.subi %sub3A_424, %scan3A_419 : i32
        %get3A_426 = arith.index_cast %sub3A_425 : i32 to index
        %get3A_427 = memref.load %arg7[%get3A_426] : memref<128xi32, #tpu.memory_space<smem>>
        %add3A_428 = arith.addi %scan3A_420, %get3A_427 : i32
        %ge3A_429 = arith.cmpi sge, %add3A_428, %sub3A_278 : i32
        %not3A = arith.constant true
        %not3A_430 = arith.xori %scan3A_421, %not3A : i1
        %and3A = arith.andi %ge3A_429, %not3A_430 : i1
        %select_n3A_431 = arith.select %and3A, %sub3A_425, %scan3A_422 : i32
        %sub3A_432 = arith.subi %sub3A_278, %scan3A_420 : i32
        %select_n3A_433 = arith.select %and3A, %sub3A_432, %scan3A_423 : i32
        %or3A_434 = arith.ori %scan3A_421, %and3A : i1
        %add3A_435 = arith.addi %scan3A_420, %get3A_427 : i32
        scf.yield %add3A_435, %or3A_434, %select_n3A_431, %select_n3A_433 : i32, i1, i32, i32
      }
      %scan3A_294 = arith.constant 128 : i32
      %mul3A_295 = arith.constant 16 : i32
      %mul3A_296 = arith.muli %scan3A_293#2, %mul3A_295 : i32
      %get3A_297 = arith.index_cast %mul3A_296 : i32 to index
      %get3A_298 = tpu.vector_load %arg6[%get3A_297] {strides = array<i32>} : memref<2048xi32, #tpu.memory_space<vmem>>, vector<16xi32>,
      %rev3A_299 = arith.constant 15 : i32
      %rev3A_300 = vector.broadcast %rev3A_299 : i32 to vector<16xi32>
      %rev3A_301 = tpu.iota {dimensions = array<i32: 0>} : vector<16xi32>
      %rev3A_302 = arith.subi %rev3A_300, %rev3A_301 : vector<16xi32>
      %rev3A_303 = tpu.dynamic_gather %get3A_298[%rev3A_302] in [0] : vector<16xi32>, vector<16xi32> -> vector<16xi32>
      %broadcast_in_dim3A_304 = arith.constant true
      %broadcast_in_dim3A_305 = vector.broadcast %broadcast_in_dim3A_304 : i1 to vector<16xi1>
      %masked_cumsum3A_306 = tpu.scan <sum>, %rev3A_303 masked %broadcast_in_dim3A_305 : vector<16xi32>, vector<16xi1> -> vector<16xi32>
      %rev3A_307 = arith.constant 15 : i32
      %rev3A_308 = vector.broadcast %rev3A_307 : i32 to vector<16xi32>
      %rev3A_309 = tpu.iota {dimensions = array<i32: 0>} : vector<16xi32>
      %rev3A_310 = arith.subi %rev3A_308, %rev3A_309 : vector<16xi32>
      %rev3A_311 = tpu.dynamic_gather %masked_cumsum3A_306[%rev3A_310] in [0] : vector<16xi32>, vector<16xi32> -> vector<16xi32>
      %add3A_312 = arith.constant 0 : i32
      %add3A_313 = vector.broadcast %add3A_312 : i32 to vector<16xi32>
      %add3A_314 = arith.addi %add3A_313, %rev3A_311 : vector<16xi32>
      %ge3A_315 = vector.broadcast %scan3A_293#3 : i32 to vector<16xi32>
      %ge3A_316 = arith.cmpi sge, %add3A_314, %ge3A_315 : vector<16xi32>
      %jit3A_317 = arith.constant 1 : i32
      %jit3A_318 = arith.constant 0 : i32
      %broadcast_in_dim3A_319 = vector.broadcast %jit3A_317 : i32 to vector<16xi32>
      %broadcast_in_dim3A_320 = vector.broadcast %jit3A_318 : i32 to vector<16xi32>
      %select_n3A_321 = arith.select %ge3A_316, %broadcast_in_dim3A_319, %broadcast_in_dim3A_320 : vector<16xi1>, vector<16xi32>
      %reduce_sum3A_322 = arith.constant true
      %reduce_sum3A_323 = vector.broadcast %reduce_sum3A_322 : i1 to vector<16xi1>
      %reduce_sum3A_324 = tpu.scan <sum>, %select_n3A_321 masked %reduce_sum3A_323 : vector<16xi32>, vector<16xi1> -> vector<16xi32>
      %reduce_sum3A_325 = vector.extract %reduce_sum3A_324[15] : i32 from vector<16xi32>
      %jit3A_326 = arith.constant 0 : i32
      %broadcast_in_dim3A_327 = vector.broadcast %jit3A_326 : i32 to vector<16xi32>
      %select_n3A_328 = arith.select %ge3A_316, %broadcast_in_dim3A_327, %get3A_298 : vector<16xi1>, vector<16xi32>
      %reduce_sum3A_329 = arith.constant true
      %reduce_sum3A_330 = vector.broadcast %reduce_sum3A_329 : i1 to vector<16xi1>
      %reduce_sum3A_331 = tpu.scan <sum>, %select_n3A_328 masked %reduce_sum3A_330 : vector<16xi32>, vector<16xi1> -> vector<16xi32>
      %reduce_sum3A_332 = vector.extract %reduce_sum3A_331[15] : i32 from vector<16xi32>
      %reduce_sum3A_333 = arith.constant true
      %reduce_sum3A_334 = vector.broadcast %reduce_sum3A_333 : i1 to vector<16xi1>
      %reduce_sum3A_335 = tpu.scan <sum>, %get3A_298 masked %reduce_sum3A_334 : vector<16xi32>, vector<16xi1> -> vector<16xi32>
      %reduce_sum3A_336 = vector.extract %reduce_sum3A_335[15] : i32 from vector<16xi32>
      %mul3A_337 = arith.constant 16 : i32
      %mul3A_338 = arith.muli %scan3A_293#2, %mul3A_337 : i32
      %add3A_339 = arith.addi %mul3A_338, %reduce_sum3A_325 : i32
      %sub3A_340 = arith.constant 1 : i32
      %sub3A_341 = arith.subi %add3A_339, %sub3A_340 : i32
      %sub3A_342 = arith.subi %scan3A_293#3, %reduce_sum3A_332 : i32
      %shift_left3A_343 = arith.constant 11 : i32
      %shift_left3A_344 = arith.shli %sub3A_277, %shift_left3A_343 : i32
      %or3A_345 = arith.ori %shift_left3A_344, %sub3A_341 : i32
      %parallel_loop3A_346 = arith.constant 0 : i32
      %parallel_loop3A_347 = arith.constant 2500 : i32
      %parallel_loop3A_348 = arith.constant 2 : i32
      scf.for %parallel_loop3A_419 = %parallel_loop3A_346 to %parallel_loop3A_347 step %parallel_loop3A_348  : i32 {
        %parallel_loop3A_420 = arith.constant 16 : i32
        %parallel_loop3A_421 = arith.muli %parallel_loop3A_419, %parallel_loop3A_420 : i32
        %parallel_loop3A_422 = arith.index_cast %parallel_loop3A_421 : i32 to index
        %parallel_loop3A_423 = tpu.vector_load %arg4[%parallel_loop3A_422] {strides = array<i32>} : memref<40000xf32, #tpu.memory_space<vmem>>, vector<16xf32>,
        %parallel_loop3A_424 = tpu.bitcast %parallel_loop3A_423 : vector<16xf32> -> vector<16xi32>
        %parallel_loop3A_425 = arith.constant 0 : i32
        %parallel_loop3A_426 = vector.broadcast %parallel_loop3A_425 : i32 to vector<16xi32>
        %parallel_loop3A_427 = arith.cmpi sge, %parallel_loop3A_424, %parallel_loop3A_426 : vector<16xi32>
        %parallel_loop3A_428 = vector.broadcast %cond3A : i32 to vector<16xi32>
        %parallel_loop3A_429 = arith.xori %parallel_loop3A_424, %parallel_loop3A_428 : vector<16xi32>
        %parallel_loop3A_430 = arith.constant dense<-1> : vector<16xi32>
        %parallel_loop3A_431 = arith.xori %parallel_loop3A_424, %parallel_loop3A_430 : vector<16xi32>
        %parallel_loop3A_432 = arith.select %parallel_loop3A_427, %parallel_loop3A_429, %parallel_loop3A_431 : vector<16xi1>, vector<16xi32>
        %parallel_loop3A_433 = arith.constant 1023 : i32
        %parallel_loop3A_434 = vector.broadcast %parallel_loop3A_433 : i32 to vector<16xi32>
        %parallel_loop3A_435 = arith.andi %parallel_loop3A_432, %parallel_loop3A_434 : vector<16xi32>
        %parallel_loop3A_436 = arith.addi %mul3A_3, %parallel_loop3A_435 : vector<16xi32>
        %parallel_loop3A_437 = arith.constant 10 : i32
        %parallel_loop3A_438 = vector.broadcast %parallel_loop3A_437 : i32 to vector<16xi32>
        %parallel_loop3A_439 = arith.shrui %parallel_loop3A_432, %parallel_loop3A_438 : vector<16xi32>
        %parallel_loop3A_440 = vector.broadcast %or3A_345 : i32 to vector<16xi32>
        %parallel_loop3A_441 = arith.cmpi eq, %parallel_loop3A_439, %parallel_loop3A_440 : vector<16xi32>
        tpu.vector_store_idx %arg5[%parallel_loop3A_436], %broadcast_in_dim3A_4 masked %parallel_loop3A_441 {add = true} : memref<32768xi32, #tpu.memory_space<vmem>>[vector<16xi32>], vector<16xi32>, vector<16xi1>
        %parallel_loop3A_442 = arith.constant 16 : i32
        %parallel_loop3A_443 = arith.muli %parallel_loop3A_419, %parallel_loop3A_442 : i32
        %parallel_loop3A_444 = arith.constant 16 : i32
        %parallel_loop3A_445 = arith.addi %parallel_loop3A_443, %parallel_loop3A_444 : i32
        %parallel_loop3A_446 = arith.index_cast %parallel_loop3A_445 : i32 to index
        %parallel_loop3A_447 = tpu.vector_load %arg4[%parallel_loop3A_446] {strides = array<i32>} : memref<40000xf32, #tpu.memory_space<vmem>>, vector<16xf32>,
        %parallel_loop3A_448 = tpu.bitcast %parallel_loop3A_447 : vector<16xf32> -> vector<16xi32>
        %parallel_loop3A_449 = arith.constant 0 : i32
        %parallel_loop3A_450 = vector.broadcast %parallel_loop3A_449 : i32 to vector<16xi32>
        %parallel_loop3A_451 = arith.cmpi sge, %parallel_loop3A_448, %parallel_loop3A_450 : vector<16xi32>
        %parallel_loop3A_452 = vector.broadcast %cond3A : i32 to vector<16xi32>
        %parallel_loop3A_453 = arith.xori %parallel_loop3A_448, %parallel_loop3A_452 : vector<16xi32>
        %parallel_loop3A_454 = arith.constant dense<-1> : vector<16xi32>
        %parallel_loop3A_455 = arith.xori %parallel_loop3A_448, %parallel_loop3A_454 : vector<16xi32>
        %parallel_loop3A_456 = arith.select %parallel_loop3A_451, %parallel_loop3A_453, %parallel_loop3A_455 : vector<16xi1>, vector<16xi32>
        %parallel_loop3A_457 = arith.constant 1023 : i32
        %parallel_loop3A_458 = vector.broadcast %parallel_loop3A_457 : i32 to vector<16xi32>
        %parallel_loop3A_459 = arith.andi %parallel_loop3A_456, %parallel_loop3A_458 : vector<16xi32>
        %parallel_loop3A_460 = arith.addi %mul3A_3, %parallel_loop3A_459 : vector<16xi32>
        %parallel_loop3A_461 = arith.constant 10 : i32
        %parallel_loop3A_462 = vector.broadcast %parallel_loop3A_461 : i32 to vector<16xi32>
        %parallel_loop3A_463 = arith.shrui %parallel_loop3A_456, %parallel_loop3A_462 : vector<16xi32>
        %parallel_loop3A_464 = vector.broadcast %or3A_345 : i32 to vector<16xi32>
        %parallel_loop3A_465 = arith.cmpi eq, %parallel_loop3A_463, %parallel_loop3A_464 : vector<16xi32>
        tpu.vector_store_idx %arg5[%parallel_loop3A_460], %broadcast_in_dim3A_4 masked %parallel_loop3A_465 {add = true} : memref<32768xi32, #tpu.memory_space<vmem>>[vector<16xi32>], vector<16xi32>, vector<16xi1>
      } {sc.loop_unroll_factor = 5 : i64, sc.parallel_access}
      %parallel_loop3A_349 = arith.constant 0 : i32
      %parallel_loop3A_350 = arith.constant 64 : i32
      %parallel_loop3A_351 = arith.constant 1 : i32
      scf.for %parallel_loop3A_419 = %parallel_loop3A_349 to %parallel_loop3A_350 step %parallel_loop3A_351  : i32 {
        %parallel_loop3A_420 = arith.constant 16 : i32
        %parallel_loop3A_421 = arith.muli %parallel_loop3A_419, %parallel_loop3A_420 : i32
        %parallel_loop3A_422 = arith.index_cast %parallel_loop3A_421 : i32 to index
        %parallel_loop3A_423 = tpu.vector_load %arg5[%parallel_loop3A_422] {strides = array<i32>} : memref<32768xi32, #tpu.memory_space<vmem>>, vector<16xi32>,
        %parallel_loop3A_424 = arith.index_cast %parallel_loop3A_421 : i32 to index
        %parallel_loop3A_425 = tpu.vector_load %arg5[%parallel_loop3A_424] {strides = array<i32>} : memref<32768xi32, #tpu.memory_space<vmem>>, vector<16xi32>,
        tpu.vector_store %arg5[%parallel_loop3A_424], %broadcast_in_dim3A_6 {strides = array<i32>} : memref<32768xi32, #tpu.memory_space<vmem>>, vector<16xi32>,
        %parallel_loop3A_426 = arith.constant 2048 : i32
        %parallel_loop3A_427 = arith.addi %parallel_loop3A_426, %parallel_loop3A_421 : i32
        %parallel_loop3A_428 = arith.index_cast %parallel_loop3A_427 : i32 to index
        %parallel_loop3A_429 = tpu.vector_load %arg5[%parallel_loop3A_428] {strides = array<i32>} : memref<32768xi32, #tpu.memory_space<vmem>>, vector<16xi32>,
        %parallel_loop3A_430 = arith.addi %parallel_loop3A_423, %parallel_loop3A_429 : vector<16xi32>
        %parallel_loop3A_431 = arith.constant 2048 : i32
        %parallel_loop3A_432 = arith.addi %parallel_loop3A_431, %parallel_loop3A_421 : i32
        %parallel_loop3A_433 = arith.index_cast %parallel_loop3A_432 : i32 to index
        %parallel_loop3A_434 = tpu.vector_load %arg5[%parallel_loop3A_433] {strides = array<i32>} : memref<32768xi32, #tpu.memory_space<vmem>>, vector<16xi32>,
        tpu.vector_store %arg5[%parallel_loop3A_433], %broadcast_in_dim3A_6 {strides = array<i32>} : memref<32768xi32, #tpu.memory_space<vmem>>, vector<16xi32>,
        %parallel_loop3A_435 = arith.constant 4096 : i32
        %parallel_loop3A_436 = arith.addi %parallel_loop3A_435, %parallel_loop3A_421 : i32
        %parallel_loop3A_437 = arith.index_cast %parallel_loop3A_436 : i32 to index
        %parallel_loop3A_438 = tpu.vector_load %arg5[%parallel_loop3A_437] {strides = array<i32>} : memref<32768xi32, #tpu.memory_space<vmem>>, vector<16xi32>,
        %parallel_loop3A_439 = arith.addi %parallel_loop3A_430, %parallel_loop3A_438 : vector<16xi32>
        %parallel_loop3A_440 = arith.constant 4096 : i32
        %parallel_loop3A_441 = arith.addi %parallel_loop3A_440, %parallel_loop3A_421 : i32
        %parallel_loop3A_442 = arith.index_cast %parallel_loop3A_441 : i32 to index
        %parallel_loop3A_443 = tpu.vector_load %arg5[%parallel_loop3A_442] {strides = array<i32>} : memref<32768xi32, #tpu.memory_space<vmem>>, vector<16xi32>,
        tpu.vector_store %arg5[%parallel_loop3A_442], %broadcast_in_dim3A_6 {strides = array<i32>} : memref<32768xi32, #tpu.memory_space<vmem>>, vector<16xi32>,
        %parallel_loop3A_444 = arith.constant 6144 : i32
        %parallel_loop3A_445 = arith.addi %parallel_loop3A_444, %parallel_loop3A_421 : i32
        %parallel_loop3A_446 = arith.index_cast %parallel_loop3A_445 : i32 to index
        %parallel_loop3A_447 = tpu.vector_load %arg5[%parallel_loop3A_446] {strides = array<i32>} : memref<32768xi32, #tpu.memory_space<vmem>>, vector<16xi32>,
        %parallel_loop3A_448 = arith.addi %parallel_loop3A_439, %parallel_loop3A_447 : vector<16xi32>
        %parallel_loop3A_449 = arith.constant 6144 : i32
        %parallel_loop3A_450 = arith.addi %parallel_loop3A_449, %parallel_loop3A_421 : i32
        %parallel_loop3A_451 = arith.index_cast %parallel_loop3A_450 : i32 to index
        %parallel_loop3A_452 = tpu.vector_load %arg5[%parallel_loop3A_451] {strides = array<i32>} : memref<32768xi32, #tpu.memory_space<vmem>>, vector<16xi32>,
        tpu.vector_store %arg5[%parallel_loop3A_451], %broadcast_in_dim3A_6 {strides = array<i32>} : memref<32768xi32, #tpu.memory_space<vmem>>, vector<16xi32>,
        %parallel_loop3A_453 = arith.constant 8192 : i32
        %parallel_loop3A_454 = arith.addi %parallel_loop3A_453, %parallel_loop3A_421 : i32
        %parallel_loop3A_455 = arith.index_cast %parallel_loop3A_454 : i32 to index
        %parallel_loop3A_456 = tpu.vector_load %arg5[%parallel_loop3A_455] {strides = array<i32>} : memref<32768xi32, #tpu.memory_space<vmem>>, vector<16xi32>,
        %parallel_loop3A_457 = arith.addi %parallel_loop3A_448, %parallel_loop3A_456 : vector<16xi32>
        %parallel_loop3A_458 = arith.constant 8192 : i32
        %parallel_loop3A_459 = arith.addi %parallel_loop3A_458, %parallel_loop3A_421 : i32
        %parallel_loop3A_460 = arith.index_cast %parallel_loop3A_459 : i32 to index
        %parallel_loop3A_461 = tpu.vector_load %arg5[%parallel_loop3A_460] {strides = array<i32>} : memref<32768xi32, #tpu.memory_space<vmem>>, vector<16xi32>,
        tpu.vector_store %arg5[%parallel_loop3A_460], %broadcast_in_dim3A_6 {strides = array<i32>} : memref<32768xi32, #tpu.memory_space<vmem>>, vector<16xi32>,
        %parallel_loop3A_462 = arith.constant 10240 : i32
        %parallel_loop3A_463 = arith.addi %parallel_loop3A_462, %parallel_loop3A_421 : i32
        %parallel_loop3A_464 = arith.index_cast %parallel_loop3A_463 : i32 to index
        %parallel_loop3A_465 = tpu.vector_load %arg5[%parallel_loop3A_464] {strides = array<i32>} : memref<32768xi32, #tpu.memory_space<vmem>>, vector<16xi32>,
        %parallel_loop3A_466 = arith.addi %parallel_loop3A_457, %parallel_loop3A_465 : vector<16xi32>
        %parallel_loop3A_467 = arith.constant 10240 : i32
        %parallel_loop3A_468 = arith.addi %parallel_loop3A_467, %parallel_loop3A_421 : i32
        %parallel_loop3A_469 = arith.index_cast %parallel_loop3A_468 : i32 to index
        %parallel_loop3A_470 = tpu.vector_load %arg5[%parallel_loop3A_469] {strides = array<i32>} : memref<32768xi32, #tpu.memory_space<vmem>>, vector<16xi32>,
        tpu.vector_store %arg5[%parallel_loop3A_469], %broadcast_in_dim3A_6 {strides = array<i32>} : memref<32768xi32, #tpu.memory_space<vmem>>, vector<16xi32>,
        %parallel_loop3A_471 = arith.constant 12288 : i32
        %parallel_loop3A_472 = arith.addi %parallel_loop3A_471, %parallel_loop3A_421 : i32
        %parallel_loop3A_473 = arith.index_cast %parallel_loop3A_472 : i32 to index
        %parallel_loop3A_474 = tpu.vector_load %arg5[%parallel_loop3A_473] {strides = array<i32>} : memref<32768xi32, #tpu.memory_space<vmem>>, vector<16xi32>,
        %parallel_loop3A_475 = arith.addi %parallel_loop3A_466, %parallel_loop3A_474 : vector<16xi32>
        %parallel_loop3A_476 = arith.constant 12288 : i32
        %parallel_loop3A_477 = arith.addi %parallel_loop3A_476, %parallel_loop3A_421 : i32
        %parallel_loop3A_478 = arith.index_cast %parallel_loop3A_477 : i32 to index
        %parallel_loop3A_479 = tpu.vector_load %arg5[%parallel_loop3A_478] {strides = array<i32>} : memref<32768xi32, #tpu.memory_space<vmem>>, vector<16xi32>,
        tpu.vector_store %arg5[%parallel_loop3A_478], %broadcast_in_dim3A_6 {strides = array<i32>} : memref<32768xi32, #tpu.memory_space<vmem>>, vector<16xi32>,
        %parallel_loop3A_480 = arith.constant 14336 : i32
        %parallel_loop3A_481 = arith.addi %parallel_loop3A_480, %parallel_loop3A_421 : i32
        %parallel_loop3A_482 = arith.index_cast %parallel_loop3A_481 : i32 to index
        %parallel_loop3A_483 = tpu.vector_load %arg5[%parallel_loop3A_482] {strides = array<i32>} : memref<32768xi32, #tpu.memory_space<vmem>>, vector<16xi32>,
        %parallel_loop3A_484 = arith.addi %parallel_loop3A_475, %parallel_loop3A_483 : vector<16xi32>
        %parallel_loop3A_485 = arith.constant 14336 : i32
        %parallel_loop3A_486 = arith.addi %parallel_loop3A_485, %parallel_loop3A_421 : i32
        %parallel_loop3A_487 = arith.index_cast %parallel_loop3A_486 : i32 to index
        %parallel_loop3A_488 = tpu.vector_load %arg5[%parallel_loop3A_487] {strides = array<i32>} : memref<32768xi32, #tpu.memory_space<vmem>>, vector<16xi32>,
        tpu.vector_store %arg5[%parallel_loop3A_487], %broadcast_in_dim3A_6 {strides = array<i32>} : memref<32768xi32, #tpu.memory_space<vmem>>, vector<16xi32>,
        %parallel_loop3A_489 = arith.constant 16384 : i32
        %parallel_loop3A_490 = arith.addi %parallel_loop3A_489, %parallel_loop3A_421 : i32
        %parallel_loop3A_491 = arith.index_cast %parallel_loop3A_490 : i32 to index
        %parallel_loop3A_492 = tpu.vector_load %arg5[%parallel_loop3A_491] {strides = array<i32>} : memref<32768xi32, #tpu.memory_space<vmem>>, vector<16xi32>,
        %parallel_loop3A_493 = arith.addi %parallel_loop3A_484, %parallel_loop3A_492 : vector<16xi32>
        %parallel_loop3A_494 = arith.constant 16384 : i32
        %parallel_loop3A_495 = arith.addi %parallel_loop3A_494, %parallel_loop3A_421 : i32
        %parallel_loop3A_496 = arith.index_cast %parallel_loop3A_495 : i32 to index
        %parallel_loop3A_497 = tpu.vector_load %arg5[%parallel_loop3A_496] {strides = array<i32>} : memref<32768xi32, #tpu.memory_space<vmem>>, vector<16xi32>,
        tpu.vector_store %arg5[%parallel_loop3A_496], %broadcast_in_dim3A_6 {strides = array<i32>} : memref<32768xi32, #tpu.memory_space<vmem>>, vector<16xi32>,
        %parallel_loop3A_498 = arith.constant 18432 : i32
        %parallel_loop3A_499 = arith.addi %parallel_loop3A_498, %parallel_loop3A_421 : i32
        %parallel_loop3A_500 = arith.index_cast %parallel_loop3A_499 : i32 to index
        %parallel_loop3A_501 = tpu.vector_load %arg5[%parallel_loop3A_500] {strides = array<i32>} : memref<32768xi32, #tpu.memory_space<vmem>>, vector<16xi32>,
        %parallel_loop3A_502 = arith.addi %parallel_loop3A_493, %parallel_loop3A_501 : vector<16xi32>
        %parallel_loop3A_503 = arith.constant 18432 : i32
        %parallel_loop3A_504 = arith.addi %parallel_loop3A_503, %parallel_loop3A_421 : i32
        %parallel_loop3A_505 = arith.index_cast %parallel_loop3A_504 : i32 to index
        %parallel_loop3A_506 = tpu.vector_load %arg5[%parallel_loop3A_505] {strides = array<i32>} : memref<32768xi32, #tpu.memory_space<vmem>>, vector<16xi32>,
        tpu.vector_store %arg5[%parallel_loop3A_505], %broadcast_in_dim3A_6 {strides = array<i32>} : memref<32768xi32, #tpu.memory_space<vmem>>, vector<16xi32>,
        %parallel_loop3A_507 = arith.constant 20480 : i32
        %parallel_loop3A_508 = arith.addi %parallel_loop3A_507, %parallel_loop3A_421 : i32
        %parallel_loop3A_509 = arith.index_cast %parallel_loop3A_508 : i32 to index
        %parallel_loop3A_510 = tpu.vector_load %arg5[%parallel_loop3A_509] {strides = array<i32>} : memref<32768xi32, #tpu.memory_space<vmem>>, vector<16xi32>,
        %parallel_loop3A_511 = arith.addi %parallel_loop3A_502, %parallel_loop3A_510 : vector<16xi32>
        %parallel_loop3A_512 = arith.constant 20480 : i32
        %parallel_loop3A_513 = arith.addi %parallel_loop3A_512, %parallel_loop3A_421 : i32
        %parallel_loop3A_514 = arith.index_cast %parallel_loop3A_513 : i32 to index
        %parallel_loop3A_515 = tpu.vector_load %arg5[%parallel_loop3A_514] {strides = array<i32>} : memref<32768xi32, #tpu.memory_space<vmem>>, vector<16xi32>,
        tpu.vector_store %arg5[%parallel_loop3A_514], %broadcast_in_dim3A_6 {strides = array<i32>} : memref<32768xi32, #tpu.memory_space<vmem>>, vector<16xi32>,
        %parallel_loop3A_516 = arith.constant 22528 : i32
        %parallel_loop3A_517 = arith.addi %parallel_loop3A_516, %parallel_loop3A_421 : i32
        %parallel_loop3A_518 = arith.index_cast %parallel_loop3A_517 : i32 to index
        %parallel_loop3A_519 = tpu.vector_load %arg5[%parallel_loop3A_518] {strides = array<i32>} : memref<32768xi32, #tpu.memory_space<vmem>>, vector<16xi32>,
        %parallel_loop3A_520 = arith.addi %parallel_loop3A_511, %parallel_loop3A_519 : vector<16xi32>
        %parallel_loop3A_521 = arith.constant 22528 : i32
        %parallel_loop3A_522 = arith.addi %parallel_loop3A_521, %parallel_loop3A_421 : i32
        %parallel_loop3A_523 = arith.index_cast %parallel_loop3A_522 : i32 to index
        %parallel_loop3A_524 = tpu.vector_load %arg5[%parallel_loop3A_523] {strides = array<i32>} : memref<32768xi32, #tpu.memory_space<vmem>>, vector<16xi32>,
        tpu.vector_store %arg5[%parallel_loop3A_523], %broadcast_in_dim3A_6 {strides = array<i32>} : memref<32768xi32, #tpu.memory_space<vmem>>, vector<16xi32>,
        %parallel_loop3A_525 = arith.constant 24576 : i32
        %parallel_loop3A_526 = arith.addi %parallel_loop3A_525, %parallel_loop3A_421 : i32
        %parallel_loop3A_527 = arith.index_cast %parallel_loop3A_526 : i32 to index
        %parallel_loop3A_528 = tpu.vector_load %arg5[%parallel_loop3A_527] {strides = array<i32>} : memref<32768xi32, #tpu.memory_space<vmem>>, vector<16xi32>,
        %parallel_loop3A_529 = arith.addi %parallel_loop3A_520, %parallel_loop3A_528 : vector<16xi32>
        %parallel_loop3A_530 = arith.constant 24576 : i32
        %parallel_loop3A_531 = arith.addi %parallel_loop3A_530, %parallel_loop3A_421 : i32
        %parallel_loop3A_532 = arith.index_cast %parallel_loop3A_531 : i32 to index
        %parallel_loop3A_533 = tpu.vector_load %arg5[%parallel_loop3A_532] {strides = array<i32>} : memref<32768xi32, #tpu.memory_space<vmem>>, vector<16xi32>,
        tpu.vector_store %arg5[%parallel_loop3A_532], %broadcast_in_dim3A_6 {strides = array<i32>} : memref<32768xi32, #tpu.memory_space<vmem>>, vector<16xi32>,
        %parallel_loop3A_534 = arith.constant 26624 : i32
        %parallel_loop3A_535 = arith.addi %parallel_loop3A_534, %parallel_loop3A_421 : i32
        %parallel_loop3A_536 = arith.index_cast %parallel_loop3A_535 : i32 to index
        %parallel_loop3A_537 = tpu.vector_load %arg5[%parallel_loop3A_536] {strides = array<i32>} : memref<32768xi32, #tpu.memory_space<vmem>>, vector<16xi32>,
        %parallel_loop3A_538 = arith.addi %parallel_loop3A_529, %parallel_loop3A_537 : vector<16xi32>
        %parallel_loop3A_539 = arith.constant 26624 : i32
        %parallel_loop3A_540 = arith.addi %parallel_loop3A_539, %parallel_loop3A_421 : i32
        %parallel_loop3A_541 = arith.index_cast %parallel_loop3A_540 : i32 to index
        %parallel_loop3A_542 = tpu.vector_load %arg5[%parallel_loop3A_541] {strides = array<i32>} : memref<32768xi32, #tpu.memory_space<vmem>>, vector<16xi32>,
        tpu.vector_store %arg5[%parallel_loop3A_541], %broadcast_in_dim3A_6 {strides = array<i32>} : memref<32768xi32, #tpu.memory_space<vmem>>, vector<16xi32>,
        %parallel_loop3A_543 = arith.constant 28672 : i32
        %parallel_loop3A_544 = arith.addi %parallel_loop3A_543, %parallel_loop3A_421 : i32
        %parallel_loop3A_545 = arith.index_cast %parallel_loop3A_544 : i32 to index
        %parallel_loop3A_546 = tpu.vector_load %arg5[%parallel_loop3A_545] {strides = array<i32>} : memref<32768xi32, #tpu.memory_space<vmem>>, vector<16xi32>,
        %parallel_loop3A_547 = arith.addi %parallel_loop3A_538, %parallel_loop3A_546 : vector<16xi32>
        %parallel_loop3A_548 = arith.constant 28672 : i32
        %parallel_loop3A_549 = arith.addi %parallel_loop3A_548, %parallel_loop3A_421 : i32
        %parallel_loop3A_550 = arith.index_cast %parallel_loop3A_549 : i32 to index
        %parallel_loop3A_551 = tpu.vector_load %arg5[%parallel_loop3A_550] {strides = array<i32>} : memref<32768xi32, #tpu.memory_space<vmem>>, vector<16xi32>,
        tpu.vector_store %arg5[%parallel_loop3A_550], %broadcast_in_dim3A_6 {strides = array<i32>} : memref<32768xi32, #tpu.memory_space<vmem>>, vector<16xi32>,
        %parallel_loop3A_552 = arith.constant 30720 : i32
        %parallel_loop3A_553 = arith.addi %parallel_loop3A_552, %parallel_loop3A_421 : i32
        %parallel_loop3A_554 = arith.index_cast %parallel_loop3A_553 : i32 to index
        %parallel_loop3A_555 = tpu.vector_load %arg5[%parallel_loop3A_554] {strides = array<i32>} : memref<32768xi32, #tpu.memory_space<vmem>>, vector<16xi32>,
        %parallel_loop3A_556 = arith.addi %parallel_loop3A_547, %parallel_loop3A_555 : vector<16xi32>
        %parallel_loop3A_557 = arith.constant 30720 : i32
        %parallel_loop3A_558 = arith.addi %parallel_loop3A_557, %parallel_loop3A_421 : i32
        %parallel_loop3A_559 = arith.index_cast %parallel_loop3A_558 : i32 to index
        %parallel_loop3A_560 = tpu.vector_load %arg5[%parallel_loop3A_559] {strides = array<i32>} : memref<32768xi32, #tpu.memory_space<vmem>>, vector<16xi32>,
        tpu.vector_store %arg5[%parallel_loop3A_559], %broadcast_in_dim3A_6 {strides = array<i32>} : memref<32768xi32, #tpu.memory_space<vmem>>, vector<16xi32>,
        %parallel_loop3A_561 = arith.index_cast %parallel_loop3A_421 : i32 to index
        %parallel_loop3A_562 = tpu.vector_load %arg6[%parallel_loop3A_561] {strides = array<i32>} : memref<2048xi32, #tpu.memory_space<vmem>>, vector<16xi32>,
        tpu.vector_store %arg6[%parallel_loop3A_561], %parallel_loop3A_556 {strides = array<i32>} : memref<2048xi32, #tpu.memory_space<vmem>>, vector<16xi32>,
        %parallel_loop3A_563 = arith.constant true
        %parallel_loop3A_564 = vector.broadcast %parallel_loop3A_563 : i1 to vector<16xi1>
        %parallel_loop3A_565 = tpu.scan <sum>, %parallel_loop3A_556 masked %parallel_loop3A_564 : vector<16xi32>, vector<16xi1> -> vector<16xi32>
        %parallel_loop3A_566 = vector.extract %parallel_loop3A_565[15] : i32 from vector<16xi32>
        %parallel_loop3A_567 = arith.index_cast %parallel_loop3A_419 : i32 to index
        %parallel_loop3A_568 = memref.load %arg7[%parallel_loop3A_567] : memref<128xi32, #tpu.memory_space<smem>>
        memref.store %parallel_loop3A_566, %arg7[%parallel_loop3A_567] : memref<128xi32, #tpu.memory_space<smem>>
      } {sc.loop_unroll_factor = 2 : i64, sc.parallel_access}
      %scan3A_352 = arith.constant 0 : i32
      %scan3A_353 = arith.constant false
      %scan3A_354 = arith.constant 0 : i32
      %scan3A_355 = arith.constant 0 : i32
      %scan3A_356 = arith.constant 0 : i32
      %scan3A_357 = arith.constant 64 : i32
      %scan3A_358 = arith.addi %scan3A_356, %scan3A_357 : i32
      %scan3A_359 = arith.constant 1 : i32
      %scan3A_360:4 = scf.for %scan3A_419 = %scan3A_356 to %scan3A_358 step %scan3A_359 iter_args(%scan3A_420 = %scan3A_352, %scan3A_421 = %scan3A_353, %scan3A_422 = %scan3A_354, %scan3A_423 = %scan3A_355) -> (i32, i1, i32, i32)  : i32 {
        %sub3A_424 = arith.constant 63 : i32
        %sub3A_425 = arith.subi %sub3A_424, %scan3A_419 : i32
        %get3A_426 = arith.index_cast %sub3A_425 : i32 to index
        %get3A_427 = memref.load %arg7[%get3A_426] : memref<128xi32, #tpu.memory_space<smem>>
        %add3A_428 = arith.addi %scan3A_420, %get3A_427 : i32
        %ge3A_429 = arith.cmpi sge, %add3A_428, %sub3A_342 : i32
        %not3A = arith.constant true
        %not3A_430 = arith.xori %scan3A_421, %not3A : i1
        %and3A = arith.andi %ge3A_429, %not3A_430 : i1
        %select_n3A_431 = arith.select %and3A, %sub3A_425, %scan3A_422 : i32
        %sub3A_432 = arith.subi %sub3A_342, %scan3A_420 : i32
        %select_n3A_433 = arith.select %and3A, %sub3A_432, %scan3A_423 : i32
        %or3A_434 = arith.ori %scan3A_421, %and3A : i1
        %add3A_435 = arith.addi %scan3A_420, %get3A_427 : i32
        scf.yield %add3A_435, %or3A_434, %select_n3A_431, %select_n3A_433 : i32, i1, i32, i32
      }
      %scan3A_361 = arith.constant 64 : i32
      %mul3A_362 = arith.constant 16 : i32
      %mul3A_363 = arith.muli %scan3A_360#2, %mul3A_362 : i32
      %get3A_364 = arith.index_cast %mul3A_363 : i32 to index
      %get3A_365 = tpu.vector_load %arg6[%get3A_364] {strides = array<i32>} : memref<2048xi32, #tpu.memory_space<vmem>>, vector<16xi32>,
      %rev3A_366 = arith.constant 15 : i32
      %rev3A_367 = vector.broadcast %rev3A_366 : i32 to vector<16xi32>
      %rev3A_368 = tpu.iota {dimensions = array<i32: 0>} : vector<16xi32>
      %rev3A_369 = arith.subi %rev3A_367, %rev3A_368 : vector<16xi32>
      %rev3A_370 = tpu.dynamic_gather %get3A_365[%rev3A_369] in [0] : vector<16xi32>, vector<16xi32> -> vector<16xi32>
      %broadcast_in_dim3A_371 = arith.constant true
      %broadcast_in_dim3A_372 = vector.broadcast %broadcast_in_dim3A_371 : i1 to vector<16xi1>
      %masked_cumsum3A_373 = tpu.scan <sum>, %rev3A_370 masked %broadcast_in_dim3A_372 : vector<16xi32>, vector<16xi1> -> vector<16xi32>
      %rev3A_374 = arith.constant 15 : i32
      %rev3A_375 = vector.broadcast %rev3A_374 : i32 to vector<16xi32>
      %rev3A_376 = tpu.iota {dimensions = array<i32: 0>} : vector<16xi32>
      %rev3A_377 = arith.subi %rev3A_375, %rev3A_376 : vector<16xi32>
      %rev3A_378 = tpu.dynamic_gather %masked_cumsum3A_373[%rev3A_377] in [0] : vector<16xi32>, vector<16xi32> -> vector<16xi32>
      %add3A_379 = arith.constant 0 : i32
      %add3A_380 = vector.broadcast %add3A_379 : i32 to vector<16xi32>
      %add3A_381 = arith.addi %add3A_380, %rev3A_378 : vector<16xi32>
      %ge3A_382 = vector.broadcast %scan3A_360#3 : i32 to vector<16xi32>
      %ge3A_383 = arith.cmpi sge, %add3A_381, %ge3A_382 : vector<16xi32>
      %jit3A_384 = arith.constant 1 : i32
      %jit3A_385 = arith.constant 0 : i32
      %broadcast_in_dim3A_386 = vector.broadcast %jit3A_384 : i32 to vector<16xi32>
      %broadcast_in_dim3A_387 = vector.broadcast %jit3A_385 : i32 to vector<16xi32>
      %select_n3A_388 = arith.select %ge3A_383, %broadcast_in_dim3A_386, %broadcast_in_dim3A_387 : vector<16xi1>, vector<16xi32>
      %reduce_sum3A_389 = arith.constant true
      %reduce_sum3A_390 = vector.broadcast %reduce_sum3A_389 : i1 to vector<16xi1>
      %reduce_sum3A_391 = tpu.scan <sum>, %select_n3A_388 masked %reduce_sum3A_390 : vector<16xi32>, vector<16xi1> -> vector<16xi32>
      %reduce_sum3A_392 = vector.extract %reduce_sum3A_391[15] : i32 from vector<16xi32>
      %jit3A_393 = arith.constant 0 : i32
      %broadcast_in_dim3A_394 = vector.broadcast %jit3A_393 : i32 to vector<16xi32>
      %select_n3A_395 = arith.select %ge3A_383, %broadcast_in_dim3A_394, %get3A_365 : vector<16xi1>, vector<16xi32>
      %reduce_sum3A_396 = arith.constant true
      %reduce_sum3A_397 = vector.broadcast %reduce_sum3A_396 : i1 to vector<16xi1>
      %reduce_sum3A_398 = tpu.scan <sum>, %select_n3A_395 masked %reduce_sum3A_397 : vector<16xi32>, vector<16xi1> -> vector<16xi32>
      %reduce_sum3A_399 = vector.extract %reduce_sum3A_398[15] : i32 from vector<16xi32>
      %reduce_sum3A_400 = arith.constant true
      %reduce_sum3A_401 = vector.broadcast %reduce_sum3A_400 : i1 to vector<16xi1>
      %reduce_sum3A_402 = tpu.scan <sum>, %get3A_365 masked %reduce_sum3A_401 : vector<16xi32>, vector<16xi1> -> vector<16xi32>
      %reduce_sum3A_403 = vector.extract %reduce_sum3A_402[15] : i32 from vector<16xi32>
      %mul3A_404 = arith.constant 16 : i32
      %mul3A_405 = arith.muli %scan3A_360#2, %mul3A_404 : i32
      %add3A_406 = arith.addi %mul3A_405, %reduce_sum3A_392 : i32
      %sub3A_407 = arith.constant 1 : i32
      %sub3A_408 = arith.subi %add3A_406, %sub3A_407 : i32
      %sub3A_409 = arith.subi %scan3A_360#3, %reduce_sum3A_399 : i32
      %shift_left3A_410 = arith.constant 10 : i32
      %shift_left3A_411 = arith.shli %or3A_345, %shift_left3A_410 : i32
      %or3A_412 = arith.ori %shift_left3A_411, %sub3A_408 : i32
      %xor3A_413 = arith.xori %or3A_412, %cond3A : i32
      %broadcast_in_dim3A_414 = vector.broadcast %xor3A_413 : i32 to vector<16xi32>
      %swap3A_415 = arith.constant 0 : index
      %swap3A_416 = tpu.vector_load %arg8[%swap3A_415] {strides = array<i32>} : memref<16xi32, #tpu.memory_space<vmem>>, vector<16xi32>,
      tpu.vector_store %arg8[%swap3A_415], %broadcast_in_dim3A_414 {strides = array<i32>} : memref<16xi32, #tpu.memory_space<vmem>>, vector<16xi32>,
      %mul3A_417 = arith.constant 16 : i32
      %mul3A_418 = arith.muli %add3A_211, %mul3A_417 : i32
      "tpu.region"() ({
        %run_scoped3A = tpu.sem_alloc : memref<!tpu.dma_semaphore, #tpu.memory_space<semaphore_mem>>
        %dma_start3A = tpu.memref_slice %arg3[%mul3A_418] : memref<768xi32, #tpu.memory_space<hbm>> -> memref<16xi32, #tpu.memory_space<hbm>>
        %dma_start3A_419 = tpu.memref_slice %arg3[%mul3A_418] : memref<768xi32, #tpu.memory_space<hbm>> -> memref<16xi32, #tpu.memory_space<hbm>>
        tpu.enqueue_dma source(%arg8 : memref<16xi32, #tpu.memory_space<vmem>>) target(%dma_start3A_419 : memref<16xi32, #tpu.memory_space<hbm>>) target_semaphore(%run_scoped3A : memref<!tpu.dma_semaphore, #tpu.memory_space<semaphore_mem>>)
        %dma_wait3A = tpu.memref_slice %arg3[%mul3A_418] : memref<768xi32, #tpu.memory_space<hbm>> -> memref<16xi32, #tpu.memory_space<hbm>>
        %dma_wait3A_420 = tpu.memref_slice %arg3[%mul3A_418] : memref<768xi32, #tpu.memory_space<hbm>> -> memref<16xi32, #tpu.memory_space<hbm>>
        tpu.wait_dma2 semaphore(%run_scoped3A : memref<!tpu.dma_semaphore, #tpu.memory_space<semaphore_mem>>) src(%arg8 : memref<16xi32, #tpu.memory_space<vmem>>) dst(%dma_wait3A_420 : memref<16xi32, #tpu.memory_space<hbm>>)
        tpu.yield
      }) : () -> ()
    } else {
    }
    return
  }
}

module attributes {stable_mosaic.version = 14 : i64} {
  func.func @_gcn_body(%arg0: i32, %arg1: memref<48xi32, #tpu.memory_space<smem>>, %arg2: memref<4x200x200xf32, #tpu.memory_space<vmem>>, %arg3: memref<200x128xf32, #tpu.memory_space<vmem>>, %arg4: memref<1x128xf32, #tpu.memory_space<vmem>>, %arg5: memref<128x128xf32, #tpu.memory_space<vmem>>, %arg6: memref<1x128xf32, #tpu.memory_space<vmem>>, %arg7: memref<4x1x128xf32, #tpu.memory_space<vmem>>) attributes {dimension_semantics = [#tpu.dimension_semantics<arbitrary>], iteration_bounds = array<i64: 12>, scalar_prefetch = 0 : i64, scratch_operands = 0 : i64, tpu.core_type = #tpu.core_type<tc>, window_params = [{transform_indices = @transform_0, window_bounds = array<i64: 48>}, {transform_indices = @transform_1, window_bounds = array<i64: 4, 200, 200>}, {pipeline_mode = #tpu.pipeline_mode<synchronous>, transform_indices = @transform_2, window_bounds = array<i64: 200, 128>}, {pipeline_mode = #tpu.pipeline_mode<synchronous>, transform_indices = @transform_3, window_bounds = array<i64: 1, 128>}, {pipeline_mode = #tpu.pipeline_mode<synchronous>, transform_indices = @transform_4, window_bounds = array<i64: 128, 128>}, {pipeline_mode = #tpu.pipeline_mode<synchronous>, transform_indices = @transform_5, window_bounds = array<i64: 1, 128>}, {transform_indices = @transform_6, window_bounds = array<i64: 4, 1, 128>}]} {
    %get3A = arith.constant 0 : index
    %get3A_0 = arith.constant 0 : index
    %get3A_1 = arith.constant 0 : index
    %get3A_2 = vector.load %arg2[%get3A, %get3A_0, %get3A_1] : memref<4x200x200xf32, #tpu.memory_space<vmem>>, vector<1x200x200xf32>
    %get3A_3 = vector.shape_cast %get3A_2 : vector<1x200x200xf32> to vector<200x200xf32>
    %mul3A = arith.constant 4 : i32
    %mul3A_4 = arith.muli %arg0, %mul3A : i32
    %add3A = arith.constant 0 : i32
    %add3A_5 = arith.addi %mul3A_4, %add3A : i32
    %get3A_6 = arith.index_cast %add3A_5 : i32 to index
    %get3A_7 = memref.load %arg1[%get3A_6] : memref<48xi32, #tpu.memory_space<smem>>
    %transpose3A = tpu.transpose %get3A_3, [1, 0] : vector<200x200xf32> -> vector<200x200xf32>
    %bitcast_convert_type3A = tpu.bitcast %transpose3A : vector<200x200xf32> -> vector<200x200xi32>
    %ge3A = arith.constant 0 : i32
    %ge3A_8 = vector.broadcast %ge3A : i32 to vector<200x200xi32>
    %ge3A_9 = arith.cmpi sge, %bitcast_convert_type3A, %ge3A_8 : vector<200x200xi32>
    %xor3A = arith.constant 2147483647 : i32
    %xor3A_10 = vector.broadcast %xor3A : i32 to vector<200x200xi32>
    %xor3A_11 = arith.xori %bitcast_convert_type3A, %xor3A_10 : vector<200x200xi32>
    %select_n3A = arith.select %ge3A_9, %bitcast_convert_type3A, %xor3A_11 : vector<200x200xi1>, vector<200x200xi32>
    %ge3A_12 = vector.broadcast %get3A_7 : i32 to vector<200x200xi32>
    %ge3A_13 = arith.cmpi sge, %select_n3A, %ge3A_12 : vector<200x200xi32>
    %jit3A = arith.constant 0.000000e+00 : f32
    %broadcast_in_dim3A = vector.broadcast %jit3A : f32 to vector<200x200xf32>
    %select_n3A_14 = arith.select %ge3A_13, %transpose3A, %broadcast_in_dim3A : vector<200x200xi1>, vector<200x200xf32>
    %reduce_sum3A = arith.constant dense<0.000000e+00> : vector<200xf32>
    %reduce_sum3A_15 = vector.multi_reduction <add>, %select_n3A_14, %reduce_sum3A [1] : vector<200x200xf32> to vector<200xf32>
    %broadcast_in_dim3A_16 = vector.shape_cast %reduce_sum3A_15 : vector<200xf32> to vector<200x1xf32>
    %add3A_17 = arith.constant 1.000000e+00 : f32
    %add3A_18 = vector.broadcast %add3A_17 : f32 to vector<200x1xf32>
    %add3A_19 = arith.addf %broadcast_in_dim3A_16, %add3A_18 : vector<200x1xf32>
    %gt3A = arith.constant 0.000000e+00 : f32
    %gt3A_20 = vector.broadcast %gt3A : f32 to vector<200x1xf32>
    %gt3A_21 = arith.cmpf ogt, %add3A_19, %gt3A_20 : vector<200x1xf32>
    %max3A = arith.constant 9.99999996E-13 : f32
    %max3A_22 = vector.broadcast %max3A : f32 to vector<200x1xf32>
    %max3A_23 = arith.maximumf %add3A_19, %max3A_22 : vector<200x1xf32>
    %rsqrt3A = math.rsqrt %max3A_23 : vector<200x1xf32>
    %jit3A_24 = arith.constant 0.000000e+00 : f32
    %broadcast_in_dim3A_25 = vector.broadcast %jit3A_24 : f32 to vector<200x1xf32>
    %select_n3A_26 = arith.select %gt3A_21, %rsqrt3A, %broadcast_in_dim3A_25 : vector<200x1xi1>, vector<200x1xf32>
    %mul3A_27 = arith.mulf %select_n3A_26, %select_n3A_26 : vector<200x1xf32>
    %get3A_28 = arith.constant 0 : index
    %get3A_29 = arith.constant 0 : index
    %get3A_30 = vector.load %arg3[%get3A_28, %get3A_29] : memref<200x128xf32, #tpu.memory_space<vmem>>, vector<200x128xf32>
    %dot_general3A = arith.constant dense<0.000000e+00> : vector<200x128xf32>
    %dot_general3A_31 = tpu.matmul %get3A_3, %get3A_30, %dot_general3A {dimension_numbers = #tpu.dot_dimension_numbers<[1], [0], [0], [1], [0, 0, 1, 1], [], []>, transpose_lhs_hint = false} : vector<200x200xf32>, vector<200x128xf32>, vector<200x128xf32> -> vector<200x128xf32>
    %mul3A_32 = vector.broadcast %select_n3A_26 : vector<200x1xf32> to vector<200x128xf32>
    %mul3A_33 = arith.mulf %mul3A_32, %dot_general3A_31 : vector<200x128xf32>
    %dot_general3A_34 = arith.constant dense<0.000000e+00> : vector<200x128xf32>
    %dot_general3A_35 = tpu.matmul %select_n3A_14, %mul3A_33, %dot_general3A_34 {dimension_numbers = #tpu.dot_dimension_numbers<[1], [0], [0], [1], [0, 0, 1, 1], [], []>, transpose_lhs_hint = false} : vector<200x200xf32>, vector<200x128xf32>, vector<200x128xf32> -> vector<200x128xf32>
    %mul3A_36 = vector.broadcast %select_n3A_26 : vector<200x1xf32> to vector<200x128xf32>
    %mul3A_37 = arith.mulf %mul3A_36, %dot_general3A_35 : vector<200x128xf32>
    %mul3A_38 = vector.broadcast %mul3A_27 : vector<200x1xf32> to vector<200x128xf32>
    %mul3A_39 = arith.mulf %mul3A_38, %dot_general3A_31 : vector<200x128xf32>
    %add3A_40 = arith.addf %mul3A_37, %mul3A_39 : vector<200x128xf32>
    %get3A_41 = arith.constant 0 : index
    %get3A_42 = arith.constant 0 : index
    %get3A_43 = vector.load %arg4[%get3A_41, %get3A_42] : memref<1x128xf32, #tpu.memory_space<vmem>>, vector<1x128xf32>
    %add3A_44 = vector.broadcast %get3A_43 : vector<1x128xf32> to vector<200x128xf32>
    %add3A_45 = arith.addf %add3A_40, %add3A_44 : vector<200x128xf32>
    %max3A_46 = arith.constant 0.000000e+00 : f32
    %max3A_47 = vector.broadcast %max3A_46 : f32 to vector<200x128xf32>
    %max3A_48 = arith.maximumf %add3A_45, %max3A_47 : vector<200x128xf32>
    %get3A_49 = arith.constant 0 : index
    %get3A_50 = arith.constant 0 : index
    %get3A_51 = vector.load %arg5[%get3A_49, %get3A_50] : memref<128x128xf32, #tpu.memory_space<vmem>>, vector<128x128xf32>
    %dot_general3A_52 = arith.constant dense<0.000000e+00> : vector<200x128xf32>
    %dot_general3A_53 = tpu.matmul %max3A_48, %get3A_51, %dot_general3A_52 {dimension_numbers = #tpu.dot_dimension_numbers<[1], [0], [0], [1], [0, 0, 1, 1], [], []>, transpose_lhs_hint = false} : vector<200x128xf32>, vector<128x128xf32>, vector<200x128xf32> -> vector<200x128xf32>
    %mul3A_54 = vector.broadcast %select_n3A_26 : vector<200x1xf32> to vector<200x128xf32>
    %mul3A_55 = arith.mulf %mul3A_54, %dot_general3A_53 : vector<200x128xf32>
    %dot_general3A_56 = arith.constant dense<0.000000e+00> : vector<200x128xf32>
    %dot_general3A_57 = tpu.matmul %select_n3A_14, %mul3A_55, %dot_general3A_56 {dimension_numbers = #tpu.dot_dimension_numbers<[1], [0], [0], [1], [0, 0, 1, 1], [], []>, transpose_lhs_hint = false} : vector<200x200xf32>, vector<200x128xf32>, vector<200x128xf32> -> vector<200x128xf32>
    %mul3A_58 = vector.broadcast %select_n3A_26 : vector<200x1xf32> to vector<200x128xf32>
    %mul3A_59 = arith.mulf %mul3A_58, %dot_general3A_57 : vector<200x128xf32>
    %mul3A_60 = vector.broadcast %mul3A_27 : vector<200x1xf32> to vector<200x128xf32>
    %mul3A_61 = arith.mulf %mul3A_60, %dot_general3A_53 : vector<200x128xf32>
    %add3A_62 = arith.addf %mul3A_59, %mul3A_61 : vector<200x128xf32>
    %get3A_63 = arith.constant 0 : index
    %get3A_64 = arith.constant 0 : index
    %get3A_65 = vector.load %arg6[%get3A_63, %get3A_64] : memref<1x128xf32, #tpu.memory_space<vmem>>, vector<1x128xf32>
    %add3A_66 = vector.broadcast %get3A_65 : vector<1x128xf32> to vector<200x128xf32>
    %add3A_67 = arith.addf %add3A_62, %add3A_66 : vector<200x128xf32>
    %reduce_sum3A_68 = arith.constant dense<0.000000e+00> : vector<128xf32>
    %reduce_sum3A_69 = vector.multi_reduction <add>, %add3A_67, %reduce_sum3A_68 [0] : vector<200x128xf32> to vector<128xf32>
    %div3A = arith.constant 2.000000e+02 : f32
    %div3A_70 = vector.broadcast %div3A : f32 to vector<128xf32>
    %div3A_71 = arith.divf %reduce_sum3A_69, %div3A_70 : vector<128xf32>
    %swap3A = arith.constant 0 : index
    %swap3A_72 = arith.constant 0 : index
    %swap3A_73 = arith.constant 0 : index
    %swap3A_74 = vector.load %arg7[%swap3A, %swap3A_72, %swap3A_73] : memref<4x1x128xf32, #tpu.memory_space<vmem>>, vector<1x1x128xf32>
    %swap3A_75 = vector.shape_cast %swap3A_74 : vector<1x1x128xf32> to vector<128xf32>
    %swap3A_76 = vector.shape_cast %div3A_71 : vector<128xf32> to vector<1x1x128xf32>
    tpu.vector_store %arg7[%swap3A, %swap3A_72, %swap3A_73], %swap3A_76 {strides = array<i32>} : memref<4x1x128xf32, #tpu.memory_space<vmem>>, vector<1x1x128xf32>,
    %get3A_77 = arith.constant 1 : index
    %get3A_78 = arith.constant 0 : index
    %get3A_79 = arith.constant 0 : index
    %get3A_80 = vector.load %arg2[%get3A_77, %get3A_78, %get3A_79] : memref<4x200x200xf32, #tpu.memory_space<vmem>>, vector<1x200x200xf32>
    %get3A_81 = vector.shape_cast %get3A_80 : vector<1x200x200xf32> to vector<200x200xf32>
    %mul3A_82 = arith.constant 4 : i32
    %mul3A_83 = arith.muli %arg0, %mul3A_82 : i32
    %add3A_84 = arith.constant 1 : i32
    %add3A_85 = arith.addi %mul3A_83, %add3A_84 : i32
    %get3A_86 = arith.index_cast %add3A_85 : i32 to index
    %get3A_87 = memref.load %arg1[%get3A_86] : memref<48xi32, #tpu.memory_space<smem>>
    %transpose3A_88 = tpu.transpose %get3A_81, [1, 0] : vector<200x200xf32> -> vector<200x200xf32>
    %bitcast_convert_type3A_89 = tpu.bitcast %transpose3A_88 : vector<200x200xf32> -> vector<200x200xi32>
    %ge3A_90 = arith.constant 0 : i32
    %ge3A_91 = vector.broadcast %ge3A_90 : i32 to vector<200x200xi32>
    %ge3A_92 = arith.cmpi sge, %bitcast_convert_type3A_89, %ge3A_91 : vector<200x200xi32>
    %xor3A_93 = arith.constant 2147483647 : i32
    %xor3A_94 = vector.broadcast %xor3A_93 : i32 to vector<200x200xi32>
    %xor3A_95 = arith.xori %bitcast_convert_type3A_89, %xor3A_94 : vector<200x200xi32>
    %select_n3A_96 = arith.select %ge3A_92, %bitcast_convert_type3A_89, %xor3A_95 : vector<200x200xi1>, vector<200x200xi32>
    %ge3A_97 = vector.broadcast %get3A_87 : i32 to vector<200x200xi32>
    %ge3A_98 = arith.cmpi sge, %select_n3A_96, %ge3A_97 : vector<200x200xi32>
    %jit3A_99 = arith.constant 0.000000e+00 : f32
    %broadcast_in_dim3A_100 = vector.broadcast %jit3A_99 : f32 to vector<200x200xf32>
    %select_n3A_101 = arith.select %ge3A_98, %transpose3A_88, %broadcast_in_dim3A_100 : vector<200x200xi1>, vector<200x200xf32>
    %reduce_sum3A_102 = arith.constant dense<0.000000e+00> : vector<200xf32>
    %reduce_sum3A_103 = vector.multi_reduction <add>, %select_n3A_101, %reduce_sum3A_102 [1] : vector<200x200xf32> to vector<200xf32>
    %broadcast_in_dim3A_104 = vector.shape_cast %reduce_sum3A_103 : vector<200xf32> to vector<200x1xf32>
    %add3A_105 = arith.constant 1.000000e+00 : f32
    %add3A_106 = vector.broadcast %add3A_105 : f32 to vector<200x1xf32>
    %add3A_107 = arith.addf %broadcast_in_dim3A_104, %add3A_106 : vector<200x1xf32>
    %gt3A_108 = arith.constant 0.000000e+00 : f32
    %gt3A_109 = vector.broadcast %gt3A_108 : f32 to vector<200x1xf32>
    %gt3A_110 = arith.cmpf ogt, %add3A_107, %gt3A_109 : vector<200x1xf32>
    %max3A_111 = arith.constant 9.99999996E-13 : f32
    %max3A_112 = vector.broadcast %max3A_111 : f32 to vector<200x1xf32>
    %max3A_113 = arith.maximumf %add3A_107, %max3A_112 : vector<200x1xf32>
    %rsqrt3A_114 = math.rsqrt %max3A_113 : vector<200x1xf32>
    %jit3A_115 = arith.constant 0.000000e+00 : f32
    %broadcast_in_dim3A_116 = vector.broadcast %jit3A_115 : f32 to vector<200x1xf32>
    %select_n3A_117 = arith.select %gt3A_110, %rsqrt3A_114, %broadcast_in_dim3A_116 : vector<200x1xi1>, vector<200x1xf32>
    %mul3A_118 = arith.mulf %select_n3A_117, %select_n3A_117 : vector<200x1xf32>
    %get3A_119 = arith.constant 0 : index
    %get3A_120 = arith.constant 0 : index
    %get3A_121 = vector.load %arg3[%get3A_119, %get3A_120] : memref<200x128xf32, #tpu.memory_space<vmem>>, vector<200x128xf32>
    %dot_general3A_122 = arith.constant dense<0.000000e+00> : vector<200x128xf32>
    %dot_general3A_123 = tpu.matmul %get3A_81, %get3A_121, %dot_general3A_122 {dimension_numbers = #tpu.dot_dimension_numbers<[1], [0], [0], [1], [0, 0, 1, 1], [], []>, transpose_lhs_hint = false} : vector<200x200xf32>, vector<200x128xf32>, vector<200x128xf32> -> vector<200x128xf32>
    %mul3A_124 = vector.broadcast %select_n3A_117 : vector<200x1xf32> to vector<200x128xf32>
    %mul3A_125 = arith.mulf %mul3A_124, %dot_general3A_123 : vector<200x128xf32>
    %dot_general3A_126 = arith.constant dense<0.000000e+00> : vector<200x128xf32>
    %dot_general3A_127 = tpu.matmul %select_n3A_101, %mul3A_125, %dot_general3A_126 {dimension_numbers = #tpu.dot_dimension_numbers<[1], [0], [0], [1], [0, 0, 1, 1], [], []>, transpose_lhs_hint = false} : vector<200x200xf32>, vector<200x128xf32>, vector<200x128xf32> -> vector<200x128xf32>
    %mul3A_128 = vector.broadcast %select_n3A_117 : vector<200x1xf32> to vector<200x128xf32>
    %mul3A_129 = arith.mulf %mul3A_128, %dot_general3A_127 : vector<200x128xf32>
    %mul3A_130 = vector.broadcast %mul3A_118 : vector<200x1xf32> to vector<200x128xf32>
    %mul3A_131 = arith.mulf %mul3A_130, %dot_general3A_123 : vector<200x128xf32>
    %add3A_132 = arith.addf %mul3A_129, %mul3A_131 : vector<200x128xf32>
    %get3A_133 = arith.constant 0 : index
    %get3A_134 = arith.constant 0 : index
    %get3A_135 = vector.load %arg4[%get3A_133, %get3A_134] : memref<1x128xf32, #tpu.memory_space<vmem>>, vector<1x128xf32>
    %add3A_136 = vector.broadcast %get3A_135 : vector<1x128xf32> to vector<200x128xf32>
    %add3A_137 = arith.addf %add3A_132, %add3A_136 : vector<200x128xf32>
    %max3A_138 = arith.constant 0.000000e+00 : f32
    %max3A_139 = vector.broadcast %max3A_138 : f32 to vector<200x128xf32>
    %max3A_140 = arith.maximumf %add3A_137, %max3A_139 : vector<200x128xf32>
    %get3A_141 = arith.constant 0 : index
    %get3A_142 = arith.constant 0 : index
    %get3A_143 = vector.load %arg5[%get3A_141, %get3A_142] : memref<128x128xf32, #tpu.memory_space<vmem>>, vector<128x128xf32>
    %dot_general3A_144 = arith.constant dense<0.000000e+00> : vector<200x128xf32>
    %dot_general3A_145 = tpu.matmul %max3A_140, %get3A_143, %dot_general3A_144 {dimension_numbers = #tpu.dot_dimension_numbers<[1], [0], [0], [1], [0, 0, 1, 1], [], []>, transpose_lhs_hint = false} : vector<200x128xf32>, vector<128x128xf32>, vector<200x128xf32> -> vector<200x128xf32>
    %mul3A_146 = vector.broadcast %select_n3A_117 : vector<200x1xf32> to vector<200x128xf32>
    %mul3A_147 = arith.mulf %mul3A_146, %dot_general3A_145 : vector<200x128xf32>
    %dot_general3A_148 = arith.constant dense<0.000000e+00> : vector<200x128xf32>
    %dot_general3A_149 = tpu.matmul %select_n3A_101, %mul3A_147, %dot_general3A_148 {dimension_numbers = #tpu.dot_dimension_numbers<[1], [0], [0], [1], [0, 0, 1, 1], [], []>, transpose_lhs_hint = false} : vector<200x200xf32>, vector<200x128xf32>, vector<200x128xf32> -> vector<200x128xf32>
    %mul3A_150 = vector.broadcast %select_n3A_117 : vector<200x1xf32> to vector<200x128xf32>
    %mul3A_151 = arith.mulf %mul3A_150, %dot_general3A_149 : vector<200x128xf32>
    %mul3A_152 = vector.broadcast %mul3A_118 : vector<200x1xf32> to vector<200x128xf32>
    %mul3A_153 = arith.mulf %mul3A_152, %dot_general3A_145 : vector<200x128xf32>
    %add3A_154 = arith.addf %mul3A_151, %mul3A_153 : vector<200x128xf32>
    %get3A_155 = arith.constant 0 : index
    %get3A_156 = arith.constant 0 : index
    %get3A_157 = vector.load %arg6[%get3A_155, %get3A_156] : memref<1x128xf32, #tpu.memory_space<vmem>>, vector<1x128xf32>
    %add3A_158 = vector.broadcast %get3A_157 : vector<1x128xf32> to vector<200x128xf32>
    %add3A_159 = arith.addf %add3A_154, %add3A_158 : vector<200x128xf32>
    %reduce_sum3A_160 = arith.constant dense<0.000000e+00> : vector<128xf32>
    %reduce_sum3A_161 = vector.multi_reduction <add>, %add3A_159, %reduce_sum3A_160 [0] : vector<200x128xf32> to vector<128xf32>
    %div3A_162 = arith.constant 2.000000e+02 : f32
    %div3A_163 = vector.broadcast %div3A_162 : f32 to vector<128xf32>
    %div3A_164 = arith.divf %reduce_sum3A_161, %div3A_163 : vector<128xf32>
    %swap3A_165 = arith.constant 1 : index
    %swap3A_166 = arith.constant 0 : index
    %swap3A_167 = arith.constant 0 : index
    %swap3A_168 = vector.load %arg7[%swap3A_165, %swap3A_166, %swap3A_167] : memref<4x1x128xf32, #tpu.memory_space<vmem>>, vector<1x1x128xf32>
    %swap3A_169 = vector.shape_cast %swap3A_168 : vector<1x1x128xf32> to vector<128xf32>
    %swap3A_170 = vector.shape_cast %div3A_164 : vector<128xf32> to vector<1x1x128xf32>
    tpu.vector_store %arg7[%swap3A_165, %swap3A_166, %swap3A_167], %swap3A_170 {strides = array<i32>} : memref<4x1x128xf32, #tpu.memory_space<vmem>>, vector<1x1x128xf32>,
    %get3A_171 = arith.constant 2 : index
    %get3A_172 = arith.constant 0 : index
    %get3A_173 = arith.constant 0 : index
    %get3A_174 = vector.load %arg2[%get3A_171, %get3A_172, %get3A_173] : memref<4x200x200xf32, #tpu.memory_space<vmem>>, vector<1x200x200xf32>
    %get3A_175 = vector.shape_cast %get3A_174 : vector<1x200x200xf32> to vector<200x200xf32>
    %mul3A_176 = arith.constant 4 : i32
    %mul3A_177 = arith.muli %arg0, %mul3A_176 : i32
    %add3A_178 = arith.constant 2 : i32
    %add3A_179 = arith.addi %mul3A_177, %add3A_178 : i32
    %get3A_180 = arith.index_cast %add3A_179 : i32 to index
    %get3A_181 = memref.load %arg1[%get3A_180] : memref<48xi32, #tpu.memory_space<smem>>
    %transpose3A_182 = tpu.transpose %get3A_175, [1, 0] : vector<200x200xf32> -> vector<200x200xf32>
    %bitcast_convert_type3A_183 = tpu.bitcast %transpose3A_182 : vector<200x200xf32> -> vector<200x200xi32>
    %ge3A_184 = arith.constant 0 : i32
    %ge3A_185 = vector.broadcast %ge3A_184 : i32 to vector<200x200xi32>
    %ge3A_186 = arith.cmpi sge, %bitcast_convert_type3A_183, %ge3A_185 : vector<200x200xi32>
    %xor3A_187 = arith.constant 2147483647 : i32
    %xor3A_188 = vector.broadcast %xor3A_187 : i32 to vector<200x200xi32>
    %xor3A_189 = arith.xori %bitcast_convert_type3A_183, %xor3A_188 : vector<200x200xi32>
    %select_n3A_190 = arith.select %ge3A_186, %bitcast_convert_type3A_183, %xor3A_189 : vector<200x200xi1>, vector<200x200xi32>
    %ge3A_191 = vector.broadcast %get3A_181 : i32 to vector<200x200xi32>
    %ge3A_192 = arith.cmpi sge, %select_n3A_190, %ge3A_191 : vector<200x200xi32>
    %jit3A_193 = arith.constant 0.000000e+00 : f32
    %broadcast_in_dim3A_194 = vector.broadcast %jit3A_193 : f32 to vector<200x200xf32>
    %select_n3A_195 = arith.select %ge3A_192, %transpose3A_182, %broadcast_in_dim3A_194 : vector<200x200xi1>, vector<200x200xf32>
    %reduce_sum3A_196 = arith.constant dense<0.000000e+00> : vector<200xf32>
    %reduce_sum3A_197 = vector.multi_reduction <add>, %select_n3A_195, %reduce_sum3A_196 [1] : vector<200x200xf32> to vector<200xf32>
    %broadcast_in_dim3A_198 = vector.shape_cast %reduce_sum3A_197 : vector<200xf32> to vector<200x1xf32>
    %add3A_199 = arith.constant 1.000000e+00 : f32
    %add3A_200 = vector.broadcast %add3A_199 : f32 to vector<200x1xf32>
    %add3A_201 = arith.addf %broadcast_in_dim3A_198, %add3A_200 : vector<200x1xf32>
    %gt3A_202 = arith.constant 0.000000e+00 : f32
    %gt3A_203 = vector.broadcast %gt3A_202 : f32 to vector<200x1xf32>
    %gt3A_204 = arith.cmpf ogt, %add3A_201, %gt3A_203 : vector<200x1xf32>
    %max3A_205 = arith.constant 9.99999996E-13 : f32
    %max3A_206 = vector.broadcast %max3A_205 : f32 to vector<200x1xf32>
    %max3A_207 = arith.maximumf %add3A_201, %max3A_206 : vector<200x1xf32>
    %rsqrt3A_208 = math.rsqrt %max3A_207 : vector<200x1xf32>
    %jit3A_209 = arith.constant 0.000000e+00 : f32
    %broadcast_in_dim3A_210 = vector.broadcast %jit3A_209 : f32 to vector<200x1xf32>
    %select_n3A_211 = arith.select %gt3A_204, %rsqrt3A_208, %broadcast_in_dim3A_210 : vector<200x1xi1>, vector<200x1xf32>
    %mul3A_212 = arith.mulf %select_n3A_211, %select_n3A_211 : vector<200x1xf32>
    %get3A_213 = arith.constant 0 : index
    %get3A_214 = arith.constant 0 : index
    %get3A_215 = vector.load %arg3[%get3A_213, %get3A_214] : memref<200x128xf32, #tpu.memory_space<vmem>>, vector<200x128xf32>
    %dot_general3A_216 = arith.constant dense<0.000000e+00> : vector<200x128xf32>
    %dot_general3A_217 = tpu.matmul %get3A_175, %get3A_215, %dot_general3A_216 {dimension_numbers = #tpu.dot_dimension_numbers<[1], [0], [0], [1], [0, 0, 1, 1], [], []>, transpose_lhs_hint = false} : vector<200x200xf32>, vector<200x128xf32>, vector<200x128xf32> -> vector<200x128xf32>
    %mul3A_218 = vector.broadcast %select_n3A_211 : vector<200x1xf32> to vector<200x128xf32>
    %mul3A_219 = arith.mulf %mul3A_218, %dot_general3A_217 : vector<200x128xf32>
    %dot_general3A_220 = arith.constant dense<0.000000e+00> : vector<200x128xf32>
    %dot_general3A_221 = tpu.matmul %select_n3A_195, %mul3A_219, %dot_general3A_220 {dimension_numbers = #tpu.dot_dimension_numbers<[1], [0], [0], [1], [0, 0, 1, 1], [], []>, transpose_lhs_hint = false} : vector<200x200xf32>, vector<200x128xf32>, vector<200x128xf32> -> vector<200x128xf32>
    %mul3A_222 = vector.broadcast %select_n3A_211 : vector<200x1xf32> to vector<200x128xf32>
    %mul3A_223 = arith.mulf %mul3A_222, %dot_general3A_221 : vector<200x128xf32>
    %mul3A_224 = vector.broadcast %mul3A_212 : vector<200x1xf32> to vector<200x128xf32>
    %mul3A_225 = arith.mulf %mul3A_224, %dot_general3A_217 : vector<200x128xf32>
    %add3A_226 = arith.addf %mul3A_223, %mul3A_225 : vector<200x128xf32>
    %get3A_227 = arith.constant 0 : index
    %get3A_228 = arith.constant 0 : index
    %get3A_229 = vector.load %arg4[%get3A_227, %get3A_228] : memref<1x128xf32, #tpu.memory_space<vmem>>, vector<1x128xf32>
    %add3A_230 = vector.broadcast %get3A_229 : vector<1x128xf32> to vector<200x128xf32>
    %add3A_231 = arith.addf %add3A_226, %add3A_230 : vector<200x128xf32>
    %max3A_232 = arith.constant 0.000000e+00 : f32
    %max3A_233 = vector.broadcast %max3A_232 : f32 to vector<200x128xf32>
    %max3A_234 = arith.maximumf %add3A_231, %max3A_233 : vector<200x128xf32>
    %get3A_235 = arith.constant 0 : index
    %get3A_236 = arith.constant 0 : index
    %get3A_237 = vector.load %arg5[%get3A_235, %get3A_236] : memref<128x128xf32, #tpu.memory_space<vmem>>, vector<128x128xf32>
    %dot_general3A_238 = arith.constant dense<0.000000e+00> : vector<200x128xf32>
    %dot_general3A_239 = tpu.matmul %max3A_234, %get3A_237, %dot_general3A_238 {dimension_numbers = #tpu.dot_dimension_numbers<[1], [0], [0], [1], [0, 0, 1, 1], [], []>, transpose_lhs_hint = false} : vector<200x128xf32>, vector<128x128xf32>, vector<200x128xf32> -> vector<200x128xf32>
    %mul3A_240 = vector.broadcast %select_n3A_211 : vector<200x1xf32> to vector<200x128xf32>
    %mul3A_241 = arith.mulf %mul3A_240, %dot_general3A_239 : vector<200x128xf32>
    %dot_general3A_242 = arith.constant dense<0.000000e+00> : vector<200x128xf32>
    %dot_general3A_243 = tpu.matmul %select_n3A_195, %mul3A_241, %dot_general3A_242 {dimension_numbers = #tpu.dot_dimension_numbers<[1], [0], [0], [1], [0, 0, 1, 1], [], []>, transpose_lhs_hint = false} : vector<200x200xf32>, vector<200x128xf32>, vector<200x128xf32> -> vector<200x128xf32>
    %mul3A_244 = vector.broadcast %select_n3A_211 : vector<200x1xf32> to vector<200x128xf32>
    %mul3A_245 = arith.mulf %mul3A_244, %dot_general3A_243 : vector<200x128xf32>
    %mul3A_246 = vector.broadcast %mul3A_212 : vector<200x1xf32> to vector<200x128xf32>
    %mul3A_247 = arith.mulf %mul3A_246, %dot_general3A_239 : vector<200x128xf32>
    %add3A_248 = arith.addf %mul3A_245, %mul3A_247 : vector<200x128xf32>
    %get3A_249 = arith.constant 0 : index
    %get3A_250 = arith.constant 0 : index
    %get3A_251 = vector.load %arg6[%get3A_249, %get3A_250] : memref<1x128xf32, #tpu.memory_space<vmem>>, vector<1x128xf32>
    %add3A_252 = vector.broadcast %get3A_251 : vector<1x128xf32> to vector<200x128xf32>
    %add3A_253 = arith.addf %add3A_248, %add3A_252 : vector<200x128xf32>
    %reduce_sum3A_254 = arith.constant dense<0.000000e+00> : vector<128xf32>
    %reduce_sum3A_255 = vector.multi_reduction <add>, %add3A_253, %reduce_sum3A_254 [0] : vector<200x128xf32> to vector<128xf32>
    %div3A_256 = arith.constant 2.000000e+02 : f32
    %div3A_257 = vector.broadcast %div3A_256 : f32 to vector<128xf32>
    %div3A_258 = arith.divf %reduce_sum3A_255, %div3A_257 : vector<128xf32>
    %swap3A_259 = arith.constant 2 : index
    %swap3A_260 = arith.constant 0 : index
    %swap3A_261 = arith.constant 0 : index
    %swap3A_262 = vector.load %arg7[%swap3A_259, %swap3A_260, %swap3A_261] : memref<4x1x128xf32, #tpu.memory_space<vmem>>, vector<1x1x128xf32>
    %swap3A_263 = vector.shape_cast %swap3A_262 : vector<1x1x128xf32> to vector<128xf32>
    %swap3A_264 = vector.shape_cast %div3A_258 : vector<128xf32> to vector<1x1x128xf32>
    tpu.vector_store %arg7[%swap3A_259, %swap3A_260, %swap3A_261], %swap3A_264 {strides = array<i32>} : memref<4x1x128xf32, #tpu.memory_space<vmem>>, vector<1x1x128xf32>,
    %get3A_265 = arith.constant 3 : index
    %get3A_266 = arith.constant 0 : index
    %get3A_267 = arith.constant 0 : index
    %get3A_268 = vector.load %arg2[%get3A_265, %get3A_266, %get3A_267] : memref<4x200x200xf32, #tpu.memory_space<vmem>>, vector<1x200x200xf32>
    %get3A_269 = vector.shape_cast %get3A_268 : vector<1x200x200xf32> to vector<200x200xf32>
    %mul3A_270 = arith.constant 4 : i32
    %mul3A_271 = arith.muli %arg0, %mul3A_270 : i32
    %add3A_272 = arith.constant 3 : i32
    %add3A_273 = arith.addi %mul3A_271, %add3A_272 : i32
    %get3A_274 = arith.index_cast %add3A_273 : i32 to index
    %get3A_275 = memref.load %arg1[%get3A_274] : memref<48xi32, #tpu.memory_space<smem>>
    %transpose3A_276 = tpu.transpose %get3A_269, [1, 0] : vector<200x200xf32> -> vector<200x200xf32>
    %bitcast_convert_type3A_277 = tpu.bitcast %transpose3A_276 : vector<200x200xf32> -> vector<200x200xi32>
    %ge3A_278 = arith.constant 0 : i32
    %ge3A_279 = vector.broadcast %ge3A_278 : i32 to vector<200x200xi32>
    %ge3A_280 = arith.cmpi sge, %bitcast_convert_type3A_277, %ge3A_279 : vector<200x200xi32>
    %xor3A_281 = arith.constant 2147483647 : i32
    %xor3A_282 = vector.broadcast %xor3A_281 : i32 to vector<200x200xi32>
    %xor3A_283 = arith.xori %bitcast_convert_type3A_277, %xor3A_282 : vector<200x200xi32>
    %select_n3A_284 = arith.select %ge3A_280, %bitcast_convert_type3A_277, %xor3A_283 : vector<200x200xi1>, vector<200x200xi32>
    %ge3A_285 = vector.broadcast %get3A_275 : i32 to vector<200x200xi32>
    %ge3A_286 = arith.cmpi sge, %select_n3A_284, %ge3A_285 : vector<200x200xi32>
    %jit3A_287 = arith.constant 0.000000e+00 : f32
    %broadcast_in_dim3A_288 = vector.broadcast %jit3A_287 : f32 to vector<200x200xf32>
    %select_n3A_289 = arith.select %ge3A_286, %transpose3A_276, %broadcast_in_dim3A_288 : vector<200x200xi1>, vector<200x200xf32>
    %reduce_sum3A_290 = arith.constant dense<0.000000e+00> : vector<200xf32>
    %reduce_sum3A_291 = vector.multi_reduction <add>, %select_n3A_289, %reduce_sum3A_290 [1] : vector<200x200xf32> to vector<200xf32>
    %broadcast_in_dim3A_292 = vector.shape_cast %reduce_sum3A_291 : vector<200xf32> to vector<200x1xf32>
    %add3A_293 = arith.constant 1.000000e+00 : f32
    %add3A_294 = vector.broadcast %add3A_293 : f32 to vector<200x1xf32>
    %add3A_295 = arith.addf %broadcast_in_dim3A_292, %add3A_294 : vector<200x1xf32>
    %gt3A_296 = arith.constant 0.000000e+00 : f32
    %gt3A_297 = vector.broadcast %gt3A_296 : f32 to vector<200x1xf32>
    %gt3A_298 = arith.cmpf ogt, %add3A_295, %gt3A_297 : vector<200x1xf32>
    %max3A_299 = arith.constant 9.99999996E-13 : f32
    %max3A_300 = vector.broadcast %max3A_299 : f32 to vector<200x1xf32>
    %max3A_301 = arith.maximumf %add3A_295, %max3A_300 : vector<200x1xf32>
    %rsqrt3A_302 = math.rsqrt %max3A_301 : vector<200x1xf32>
    %jit3A_303 = arith.constant 0.000000e+00 : f32
    %broadcast_in_dim3A_304 = vector.broadcast %jit3A_303 : f32 to vector<200x1xf32>
    %select_n3A_305 = arith.select %gt3A_298, %rsqrt3A_302, %broadcast_in_dim3A_304 : vector<200x1xi1>, vector<200x1xf32>
    %mul3A_306 = arith.mulf %select_n3A_305, %select_n3A_305 : vector<200x1xf32>
    %get3A_307 = arith.constant 0 : index
    %get3A_308 = arith.constant 0 : index
    %get3A_309 = vector.load %arg3[%get3A_307, %get3A_308] : memref<200x128xf32, #tpu.memory_space<vmem>>, vector<200x128xf32>
    %dot_general3A_310 = arith.constant dense<0.000000e+00> : vector<200x128xf32>
    %dot_general3A_311 = tpu.matmul %get3A_269, %get3A_309, %dot_general3A_310 {dimension_numbers = #tpu.dot_dimension_numbers<[1], [0], [0], [1], [0, 0, 1, 1], [], []>, transpose_lhs_hint = false} : vector<200x200xf32>, vector<200x128xf32>, vector<200x128xf32> -> vector<200x128xf32>
    %mul3A_312 = vector.broadcast %select_n3A_305 : vector<200x1xf32> to vector<200x128xf32>
    %mul3A_313 = arith.mulf %mul3A_312, %dot_general3A_311 : vector<200x128xf32>
    %dot_general3A_314 = arith.constant dense<0.000000e+00> : vector<200x128xf32>
    %dot_general3A_315 = tpu.matmul %select_n3A_289, %mul3A_313, %dot_general3A_314 {dimension_numbers = #tpu.dot_dimension_numbers<[1], [0], [0], [1], [0, 0, 1, 1], [], []>, transpose_lhs_hint = false} : vector<200x200xf32>, vector<200x128xf32>, vector<200x128xf32> -> vector<200x128xf32>
    %mul3A_316 = vector.broadcast %select_n3A_305 : vector<200x1xf32> to vector<200x128xf32>
    %mul3A_317 = arith.mulf %mul3A_316, %dot_general3A_315 : vector<200x128xf32>
    %mul3A_318 = vector.broadcast %mul3A_306 : vector<200x1xf32> to vector<200x128xf32>
    %mul3A_319 = arith.mulf %mul3A_318, %dot_general3A_311 : vector<200x128xf32>
    %add3A_320 = arith.addf %mul3A_317, %mul3A_319 : vector<200x128xf32>
    %get3A_321 = arith.constant 0 : index
    %get3A_322 = arith.constant 0 : index
    %get3A_323 = vector.load %arg4[%get3A_321, %get3A_322] : memref<1x128xf32, #tpu.memory_space<vmem>>, vector<1x128xf32>
    %add3A_324 = vector.broadcast %get3A_323 : vector<1x128xf32> to vector<200x128xf32>
    %add3A_325 = arith.addf %add3A_320, %add3A_324 : vector<200x128xf32>
    %max3A_326 = arith.constant 0.000000e+00 : f32
    %max3A_327 = vector.broadcast %max3A_326 : f32 to vector<200x128xf32>
    %max3A_328 = arith.maximumf %add3A_325, %max3A_327 : vector<200x128xf32>
    %get3A_329 = arith.constant 0 : index
    %get3A_330 = arith.constant 0 : index
    %get3A_331 = vector.load %arg5[%get3A_329, %get3A_330] : memref<128x128xf32, #tpu.memory_space<vmem>>, vector<128x128xf32>
    %dot_general3A_332 = arith.constant dense<0.000000e+00> : vector<200x128xf32>
    %dot_general3A_333 = tpu.matmul %max3A_328, %get3A_331, %dot_general3A_332 {dimension_numbers = #tpu.dot_dimension_numbers<[1], [0], [0], [1], [0, 0, 1, 1], [], []>, transpose_lhs_hint = false} : vector<200x128xf32>, vector<128x128xf32>, vector<200x128xf32> -> vector<200x128xf32>
    %mul3A_334 = vector.broadcast %select_n3A_305 : vector<200x1xf32> to vector<200x128xf32>
    %mul3A_335 = arith.mulf %mul3A_334, %dot_general3A_333 : vector<200x128xf32>
    %dot_general3A_336 = arith.constant dense<0.000000e+00> : vector<200x128xf32>
    %dot_general3A_337 = tpu.matmul %select_n3A_289, %mul3A_335, %dot_general3A_336 {dimension_numbers = #tpu.dot_dimension_numbers<[1], [0], [0], [1], [0, 0, 1, 1], [], []>, transpose_lhs_hint = false} : vector<200x200xf32>, vector<200x128xf32>, vector<200x128xf32> -> vector<200x128xf32>
    %mul3A_338 = vector.broadcast %select_n3A_305 : vector<200x1xf32> to vector<200x128xf32>
    %mul3A_339 = arith.mulf %mul3A_338, %dot_general3A_337 : vector<200x128xf32>
    %mul3A_340 = vector.broadcast %mul3A_306 : vector<200x1xf32> to vector<200x128xf32>
    %mul3A_341 = arith.mulf %mul3A_340, %dot_general3A_333 : vector<200x128xf32>
    %add3A_342 = arith.addf %mul3A_339, %mul3A_341 : vector<200x128xf32>
    %get3A_343 = arith.constant 0 : index
    %get3A_344 = arith.constant 0 : index
    %get3A_345 = vector.load %arg6[%get3A_343, %get3A_344] : memref<1x128xf32, #tpu.memory_space<vmem>>, vector<1x128xf32>
    %add3A_346 = vector.broadcast %get3A_345 : vector<1x128xf32> to vector<200x128xf32>
    %add3A_347 = arith.addf %add3A_342, %add3A_346 : vector<200x128xf32>
    %reduce_sum3A_348 = arith.constant dense<0.000000e+00> : vector<128xf32>
    %reduce_sum3A_349 = vector.multi_reduction <add>, %add3A_347, %reduce_sum3A_348 [0] : vector<200x128xf32> to vector<128xf32>
    %div3A_350 = arith.constant 2.000000e+02 : f32
    %div3A_351 = vector.broadcast %div3A_350 : f32 to vector<128xf32>
    %div3A_352 = arith.divf %reduce_sum3A_349, %div3A_351 : vector<128xf32>
    %swap3A_353 = arith.constant 3 : index
    %swap3A_354 = arith.constant 0 : index
    %swap3A_355 = arith.constant 0 : index
    %swap3A_356 = vector.load %arg7[%swap3A_353, %swap3A_354, %swap3A_355] : memref<4x1x128xf32, #tpu.memory_space<vmem>>, vector<1x1x128xf32>
    %swap3A_357 = vector.shape_cast %swap3A_356 : vector<1x1x128xf32> to vector<128xf32>
    %swap3A_358 = vector.shape_cast %div3A_352 : vector<128xf32> to vector<1x1x128xf32>
    tpu.vector_store %arg7[%swap3A_353, %swap3A_354, %swap3A_355], %swap3A_358 {strides = array<i32>} : memref<4x1x128xf32, #tpu.memory_space<vmem>>, vector<1x1x128xf32>,
    return
  }
  func.func @transform_0(%arg0: i32) -> i32 {
    %c0_i32 = arith.constant 0 : i32
    %c0_i32_0 = arith.constant 0 : i32
    return %c0_i32 : i32
  }
  func.func @transform_1(%arg0: i32) -> (i32, i32, i32) {
    %c0_i32 = arith.constant 0 : i32
    %c0_i32_0 = arith.constant 0 : i32
    %c0_i32_1 = arith.constant 0 : i32
    return %arg0, %c0_i32, %c0_i32_0 : i32, i32, i32
  }
  func.func @transform_2(%arg0: i32) -> (i32, i32) {
    %c0_i32 = arith.constant 0 : i32
    %c0_i32_0 = arith.constant 0 : i32
    %c0_i32_1 = arith.constant 0 : i32
    return %c0_i32, %c0_i32_0 : i32, i32
  }
  func.func @transform_3(%arg0: i32) -> (i32, i32) {
    %c0_i32 = arith.constant 0 : i32
    %c0_i32_0 = arith.constant 0 : i32
    %c0_i32_1 = arith.constant 0 : i32
    return %c0_i32, %c0_i32_0 : i32, i32
  }
  func.func @transform_4(%arg0: i32) -> (i32, i32) {
    %c0_i32 = arith.constant 0 : i32
    %c0_i32_0 = arith.constant 0 : i32
    %c0_i32_1 = arith.constant 0 : i32
    return %c0_i32, %c0_i32_0 : i32, i32
  }
  func.func @transform_5(%arg0: i32) -> (i32, i32) {
    %c0_i32 = arith.constant 0 : i32
    %c0_i32_0 = arith.constant 0 : i32
    %c0_i32_1 = arith.constant 0 : i32
    return %c0_i32, %c0_i32_0 : i32, i32
  }
  func.func @transform_6(%arg0: i32) -> (i32, i32, i32) {
    %c0_i32 = arith.constant 0 : i32
    %c0_i32_0 = arith.constant 0 : i32
    %c0_i32_1 = arith.constant 0 : i32
    return %arg0, %c0_i32, %c0_i32_0 : i32, i32, i32
  }
}

</mosaic_0001>

<sc_bundles>
// kernel: kernel.4.cloned.1.call-start
scs
__scs_entry_jumppad:
0x0: {  	(pc) =	sbr.rel $0x88, $3  }
0x1: {  	(tag) =	ssettag $0x0;
	lr =	simm.s32 $0x1  }
0x2: {  	[smem:$0x3F9C] =	sst lr;
	_ =	strace $0xD0000000  }
0x3: {  	_ = 	snop  }
0x4: {  	_ = 	snop  }
0x5: {  	_ = 	snop  }
0x6: {  	_ = 	snop  }
0x7: {  	_ = 	snop  }
__scs_overlays_trampoline_lowered:
0x8: {  	[smem:$0x3FAB] =	sst s0  }
0x9: {  	[smem:$0x3FAC] =	sst s1  }
0xa: {  	[smem:$0x3FAD] =	sst s2  }
0xb: {  	[smem:$0x3FAE] =	sst s3  }
0xc: {  	[smem:$0x3FAF] =	sst s4  }
0xd: {  	[smem:$0x3FB0] =	sst s5  }
0xe: {  	[smem:$0x3FB1] =	sst s6  }
0xf: {  	[smem:$0x3FB2] =	sst s7  }
0x10: {  	[smem:$0x3FB3] =	sst s8  }
0x11: {  	[smem:$0x3FB4] =	sst s9;
	s0 =	simm.s32 @!p0 $0x0  }
0x12: {  	s1 =	sld [smem:$0x3F9A];
	s0 =	simm.s32 @p0 $0x1  }
0x13: {  	[smem:$0x3FB5] =	sst s0;
	s0 =	simm.s32 @!p1 $0x0  }
0x14: {  	s2 =	sld [smem:$0x3F99];
	s0 =	simm.s32 @p1 $0x1  }
0x15: {  	[smem:$0x3FB6] =	sst s0;
	s0 =	simm.s32 @!p2 $0x0  }
0x16: {  	s3 =	sld [smem:$0x3FDB];
	s0 =	simm.s32 @p2 $0x1  }
0x17: {  	s4 =	simm.s32 $0x1BF5;
	[smem:$0x3FB8] =	sst s0  }
0x18: {  	s0 =	sld [smem:$0x3F9B];
	_ =	swait.ge [sflag:s4], $0x0  }
0x19: {  	s7 =	sld [smem:$0x3F9C]  }
0x1a: {  	s8 =	sadd.s32 $0xFFFFE003, lr  }
0x1b: {  	s9 =	sadd.s32 $0xFFFFFEF7, lr;
	s5 =	simm.s32 $0xFFFFFFFF;
	p2 =	slt.u32 s8, $0xFFFFF086  }
0x1c: {  	p1 =	slt.u32 s9, $0xF7A;
	s5 =	simm.s32 @!p2 $0x0  }
0x1d: {  	s5 =	simm.s32 @p1 $0x1;
	p0 =	seq.s32 s7, s2  }
0x1e: {  	s7 =	smul.u32 @!p0 $0xF7A, s2;
	p2 =	seq.s32 @!p0 s5, $0x0  }
0x1f: {  	s9 =	smul.u32 $0xF7A, s1;
	s8 =	simm.s32 @!p0 $0x1BF5;
	p2 =	por !p2, p0  }
0x20: {  	[sflag:s8] =	ssyncset.s32 @!p0 $0xFFFFF086;
	s6 =	sadd.s32 @!p0 s3, s7;
	s7 =	simm.s32 @!p0 $0x108  }
0x21: {  	s3 =	sadd.s32 s3, s9;
	s6 =	sadd.s32 @!p0 $0x88, s6;
	s7 =	simm.s32 @p2 $0x1082  }
0x22: {  	[simem:s7], [sflag:s8] =	dma.local @!p0 [hbm:s6], $0xF7A  }
0x23: {  	s9 =	sor.u32 $0xD0000000, s2;
	s6 =	simm.s32 $0x108;
	_ =	swait.ge @!p0 [sflag:s8], $0x0  }
0x24: {  	s3 =	sadd.s32 $0x88, s3;
	s6 =	simm.s32 @!p1 $0x1082;
	[sflag:s4] =	ssyncset.s32 $0xFFFFF086  }
0x25: {  	[simem:s6], [sflag:s4] =	dma.local [hbm:s3], $0xF7A  }
0x26: {  	[smem:$0x3F9C] =	sst s1;
	(tag) =	ssettag s2;
	_ =	strace s9  }
0x27: {  	s1 =	sld [smem:$0x3FAC]  }
0x28: {  	s2 =	sld [smem:$0x3FAD]  }
0x29: {  	s4 =	sld [smem:$0x3FAF]  }
0x2a: {  	p0 =	seq.s32 s5, $0x0;
	s5 =	sld [smem:$0x3FB0]  }
0x2b: {  	s6 =	sld [smem:$0x3FB1]  }
0x2c: {  	s7 =	sld [smem:$0x3FB2]  }
0x2d: {  	s3 =	simm.s32 $0x108;
	s8 =	sld [smem:$0x3FB3]  }
0x2e: {  	s3 =	simm.s32 @!p0 $0x1082;
	s9 =	sld [smem:$0x3FB4]  }
0x2f: {  	lr =	sadd.s32 s0, s3;
	s0 =	sld [smem:$0x3FAB]  }
0x30: {  	s3 =	sld [smem:$0x3FAE]  }
0x31: {  	[smem:$0x3FB7] =	sst s10  }
0x32: {  	s10 =	sld [smem:$0x3FB5];
	_ =	sdelay $0x3  }
0x33: {  	p0 =	seq.s32 s10, $0x1;
	s10 =	sld [smem:$0x3FB7];
	_ =	sdelay $0x3  }
0x34: {  	[smem:$0x3FB7] =	sst s10  }
0x35: {  	s10 =	sld [smem:$0x3FB6];
	_ =	sdelay $0x3  }
0x36: {  	p1 =	seq.s32 s10, $0x1;
	s10 =	sld [smem:$0x3FB7];
	_ =	sdelay $0x3  }
0x37: {  	[smem:$0x3FB7] =	sst s10  }
0x38: {  	s10 =	sld [smem:$0x3FB8]  }
0x39: {  	_ = 	snop;
	(pc) =	sbr.ind lr, $3  }
0x3a: {  	_ = 	snop  }
0x3b: {  	_ = 	snop  }
0x3c: {  	p2 =	seq.s32 s10, $0x1;
	s10 =	sld [smem:$0x3FB7]  }
0x3d: {  	_ =	shalt  }
0x3e: {  	_ =	shalt  }
0x3f: {  	_ =	shalt  }
0x40: {  	_ =	shalt  }
0x41: {  	_ =	shalt  }
0x42: {  	_ =	shalt  }
0x43: {  	_ =	shalt  }
0x44: {  	_ =	shalt  }
0x45: {  	_ =	shalt  }
0x46: {  	_ =	shalt  }
0x47: {  	_ =	shalt  }
0x48: {  	_ =	shalt  }
0x49: {  	_ =	shalt  }
0x4a: {  	_ =	shalt  }
0x4b: {  	_ =	shalt  }
0x4c: {  	_ =	shalt  }
0x4d: {  	_ =	shalt  }
0x4e: {  	_ =	shalt  }
0x4f: {  	_ =	shalt  }
0x50: {  	_ =	shalt  }
0x51: {  	_ =	shalt  }
0x52: {  	_ =	shalt  }
0x53: {  	_ =	shalt  }
0x54: {  	_ =	shalt  }
0x55: {  	_ =	shalt  }
0x56: {  	_ =	shalt  }
0x57: {  	_ =	shalt  }
0x58: {  	_ =	shalt  }
0x59: {  	_ =	shalt  }
0x5a: {  	_ =	shalt  }
0x5b: {  	_ =	shalt  }
0x5c: {  	_ =	shalt  }
0x5d: {  	_ =	shalt  }
0x5e: {  	_ =	shalt  }
0x5f: {  	_ =	shalt  }
0x60: {  	_ =	shalt  }
0x61: {  	_ =	shalt  }
0x62: {  	_ =	shalt  }
0x63: {  	_ =	shalt  }
0x64: {  	_ =	shalt  }
0x65: {  	_ =	shalt  }
0x66: {  	_ =	shalt  }
0x67: {  	_ =	shalt  }
0x68: {  	_ =	shalt  }
0x69: {  	_ =	shalt  }
0x6a: {  	_ =	shalt  }
0x6b: {  	_ =	shalt  }
0x6c: {  	_ =	shalt  }
0x6d: {  	_ =	shalt  }
0x6e: {  	_ =	shalt  }
0x6f: {  	_ =	shalt  }
0x70: {  	_ =	shalt  }
0x71: {  	_ =	shalt  }
0x72: {  	_ =	shalt  }
0x73: {  	_ =	shalt  }
0x74: {  	_ =	shalt  }
0x75: {  	_ =	shalt  }
0x76: {  	_ =	shalt  }
0x77: {  	_ =	shalt  }
0x78: {  	_ =	shalt  }
0x79: {  	_ =	shalt  }
0x7a: {  	_ =	shalt  }
0x7b: {  	_ =	shalt  }
0x7c: {  	_ =	shalt  }
0x7d: {  	_ =	shalt  }
0x7e: {  	_ =	shalt  }
0x7f: {  	_ =	shalt  }
0x80: {  	_ =	shalt  }
0x81: {  	_ =	shalt  }
0x82: {  	_ =	shalt  }
0x83: {  	_ =	shalt  }
0x84: {  	_ =	shalt  }
0x85: {  	_ =	shalt  }
0x86: {  	_ =	shalt  }
0x87: {  	_ =	shalt  }
.Lfunc_end0:
.L_simem_size_0:
called_computation_lowered:
.L_overlay_start_0:
0x88: {  	s2 =	sld [smem:$0x3FD9]  }
0x89: {  	s3 =	sld [smem:$0x3FFE];
	_ =	sdelay $0x1  }
0x8a: {  	s1 =	srdreg.scid  }
0x8b: {  	s0 =	sand.u32 $0x1, s1  }
0x8c: {  	s17 =	sshll.u32 s0, $0xA;
	s2 =	sadd.s32 s3, s2  }
0x8d: {  	s2 =	sadd.s32 s2, s17  }
0x8e: {  	[smem:$0x3FC3] =	sst s2  }
0x8f: {  	_ = 	snop  }
0x90: {  	s2 =	sld [smem:$0x3FD0];
	(tm) =	ssettm $0x1  }
0x91: {  	s18 =	sld [smem:$0x3FFB];
	_ =	sdelay $0x3  }
0x92: {  	_ =	strace s18  }
0x93: {  	s3 =	sld [smem:$0x3FFC];
	_ =	sdelay $0x3  }
0x94: {  	_ =	strace s3  }
0x95: {  	s3 =	sld [smem:$0x3FFD];
	_ =	sdelay $0x3  }
0x96: {  	_ =	strace s3  }
0x97: {  	_ =	strace $0x8FFFFFFF  }
0x98: {  	s19 =	sld [smem:$0x3FDB];
	_ =	sdelay $0x1  }
0x99: {  	s4 =	simm.s32 $_scs_section_size  }
0x9a: {  	s5 =	simm.s32 $_size__tile_overlayer_lowered;
	s6 =	simm.s32 $_tile_overlayer_lowered  }
0x9b: {  	s22 =	simm.s32 $0x1BFF;
	s21 =	sshll.u32 s6, $0x1;
	s3 =	sadd.s32 s4, s19  }
0x9c: {  	s7 =	simm.s32 $0x0;
	s20 =	sshll.u32 s5, $0x1;
	s5 =	sadd.s32 s21, s3  }
0x9d: {  	[timem:s7], [sflag:s22] =	dma.local [hbm:s5], s20  }
0x9e: {  	_ =	swait.ge [sflag:s22], s20  }
0x9f: {  	s4 =	ssub.s32 $0x0, s20;
	[sflag:s22] =	ssyncset.done $0x0  }
0xa0: {  	[sflag:s22] =	ssyncadd.s32 s4;
	_ =	sdelay $0x1  }
0xa1: {  	s23 =	simm.s32 $0x1B8B  }
0xa2: {  	_ =	swait.ge [sflag:s23], $0x1  }
0xa3: {  	[sflag:s23] =	ssyncset.done $0x0  }
0xa4: {  	s25 =	simm.s32 $0x1B8E;
	s24 =	sld [smem:$0x3FFE];
	[sflag:s23] =	ssyncadd.s32 $0xFFFFFFFF  }
0xa5: {  	s26 =	simm.s32 $execute0_lowered;
	[smem:$0x3FD2] =	sst s25  }
0xa6: {  	s5 =	sshll.u32 s26, $0x1;
	_ =	strace $0x80000046;
	[dreg:$0x1] =	wrdreg $0xFFFFFFFF  }
0xa7: {  	s28 =	simm.s32 $_size_execute0_lowered;
	s3 =	sadd.s32 s3, s5;
	[dreg:$0x0] =	wrdreg $0x0  }
0xa8: {  	s5 =	sshll.u32 s28, $0x1;
	[dreg:$0x2] =	wrdreg s3  }
0xa9: {  	[dreg:$0x3] =	wrdreg s5  }
0xaa: {  	[dreg:$0x4] =	wrdreg $0xC0  }
0xab: {  	_ =	task [dreg:s7], $0x5FFFF  }
0xac: {  	[dreg:$0x1] =	wrdreg $0xFFFFFFFF  }
0xad: {  	[dreg:$0x0] =	wrdreg $0x60  }
0xae: {  	[dreg:$0x2] =	wrdreg s24  }
0xaf: {  	[dreg:$0x3] =	wrdreg s2  }
0xb0: {  	[dreg:$0x4] =	wrdreg $0x9  }
0xb1: {  	_ =	task.clear_ibuf [dreg:s7], $0x5FFFF;
	_ =	strace $0x90000046  }
0xb2: {  	s29 =	simm.s32 $0x9;
	_ =	strace $0x80000048  }
0xb3: {  	_ =	swait.ge [sflag:s29], $0x1  }
0xb4: {  	[sflag:s29] =	ssyncadd.s32 $0xFFFFFFFF  }
0xb5: {  	_ =	strace $0x90000048  }
0xb6: {  	_ =	sfence  }
0xb7: {  	s30 =	sld [smem:$0x0];
	_ =	sdelay $0x2  }
0xb8: {  	s31 =	sshll.u32 s1, $0xD;
	s1 =	sshrl.u32 s1, $0x2  }
0xb9: {  	s3 =	sand.u32 $0x4000, s31;
	s1 =	sadd.s32 s1, s30  }
0xba: {  	s0 =	sor.u32 s3, s0;
	s1 =	sshll.u32 s1, $0x11  }
0xbb: {  	s0 =	sor.u32 s1, s0  }
0xbc: {  	s0 =	sadd.s32 $0x8F2B, s0  }
0xbd: {  	[sflag:s0] =	ssyncadd.remote.s32 $0x1  }
0xbe: {  	_ =	sfence.sel $0xFFFF  }
0xbf: {  	[dreg:$0x0] =	wrdreg $0xFFFFFFFF;
	(pc) =	sbr.abs _section_cstart, $3  }
0xc0: {  	[dreg:$0x1] =	wrdreg $0xFFFFFFFF  }
0xc1: {  	_ =	task.clear_ibuf [dreg:s7], $0x2FFFF;
	_ =	strace $0x9FFFFFFF  }
0xc2: {  	(tm) =	ssettm $0x7FFFFFFF  }
0xc3: {  	_ =	shalt  }
tec
execute0_lowered:
.L_overlay_start_1:
0x0: {  	(tag) =	ssettag $0x1  }
0x1: {  	s3 =	rddreg [dreg:$0x0]  }
0x2: {  	s6 =	rddreg [dreg:$0x1]  }
0x3: {  	s0 =	rddreg [dreg:$0x2];
	s2 =	simm.s32 $0x0  }
0x4: {  	s4 =	srdreg.scid;
	s1 =	stileid.u32;
	s11 =	simm.s32 $0x0  }
0x5: {  	[smem:$0x7FF] =	sst s2;
	s4 =	sand.u32 $0x1, s4;
	s5 =	sshll.u32 s1, $0x1  }
0x6: {  	s10 =	sadd.s32 $0x1400, s3;
	s7 =	ssub.s32 $0x2, s4;
	s4 =	sor.u32 s4, s5  }
0x7: {  	p0 =	sgt.u32 s1, $0x7;
	_ =	strace $0x80000047;
	s8 =	smul.u32 $0x1388, s4  }
.Ltmp0:
0x8: {  	s29 =	sshrl.u32 s7, $0x1;
	s9 =	sor.u32 $0x20, s4;
	(pc) =	sbr.rel .LBB2_1-.Ltmp0, $4  }
0x9: {  	v1 =	vlaneseq.u32;
	s4 =	sshll.u32 s4, $0x1;
	s7 =	ssub.s32 s7, s29;
	s30 =	smul.u32 $0x1388, s9  }
0xa: {  	v3 =	vmul.u32 $0xFFFFFFFF, v1;
	s31 =	sshll.u32 s9, $0x1;
	s4 =	sadd.s32 s6, s4;
	s9 =	simm.s32 $0x9C80  }
0xb: {  	v1 =	vmul.u32 $0x800, v1;
	s3 =	sadd.s32 s10, s8;
	s6 =	sadd.s32 s6, s31;
	s7 =	smax.u32 s7, $0x1  }
0xc: {  	v0 =	vimm.s32 $0x0;
	v2 =	vimm.s32 $0x1;
	v3 =	vadd.s32 $0xF, v3;
	s8 =	simm.s32 $0x1;
	s5 =	sadd.s32 s10, s30;
	s10 =	simm.s32 $0x12480  }
.LBB2_58:
0xd: {  	p1 =	por !p2, !p4  }
0xe: {  	p1 =	por !p1, !p1  }
0xf: {  	s14 =	smov.u32 @p1 s17  }
0x10: {  	s14 =	sshll.u32 s14, $0x4  }
0x11: {  	v4 =	vld [tilespmem:s14+$0x11C80];
	_ =	sdelay $0x4  }
0x12: {  	v4 =	vperm.xlane v4, v3;
	_ =	sdelay $0x1  }
0x13: {  	(xrf0) =	vadd.scan.msk.s32 $0xffff, v4;
	_ =	sdelay $0x5  }
0x14: {  	v4, _, _ =	vpop (xrf0)  }
0x15: {  	s13 =	ssub.s32 s13, s16;
	v4 =	vperm.xlane v4, v3  }
0x16: {  	s15 =	smov.u32 @p1 s13  }
0x17: {  	vm0 =	vge.s32 v4, s15  }
0x18: {  	v4 =	vsel vm0, $0x1, v0  }
0x19: {  	(xrf0) =	vadd.scan.msk.s32 $0xffff, v4;
	_ =	sdelay $0x5  }
0x1a: {  	v4, _, _ =	vpop (xrf0)  }
0x1b: {  	(v2sf) =	vpush v4, $0xF;
	_ =	sdelay $0xe  }
0x1c: {  	s31 =	spop (v2sf)  }
0x1d: {  	s13 =	sadd.s32 s31, s14  }
0x1e: {  	s12 =	sshll.u32 s12, $0xA;
	s13 =	sadd.s32 $0xFFFFFFFF, s13  }
0x1f: {  	s12 =	sor.u32 s12, s13  }
0x20: {  	s12 =	sxor.u32 $0x80000000, s12  }
0x21: {  	v4 =	vmov s12  }
0x22: {  	[tilespmem:$0x12480] =	vst v4  }
0x23: {  	[hbm4b:s6+s2] =	stream.linear.scatter [tilespmem:s10], [sflag:$0x1], $0x10, $0x38;
	[tilespmem:$0x12500] =	vst v63  }
0x24: {  	_ =	swait.ge [sflag:s8], $0x10  }
0x25: {  	[sflag:s8] =	ssyncset.done $0x0  }
0x26: {  	[sflag:s8] =	ssyncadd.s32 $0xFFFFFFF0  }
.LBB2_59:
0x27: {  	s11 =	sadd.s32 $0x1, s11  }
0x28: {  	p1 =	sne.s32 s11, s7  }
.Ltmp1:
0x29: {  	_ = 	snop;
	(pc) =	sbr.rel @!p1 .LBB2_60-.Ltmp1, $1  }
0x2a: {  	_ =	sdelay $0x3  }
.LBB2_1:
0x2b: {  	s12 =	simm.s32 $0x9CC0  }
0x2c: {  	[tilespmem:s12+$0xFFFFFFC0] =	vst v0  }
0x2d: {  	[tilespmem:s12+$0x30] =	vst v0  }
0x2e: {  	[tilespmem:s12+$0x20] =	vst v0  }
0x2f: {  	[tilespmem:s12+$0x10] =	vst v0  }
0x30: {  	[tilespmem:s12+$0x0] =	vst v0  }
0x31: {  	[tilespmem:s12+$0xFFFFFFF0] =	vst v0  }
0x32: {  	s13 =	simm.s32 $0x0;
	[tilespmem:s12+$0xFFFFFFE0] =	vst v0  }
.LBB2_2:
0x33: {  	s13 =	sadd.s32 $0x8, s13;
	[tilespmem:s12+$0xFFFFFFD0] =	vst v0;
	s12 =	sadd.s32 $0x80, s12  }
0x34: {  	[tilespmem:s12+$0xFFFFFFC0] =	vst v0;
	p1 =	slt.u32 s13, $0x7F8  }
0x35: {  	[tilespmem:s12+$0x30] =	vst v0  }
.Ltmp2:
0x36: {  	[tilespmem:s12+$0x20] =	vst v0;
	(pc) =	sbr.rel @p1 .LBB2_2-.Ltmp2, $4  }
0x37: {  	[tilespmem:s12+$0x10] =	vst v0  }
0x38: {  	[tilespmem:s12+$0x0] =	vst v0  }
0x39: {  	[tilespmem:s12+$0xFFFFFFF0] =	vst v0  }
0x3a: {  	[tilespmem:s12+$0xFFFFFFE0] =	vst v0  }
0x3b: {  	[tilespmem:s12+$0xFFFFFFD0] =	vst v0;
	s30 =	simm.s32 $0x0  }
0x3c: {  	[tilespmem:s30], [sflag:$0x1] =	stream.linear.gather [hbm4b:s3+s30], $0x9C40, $0x38;
	[tilespmem:$0x12500] =	vst v63  }
0x3d: {  	_ =	swait.ge [sflag:s8], $0x9C40  }
0x3e: {  	[sflag:s8] =	ssyncset.done $0x0  }
0x3f: {  	s12 =	sand.u32 $0xFFE0, s30;
	[sflag:s8] =	ssyncadd.s32 $0xFFFF63C0  }
0x40: {  	v4 =	vld [tilespmem:s12+$0x80];
	_ =	sdelay $0x4  }
0x41: {  	v5 =	vshra.s32 v4, $0x1F  }
0x42: {  	v5 =	vor.u32 $0x80000000, v5  }
0x43: {  	v4 =	vxor.u32 v4, v5  }
0x44: {  	v4 =	vshrl.u32 v4, $0x15  }
0x45: {  	v5 =	vand.u32 $0x780, v4  }
0x46: {  	s31 =	simm.s32 $0xA0;
	v4 =	vand.u32 $0x7F, v4;
	v5 =	vor.u32 v1, v5  }
0x47: {  	s12 =	sand.u32 $0xFFE0, s31;
	v4 =	vor.u32 v4, v5  }
0x48: {  	v5 =	vld [tilespmem:s12+$0x80]  }
0x49: {  	s13 =	simm.s32 $0x50  }
0x4a: {  	v6 =	vld [tilespmem:s13+$0xFFFFFFD0]  }
0x4b: {  	v8 =	vld [tilespmem:s13+$0xFFFFFFF0]  }
0x4c: {  	[tilespmem:v4+s9+$0x0] =	vst.idx.add.s32.msk $0xffff, v2  }
0x4d: {  	v7 =	vshra.s32 v5, $0x1F;
	v4 =	vld [tilespmem:s13+$0x40]  }
0x4e: {  	v9 =	vld [tilespmem:s13+$0x10];
	v7 =	vor.u32 $0x80000000, v7  }
0x4f: {  	v5 =	vxor.u32 v5, v7  }
0x50: {  	v11 =	vshra.s32 v6, $0x1F;
	v7 =	vld [tilespmem:s13+$0xFFFFFFB0];
	v5 =	vshrl.u32 v5, $0x15  }
0x51: {  	v13 =	vshra.s32 v8, $0x1F;
	v11 =	vor.u32 $0x80000000, v11;
	v12 =	vand.u32 $0x780, v5  }
0x52: {  	v5 =	vand.u32 $0x7F, v5;
	v12 =	vor.u32 v1, v12;
	v10 =	vshra.s32 v4, $0x1F  }
0x53: {  	v5 =	vor.u32 v5, v12;
	v12 =	vshra.s32 v9, $0x1F;
	v10 =	vor.u32 $0x80000000, v10  }
0x54: {  	v6 =	vxor.u32 v6, v11;
	v12 =	vor.u32 $0x80000000, v12;
	v4 =	vxor.u32 v4, v10  }
0x55: {  	v10 =	vor.u32 $0x80000000, v13;
	v13 =	vshra.s32 v7, $0x1F;
	v9 =	vxor.u32 v9, v12  }
0x56: {  	v4 =	vshrl.u32 v4, $0x15;
	v13 =	vor.u32 $0x80000000, v13;
	v8 =	vxor.u32 v8, v10  }
0x57: {  	v14 =	vand.u32 $0x780, v4;
	v4 =	vand.u32 $0x7F, v4;
	v7 =	vxor.u32 v7, v13  }
0x58: {  	s12 =	simm.s32 $0xF0;
	v14 =	vor.u32 v1, v14;
	v7 =	vshrl.u32 v7, $0x15;
	[tilespmem:v5+s9+$0x0] =	vst.idx.add.s32.msk $0xffff, v2;
	v5 =	vshrl.u32 v6, $0x15  }
0x59: {  	v13 =	vld [tilespmem:s12+$0xFFFFFFD0];
	v6 =	vshrl.u32 v8, $0x15;
	v8 =	vshrl.u32 v9, $0x15;
	v4 =	vor.u32 v4, v14  }
0x5a: {  	v9 =	vld [tilespmem:s12+$0x40];
	v10 =	vand.u32 $0x780, v7;
	v11 =	vand.u32 $0x780, v5;
	v12 =	vand.u32 $0x780, v6  }
0x5b: {  	v15 =	vld [tilespmem:s12+$0xFFFFFFF0];
	v14 =	vand.u32 $0x780, v8;
	v7 =	vand.u32 $0x7F, v7;
	v5 =	vand.u32 $0x7F, v5  }
0x5c: {  	v16 =	vld [tilespmem:s12+$0xFFFFFFB0];
	v6 =	vand.u32 $0x7F, v6;
	v8 =	vand.u32 $0x7F, v8;
	v10 =	vor.u32 v1, v10  }
0x5d: {  	v11 =	vor.u32 v1, v11;
	v12 =	vor.u32 v1, v12;
	v7 =	vor.u32 v7, v10;
	v10 =	vld [tilespmem:s12+$0x10]  }
0x5e: {  	v14 =	vor.u32 v1, v14;
	v5 =	vor.u32 v5, v11;
	v6 =	vor.u32 v6, v12  }
0x5f: {  	v8 =	vor.u32 v8, v14;
	v12 =	vshra.s32 v13, $0x1F;
	v11 =	vshra.s32 v9, $0x1F  }
0x60: {  	v14 =	vshra.s32 v15, $0x1F;
	v12 =	vor.u32 $0x80000000, v12;
	v11 =	vor.u32 $0x80000000, v11  }
0x61: {  	s14 =	simm.s32 $0x140;
	v9 =	vxor.u32 v9, v11;
	v11 =	vor.u32 $0x80000000, v14;
	v14 =	vshra.s32 v16, $0x1F  }
0x62: {  	s14 =	sand.u32 $0xFFE0, s14;
	v12 =	vxor.u32 v13, v12;
	v17 =	vshra.s32 v10, $0x1F;
	v14 =	vor.u32 $0x80000000, v14  }
0x63: {  	v9 =	vshrl.u32 v9, $0x15;
	v17 =	vor.u32 $0x80000000, v17;
	v14 =	vxor.u32 v16, v14;
	v16 =	vld [tilespmem:s14+$0x80]  }
0x64: {  	v11 =	vxor.u32 v15, v11;
	v18 =	vand.u32 $0x780, v9;
	v9 =	vand.u32 $0x7F, v9  }
0x65: {  	[tilespmem:v5+s9+$0x0] =	vst.idx.add.s32.msk $0xffff, v2;
	v5 =	vxor.u32 v10, v17;
	v10 =	vshrl.u32 v12, $0x15;
	v11 =	vshrl.u32 v11, $0x15  }
0x66: {  	[tilespmem:v4+s9+$0x0] =	vst.idx.add.s32.msk $0xffff, v2;
	v18 =	vor.u32 v1, v18;
	v5 =	vshrl.u32 v5, $0x15;
	v12 =	vand.u32 $0x780, v10  }
0x67: {  	[tilespmem:v7+s9+$0x0] =	vst.idx.add.s32.msk $0xffff, v2;
	v10 =	vand.u32 $0x7F, v10;
	v7 =	vor.u32 v9, v18;
	v9 =	vshrl.u32 v14, $0x15  }
0x68: {  	v17 =	vld [tilespmem:s13+$0xFFFFFFE0];
	v15 =	vand.u32 $0x780, v5;
	v12 =	vor.u32 v1, v12;
	v13 =	vshra.s32 v16, $0x1F  }
0x69: {  	[tilespmem:v6+s9+$0x0] =	vst.idx.add.s32.msk $0xffff, v2;
	v5 =	vand.u32 $0x7F, v5;
	v6 =	vand.u32 $0x780, v9;
	v13 =	vor.u32 $0x80000000, v13  }
0x6a: {  	[tilespmem:v8+s9+$0x0] =	vst.idx.add.s32.msk $0xffff, v2;
	v9 =	vand.u32 $0x7F, v9;
	v10 =	vor.u32 v10, v12;
	v13 =	vxor.u32 v16, v13  }
0x6b: {  	v14 =	vld [tilespmem:s13+$0xFFFFFFC0];
	v15 =	vor.u32 v1, v15;
	v6 =	vor.u32 v1, v6;
	v13 =	vshrl.u32 v13, $0x15  }
0x6c: {  	v18 =	vld [tilespmem:s13+$0x20];
	v15 =	vor.u32 v5, v15;
	v6 =	vor.u32 v9, v6;
	v9 =	vand.u32 $0x780, v13  }
0x6d: {  	v5 =	vshra.s32 v17, $0x1F;
	v16 =	vld [tilespmem:s13+$0x0];
	v13 =	vand.u32 $0x7F, v13;
	v9 =	vor.u32 v1, v9  }
0x6e: {  	v8 =	vand.u32 $0x780, v11;
	v5 =	vor.u32 $0x80000000, v5;
	[tilespmem:v7+s9+$0x0] =	vst.idx.add.s32.msk $0xffff, v2;
	v9 =	vor.u32 v13, v9  }
0x6f: {  	v11 =	vand.u32 $0x7F, v11;
	v8 =	vor.u32 v1, v8;
	v5 =	vxor.u32 v17, v5;
	s13 =	simm.s32 $0x190;
	[tilespmem:v10+s9+$0x0] =	vst.idx.add.s32.msk $0xffff, v2  }
0x70: {  	v8 =	vor.u32 v11, v8;
	v4 =	vshra.s32 v14, $0x1F;
	v5 =	vshrl.u32 v5, $0x15;
	v10 =	vld [tilespmem:s13+$0xFFFFFFD0]  }
0x71: {  	v11 =	vshra.s32 v18, $0x1F;
	v4 =	vor.u32 $0x80000000, v4;
	v12 =	vand.u32 $0x780, v5;
	[tilespmem:v6+s9+$0x0] =	vst.idx.add.s32.msk $0xffff, v2  }
0x72: {  	v4 =	vxor.u32 v14, v4;
	v5 =	vand.u32 $0x7F, v5;
	v17 =	vor.u32 v1, v12;
	v12 =	vld [tilespmem:s13+$0x10]  }
0x73: {  	v4 =	vshrl.u32 v4, $0x15;
	v5 =	vor.u32 v5, v17;
	v7 =	vshra.s32 v16, $0x1F;
	[tilespmem:v9+s9+$0x0] =	vst.idx.add.s32.msk $0xffff, v2  }
0x74: {  	v6 =	vor.u32 $0x80000000, v7;
	v7 =	vor.u32 $0x80000000, v11;
	v11 =	vand.u32 $0x780, v4;
	v9 =	vld [tilespmem:s13+$0x40]  }
0x75: {  	[tilespmem:v8+s9+$0x0] =	vst.idx.add.s32.msk $0xffff, v2;
	v8 =	vshra.s32 v10, $0x1F;
	v6 =	vxor.u32 v16, v6;
	v7 =	vxor.u32 v18, v7  }
0x76: {  	v6 =	vshrl.u32 v6, $0x15;
	v14 =	vshrl.u32 v7, $0x15;
	v7 =	vor.u32 v1, v11;
	v11 =	vld [tilespmem:s13+$0xFFFFFFF0]  }
0x77: {  	[tilespmem:v15+s9+$0x0] =	vst.idx.add.s32.msk $0xffff, v2;
	v4 =	vand.u32 $0x7F, v4;
	v15 =	vor.u32 $0x80000000, v8;
	v13 =	vand.u32 $0x780, v6  }
0x78: {  	v17 =	vshra.s32 v12, $0x1F;
	v16 =	vand.u32 $0x780, v14;
	v18 =	vor.u32 v1, v13;
	v13 =	vld [tilespmem:s13+$0xFFFFFFB0]  }
0x79: {  	v7 =	vor.u32 v4, v7;
	v4 =	vand.u32 $0x7F, v14;
	v14 =	vshra.s32 v9, $0x1F  }
0x7a: {  	v6 =	vand.u32 $0x7F, v6;
	v16 =	vor.u32 v1, v16;
	v14 =	vor.u32 $0x80000000, v14  }
0x7b: {  	v8 =	vld [tilespmem:s12+$0xFFFFFFC0];
	v4 =	vor.u32 v4, v16;
	v16 =	vshra.s32 v11, $0x1F;
	v9 =	vxor.u32 v9, v14  }
0x7c: {  	s15 =	simm.s32 $0x1E0;
	s14 =	simm.s32 $0x14;
	v6 =	vor.u32 v6, v18;
	v16 =	vor.u32 $0x80000000, v16;
	v14 =	vshrl.u32 v9, $0x15;
	v9 =	vld [tilespmem:s12+$0xFFFFFFE0]  }
.LBB2_4:
0x7d: {  	s16 =	sand.u32 $0xFFE0, s15;
	s14 =	sadd.s32 $0xA, s14;
	v18 =	vshra.s32 v13, $0x1F;
	v17 =	vor.u32 $0x80000000, v17;
	v19 =	vand.u32 $0x780, v14;
	v20 =	vld [tilespmem:s12+$0x0]  }
0x7e: {  	v14 =	vand.u32 $0x7F, v14;
	v21 =	vld [tilespmem:s16+$0x80];
	p1 =	slt.u32 s14, $0x9BA;
	v18 =	vor.u32 $0x80000000, v18;
	v19 =	vor.u32 v1, v19  }
0x7f: {  	v10 =	vxor.u32 v10, v15;
	v13 =	vxor.u32 v13, v18;
	v14 =	vor.u32 v14, v19;
	v15 =	vld [tilespmem:s12+$0x20];
	s12 =	smov.u32 s13  }
0x80: {  	v11 =	vxor.u32 v11, v16;
	v12 =	vxor.u32 v12, v17;
	v13 =	vshrl.u32 v13, $0x15;
	[tilespmem:v7+s9+$0x0] =	vst.idx.add.s32.msk $0xffff, v2  }
0x81: {  	v7 =	vshrl.u32 v10, $0x15;
	v10 =	vshrl.u32 v11, $0x15;
	v11 =	vshrl.u32 v12, $0x15;
	[tilespmem:v5+s9+$0x0] =	vst.idx.add.s32.msk $0xffff, v2  }
0x82: {  	v5 =	vand.u32 $0x780, v13;
	v12 =	vand.u32 $0x780, v7;
	v16 =	vand.u32 $0x780, v10;
	[tilespmem:v6+s9+$0x0] =	vst.idx.add.s32.msk $0xffff, v2  }
0x83: {  	v17 =	vand.u32 $0x780, v11;
	v5 =	vor.u32 v1, v5;
	v6 =	vshra.s32 v21, $0x1F;
	[tilespmem:v4+s9+$0x0] =	vst.idx.add.s32.msk $0xffff, v2  }
0x84: {  	v4 =	vor.u32 $0x80000000, v6;
	v6 =	vor.u32 v1, v12;
	v12 =	vor.u32 v1, v16;
	[tilespmem:v14+s9+$0x0] =	vst.idx.add.s32.msk $0xffff, v2  }
0x85: {  	v13 =	vand.u32 $0x7F, v13;
	v14 =	vor.u32 v1, v17;
	v4 =	vxor.u32 v21, v4  }
0x86: {  	v7 =	vand.u32 $0x7F, v7;
	v10 =	vand.u32 $0x7F, v10;
	v4 =	vshrl.u32 v4, $0x15  }
0x87: {  	v11 =	vand.u32 $0x7F, v11;
	v5 =	vor.u32 v13, v5;
	v16 =	vand.u32 $0x780, v4  }
0x88: {  	v6 =	vor.u32 v7, v6;
	v4 =	vand.u32 $0x7F, v4;
	v13 =	vor.u32 v1, v16  }
0x89: {  	v14 =	vor.u32 v11, v14;
	v16 =	vor.u32 v10, v12;
	v4 =	vor.u32 v4, v13  }
0x8a: {  	v7 =	vshra.s32 v8, $0x1F;
	v11 =	vshra.s32 v20, $0x1F;
	v10 =	vshra.s32 v9, $0x1F  }
0x8b: {  	v7 =	vor.u32 $0x80000000, v7;
	v12 =	vshra.s32 v15, $0x1F;
	v10 =	vor.u32 $0x80000000, v10  }
0x8c: {  	[tilespmem:v5+s9+$0x0] =	vst.idx.add.s32.msk $0xffff, v2;
	v5 =	vxor.u32 v8, v7;
	v7 =	vor.u32 $0x80000000, v11;
	v8 =	vor.u32 $0x80000000, v12  }
0x8d: {  	[tilespmem:v6+s9+$0x0] =	vst.idx.add.s32.msk $0xffff, v2;
	v5 =	vshrl.u32 v5, $0x15;
	v6 =	vxor.u32 v9, v10;
	v7 =	vxor.u32 v20, v7  }
0x8e: {  	s13 =	sadd.s32 $0xA0, s13;
	[tilespmem:v4+s9+$0x0] =	vst.idx.add.s32.msk $0xffff, v2;
	v4 =	vshrl.u32 v6, $0x15;
	v6 =	vshrl.u32 v7, $0x15;
	v7 =	vxor.u32 v15, v8  }
0x8f: {  	v9 =	vand.u32 $0x780, v5;
	v8 =	vld [tilespmem:s13+$0x40];
	v12 =	vand.u32 $0x780, v4;
	v15 =	vshrl.u32 v7, $0x15  }
0x90: {  	v7 =	vor.u32 v1, v9;
	v9 =	vand.u32 $0x780, v6;
	v10 =	vld [tilespmem:s13+$0xFFFFFFD0];
	v13 =	vand.u32 $0x780, v15  }
0x91: {  	v17 =	vor.u32 v1, v12;
	v9 =	vor.u32 v1, v9;
	v11 =	vld [tilespmem:s13+$0xFFFFFFF0];
	v18 =	vor.u32 v1, v13  }
0x92: {  	v5 =	vand.u32 $0x7F, v5;
	v4 =	vand.u32 $0x7F, v4;
	v6 =	vand.u32 $0x7F, v6;
	v12 =	vld [tilespmem:s13+$0x10]  }
.Ltmp3:
0x93: {  	v7 =	vor.u32 v5, v7;
	v5 =	vor.u32 v4, v17;
	v4 =	vand.u32 $0x7F, v15;
	v13 =	vld [tilespmem:s13+$0xFFFFFFB0];
	(pc) =	sbr.rel @p1 .LBB2_4-.Ltmp3, $4  }
0x94: {  	v6 =	vor.u32 v6, v9;
	v4 =	vor.u32 v4, v18;
	v15 =	vshra.s32 v8, $0x1F;
	[tilespmem:v16+s9+$0x0] =	vst.idx.add.s32.msk $0xffff, v2  }
0x95: {  	v9 =	vshra.s32 v10, $0x1F;
	v16 =	vor.u32 $0x80000000, v15;
	[tilespmem:v14+s9+$0x0] =	vst.idx.add.s32.msk $0xffff, v2  }
0x96: {  	v15 =	vor.u32 $0x80000000, v9;
	v9 =	vshra.s32 v11, $0x1F;
	v14 =	vxor.u32 v8, v16;
	v8 =	vld [tilespmem:s12+$0xFFFFFFC0]  }
0x97: {  	s15 =	sadd.s32 $0xA0, s15;
	v16 =	vor.u32 $0x80000000, v9;
	v17 =	vshra.s32 v12, $0x1F;
	v14 =	vshrl.u32 v14, $0x15;
	v9 =	vld [tilespmem:s12+$0xFFFFFFE0]  }
0x98: {  	v18 =	vshra.s32 v13, $0x1F;
	v17 =	vor.u32 $0x80000000, v17  }
0x99: {  	v10 =	vxor.u32 v10, v15;
	v11 =	vxor.u32 v11, v16;
	v18 =	vor.u32 $0x80000000, v18  }
0x9a: {  	v12 =	vxor.u32 v12, v17;
	v10 =	vshrl.u32 v10, $0x15;
	v11 =	vshrl.u32 v11, $0x15  }
0x9b: {  	v13 =	vxor.u32 v13, v18;
	v12 =	vshrl.u32 v12, $0x15;
	v16 =	vand.u32 $0x780, v10  }
0x9c: {  	v17 =	vand.u32 $0x780, v11;
	v10 =	vand.u32 $0x7F, v10;
	v13 =	vshrl.u32 v13, $0x15  }
0x9d: {  	v20 =	vld [tilespmem:s12+$0x0];
	v11 =	vand.u32 $0x7F, v11;
	v16 =	vor.u32 v1, v16;
	v15 =	vand.u32 $0x780, v13  }
0x9e: {  	v13 =	vand.u32 $0x7F, v13;
	v10 =	vor.u32 v10, v16;
	v15 =	vor.u32 v1, v15  }
0x9f: {  	v18 =	vand.u32 $0x780, v12;
	v17 =	vor.u32 v1, v17;
	v13 =	vor.u32 v13, v15  }
0xa0: {  	v12 =	vand.u32 $0x7F, v12;
	v16 =	vor.u32 v1, v18;
	v11 =	vor.u32 v11, v17;
	v15 =	vld [tilespmem:s12+$0x20]  }
0xa1: {  	v19 =	vand.u32 $0x780, v14;
	v12 =	vor.u32 v12, v16  }
0xa2: {  	v14 =	vand.u32 $0x7F, v14;
	v17 =	vor.u32 v1, v19;
	v18 =	vshra.s32 v20, $0x1F  }
0xa3: {  	v14 =	vor.u32 v14, v17;
	v16 =	vshra.s32 v8, $0x1F;
	[tilespmem:v10+s9+$0x0] =	vst.idx.add.s32.msk $0xffff, v2;
	v10 =	vor.u32 $0x80000000, v18  }
0xa4: {  	v17 =	vshra.s32 v9, $0x1F;
	v10 =	vxor.u32 v20, v10;
	[tilespmem:v13+s9+$0x0] =	vst.idx.add.s32.msk $0xffff, v2;
	v13 =	vor.u32 $0x80000000, v16  }
0xa5: {  	[tilespmem:v11+s9+$0x0] =	vst.idx.add.s32.msk $0xffff, v2;
	v16 =	vor.u32 $0x80000000, v17;
	v17 =	vshra.s32 v15, $0x1F;
	v10 =	vshrl.u32 v10, $0x15  }
0xa6: {  	[tilespmem:v12+s9+$0x0] =	vst.idx.add.s32.msk $0xffff, v2;
	v8 =	vxor.u32 v8, v13;
	v13 =	vor.u32 $0x80000000, v17;
	v9 =	vxor.u32 v9, v16  }
0xa7: {  	v19 =	vld [tilespmem:s13+$0x0];
	v17 =	vand.u32 $0x780, v10;
	v10 =	vand.u32 $0x7F, v10;
	v8 =	vshrl.u32 v8, $0x15  }
0xa8: {  	v12 =	vld [tilespmem:s13+$0xFFFFFFC0];
	v9 =	vshrl.u32 v9, $0x15;
	v11 =	vxor.u32 v15, v13;
	v17 =	vor.u32 v1, v17  }
0xa9: {  	v16 =	vld [tilespmem:s13+$0xFFFFFFE0];
	v13 =	vand.u32 $0x780, v8;
	v15 =	vand.u32 $0x780, v9;
	v11 =	vshrl.u32 v11, $0x15  }
0xaa: {  	v62 =	vld [tilespmem:s13+$0x20];
	v8 =	vand.u32 $0x7F, v8;
	v9 =	vand.u32 $0x7F, v9;
	v10 =	vor.u32 v10, v17  }
0xab: {  	v13 =	vor.u32 v1, v13;
	v18 =	vand.u32 $0x780, v11;
	v15 =	vor.u32 v1, v15  }
0xac: {  	v11 =	vand.u32 $0x7F, v11;
	v17 =	vshra.s32 v19, $0x1F;
	v18 =	vor.u32 v1, v18  }
0xad: {  	v8 =	vor.u32 v8, v13;
	v9 =	vor.u32 v9, v15;
	v13 =	vshra.s32 v12, $0x1F  }
0xae: {  	v11 =	vor.u32 v11, v18;
	v15 =	vshra.s32 v16, $0x1F;
	v13 =	vor.u32 $0x80000000, v13  }
0xaf: {  	v18 =	vshra.s32 v62, $0x1F;
	v15 =	vor.u32 $0x80000000, v15;
	v12 =	vxor.u32 v12, v13  }
0xb0: {  	v13 =	vor.u32 $0x80000000, v17;
	v17 =	vor.u32 $0x80000000, v18;
	v15 =	vxor.u32 v16, v15  }
0xb1: {  	[tilespmem:v7+s9+$0x0] =	vst.idx.add.s32.msk $0xffff, v2;
	v7 =	vshrl.u32 v12, $0x15;
	v12 =	vxor.u32 v19, v13;
	v13 =	vshrl.u32 v15, $0x15  }
0xb2: {  	[tilespmem:v5+s9+$0x0] =	vst.idx.add.s32.msk $0xffff, v2;
	v5 =	vshrl.u32 v12, $0x15;
	v12 =	vxor.u32 v62, v17;
	v15 =	vand.u32 $0x780, v7  }
0xb3: {  	[tilespmem:v6+s9+$0x0] =	vst.idx.add.s32.msk $0xffff, v2;
	v6 =	vand.u32 $0x780, v13;
	v7 =	vand.u32 $0x7F, v7;
	v13 =	vand.u32 $0x7F, v13  }
0xb4: {  	[tilespmem:v4+s9+$0x0] =	vst.idx.add.s32.msk $0xffff, v2;
	v12 =	vshrl.u32 v12, $0x15;
	v15 =	vor.u32 v1, v15;
	v4 =	vand.u32 $0x780, v5  }
0xb5: {  	[tilespmem:v14+s9+$0x0] =	vst.idx.add.s32.msk $0xffff, v2;
	v6 =	vor.u32 v1, v6;
	v5 =	vand.u32 $0x7F, v5;
	v7 =	vor.u32 v7, v15  }
0xb6: {  	[tilespmem:v8+s9+$0x0] =	vst.idx.add.s32.msk $0xffff, v2;
	v16 =	vand.u32 $0x780, v12;
	v4 =	vor.u32 v1, v4;
	v6 =	vor.u32 v13, v6  }
0xb7: {  	[tilespmem:v9+s9+$0x0] =	vst.idx.add.s32.msk $0xffff, v2;
	v9 =	vand.u32 $0x7F, v12;
	v8 =	vor.u32 v1, v16;
	v4 =	vor.u32 v5, v4  }
0xb8: {  	[tilespmem:v10+s9+$0x0] =	vst.idx.add.s32.msk $0xffff, v2;
	v5 =	vor.u32 v9, v8  }
0xb9: {  	[tilespmem:v11+s9+$0x0] =	vst.idx.add.s32.msk $0xffff, v2  }
0xba: {  	[tilespmem:v7+s9+$0x0] =	vst.idx.add.s32.msk $0xffff, v2  }
0xbb: {  	[tilespmem:v6+s9+$0x0] =	vst.idx.add.s32.msk $0xffff, v2  }
0xbc: {  	s26 =	simm.s32 $0x0;
	[tilespmem:v4+s9+$0x0] =	vst.idx.add.s32.msk $0xffff, v2  }
0xbd: {  	s15 =	simm.s32 $0x9C90;
	s14 =	sand.u32 $0x780, s26;
	[tilespmem:v5+s9+$0x0] =	vst.idx.add.s32.msk $0xffff, v2  }
0xbe: {  	s28 =	simm.s32 $0x10;
	s16 =	sadd.s32 $0xA480, s14;
	s12 =	sand.u32 $0x60, s26;
	v4 =	vld [tilespmem:s15+$0xFFFFFFF0]  }
0xbf: {  	s17 =	sor.u32 s12, s16;
	s13 =	sand.u32 $0x70, s28;
	[tilespmem:s15+$0xFFFFFFF0] =	vst v0;
	v5 =	vld [tilespmem:s15+$0x0]  }
0xc0: {  	s18 =	sadd.s32 $0xAC80, s14;
	s29 =	sor.u32 s13, s16;
	[tilespmem:s15+$0x0] =	vst v0;
	v6 =	vld [tilespmem:s17+$0x0]  }
0xc1: {  	s30 =	sor.u32 s12, s18;
	[tilespmem:s17+$0x0] =	vst v0;
	v7 =	vld [tilespmem:s29+$0x0]  }
0xc2: {  	s31 =	sadd.s32 $0xB480, s14;
	s19 =	sor.u32 s13, s18;
	[tilespmem:s29+$0x0] =	vst v0;
	v8 =	vld [tilespmem:s30+$0x0]  }
0xc3: {  	s20 =	sor.u32 s12, s31;
	[tilespmem:s30+$0x0] =	vst v0;
	v9 =	vld [tilespmem:s19+$0x0]  }
0xc4: {  	s21 =	sadd.s32 $0xBC80, s14;
	s22 =	sor.u32 s13, s31;
	[tilespmem:s19+$0x0] =	vst v0;
	v10 =	vld [tilespmem:s20+$0x0]  }
0xc5: {  	s23 =	sor.u32 s12, s21;
	[tilespmem:s20+$0x0] =	vst v0;
	v11 =	vld [tilespmem:s22+$0x0]  }
0xc6: {  	s24 =	sadd.s32 $0xC480, s14;
	s25 =	sor.u32 s13, s21;
	[tilespmem:s22+$0x0] =	vst v0;
	v12 =	vld [tilespmem:s23+$0x0]  }
0xc7: {  	s26 =	sor.u32 s12, s24;
	[tilespmem:s23+$0x0] =	vst v0;
	v13 =	vld [tilespmem:s25+$0x0]  }
0xc8: {  	s28 =	sadd.s32 $0xCC80, s14;
	s29 =	sor.u32 s13, s24;
	[tilespmem:s25+$0x0] =	vst v0;
	v14 =	vld [tilespmem:s26+$0x0]  }
0xc9: {  	s30 =	sor.u32 s12, s28;
	[tilespmem:s26+$0x0] =	vst v0;
	v15 =	vld [tilespmem:s29+$0x0]  }
0xca: {  	s31 =	sadd.s32 $0xD480, s14;
	s19 =	sor.u32 s13, s28;
	[tilespmem:s29+$0x0] =	vst v0;
	v16 =	vld [tilespmem:s30+$0x0]  }
0xcb: {  	s20 =	sor.u32 s12, s31;
	[tilespmem:s30+$0x0] =	vst v0;
	v17 =	vld [tilespmem:s19+$0x0]  }
0xcc: {  	s21 =	sadd.s32 $0xDC80, s14;
	s22 =	sor.u32 s13, s31;
	[tilespmem:s19+$0x0] =	vst v0;
	v18 =	vld [tilespmem:s20+$0x0]  }
0xcd: {  	s23 =	sor.u32 s12, s21;
	[tilespmem:s20+$0x0] =	vst v0;
	v19 =	vld [tilespmem:s22+$0x0]  }
0xce: {  	s24 =	sadd.s32 $0xE480, s14;
	s25 =	sor.u32 s13, s21;
	[tilespmem:s22+$0x0] =	vst v0;
	v63 =	vld [tilespmem:s23+$0x0]  }
0xcf: {  	s26 =	sor.u32 s12, s24;
	[tilespmem:s23+$0x0] =	vst v0;
	v21 =	vld [tilespmem:s25+$0x0]  }
0xd0: {  	s28 =	sadd.s32 $0xEC80, s14;
	s29 =	sor.u32 s13, s24;
	[tilespmem:s25+$0x0] =	vst v0;
	v22 =	vld [tilespmem:s26+$0x0]  }
0xd1: {  	s30 =	sor.u32 s12, s28;
	[tilespmem:s26+$0x0] =	vst v0;
	v23 =	vld [tilespmem:s29+$0x0]  }
0xd2: {  	s31 =	sadd.s32 $0xF480, s14;
	s19 =	sor.u32 s13, s28;
	[tilespmem:s29+$0x0] =	vst v0;
	v24 =	vld [tilespmem:s30+$0x0]  }
0xd3: {  	v4 =	vadd.s32 v4, v6;
	s20 =	sor.u32 s12, s31;
	[tilespmem:s30+$0x0] =	vst v0;
	v25 =	vld [tilespmem:s19+$0x0]  }
0xd4: {  	s21 =	sadd.s32 $0xFC80, s14;
	v5 =	vadd.s32 v5, v7;
	v4 =	vadd.s32 v8, v4;
	s22 =	sor.u32 s13, s31;
	[tilespmem:s19+$0x0] =	vst v0;
	v26 =	vld [tilespmem:s20+$0x0]  }
0xd5: {  	v6 =	vadd.s32 v9, v5;
	v4 =	vadd.s32 v10, v4;
	s23 =	sor.u32 s12, s21;
	[tilespmem:s20+$0x0] =	vst v0;
	v5 =	vld [tilespmem:s22+$0x0]  }
0xd6: {  	s24 =	sadd.s32 $0x10480, s14;
	v6 =	vadd.s32 v11, v6;
	s25 =	sor.u32 s13, s21;
	v4 =	vadd.s32 v12, v4;
	[tilespmem:s22+$0x0] =	vst v0;
	v8 =	vld [tilespmem:s23+$0x0]  }
0xd7: {  	s26 =	sor.u32 s12, s24;
	v7 =	vadd.s32 v13, v6;
	v4 =	vadd.s32 v14, v4;
	[tilespmem:s23+$0x0] =	vst v0;
	v6 =	vld [tilespmem:s25+$0x0]  }
0xd8: {  	p2 =	por $0x1, $0x1;
	s28 =	sadd.s32 $0x10C80, s14;
	s29 =	sor.u32 s13, s24;
	v7 =	vadd.s32 v15, v7;
	v4 =	vadd.s32 v16, v4;
	[tilespmem:s25+$0x0] =	vst v0;
	v10 =	vld [tilespmem:s26+$0x0]  }
.Ltmp4:
0xd9: {  	s30 =	sor.u32 s12, s28;
	v7 =	vadd.s32 v17, v7;
	v4 =	vadd.s32 v18, v4;
	[tilespmem:s26+$0x0] =	vst v0;
	v9 =	vld [tilespmem:s29+$0x0];
	(pc) =	sbr.rel @!p2 .LBB2_6-.Ltmp4, $4  }
0xda: {  	s14 =	sadd.s32 $0x11480, s14;
	s31 =	sor.u32 s13, s28;
	v7 =	vadd.s32 v19, v7;
	v4 =	vadd.s32 v63, v4;
	[tilespmem:s29+$0x0] =	vst v0;
	v12 =	vld [tilespmem:s30+$0x0]  }
0xdb: {  	s19 =	sor.u32 s12, s14;
	v7 =	vadd.s32 v21, v7;
	v4 =	vadd.s32 v22, v4;
	[tilespmem:s30+$0x0] =	vst v0;
	v11 =	vld [tilespmem:s31+$0x0]  }
0xdc: {  	p1 =	por $0x0, $0x0;
	s20 =	sor.u32 s13, s14;
	v7 =	vadd.s32 v23, v7;
	[tilespmem:s31+$0x0] =	vst v0;
	v4 =	vadd.s32 v24, v4;
	v14 =	vld [tilespmem:s19+$0x0]  }
0xdd: {  	s15 =	simm.s32 $0x30;
	s12 =	simm.s32 $0x1;
	s13 =	simm.s32 $0x11C90;
	v15 =	vadd.s32 v25, v7;
	v13 =	vld [tilespmem:s20+$0x0];
	v16 =	vadd.s32 v26, v4  }
0xde: {  	s16 =	simm.s32 $0x20;
	v4 =	vadd.s32 v8, v16  }
0xdf: {  	[tilespmem:s19+$0x0] =	vst v0;
	s14 =	simm.s32 $0x9CB0;
	s18 =	sand.u32 $0x780, s16;
	v4 =	vadd.s32 v10, v4  }
0xe0: {  	[tilespmem:s20+$0x0] =	vst v0;
	v8 =	vld [tilespmem:s14+$0xFFFFFFF0];
	s17 =	sand.u32 $0x60, s16;
	s28 =	sadd.s32 $0xA480, s18;
	v4 =	vadd.s32 v12, v4  }
0xe1: {  	s15 =	sand.u32 $0x70, s15;
	[tilespmem:s14+$0xFFFFFFF0] =	vst v0;
	v10 =	vld [tilespmem:s14+$0x0];
	s29 =	sor.u32 s17, s28;
	v7 =	vadd.s32 v14, v4  }
0xe2: {  	[tilespmem:s14+$0x0] =	vst v0;
	s30 =	sadd.s32 $0xAC80, s18;
	s16 =	sor.u32 s15, s28;
	v4 =	vadd.s32 v5, v15;
	v12 =	vld [tilespmem:s29+$0x0];
	(xrf0) =	vadd.scan.msk.s32 $0xffff, v7  }
0xe3: {  	s31 =	sor.u32 s17, s30;
	[tilespmem:s29+$0x0] =	vst v0;
	v5 =	vld [tilespmem:s16+$0x0];
	v4 =	vadd.s32 v6, v4  }
0xe4: {  	s21 =	sadd.s32 $0xB480, s18;
	s22 =	sor.u32 s15, s30;
	[tilespmem:s16+$0x0] =	vst v0;
	v6 =	vld [tilespmem:s31+$0x0];
	v4 =	vadd.s32 v9, v4  }
0xe5: {  	s23 =	sor.u32 s17, s21;
	[tilespmem:s31+$0x0] =	vst v0;
	v9 =	vld [tilespmem:s22+$0x0];
	v4 =	vadd.s32 v11, v4  }
0xe6: {  	s24 =	sadd.s32 $0xBC80, s18;
	s25 =	sor.u32 s15, s21;
	[tilespmem:s22+$0x0] =	vst v0;
	v11 =	vld [tilespmem:s23+$0x0];
	v4 =	vadd.s32 v13, v4  }
0xe7: {  	s26 =	sor.u32 s17, s24;
	[tilespmem:s23+$0x0] =	vst v0;
	v13 =	vld [tilespmem:s25+$0x0];
	(xrf0) =	vadd.scan.msk.s32 $0xffff, v4  }
0xe8: {  	s28 =	sadd.s32 $0xC480, s18;
	s29 =	sor.u32 s15, s24;
	v14 =	vld [tilespmem:s26+$0x0];
	[tilespmem:s25+$0x0] =	vst v0;
	v15, _, _ =	vpop (xrf0)  }
0xe9: {  	s31 =	sadd.s32 $0xCC80, s18;
	s22 =	sor.u32 s15, s28;
	v16 =	vld [tilespmem:s29+$0x0];
	[tilespmem:s29+$0x0] =	vst v0;
	(v2sf) =	vpush v15, $0xF  }
0xea: {  	s25 =	sor.u32 s15, s31;
	v17 =	vld [tilespmem:s22+$0x0];
	[tilespmem:s22+$0x0] =	vst v0  }
0xeb: {  	s30 =	sor.u32 s17, s28;
	s24 =	sadd.s32 $0xD480, s18;
	[tilespmem:s26+$0x0] =	vst v0;
	v19 =	vld [tilespmem:s25+$0x0]  }
0xec: {  	s29 =	sor.u32 s15, s24;
	[tilespmem:s25+$0x0] =	vst v0;
	v15 =	vld [tilespmem:s30+$0x0]  }
0xed: {  	s28 =	sadd.s32 $0xDC80, s18;
	s23 =	sor.u32 s17, s31;
	[tilespmem:s30+$0x0] =	vst v0;
	v63 =	vld [tilespmem:s29+$0x0];
	v20, _, _ =	vpop (xrf0)  }
0xee: {  	s22 =	sor.u32 s15, s28;
	[tilespmem:s29+$0x0] =	vst v0;
	v18 =	vld [tilespmem:s23+$0x0];
	(v2sf) =	vpush v20, $0xF  }
0xef: {  	s26 =	sor.u32 s17, s24;
	s31 =	sadd.s32 $0xE480, s18;
	[tilespmem:s23+$0x0] =	vst v0;
	v23 =	vld [tilespmem:s22+$0x0]  }
0xf0: {  	s25 =	sor.u32 s15, s31;
	[tilespmem:s22+$0x0] =	vst v0;
	v21 =	vld [tilespmem:s26+$0x0]  }
0xf1: {  	s24 =	sadd.s32 $0xEC80, s18;
	s30 =	sor.u32 s17, s28;
	[tilespmem:s26+$0x0] =	vst v0;
	v25 =	vld [tilespmem:s25+$0x0]  }
0xf2: {  	s29 =	sor.u32 s15, s24;
	[tilespmem:s25+$0x0] =	vst v0;
	v22 =	vld [tilespmem:s30+$0x0]  }
0xf3: {  	s28 =	sadd.s32 $0xF480, s18;
	s23 =	sor.u32 s17, s31;
	[tilespmem:s30+$0x0] =	vst v0;
	v27 =	vld [tilespmem:s29+$0x0]  }
0xf4: {  	v8 =	vadd.s32 v8, v12;
	s21 =	sor.u32 s15, s28;
	[tilespmem:s29+$0x0] =	vst v0;
	v24 =	vld [tilespmem:s23+$0x0]  }
0xf5: {  	v6 =	vadd.s32 v6, v8;
	v8 =	vadd.s32 v10, v5;
	s31 =	sadd.s32 $0xFC80, s18;
	s26 =	sor.u32 s17, s24;
	[tilespmem:s23+$0x0] =	vst v0;
	v5 =	vld [tilespmem:s21+$0x0]  }
0xf6: {  	v6 =	vadd.s32 v11, v6;
	[tilespmem:s21+$0x0] =	vst v0;
	s23 =	sor.u32 s15, s31;
	v26 =	vld [tilespmem:s26+$0x0]  }
0xf7: {  	v9 =	vadd.s32 v9, v8;
	v10 =	vadd.s32 v14, v6;
	s30 =	sor.u32 s17, s28;
	[tilespmem:s26+$0x0] =	vst v0;
	v6 =	vld [tilespmem:s23+$0x0]  }
0xf8: {  	v9 =	vadd.s32 v13, v9;
	s22 =	sor.u32 s17, s31;
	s24 =	sadd.s32 $0x10480, s18;
	v28 =	vld [tilespmem:s30+$0x0];
	[tilespmem:s30+$0x0] =	vst v0;
	s25 =	spop (v2sf)  }
0xf9: {  	v9 =	vadd.s32 v16, v9;
	v10 =	vadd.s32 v15, v10;
	s26 =	sor.u32 s17, s24;
	v8 =	vld [tilespmem:s22+$0x0];
	[tilespmem:s22+$0x0] =	vst v0;
	[smem:$0x0] =	sst s25  }
0xfa: {  	p2 =	por $0x1, $0x1;
	s28 =	sadd.s32 $0x10C80, s18;
	v9 =	vadd.s32 v17, v9;
	s20 =	sor.u32 s15, s24;
	v11 =	vadd.s32 v18, v10;
	[tilespmem:s23+$0x0] =	vst v0;
	v10 =	vld [tilespmem:s26+$0x0]  }
.Ltmp5:
0xfb: {  	s29 =	sor.u32 s17, s28;
	v13 =	vadd.s32 v19, v9;
	v11 =	vadd.s32 v21, v11;
	[tilespmem:s26+$0x0] =	vst v0;
	v9 =	vld [tilespmem:s20+$0x0];
	(pc) =	sbr.rel @!p2 .LBB2_8-.Ltmp5, $4  }
0xfc: {  	s18 =	sadd.s32 $0x11480, s18;
	v13 =	vadd.s32 v63, v13;
	s30 =	sor.u32 s15, s28;
	v11 =	vadd.s32 v22, v11;
	[tilespmem:s20+$0x0] =	vst v0;
	v12 =	vld [tilespmem:s29+$0x0]  }
0xfd: {  	p1 =	por $0x1, $0x1;
	s19 =	sor.u32 s17, s18;
	v13 =	vadd.s32 v23, v13;
	v14 =	vadd.s32 v24, v11;
	[tilespmem:s29+$0x0] =	vst v0;
	v11 =	vld [tilespmem:s30+$0x0];
	s31 =	spop (v2sf)  }
0xfe: {  	s16 =	simm.s32 $0x2;
	v13 =	vadd.s32 v25, v13;
	v15 =	vadd.s32 v26, v14;
	s20 =	sor.u32 s15, s18;
	[tilespmem:s30+$0x0] =	vst v0;
	v14 =	vld [tilespmem:s19+$0x0];
	[smem:s12] =	sst s31  }
0xff: {  	s17 =	simm.s32 $0x1;
	v16 =	vadd.s32 v28, v15;
	v15 =	vadd.s32 v27, v13;
	s18 =	simm.s32 $0x50;
	s15 =	simm.s32 $0x11C90;
	v13 =	vld [tilespmem:s20+$0x0];
	[tilespmem:s13+$0xFFFFFFF0] =	vst v7  }
.LBB2_9:
0x100: {  	s21 =	sadd.s32 $0xFFFFFFF0, s18;
	v7 =	vadd.s32 v8, v16;
	[tilespmem:s19+$0x0] =	vst v0;
	v5 =	vadd.s32 v5, v15  }
0x101: {  	s14 =	sadd.s32 $0x20, s14;
	s19 =	sand.u32 $0x780, s21;
	v7 =	vadd.s32 v10, v7;
	v5 =	vadd.s32 v6, v5;
	[tilespmem:s20+$0x0] =	vst v0  }
0x102: {  	s20 =	sand.u32 $0x60, s21;
	v6 =	vld [tilespmem:s14+$0xFFFFFFF0];
	s22 =	sadd.s32 $0xA480, s19;
	v7 =	vadd.s32 v12, v7;
	v5 =	vadd.s32 v9, v5;
	[tilespmem:s15+$0x0] =	vst v4  }
0x103: {  	s21 =	sand.u32 $0x70, s18;
	[tilespmem:s14+$0xFFFFFFF0] =	vst v0;
	s23 =	sor.u32 s20, s22;
	v8 =	vld [tilespmem:s14+$0x0];
	v7 =	vadd.s32 v14, v7;
	v4 =	vadd.s32 v11, v5  }
0x104: {  	s24 =	sadd.s32 $0xAC80, s19;
	s22 =	sor.u32 s21, s22;
	v5 =	vld [tilespmem:s23+$0x0];
	[tilespmem:s14+$0x0] =	vst v0;
	v4 =	vadd.s32 v13, v4;
	(xrf0) =	vadd.scan.msk.s32 $0xffff, v7  }
0x105: {  	[tilespmem:s23+$0x0] =	vst v0;
	s23 =	sor.u32 s20, s24;
	v9 =	vld [tilespmem:s22+$0x0];
	(xrf0) =	vadd.scan.msk.s32 $0xffff, v4  }
0x106: {  	s25 =	sadd.s32 $0xB480, s19;
	v10 =	vld [tilespmem:s23+$0x0];
	[tilespmem:s22+$0x0] =	vst v0;
	s22 =	sor.u32 s21, s24  }
0x107: {  	[tilespmem:s23+$0x0] =	vst v0;
	s23 =	sor.u32 s20, s25;
	v11 =	vld [tilespmem:s22+$0x0]  }
0x108: {  	s24 =	sadd.s32 $0xBC80, s19;
	v12 =	vld [tilespmem:s23+$0x0];
	[tilespmem:s22+$0x0] =	vst v0;
	s22 =	sor.u32 s21, s25  }
0x109: {  	[tilespmem:s23+$0x0] =	vst v0;
	s23 =	sor.u32 s20, s24;
	v13 =	vld [tilespmem:s22+$0x0]  }
0x10a: {  	s25 =	sadd.s32 $0xC480, s19;
	v14 =	vld [tilespmem:s23+$0x0];
	[tilespmem:s22+$0x0] =	vst v0;
	s22 =	sor.u32 s21, s24;
	v15, _, _ =	vpop (xrf0)  }
0x10b: {  	[tilespmem:s23+$0x0] =	vst v0;
	s23 =	sor.u32 s20, s25;
	v16 =	vld [tilespmem:s22+$0x0];
	(v2sf) =	vpush v15, $0xF;
	v15, _, _ =	vpop (xrf0)  }
0x10c: {  	s24 =	sadd.s32 $0xCC80, s19;
	v17 =	vld [tilespmem:s23+$0x0];
	[tilespmem:s22+$0x0] =	vst v0;
	s22 =	sor.u32 s21, s25;
	(v2sf) =	vpush v15, $0xF  }
0x10d: {  	[tilespmem:s23+$0x0] =	vst v0;
	s23 =	sor.u32 s20, s24;
	v15 =	vld [tilespmem:s22+$0x0]  }
0x10e: {  	s25 =	sadd.s32 $0xD480, s19;
	v18 =	vld [tilespmem:s23+$0x0];
	[tilespmem:s22+$0x0] =	vst v0;
	s22 =	sor.u32 s21, s24  }
0x10f: {  	s16 =	sadd.s32 $0x2, s16;
	[tilespmem:s23+$0x0] =	vst v0;
	s23 =	sor.u32 s20, s25;
	v19 =	vld [tilespmem:s22+$0x0]  }
0x110: {  	p2 =	slt.u32 s16, $0x7E;
	s24 =	sadd.s32 $0xDC80, s19;
	v20 =	vld [tilespmem:s23+$0x0];
	[tilespmem:s22+$0x0] =	vst v0;
	s22 =	sor.u32 s21, s25  }
0x111: {  	[tilespmem:s23+$0x0] =	vst v0;
	s23 =	sor.u32 s20, s24;
	v21 =	vld [tilespmem:s22+$0x0]  }
0x112: {  	s25 =	sadd.s32 $0xE480, s19;
	v22 =	vld [tilespmem:s23+$0x0];
	[tilespmem:s22+$0x0] =	vst v0;
	s22 =	sor.u32 s21, s24  }
0x113: {  	[tilespmem:s23+$0x0] =	vst v0;
	s23 =	sor.u32 s20, s25;
	v23 =	vld [tilespmem:s22+$0x0]  }
0x114: {  	s24 =	sadd.s32 $0xEC80, s19;
	v24 =	vld [tilespmem:s23+$0x0];
	[tilespmem:s22+$0x0] =	vst v0;
	s22 =	sor.u32 s21, s25  }
0x115: {  	[tilespmem:s23+$0x0] =	vst v0;
	s23 =	sor.u32 s20, s24;
	v25 =	vld [tilespmem:s22+$0x0]  }
0x116: {  	s25 =	sadd.s32 $0xF480, s19;
	v26 =	vld [tilespmem:s23+$0x0];
	[tilespmem:s22+$0x0] =	vst v0;
	s22 =	sor.u32 s21, s24  }
0x117: {  	v5 =	vadd.s32 v6, v5;
	[tilespmem:s23+$0x0] =	vst v0;
	s23 =	sor.u32 s20, s25;
	v27 =	vld [tilespmem:s22+$0x0]  }
0x118: {  	v6 =	vadd.s32 v8, v9;
	v5 =	vadd.s32 v10, v5;
	s24 =	sadd.s32 $0xFC80, s19;
	v28 =	vld [tilespmem:s23+$0x0];
	[tilespmem:s22+$0x0] =	vst v0;
	s22 =	sor.u32 s21, s25  }
0x119: {  	s17 =	sadd.s32 $0x2, s17;
	v6 =	vadd.s32 v11, v6;
	v8 =	vadd.s32 v12, v5;
	[tilespmem:s23+$0x0] =	vst v0;
	s23 =	sor.u32 s20, s24;
	v5 =	vld [tilespmem:s22+$0x0]  }
0x11a: {  	v6 =	vadd.s32 v13, v6;
	v9 =	vadd.s32 v14, v8;
	s25 =	sadd.s32 $0x10480, s19;
	v8 =	vld [tilespmem:s23+$0x0];
	[tilespmem:s22+$0x0] =	vst v0;
	s22 =	sor.u32 s21, s24;
	s24 =	spop (v2sf)  }
0x11b: {  	v11 =	vadd.s32 v16, v6;
	v9 =	vadd.s32 v17, v9;
	[tilespmem:s23+$0x0] =	vst v0;
	s23 =	sor.u32 s20, s25;
	v6 =	vld [tilespmem:s22+$0x0];
	[smem:s17+$0xFFFFFFFF] =	sst s24;
	s24 =	spop (v2sf)  }
0x11c: {  	s26 =	sadd.s32 $0x10C80, s19;
	v11 =	vadd.s32 v15, v11;
	v9 =	vadd.s32 v18, v9;
	v10 =	vld [tilespmem:s23+$0x0];
	[tilespmem:s22+$0x0] =	vst v0;
	s22 =	sor.u32 s21, s25;
	[smem:s17] =	sst s24  }
.Ltmp6:
0x11d: {  	v11 =	vadd.s32 v19, v11;
	v12 =	vadd.s32 v20, v9;
	[tilespmem:s23+$0x0] =	vst v0;
	s23 =	sor.u32 s20, s26;
	v9 =	vld [tilespmem:s22+$0x0];
	(pc) =	sbr.rel @p2 .LBB2_9-.Ltmp6, $4  }
0x11e: {  	v11 =	vadd.s32 v21, v11;
	v13 =	vadd.s32 v22, v12;
	s24 =	sadd.s32 $0x11480, s19;
	v12 =	vld [tilespmem:s23+$0x0];
	[tilespmem:s22+$0x0] =	vst v0;
	s22 =	sor.u32 s21, s26  }
0x11f: {  	v15 =	vadd.s32 v23, v11;
	v13 =	vadd.s32 v24, v13;
	s19 =	sor.u32 s20, s24;
	[tilespmem:s23+$0x0] =	vst v0;
	v11 =	vld [tilespmem:s22+$0x0]  }
0x120: {  	s15 =	sadd.s32 $0x20, s15;
	v15 =	vadd.s32 v25, v15;
	v13 =	vadd.s32 v26, v13;
	s20 =	sor.u32 s21, s24;
	v14 =	vld [tilespmem:s19+$0x0];
	[tilespmem:s22+$0x0] =	vst v0  }
0x121: {  	s18 =	sadd.s32 $0x20, s18;
	v15 =	vadd.s32 v27, v15;
	v16 =	vadd.s32 v28, v13;
	v13 =	vld [tilespmem:s20+$0x0];
	[tilespmem:s15+$0xFFFFFFF0] =	vst v7  }
.LBB2_10:
0x122: {  	v7 =	vadd.s32 v8, v16;
	v5 =	vadd.s32 v5, v15  }
0x123: {  	v7 =	vadd.s32 v10, v7;
	v5 =	vadd.s32 v6, v5  }
0x124: {  	v61 =	vadd.s32 v12, v7;
	v5 =	vadd.s32 v9, v5  }
0x125: {  	v6 =	vadd.s32 v14, v61;
	v5 =	vadd.s32 v11, v5  }
0x126: {  	v5 =	vadd.s32 v13, v5;
	(xrf0) =	vadd.scan.msk.s32 $0xffff, v6  }
0x127: {  	(xrf0) =	vadd.scan.msk.s32 $0xffff, v5;
	_ =	sdelay $0x4  }
0x128: {  	v62, _, _ =	vpop (xrf0)  }
0x129: {  	(v2sf) =	vpush v62, $0xF;
	v63, _, _ =	vpop (xrf0)  }
0x12a: {  	(v2sf) =	vpush v63, $0xF;
	_ =	sdelay $0xc  }
0x12b: {  	[tilespmem:s19+$0x0] =	vst v0;
	s14 =	sadd.s32 @p1 $0x2, s17  }
0x12c: {  	[tilespmem:s20+$0x0] =	vst v0;
	s12 =	smov.u32 @p1 s14;
	s16 =	spop (v2sf)  }
0x12d: {  	[smem:s12+$0xFFFFFFFF] =	sst s16;
	s31 =	spop (v2sf);
	s16 =	sadd.s32 @p1 $0x20, s15  }
0x12e: {  	[tilespmem:s15+$0x0] =	vst @p1 v4;
	[smem:s12] =	sst s31;
	s13 =	smov.u32 @p1 s16  }
0x12f: {  	[tilespmem:s13+$0xFFFFFFF0] =	vst v6  }
0x130: {  	p3 =	por $0x1, $0x1;
	[tilespmem:s13+$0x0] =	vst v5  }
.Ltmp7:
0x131: {  	s13 =	sld [smem:$0x7F];
	(pc) =	sbr.rel @!p3 .LBB2_12-.Ltmp7, $4  }
0x132: {  	s19 =	simm.s32 $0x7E;
	s18 =	simm.s32 $0x0  }
0x133: {  	s14 =	simm.s32 $0x7F;
	s15 =	simm.s32 $0x0;
	s12 =	simm.s32 $0x0  }
0x134: {  	p1 =	por $0x0, $0x0;
	s16 =	simm.s32 $0x7E;
	s17 =	sadd.s32 $0x0, s13  }
0x135: {  	p4 =	por !p1, !p1;
	s13 =	simm.s32 $0x0;
	p2 =	sgt.s32 s17, $0x1F3F  }
.LBB2_11:
0x136: {  	s20 =	sld [smem:s19+$0x0];
	p4 =	por !p2, !p4;
	s21 =	ssub.s32 $0x1F40, s15  }
0x137: {  	s22 =	smov.u32 s16;
	s15 =	smov.u32 s17;
	p3 =	sne.s32 s16, $0x0  }
.Ltmp8:
0x138: {  	s16 =	sadd.s32 $0xFFFFFFFF, s16;
	p4 =	por !p4, !p4;
	(pc) =	sbr.rel @p3 .LBB2_11-.Ltmp8, $4  }
0x139: {  	s18 =	smov.u32 @p4 s14;
	s13 =	smov.u32 @p4 s21;
	s14 =	smov.u32 s22  }
0x13a: {  	_ = 	snop  }
0x13b: {  	p1 =	por p1, p2;
	s17 =	sadd.s32 s17, s20  }
0x13c: {  	s19 =	sadd.s32 $0xFFFFFFFF, s19;
	p4 =	por !p1, !p1;
	p2 =	sgt.s32 s17, $0x1F3F  }
.LBB2_12:
0x13d: {  	p1 =	por !p2, !p4  }
0x13e: {  	p1 =	por !p1, !p1  }
0x13f: {  	s18 =	smov.u32 @p1 s14  }
0x140: {  	s14 =	sshll.u32 s18, $0x4  }
0x141: {  	v4 =	vld [tilespmem:s14+$0x11C80];
	_ =	sdelay $0x4  }
0x142: {  	v5 =	vperm.xlane v4, v3;
	_ =	sdelay $0x1  }
0x143: {  	(xrf0) =	vadd.scan.msk.s32 $0xffff, v5;
	_ =	sdelay $0x5  }
0x144: {  	v5, _, _ =	vpop (xrf0)  }
0x145: {  	s15 =	ssub.s32 $0x1F40, s15;
	v5 =	vperm.xlane v5, v3  }
0x146: {  	s13 =	smov.u32 @p1 s15  }
0x147: {  	vm0 =	vge.s32 v5, s13  }
0x148: {  	v6 =	vsel vm0, $0x1, v0  }
0x149: {  	(xrf0) =	vadd.scan.msk.s32 $0xffff, v6;
	_ =	sdelay $0x5  }
0x14a: {  	v6, _, _ =	vpop (xrf0)  }
0x14b: {  	(v2sf) =	vpush v6, $0xF;
	_ =	sdelay $0x8  }
0x14c: {  	s12 =	sand.u32 $0xFFE0, s12  }
0x14d: {  	v6 =	vld [tilespmem:s12+$0x80];
	_ =	sdelay $0x4  }
0x14e: {  	v7 =	vshra.s32 v6, $0x1F;
	s28 =	spop (v2sf)  }
0x14f: {  	v7 =	vor.u32 $0x80000000, v7;
	s12 =	sadd.s32 s28, s14  }
0x150: {  	v6 =	vxor.u32 v6, v7;
	s12 =	sadd.s32 $0xFFFFFFFF, s12  }
0x151: {  	v8 =	vshrl.u32 v6, $0xA;
	v6 =	vshrl.u32 v6, $0x15;
	v7 =	vmov s12  }
0x152: {  	vm0 =	veq.s32 v6, v7;
	v6 =	vand.u32 $0x7FF, v8  }
0x153: {  	v6 =	vor.u32 v1, v6  }
0x154: {  	s30 =	simm.s32 $0x50  }
0x155: {  	s29 =	simm.s32 $0xA0;
	v10 =	vld [tilespmem:s30+$0xFFFFFFD0]  }
0x156: {  	v14 =	vld [tilespmem:s30+$0xFFFFFFB0];
	s14 =	sand.u32 $0xFFE0, s29  }
0x157: {  	v8 =	vld [tilespmem:s14+$0x80]  }
0x158: {  	[tilespmem:v6+s9+$0x0] =	vst.idx.add.s32.msk vm0, v2  }
0x159: {  	v9 =	vld [tilespmem:s30+$0x40];
	_ =	sdelay $0x1  }
0x15a: {  	v11 =	vld [tilespmem:s30+$0xFFFFFFF0];
	v16 =	vshra.s32 v10, $0x1F  }
0x15b: {  	v13 =	vld [tilespmem:s30+$0x10];
	v16 =	vor.u32 $0x80000000, v16;
	v12 =	vshra.s32 v8, $0x1F  }
0x15c: {  	v18 =	vshra.s32 v14, $0x1F;
	v10 =	vxor.u32 v10, v16;
	v12 =	vor.u32 $0x80000000, v12  }
0x15d: {  	v6 =	vmov s13;
	v8 =	vxor.u32 v8, v12;
	v15 =	vshra.s32 v9, $0x1F  }
0x15e: {  	v12 =	vor.u32 $0x80000000, v15;
	v15 =	vshrl.u32 v8, $0xA;
	v8 =	vshrl.u32 v8, $0x15  }
0x15f: {  	vm1 =	veq.s32 v8, v7;
	v8 =	vand.u32 $0x7FF, v15;
	v15 =	vshra.s32 v11, $0x1F  }
0x160: {  	v9 =	vxor.u32 v9, v12;
	v12 =	vshra.s32 v13, $0x1F;
	v8 =	vor.u32 v1, v8  }
0x161: {  	v17 =	vshrl.u32 v9, $0xA;
	v9 =	vshrl.u32 v9, $0x15;
	v15 =	vor.u32 $0x80000000, v15  }
0x162: {  	vm0 =	veq.s32 v9, v7;
	v9 =	vand.u32 $0x7FF, v17;
	v17 =	vor.u32 $0x80000000, v18  }
0x163: {  	s31 =	simm.s32 $0xF0;
	v12 =	vor.u32 $0x80000000, v12;
	v11 =	vxor.u32 v11, v15;
	v14 =	vxor.u32 v14, v17  }
0x164: {  	v12 =	vxor.u32 v13, v12;
	v18 =	vld [tilespmem:s31+$0xFFFFFFD0];
	v16 =	vshrl.u32 v14, $0xA;
	v14 =	vshrl.u32 v14, $0x15  }
0x165: {  	v13 =	vshrl.u32 v11, $0xA;
	v15 =	vshrl.u32 v12, $0xA;
	vm3 =	veq.s32 v14, v7;
	v14 =	vld [tilespmem:s31+$0x10]  }
0x166: {  	v11 =	vshrl.u32 v11, $0x15;
	v12 =	vshrl.u32 v12, $0x15;
	v13 =	vand.u32 $0x7FF, v13;
	[tilespmem:v8+s9+$0x0] =	vst.idx.add.s32.msk vm1, v2  }
0x167: {  	v16 =	vand.u32 $0x7FF, v16;
	v8 =	vshrl.u32 v10, $0xA;
	v10 =	vshrl.u32 v10, $0x15;
	v17 =	vld [tilespmem:s31+$0x40]  }
0x168: {  	v16 =	vor.u32 v1, v16;
	v8 =	vand.u32 $0x7FF, v8;
	vm4 =	veq.s32 v10, v7;
	v10 =	vld [tilespmem:s31+$0xFFFFFFB0]  }
0x169: {  	v15 =	vand.u32 $0x7FF, v15;
	vm5 =	veq.s32 v11, v7;
	v8 =	vor.u32 v1, v8  }
0x16a: {  	v19 =	vld [tilespmem:s31+$0xFFFFFFF0];
	vm2 =	veq.s32 v12, v7;
	v11 =	vor.u32 v1, v13;
	v12 =	vshra.s32 v18, $0x1F  }
0x16b: {  	v9 =	vor.u32 v1, v9;
	v15 =	vor.u32 v1, v15;
	v12 =	vor.u32 $0x80000000, v12  }
0x16c: {  	v12 =	vxor.u32 v18, v12;
	v20 =	vshra.s32 v14, $0x1F;
	v13 =	vshra.s32 v17, $0x1F  }
0x16d: {  	[tilespmem:v16+s9+$0x0] =	vst.idx.add.s32.msk vm3, v2;
	v16 =	vor.u32 $0x80000000, v20;
	v22 =	vshra.s32 v10, $0x1F;
	v13 =	vor.u32 $0x80000000, v13  }
0x16e: {  	s16 =	simm.s32 $0x140;
	[tilespmem:v8+s9+$0x0] =	vst.idx.add.s32.msk vm4, v2;
	v8 =	vxor.u32 v14, v16;
	v14 =	vshrl.u32 v12, $0xA;
	v13 =	vxor.u32 v17, v13  }
0x16f: {  	s16 =	sand.u32 $0xFFE0, s16;
	[tilespmem:v11+s9+$0x0] =	vst.idx.add.s32.msk vm5, v2;
	v12 =	vshrl.u32 v12, $0x15;
	v17 =	vshra.s32 v19, $0x1F;
	v21 =	vshrl.u32 v13, $0x15  }
0x170: {  	v11 =	vshrl.u32 v8, $0xA;
	vm1 =	veq.s32 v21, v7;
	v21 =	vor.u32 $0x80000000, v22;
	v22 =	vld [tilespmem:s16+$0x80]  }
0x171: {  	v14 =	vand.u32 $0x7FF, v14;
	v8 =	vshrl.u32 v8, $0x15;
	v13 =	vshrl.u32 v13, $0xA  }
0x172: {  	vm3 =	veq.s32 v12, v7;
	v17 =	vor.u32 $0x80000000, v17;
	v13 =	vand.u32 $0x7FF, v13  }
0x173: {  	v12 =	vor.u32 v1, v14;
	v17 =	vxor.u32 v19, v17;
	v13 =	vor.u32 v1, v13  }
0x174: {  	[tilespmem:v15+s9+$0x0] =	vst.idx.add.s32.msk vm2, v2;
	v10 =	vxor.u32 v10, v21;
	v16 =	vshrl.u32 v17, $0xA;
	v15 =	vshrl.u32 v17, $0x15  }
0x175: {  	v20 =	vld [tilespmem:s30+$0xFFFFFFE0];
	v18 =	vshrl.u32 v10, $0xA;
	v10 =	vshrl.u32 v10, $0x15;
	v19 =	vshra.s32 v22, $0x1F  }
0x176: {  	v17 =	vld [tilespmem:s30+$0xFFFFFFC0];
	v18 =	vand.u32 $0x7FF, v18;
	vm2 =	veq.s32 v10, v7;
	v19 =	vor.u32 $0x80000000, v19  }
0x177: {  	v14 =	vld [tilespmem:s30+$0x20];
	v16 =	vand.u32 $0x7FF, v16;
	v10 =	vor.u32 v1, v18;
	v19 =	vxor.u32 v22, v19  }
0x178: {  	vm5 =	veq.s32 v15, v7;
	v18 =	vld [tilespmem:s30+$0x0];
	v21 =	vshrl.u32 v19, $0xA;
	v19 =	vshrl.u32 v19, $0x15  }
0x179: {  	[tilespmem:v9+s9+$0x0] =	vst.idx.add.s32.msk vm0, v2;
	v16 =	vor.u32 v1, v16;
	vm6 =	veq.s32 v19, v7;
	v15 =	vand.u32 $0x7FF, v21  }
0x17a: {  	v9 =	vand.u32 $0x7FF, v11;
	vm4 =	veq.s32 v8, v7;
	[tilespmem:v12+s9+$0x0] =	vst.idx.add.s32.msk vm3, v2;
	v11 =	vor.u32 v1, v15  }
0x17b: {  	v9 =	vor.u32 v1, v9;
	[tilespmem:v13+s9+$0x0] =	vst.idx.add.s32.msk vm1, v2;
	v8 =	vshra.s32 v17, $0x1F;
	v13 =	vshra.s32 v20, $0x1F  }
0x17c: {  	s15 =	simm.s32 $0x190;
	v8 =	vor.u32 $0x80000000, v8;
	[tilespmem:v10+s9+$0x0] =	vst.idx.add.s32.msk vm2, v2;
	v10 =	vor.u32 $0x80000000, v13;
	v13 =	vshra.s32 v14, $0x1F  }
0x17d: {  	v8 =	vxor.u32 v17, v8;
	v17 =	vld [tilespmem:s15+$0xFFFFFFF0];
	v15 =	vshra.s32 v18, $0x1F;
	v13 =	vor.u32 $0x80000000, v13  }
0x17e: {  	[tilespmem:v16+s9+$0x0] =	vst.idx.add.s32.msk vm5, v2;
	v10 =	vxor.u32 v20, v10;
	v12 =	vor.u32 $0x80000000, v15;
	v15 =	vshrl.u32 v8, $0xA  }
0x17f: {  	v13 =	vxor.u32 v14, v13;
	v8 =	vshrl.u32 v8, $0x15;
	v12 =	vxor.u32 v18, v12;
	[tilespmem:v11+s9+$0x0] =	vst.idx.add.s32.msk vm6, v2  }
0x180: {  	v15 =	vand.u32 $0x7FF, v15;
	v19 =	vshrl.u32 v13, $0xA;
	v13 =	vshrl.u32 v13, $0x15;
	v14 =	vld [tilespmem:s15+$0x40]  }
0x181: {  	v16 =	vld [tilespmem:s15+$0xFFFFFFD0];
	vm3 =	veq.s32 v8, v7;
	v18 =	vshrl.u32 v12, $0xA;
	v12 =	vshrl.u32 v12, $0x15  }
0x182: {  	[tilespmem:v9+s9+$0x0] =	vst.idx.add.s32.msk vm4, v2;
	v22 =	vand.u32 $0x7FF, v19;
	vm1 =	veq.s32 v13, v7;
	v23 =	vshra.s32 v17, $0x1F  }
0x183: {  	v19 =	vld [tilespmem:s15+$0xFFFFFFB0];
	v21 =	vand.u32 $0x7FF, v18;
	vm0 =	veq.s32 v12, v7;
	v9 =	vor.u32 v1, v22  }
0x184: {  	v18 =	vld [tilespmem:s15+$0x10];
	v11 =	vshrl.u32 v10, $0xA;
	v10 =	vshrl.u32 v10, $0x15;
	v8 =	vor.u32 v1, v21  }
0x185: {  	v20 =	vand.u32 $0x7FF, v11;
	v11 =	vor.u32 v1, v15;
	v12 =	vshra.s32 v14, $0x1F  }
0x186: {  	v13 =	vld [tilespmem:s31+$0xFFFFFFC0];
	vm2 =	veq.s32 v10, v7;
	v15 =	vshra.s32 v16, $0x1F;
	v12 =	vor.u32 $0x80000000, v12  }
0x187: {  	v10 =	vor.u32 v1, v20;
	v20 =	vor.u32 $0x80000000, v15;
	v14 =	vxor.u32 v14, v12;
	v12 =	vld [tilespmem:s31+$0xFFFFFFE0]  }
0x188: {  	v24 =	vshra.s32 v19, $0x1F;
	v15 =	vshrl.u32 v14, $0xA;
	v21 =	vshrl.u32 v14, $0x15;
	v14 =	vld [tilespmem:s31+$0x0]  }
0x189: {  	s17 =	simm.s32 $0x1E0;
	s14 =	simm.s32 $0x190;
	s16 =	simm.s32 $0x14;
	v22 =	vshra.s32 v18, $0x1F;
	vm4 =	veq.s32 v21, v7;
	v21 =	vand.u32 $0x7FF, v15;
	v15 =	vld [tilespmem:s31+$0x20]  }
.LBB2_13:
0x18a: {  	s18 =	sand.u32 $0xFFE0, s17;
	s16 =	sadd.s32 $0xA, s16;
	v24 =	vor.u32 $0x80000000, v24;
	v23 =	vor.u32 $0x80000000, v23;
	v21 =	vor.u32 v1, v21;
	[tilespmem:v11+s9+$0x0] =	vst.idx.add.s32.msk vm3, v2  }
0x18b: {  	v16 =	vxor.u32 v16, v20;
	v20 =	vor.u32 $0x80000000, v22;
	v11 =	vld [tilespmem:s18+$0x80];
	p1 =	slt.u32 s16, $0x9BA;
	v19 =	vxor.u32 v19, v24  }
0x18c: {  	v17 =	vxor.u32 v17, v23;
	v18 =	vxor.u32 v18, v20;
	v22 =	vshrl.u32 v19, $0xA;
	[tilespmem:v10+s9+$0x0] =	vst.idx.add.s32.msk vm2, v2  }
0x18d: {  	v10 =	vshrl.u32 v16, $0xA;
	v20 =	vshrl.u32 v17, $0xA;
	v23 =	vshrl.u32 v18, $0xA;
	[tilespmem:v8+s9+$0x0] =	vst.idx.add.s32.msk vm0, v2  }
0x18e: {  	v16 =	vshrl.u32 v16, $0x15;
	v8 =	vshrl.u32 v19, $0x15;
	v19 =	vand.u32 $0x7FF, v22;
	[tilespmem:v9+s9+$0x0] =	vst.idx.add.s32.msk vm1, v2  }
0x18f: {  	v9 =	vand.u32 $0x7FF, v10;
	v10 =	vshrl.u32 v17, $0x15;
	v17 =	vand.u32 $0x7FF, v20;
	[tilespmem:v21+s9+$0x0] =	vst.idx.add.s32.msk vm4, v2  }
0x190: {  	v18 =	vshrl.u32 v18, $0x15;
	v21 =	vand.u32 $0x7FF, v23;
	v20 =	vshra.s32 v11, $0x1F  }
0x191: {  	vm0 =	veq.s32 v8, v7;
	v8 =	vor.u32 v1, v19;
	v20 =	vor.u32 $0x80000000, v20  }
0x192: {  	vm2 =	veq.s32 v16, v7;
	v9 =	vor.u32 v1, v9;
	v11 =	vxor.u32 v11, v20  }
0x193: {  	vm3 =	veq.s32 v10, v7;
	v16 =	vshrl.u32 v11, $0xA;
	v11 =	vshrl.u32 v11, $0x15  }
0x194: {  	vm4 =	veq.s32 v11, v7;
	v10 =	vand.u32 $0x7FF, v16;
	v11 =	vor.u32 v1, v17  }
0x195: {  	vm1 =	veq.s32 v18, v7;
	v20 =	vor.u32 v1, v21;
	v10 =	vor.u32 v1, v10  }
0x196: {  	v18 =	vshra.s32 v14, $0x1F;
	v16 =	vshra.s32 v13, $0x1F;
	v17 =	vshra.s32 v12, $0x1F  }
0x197: {  	[tilespmem:v8+s9+$0x0] =	vst.idx.add.s32.msk vm0, v2;
	v8 =	vor.u32 $0x80000000, v16;
	v16 =	vor.u32 $0x80000000, v17;
	v17 =	vshra.s32 v15, $0x1F  }
0x198: {  	[tilespmem:v9+s9+$0x0] =	vst.idx.add.s32.msk vm2, v2;
	v8 =	vxor.u32 v13, v8;
	v9 =	vor.u32 $0x80000000, v18;
	v13 =	vor.u32 $0x80000000, v17  }
0x199: {  	v12 =	vxor.u32 v12, v16;
	[tilespmem:v11+s9+$0x0] =	vst.idx.add.s32.msk vm3, v2;
	v11 =	vshrl.u32 v8, $0xA;
	v9 =	vxor.u32 v14, v9  }
0x19a: {  	s15 =	sadd.s32 $0xA0, s15;
	v13 =	vxor.u32 v15, v13;
	[tilespmem:v10+s9+$0x0] =	vst.idx.add.s32.msk vm4, v2;
	v10 =	vshrl.u32 v12, $0xA;
	v14 =	vshrl.u32 v9, $0xA  }
0x19b: {  	v8 =	vshrl.u32 v8, $0x15;
	v11 =	vand.u32 $0x7FF, v11;
	v18 =	vshrl.u32 v13, $0xA;
	v15 =	vld [tilespmem:s15+$0x40]  }
0x19c: {  	v12 =	vshrl.u32 v12, $0x15;
	v9 =	vshrl.u32 v9, $0x15;
	v10 =	vand.u32 $0x7FF, v10;
	v16 =	vld [tilespmem:s15+$0xFFFFFFD0]  }
0x19d: {  	v13 =	vshrl.u32 v13, $0x15;
	v14 =	vand.u32 $0x7FF, v14;
	v21 =	vand.u32 $0x7FF, v18;
	v17 =	vld [tilespmem:s15+$0xFFFFFFF0]  }
0x19e: {  	vm3 =	veq.s32 v8, v7;
	v11 =	vor.u32 v1, v11;
	vm2 =	veq.s32 v12, v7;
	v18 =	vld [tilespmem:s15+$0x10]  }
0x19f: {  	vm0 =	veq.s32 v9, v7;
	v10 =	vor.u32 v1, v10;
	v8 =	vor.u32 v1, v14;
	v19 =	vld [tilespmem:s15+$0xFFFFFFB0]  }
.Ltmp9:
0x1a0: {  	v9 =	vor.u32 v1, v21;
	v12 =	vshra.s32 v15, $0x1F;
	[tilespmem:v20+s9+$0x0] =	vst.idx.add.s32.msk vm1, v2;
	vm1 =	veq.s32 v13, v7;
	(pc) =	sbr.rel @p1 .LBB2_13-.Ltmp9, $4  }
0x1a1: {  	v14 =	vshra.s32 v16, $0x1F;
	v12 =	vor.u32 $0x80000000, v12;
	v13 =	vld [tilespmem:s14+$0xFFFFFFC0]  }
0x1a2: {  	v20 =	vor.u32 $0x80000000, v14;
	v23 =	vshra.s32 v17, $0x1F;
	v14 =	vxor.u32 v15, v12;
	v12 =	vld [tilespmem:s14+$0xFFFFFFE0]  }
0x1a3: {  	v22 =	vshra.s32 v18, $0x1F;
	v15 =	vshrl.u32 v14, $0xA;
	v21 =	vshrl.u32 v14, $0x15;
	v14 =	vld [tilespmem:s14+$0x0]  }
0x1a4: {  	s17 =	sadd.s32 $0xA0, s17;
	v24 =	vshra.s32 v19, $0x1F;
	vm4 =	veq.s32 v21, v7;
	v21 =	vand.u32 $0x7FF, v15;
	v15 =	vld [tilespmem:s14+$0x20];
	s14 =	smov.u32 s15  }
0x1a5: {  	v24 =	vor.u32 $0x80000000, v24;
	v23 =	vor.u32 $0x80000000, v23  }
0x1a6: {  	v16 =	vxor.u32 v16, v20;
	v20 =	vor.u32 $0x80000000, v22;
	v19 =	vxor.u32 v19, v24  }
0x1a7: {  	v17 =	vxor.u32 v17, v23;
	v18 =	vxor.u32 v18, v20;
	v20 =	vshrl.u32 v16, $0xA  }
0x1a8: {  	v16 =	vshrl.u32 v16, $0x15;
	v50 =	vshrl.u32 v19, $0xA;
	v23 =	vshrl.u32 v17, $0xA  }
0x1a9: {  	v51 =	vshrl.u32 v18, $0xA;
	v19 =	vshrl.u32 v19, $0x15;
	v20 =	vand.u32 $0x7FF, v20  }
0x1aa: {  	v17 =	vshrl.u32 v17, $0x15;
	vm6 =	veq.s32 v16, v7;
	v16 =	vshrl.u32 v18, $0x15  }
0x1ab: {  	v22 =	vand.u32 $0x7FF, v50;
	vm5 =	veq.s32 v19, v7;
	v18 =	vor.u32 v1, v20  }
0x1ac: {  	v19 =	vand.u32 $0x7FF, v23;
	vm7 =	veq.s32 v17, v7;
	v22 =	vor.u32 v1, v22  }
0x1ad: {  	v17 =	vand.u32 $0x7FF, v51;
	vm8 =	veq.s32 v16, v7;
	v19 =	vor.u32 v1, v19  }
0x1ae: {  	v16 =	vor.u32 v1, v17;
	_ =	sdelay $0x1  }
0x1af: {  	v20 =	vshra.s32 v13, $0x1F;
	[tilespmem:v18+s9+$0x0] =	vst.idx.add.s32.msk vm6, v2  }
0x1b0: {  	v52 =	vshra.s32 v12, $0x1F;
	v20 =	vor.u32 $0x80000000, v20;
	v54 =	vshra.s32 v15, $0x1F;
	[tilespmem:v22+s9+$0x0] =	vst.idx.add.s32.msk vm5, v2  }
0x1b1: {  	v53 =	vshra.s32 v14, $0x1F;
	v13 =	vxor.u32 v13, v20;
	v20 =	vor.u32 $0x80000000, v54;
	[tilespmem:v19+s9+$0x0] =	vst.idx.add.s32.msk vm7, v2  }
0x1b2: {  	v17 =	vor.u32 v1, v21;
	v21 =	vor.u32 $0x80000000, v52;
	v15 =	vxor.u32 v15, v20;
	[tilespmem:v16+s9+$0x0] =	vst.idx.add.s32.msk vm8, v2  }
0x1b3: {  	v12 =	vxor.u32 v12, v21;
	v55 =	vshrl.u32 v15, $0xA;
	v15 =	vshrl.u32 v15, $0x15;
	v56 =	vld [tilespmem:s14+$0xFFFFFFE0]  }
0x1b4: {  	v18 =	vor.u32 $0x80000000, v53;
	v21 =	vand.u32 $0x7FF, v55;
	vm11 =	veq.s32 v15, v7;
	v20 =	vld [tilespmem:s14+$0xFFFFFFC0]  }
0x1b5: {  	v19 =	vshrl.u32 v13, $0xA;
	v14 =	vxor.u32 v14, v18;
	v16 =	vshrl.u32 v12, $0xA;
	v57 =	vld [tilespmem:s14+$0x0]  }
0x1b6: {  	v13 =	vshrl.u32 v13, $0x15;
	v12 =	vshrl.u32 v12, $0x15;
	v18 =	vshrl.u32 v14, $0xA;
	v58 =	vld [tilespmem:s14+$0x20]  }
0x1b7: {  	v19 =	vand.u32 $0x7FF, v19;
	v16 =	vand.u32 $0x7FF, v16;
	v14 =	vshrl.u32 v14, $0x15  }
0x1b8: {  	vm15 =	veq.s32 v13, v7;
	vm9 =	veq.s32 v12, v7;
	v18 =	vand.u32 $0x7FF, v18  }
0x1b9: {  	v13 =	vor.u32 v1, v19;
	v12 =	vor.u32 v1, v16;
	vm10 =	veq.s32 v14, v7  }
0x1ba: {  	v16 =	vor.u32 v1, v18;
	v18 =	vshra.s32 v56, $0x1F;
	v14 =	vshra.s32 v20, $0x1F  }
0x1bb: {  	v15 =	vor.u32 $0x80000000, v18;
	v18 =	vshra.s32 v57, $0x1F;
	v19 =	vshra.s32 v58, $0x1F  }
0x1bc: {  	v14 =	vor.u32 $0x80000000, v14;
	v15 =	vxor.u32 v56, v15;
	v18 =	vor.u32 $0x80000000, v18  }
0x1bd: {  	[tilespmem:v11+s9+$0x0] =	vst.idx.add.s32.msk vm3, v2;
	v19 =	vor.u32 $0x80000000, v19;
	v14 =	vxor.u32 v20, v14;
	v20 =	vor.u32 v1, v21  }
0x1be: {  	[tilespmem:v10+s9+$0x0] =	vst.idx.add.s32.msk vm2, v2;
	v18 =	vxor.u32 v57, v18;
	v59 =	vshrl.u32 v15, $0xA;
	v19 =	vxor.u32 v58, v19  }
0x1bf: {  	[tilespmem:v8+s9+$0x0] =	vst.idx.add.s32.msk vm0, v2;
	v15 =	vshrl.u32 v15, $0x15;
	v11 =	vshrl.u32 v14, $0xA;
	v10 =	vshrl.u32 v18, $0xA  }
0x1c0: {  	[tilespmem:v9+s9+$0x0] =	vst.idx.add.s32.msk vm1, v2;
	v14 =	vshrl.u32 v14, $0x15;
	v9 =	vand.u32 $0x7FF, v59;
	v18 =	vshrl.u32 v18, $0x15  }
0x1c1: {  	[tilespmem:v13+s9+$0x0] =	vst.idx.add.s32.msk vm15, v2;
	vm13 =	veq.s32 v15, v7;
	v13 =	vshrl.u32 v19, $0x15;
	v8 =	vand.u32 $0x7FF, v11  }
0x1c2: {  	v11 =	vshrl.u32 v19, $0xA;
	vm12 =	veq.s32 v14, v7;
	v9 =	vor.u32 v1, v9  }
0x1c3: {  	[tilespmem:v17+s9+$0x0] =	vst.idx.add.s32.msk vm4, v2;
	v10 =	vand.u32 $0x7FF, v10;
	vm14 =	veq.s32 v18, v7;
	v8 =	vor.u32 v1, v8  }
0x1c4: {  	[tilespmem:v12+s9+$0x0] =	vst.idx.add.s32.msk vm9, v2;
	vm15 =	veq.s32 v13, v7;
	v11 =	vand.u32 $0x7FF, v11;
	v10 =	vor.u32 v1, v10  }
0x1c5: {  	[tilespmem:v16+s9+$0x0] =	vst.idx.add.s32.msk vm10, v2;
	v7 =	vor.u32 v1, v11  }
0x1c6: {  	[tilespmem:v20+s9+$0x0] =	vst.idx.add.s32.msk vm11, v2  }
0x1c7: {  	[tilespmem:v9+s9+$0x0] =	vst.idx.add.s32.msk vm13, v2  }
0x1c8: {  	[tilespmem:v8+s9+$0x0] =	vst.idx.add.s32.msk vm12, v2  }
0x1c9: {  	s23 =	simm.s32 $0x0;
	[tilespmem:v10+s9+$0x0] =	vst.idx.add.s32.msk vm14, v2  }
0x1ca: {  	s17 =	simm.s32 $0x9C90;
	s16 =	sand.u32 $0x780, s23;
	[tilespmem:v7+s9+$0x0] =	vst.idx.add.s32.msk vm15, v2  }
0x1cb: {  	s15 =	simm.s32 $0x10;
	s18 =	sadd.s32 $0xA480, s16;
	s14 =	sand.u32 $0x60, s23;
	v7 =	vld [tilespmem:s17+$0xFFFFFFF0]  }
0x1cc: {  	s15 =	sand.u32 $0x70, s15;
	s19 =	sor.u32 s14, s18;
	[tilespmem:s17+$0xFFFFFFF0] =	vst v0;
	v8 =	vld [tilespmem:s17+$0x0]  }
0x1cd: {  	s20 =	sadd.s32 $0xAC80, s16;
	s24 =	sor.u32 s15, s18;
	[tilespmem:s17+$0x0] =	vst v0;
	v9 =	vld [tilespmem:s19+$0x0]  }
0x1ce: {  	s25 =	sor.u32 s14, s20;
	[tilespmem:s19+$0x0] =	vst v0;
	v10 =	vld [tilespmem:s24+$0x0]  }
0x1cf: {  	s26 =	sadd.s32 $0xB480, s16;
	s28 =	sor.u32 s15, s20;
	[tilespmem:s24+$0x0] =	vst v0;
	v11 =	vld [tilespmem:s25+$0x0]  }
0x1d0: {  	s29 =	sor.u32 s14, s26;
	[tilespmem:s25+$0x0] =	vst v0;
	v12 =	vld [tilespmem:s28+$0x0]  }
0x1d1: {  	s30 =	sadd.s32 $0xBC80, s16;
	s31 =	sor.u32 s15, s26;
	[tilespmem:s28+$0x0] =	vst v0;
	v13 =	vld [tilespmem:s29+$0x0]  }
0x1d2: {  	s19 =	sor.u32 s14, s30;
	[tilespmem:s29+$0x0] =	vst v0;
	v14 =	vld [tilespmem:s31+$0x0]  }
0x1d3: {  	s21 =	sadd.s32 $0xC480, s16;
	s22 =	sor.u32 s15, s30;
	[tilespmem:s31+$0x0] =	vst v0;
	v15 =	vld [tilespmem:s19+$0x0]  }
0x1d4: {  	s23 =	sor.u32 s14, s21;
	[tilespmem:s19+$0x0] =	vst v0;
	v16 =	vld [tilespmem:s22+$0x0]  }
0x1d5: {  	s24 =	sadd.s32 $0xCC80, s16;
	s25 =	sor.u32 s15, s21;
	[tilespmem:s22+$0x0] =	vst v0;
	v17 =	vld [tilespmem:s23+$0x0]  }
0x1d6: {  	s26 =	sor.u32 s14, s24;
	[tilespmem:s23+$0x0] =	vst v0;
	v18 =	vld [tilespmem:s25+$0x0]  }
0x1d7: {  	s28 =	sadd.s32 $0xD480, s16;
	s29 =	sor.u32 s15, s24;
	[tilespmem:s25+$0x0] =	vst v0;
	v19 =	vld [tilespmem:s26+$0x0]  }
0x1d8: {  	s30 =	sor.u32 s14, s28;
	[tilespmem:s26+$0x0] =	vst v0;
	v20 =	vld [tilespmem:s29+$0x0]  }
0x1d9: {  	s31 =	sadd.s32 $0xDC80, s16;
	s21 =	sor.u32 s15, s28;
	[tilespmem:s29+$0x0] =	vst v0;
	v60 =	vld [tilespmem:s30+$0x0]  }
0x1da: {  	s22 =	sor.u32 s14, s31;
	[tilespmem:s30+$0x0] =	vst v0;
	v61 =	vld [tilespmem:s21+$0x0]  }
0x1db: {  	s24 =	sor.u32 s15, s31;
	s23 =	sadd.s32 $0xE480, s16;
	[tilespmem:s21+$0x0] =	vst v0;
	v62 =	vld [tilespmem:s22+$0x0]  }
0x1dc: {  	s25 =	sor.u32 s14, s23;
	[tilespmem:s22+$0x0] =	vst v0;
	v63 =	vld [tilespmem:s24+$0x0]  }
0x1dd: {  	s26 =	sadd.s32 $0xEC80, s16;
	s28 =	sor.u32 s15, s23;
	[tilespmem:s24+$0x0] =	vst v0;
	v25 =	vld [tilespmem:s25+$0x0]  }
0x1de: {  	s29 =	sor.u32 s14, s26;
	[tilespmem:s25+$0x0] =	vst v0;
	v26 =	vld [tilespmem:s28+$0x0]  }
0x1df: {  	s30 =	sadd.s32 $0xF480, s16;
	s31 =	sor.u32 s15, s26;
	[tilespmem:s28+$0x0] =	vst v0;
	v27 =	vld [tilespmem:s29+$0x0]  }
0x1e0: {  	v7 =	vadd.s32 v7, v9;
	s20 =	sor.u32 s14, s30;
	[tilespmem:s29+$0x0] =	vst v0;
	v28 =	vld [tilespmem:s31+$0x0]  }
0x1e1: {  	v8 =	vadd.s32 v8, v10;
	v7 =	vadd.s32 v11, v7;
	s21 =	sadd.s32 $0xFC80, s16;
	s22 =	sor.u32 s15, s30;
	[tilespmem:s31+$0x0] =	vst v0;
	v29 =	vld [tilespmem:s20+$0x0]  }
0x1e2: {  	v9 =	vadd.s32 v12, v8;
	v7 =	vadd.s32 v13, v7;
	s23 =	sor.u32 s14, s21;
	[tilespmem:s20+$0x0] =	vst v0;
	v8 =	vld [tilespmem:s22+$0x0]  }
0x1e3: {  	s24 =	sadd.s32 $0x10480, s16;
	v9 =	vadd.s32 v14, v9;
	v7 =	vadd.s32 v15, v7;
	s25 =	sor.u32 s15, s21;
	[tilespmem:s22+$0x0] =	vst v0;
	v11 =	vld [tilespmem:s23+$0x0]  }
0x1e4: {  	s26 =	sor.u32 s14, s24;
	v10 =	vadd.s32 v16, v9;
	v7 =	vadd.s32 v17, v7;
	[tilespmem:s23+$0x0] =	vst v0;
	v9 =	vld [tilespmem:s25+$0x0]  }
0x1e5: {  	p2 =	por $0x1, $0x1;
	s28 =	sadd.s32 $0x10C80, s16;
	v10 =	vadd.s32 v18, v10;
	s29 =	sor.u32 s15, s24;
	v7 =	vadd.s32 v19, v7;
	[tilespmem:s25+$0x0] =	vst v0;
	v13 =	vld [tilespmem:s26+$0x0]  }
.Ltmp10:
0x1e6: {  	s30 =	sor.u32 s14, s28;
	v10 =	vadd.s32 v20, v10;
	v7 =	vadd.s32 v60, v7;
	[tilespmem:s26+$0x0] =	vst v0;
	v12 =	vld [tilespmem:s29+$0x0];
	(pc) =	sbr.rel @!p2 .LBB2_15-.Ltmp10, $4  }
0x1e7: {  	s16 =	sadd.s32 $0x11480, s16;
	s31 =	sor.u32 s15, s28;
	v10 =	vadd.s32 v61, v10;
	v7 =	vadd.s32 v62, v7;
	[tilespmem:s29+$0x0] =	vst v0;
	v15 =	vld [tilespmem:s30+$0x0]  }
0x1e8: {  	s21 =	sor.u32 s14, s16;
	v10 =	vadd.s32 v63, v10;
	v7 =	vadd.s32 v25, v7;
	[tilespmem:s30+$0x0] =	vst v0;
	v14 =	vld [tilespmem:s31+$0x0]  }
0x1e9: {  	p1 =	por $0x0, $0x0;
	s22 =	sor.u32 s15, s16;
	v10 =	vadd.s32 v26, v10;
	[tilespmem:s31+$0x0] =	vst v0;
	v7 =	vadd.s32 v27, v7;
	v17 =	vld [tilespmem:s21+$0x0]  }
0x1ea: {  	s17 =	simm.s32 $0x30;
	s14 =	simm.s32 $0x1;
	s15 =	simm.s32 $0x11C90;
	v18 =	vadd.s32 v28, v10;
	v16 =	vld [tilespmem:s22+$0x0];
	v19 =	vadd.s32 v29, v7  }
0x1eb: {  	s18 =	simm.s32 $0x20;
	v7 =	vadd.s32 v11, v19  }
0x1ec: {  	[tilespmem:s21+$0x0] =	vst v0;
	s16 =	simm.s32 $0x9CB0;
	s20 =	sand.u32 $0x780, s18;
	v7 =	vadd.s32 v13, v7  }
0x1ed: {  	[tilespmem:s22+$0x0] =	vst v0;
	v11 =	vld [tilespmem:s16+$0xFFFFFFF0];
	s18 =	sand.u32 $0x60, s18;
	s19 =	sadd.s32 $0xA480, s20;
	v7 =	vadd.s32 v15, v7  }
0x1ee: {  	s17 =	sand.u32 $0x70, s17;
	[tilespmem:s16+$0xFFFFFFF0] =	vst v0;
	v13 =	vld [tilespmem:s16+$0x0];
	s30 =	sor.u32 s18, s19;
	v10 =	vadd.s32 v17, v7  }
0x1ef: {  	[tilespmem:s16+$0x0] =	vst v0;
	s31 =	sadd.s32 $0xAC80, s20;
	s19 =	sor.u32 s17, s19;
	v7 =	vadd.s32 v8, v18;
	v15 =	vld [tilespmem:s30+$0x0];
	(xrf0) =	vadd.scan.msk.s32 $0xffff, v10  }
0x1f0: {  	s24 =	sor.u32 s18, s31;
	[tilespmem:s30+$0x0] =	vst v0;
	v8 =	vld [tilespmem:s19+$0x0];
	v7 =	vadd.s32 v9, v7  }
0x1f1: {  	s23 =	sadd.s32 $0xB480, s20;
	s25 =	sor.u32 s17, s31;
	[tilespmem:s19+$0x0] =	vst v0;
	v9 =	vld [tilespmem:s24+$0x0];
	v7 =	vadd.s32 v12, v7  }
0x1f2: {  	s26 =	sor.u32 s18, s23;
	[tilespmem:s24+$0x0] =	vst v0;
	v12 =	vld [tilespmem:s25+$0x0];
	v7 =	vadd.s32 v14, v7  }
0x1f3: {  	s28 =	sadd.s32 $0xBC80, s20;
	s29 =	sor.u32 s17, s23;
	[tilespmem:s25+$0x0] =	vst v0;
	v14 =	vld [tilespmem:s26+$0x0];
	v7 =	vadd.s32 v16, v7  }
0x1f4: {  	s30 =	sor.u32 s18, s28;
	[tilespmem:s26+$0x0] =	vst v0;
	v16 =	vld [tilespmem:s29+$0x0];
	(xrf0) =	vadd.scan.msk.s32 $0xffff, v7  }
0x1f5: {  	s31 =	sadd.s32 $0xC480, s20;
	s24 =	sor.u32 s17, s28;
	v17 =	vld [tilespmem:s30+$0x0];
	[tilespmem:s29+$0x0] =	vst v0;
	v18, _, _ =	vpop (xrf0)  }
0x1f6: {  	s28 =	sor.u32 s17, s31;
	s26 =	sadd.s32 $0xCC80, s20;
	v19 =	vld [tilespmem:s24+$0x0];
	[tilespmem:s24+$0x0] =	vst v0;
	(v2sf) =	vpush v18, $0xF  }
0x1f7: {  	s25 =	sor.u32 s18, s31;
	s31 =	sor.u32 s17, s26;
	v20 =	vld [tilespmem:s28+$0x0];
	[tilespmem:s28+$0x0] =	vst v0  }
0x1f8: {  	[tilespmem:s30+$0x0] =	vst v0;
	v22 =	vld [tilespmem:s31+$0x0]  }
0x1f9: {  	s29 =	sor.u32 s18, s26;
	s30 =	sadd.s32 $0xD480, s20;
	v18 =	vld [tilespmem:s25+$0x0];
	[tilespmem:s25+$0x0] =	vst v0  }
0x1fa: {  	[tilespmem:s31+$0x0] =	vst v0;
	s25 =	sor.u32 s17, s30;
	v21 =	vld [tilespmem:s29+$0x0];
	v23, _, _ =	vpop (xrf0)  }
0x1fb: {  	s22 =	sor.u32 s18, s30;
	s24 =	sadd.s32 $0xDC80, s20;
	[tilespmem:s29+$0x0] =	vst v0;
	v63 =	vld [tilespmem:s25+$0x0];
	(v2sf) =	vpush v23, $0xF  }
0x1fc: {  	[tilespmem:s25+$0x0] =	vst v0;
	s29 =	sor.u32 s17, s24;
	v24 =	vld [tilespmem:s22+$0x0]  }
0x1fd: {  	s26 =	sor.u32 s18, s24;
	s28 =	sadd.s32 $0xE480, s20;
	[tilespmem:s22+$0x0] =	vst v0;
	v26 =	vld [tilespmem:s29+$0x0]  }
0x1fe: {  	s23 =	sor.u32 s17, s28;
	[tilespmem:s29+$0x0] =	vst v0;
	v25 =	vld [tilespmem:s26+$0x0]  }
0x1ff: {  	s31 =	sadd.s32 $0xEC80, s20;
	s30 =	sor.u32 s18, s28;
	[tilespmem:s26+$0x0] =	vst v0;
	v28 =	vld [tilespmem:s23+$0x0]  }
0x200: {  	[tilespmem:s23+$0x0] =	vst v0;
	s26 =	sor.u32 s17, s31;
	v27 =	vld [tilespmem:s30+$0x0]  }
0x201: {  	s24 =	sor.u32 s18, s31;
	s25 =	sadd.s32 $0xF480, s20;
	[tilespmem:s30+$0x0] =	vst v0;
	v30 =	vld [tilespmem:s26+$0x0]  }
0x202: {  	v11 =	vadd.s32 v11, v15;
	[tilespmem:s26+$0x0] =	vst v0;
	s30 =	sor.u32 s17, s25;
	v29 =	vld [tilespmem:s24+$0x0]  }
0x203: {  	v9 =	vadd.s32 v9, v11;
	v11 =	vadd.s32 v13, v8;
	s28 =	sor.u32 s18, s25;
	s29 =	sadd.s32 $0xFC80, s20;
	[tilespmem:s24+$0x0] =	vst v0;
	v8 =	vld [tilespmem:s30+$0x0]  }
0x204: {  	v9 =	vadd.s32 v14, v9;
	v12 =	vadd.s32 v12, v11;
	s22 =	sor.u32 s17, s29;
	[tilespmem:s30+$0x0] =	vst v0;
	v31 =	vld [tilespmem:s28+$0x0]  }
0x205: {  	v13 =	vadd.s32 v17, v9;
	v12 =	vadd.s32 v16, v12;
	s31 =	sor.u32 s18, s29;
	s24 =	sadd.s32 $0x10480, s20;
	[tilespmem:s28+$0x0] =	vst v0;
	v9 =	vld [tilespmem:s22+$0x0];
	s25 =	spop (v2sf)  }
0x206: {  	v12 =	vadd.s32 v19, v12;
	v13 =	vadd.s32 v18, v13;
	s26 =	sor.u32 s18, s24;
	v11 =	vld [tilespmem:s31+$0x0];
	[tilespmem:s31+$0x0] =	vst v0;
	[smem:$0x0] =	sst s25  }
0x207: {  	p3 =	por $0x1, $0x1;
	v12 =	vadd.s32 v20, v12;
	v14 =	vadd.s32 v21, v13;
	s28 =	sadd.s32 $0x10C80, s20;
	[tilespmem:s22+$0x0] =	vst v0;
	s22 =	sor.u32 s17, s24;
	v13 =	vld [tilespmem:s26+$0x0]  }
.Ltmp11:
0x208: {  	v16 =	vadd.s32 v22, v12;
	v14 =	vadd.s32 v24, v14;
	s29 =	sor.u32 s18, s28;
	[tilespmem:s26+$0x0] =	vst v0;
	v12 =	vld [tilespmem:s22+$0x0];
	(pc) =	sbr.rel @!p3 .LBB2_17-.Ltmp11, $4  }
0x209: {  	s20 =	sadd.s32 $0x11480, s20;
	v16 =	vadd.s32 v63, v16;
	s30 =	sor.u32 s17, s28;
	v14 =	vadd.s32 v25, v14;
	[tilespmem:s22+$0x0] =	vst v0;
	v15 =	vld [tilespmem:s29+$0x0]  }
0x20a: {  	p2 =	por $0x1, $0x1;
	s21 =	sor.u32 s18, s20;
	v16 =	vadd.s32 v26, v16;
	v17 =	vadd.s32 v27, v14;
	[tilespmem:s29+$0x0] =	vst v0;
	v14 =	vld [tilespmem:s30+$0x0];
	s31 =	spop (v2sf)  }
0x20b: {  	s19 =	simm.s32 $0x2;
	v16 =	vadd.s32 v28, v16;
	v18 =	vadd.s32 v29, v17;
	s22 =	sor.u32 s17, s20;
	[tilespmem:s30+$0x0] =	vst v0;
	v17 =	vld [tilespmem:s21+$0x0];
	[smem:s14] =	sst s31  }
0x20c: {  	s18 =	simm.s32 $0x1;
	v19 =	vadd.s32 v31, v18;
	v18 =	vadd.s32 v30, v16;
	s20 =	simm.s32 $0x50;
	s17 =	simm.s32 $0x11C90;
	v16 =	vld [tilespmem:s22+$0x0];
	[tilespmem:s15+$0xFFFFFFF0] =	vst v10  }
.LBB2_18:
0x20d: {  	s23 =	sadd.s32 $0xFFFFFFF0, s20;
	v10 =	vadd.s32 v11, v19;
	[tilespmem:s21+$0x0] =	vst v0;
	v8 =	vadd.s32 v8, v18  }
0x20e: {  	s16 =	sadd.s32 $0x20, s16;
	s21 =	sand.u32 $0x780, s23;
	v10 =	vadd.s32 v13, v10;
	v8 =	vadd.s32 v9, v8;
	[tilespmem:s22+$0x0] =	vst v0  }
0x20f: {  	s22 =	sand.u32 $0x60, s23;
	v9 =	vld [tilespmem:s16+$0xFFFFFFF0];
	s24 =	sadd.s32 $0xA480, s21;
	v10 =	vadd.s32 v15, v10;
	v8 =	vadd.s32 v12, v8;
	[tilespmem:s17+$0x0] =	vst v7  }
0x210: {  	s23 =	sand.u32 $0x70, s20;
	[tilespmem:s16+$0xFFFFFFF0] =	vst v0;
	s25 =	sor.u32 s22, s24;
	v11 =	vld [tilespmem:s16+$0x0];
	v10 =	vadd.s32 v17, v10;
	v7 =	vadd.s32 v14, v8  }
0x211: {  	s26 =	sadd.s32 $0xAC80, s21;
	s24 =	sor.u32 s23, s24;
	v8 =	vld [tilespmem:s25+$0x0];
	[tilespmem:s16+$0x0] =	vst v0;
	v7 =	vadd.s32 v16, v7;
	(xrf0) =	vadd.scan.msk.s32 $0xffff, v10  }
0x212: {  	[tilespmem:s25+$0x0] =	vst v0;
	s25 =	sor.u32 s22, s26;
	v12 =	vld [tilespmem:s24+$0x0];
	(xrf0) =	vadd.scan.msk.s32 $0xffff, v7  }
0x213: {  	s28 =	sadd.s32 $0xB480, s21;
	v13 =	vld [tilespmem:s25+$0x0];
	[tilespmem:s24+$0x0] =	vst v0;
	s24 =	sor.u32 s23, s26  }
0x214: {  	[tilespmem:s25+$0x0] =	vst v0;
	s25 =	sor.u32 s22, s28;
	v14 =	vld [tilespmem:s24+$0x0]  }
0x215: {  	s26 =	sadd.s32 $0xBC80, s21;
	v15 =	vld [tilespmem:s25+$0x0];
	[tilespmem:s24+$0x0] =	vst v0;
	s24 =	sor.u32 s23, s28  }
0x216: {  	[tilespmem:s25+$0x0] =	vst v0;
	s25 =	sor.u32 s22, s26;
	v16 =	vld [tilespmem:s24+$0x0]  }
0x217: {  	s28 =	sadd.s32 $0xC480, s21;
	v17 =	vld [tilespmem:s25+$0x0];
	[tilespmem:s24+$0x0] =	vst v0;
	s24 =	sor.u32 s23, s26;
	v18, _, _ =	vpop (xrf0)  }
0x218: {  	[tilespmem:s25+$0x0] =	vst v0;
	s25 =	sor.u32 s22, s28;
	v19 =	vld [tilespmem:s24+$0x0];
	(v2sf) =	vpush v18, $0xF;
	v18, _, _ =	vpop (xrf0)  }
0x219: {  	s26 =	sadd.s32 $0xCC80, s21;
	v20 =	vld [tilespmem:s25+$0x0];
	[tilespmem:s24+$0x0] =	vst v0;
	s24 =	sor.u32 s23, s28;
	(v2sf) =	vpush v18, $0xF  }
0x21a: {  	[tilespmem:s25+$0x0] =	vst v0;
	s25 =	sor.u32 s22, s26;
	v18 =	vld [tilespmem:s24+$0x0]  }
0x21b: {  	s28 =	sadd.s32 $0xD480, s21;
	v21 =	vld [tilespmem:s25+$0x0];
	[tilespmem:s24+$0x0] =	vst v0;
	s24 =	sor.u32 s23, s26  }
0x21c: {  	s19 =	sadd.s32 $0x2, s19;
	[tilespmem:s25+$0x0] =	vst v0;
	s25 =	sor.u32 s22, s28;
	v22 =	vld [tilespmem:s24+$0x0]  }
0x21d: {  	p3 =	slt.u32 s19, $0x7E;
	s26 =	sadd.s32 $0xDC80, s21;
	v23 =	vld [tilespmem:s25+$0x0];
	[tilespmem:s24+$0x0] =	vst v0;
	s24 =	sor.u32 s23, s28  }
0x21e: {  	[tilespmem:s25+$0x0] =	vst v0;
	s25 =	sor.u32 s22, s26;
	v24 =	vld [tilespmem:s24+$0x0]  }
0x21f: {  	s28 =	sadd.s32 $0xE480, s21;
	v25 =	vld [tilespmem:s25+$0x0];
	[tilespmem:s24+$0x0] =	vst v0;
	s24 =	sor.u32 s23, s26  }
0x220: {  	[tilespmem:s25+$0x0] =	vst v0;
	s25 =	sor.u32 s22, s28;
	v26 =	vld [tilespmem:s24+$0x0]  }
0x221: {  	s26 =	sadd.s32 $0xEC80, s21;
	v27 =	vld [tilespmem:s25+$0x0];
	[tilespmem:s24+$0x0] =	vst v0;
	s24 =	sor.u32 s23, s28  }
0x222: {  	[tilespmem:s25+$0x0] =	vst v0;
	s25 =	sor.u32 s22, s26;
	v28 =	vld [tilespmem:s24+$0x0]  }
0x223: {  	s28 =	sadd.s32 $0xF480, s21;
	v29 =	vld [tilespmem:s25+$0x0];
	[tilespmem:s24+$0x0] =	vst v0;
	s24 =	sor.u32 s23, s26  }
0x224: {  	v8 =	vadd.s32 v9, v8;
	[tilespmem:s25+$0x0] =	vst v0;
	s25 =	sor.u32 s22, s28;
	v30 =	vld [tilespmem:s24+$0x0]  }
0x225: {  	v9 =	vadd.s32 v11, v12;
	v8 =	vadd.s32 v13, v8;
	s26 =	sadd.s32 $0xFC80, s21;
	v31 =	vld [tilespmem:s25+$0x0];
	[tilespmem:s24+$0x0] =	vst v0;
	s24 =	sor.u32 s23, s28  }
0x226: {  	s18 =	sadd.s32 $0x2, s18;
	v9 =	vadd.s32 v14, v9;
	v11 =	vadd.s32 v15, v8;
	[tilespmem:s25+$0x0] =	vst v0;
	s25 =	sor.u32 s22, s26;
	v8 =	vld [tilespmem:s24+$0x0]  }
0x227: {  	v9 =	vadd.s32 v16, v9;
	v12 =	vadd.s32 v17, v11;
	s28 =	sadd.s32 $0x10480, s21;
	v11 =	vld [tilespmem:s25+$0x0];
	[tilespmem:s24+$0x0] =	vst v0;
	s24 =	sor.u32 s23, s26;
	s26 =	spop (v2sf)  }
0x228: {  	v14 =	vadd.s32 v19, v9;
	v12 =	vadd.s32 v20, v12;
	[tilespmem:s25+$0x0] =	vst v0;
	s25 =	sor.u32 s22, s28;
	v9 =	vld [tilespmem:s24+$0x0];
	[smem:s18+$0xFFFFFFFF] =	sst s26;
	s26 =	spop (v2sf)  }
0x229: {  	s29 =	sadd.s32 $0x10C80, s21;
	v14 =	vadd.s32 v18, v14;
	v12 =	vadd.s32 v21, v12;
	v13 =	vld [tilespmem:s25+$0x0];
	[tilespmem:s24+$0x0] =	vst v0;
	s24 =	sor.u32 s23, s28;
	[smem:s18] =	sst s26  }
.Ltmp12:
0x22a: {  	v14 =	vadd.s32 v22, v14;
	v15 =	vadd.s32 v23, v12;
	[tilespmem:s25+$0x0] =	vst v0;
	s25 =	sor.u32 s22, s29;
	v12 =	vld [tilespmem:s24+$0x0];
	(pc) =	sbr.rel @p3 .LBB2_18-.Ltmp12, $4  }
0x22b: {  	v14 =	vadd.s32 v24, v14;
	v16 =	vadd.s32 v25, v15;
	s26 =	sadd.s32 $0x11480, s21;
	v15 =	vld [tilespmem:s25+$0x0];
	[tilespmem:s24+$0x0] =	vst v0;
	s24 =	sor.u32 s23, s29  }
0x22c: {  	v18 =	vadd.s32 v26, v14;
	v16 =	vadd.s32 v27, v16;
	s21 =	sor.u32 s22, s26;
	[tilespmem:s25+$0x0] =	vst v0;
	v14 =	vld [tilespmem:s24+$0x0]  }
0x22d: {  	s17 =	sadd.s32 $0x20, s17;
	v18 =	vadd.s32 v28, v18;
	v16 =	vadd.s32 v29, v16;
	s22 =	sor.u32 s23, s26;
	v17 =	vld [tilespmem:s21+$0x0];
	[tilespmem:s24+$0x0] =	vst v0  }
0x22e: {  	s20 =	sadd.s32 $0x20, s20;
	v18 =	vadd.s32 v30, v18;
	v19 =	vadd.s32 v31, v16;
	v16 =	vld [tilespmem:s22+$0x0];
	[tilespmem:s17+$0xFFFFFFF0] =	vst v10  }
.LBB2_19:
0x22f: {  	v10 =	vadd.s32 v11, v19;
	v8 =	vadd.s32 v8, v18  }
0x230: {  	v10 =	vadd.s32 v13, v10;
	v8 =	vadd.s32 v9, v8  }
0x231: {  	v63 =	vadd.s32 v15, v10;
	v8 =	vadd.s32 v12, v8  }
0x232: {  	v9 =	vadd.s32 v17, v63;
	v8 =	vadd.s32 v14, v8  }
0x233: {  	v8 =	vadd.s32 v16, v8;
	(xrf0) =	vadd.scan.msk.s32 $0xffff, v9  }
0x234: {  	(xrf0) =	vadd.scan.msk.s32 $0xffff, v8  }
0x235: {  	vm0 =	vge.s32 v5, v6  }
0x236: {  	v4 =	vsel vm0, $0x0, v4  }
0x237: {  	(xrf0) =	vadd.scan.msk.s32 $0xffff, v4;
	_ =	sdelay $0x1  }
0x238: {  	v4, _, _ =	vpop (xrf0)  }
0x239: {  	(v2sf) =	vpush v4, $0xF;
	v4, _, _ =	vpop (xrf0)  }
0x23a: {  	(v2sf) =	vpush v4, $0xF;
	_ =	sdelay $0x1  }
0x23b: {  	v4, _, _ =	vpop (xrf0)  }
0x23c: {  	(v2sf) =	vpush v4, $0xF;
	_ =	sdelay $0x9  }
0x23d: {  	[tilespmem:s21+$0x0] =	vst v0;
	s16 =	sadd.s32 @p2 $0x2, s18  }
0x23e: {  	[tilespmem:s22+$0x0] =	vst v0;
	s14 =	smov.u32 @p2 s16;
	s29 =	spop (v2sf)  }
0x23f: {  	s18 =	sadd.s32 @p2 $0x20, s17;
	[smem:s14+$0xFFFFFFFF] =	sst s29;
	s30 =	spop (v2sf)  }
0x240: {  	[tilespmem:s17+$0x0] =	vst @p2 v7;
	s15 =	smov.u32 @p2 s18;
	[smem:s14] =	sst s30  }
0x241: {  	[tilespmem:s15+$0xFFFFFFF0] =	vst v9  }
0x242: {  	s31 =	spop (v2sf);
	[tilespmem:s15+$0x0] =	vst v8  }
0x243: {  	s16 =	sld [smem:$0x7F]  }
0x244: {  	s17 =	simm.s32 $0x7F  }
0x245: {  	s19 =	simm.s32 $0x7E;
	p4 =	por !p1, !p1;
	s20 =	simm.s32 $0x7E  }
0x246: {  	s14 =	ssub.s32 s13, s31;
	s15 =	simm.s32 $0x0;
	s18 =	sadd.s32 $0x0, s16  }
0x247: {  	s13 =	simm.s32 $0x0;
	s16 =	simm.s32 $0x0;
	p2 =	sge.s32 s18, s14  }
.LBB2_20:
0x248: {  	s21 =	sld [smem:s20+$0x0];
	p4 =	por !p2, !p4;
	s22 =	ssub.s32 s14, s16  }
0x249: {  	s23 =	smov.u32 s19;
	s16 =	smov.u32 s18;
	p3 =	sne.s32 s19, $0x0  }
.Ltmp13:
0x24a: {  	s19 =	sadd.s32 $0xFFFFFFFF, s19;
	p4 =	por !p4, !p4;
	(pc) =	sbr.rel @p3 .LBB2_20-.Ltmp13, $4  }
0x24b: {  	s15 =	smov.u32 @p4 s17;
	s13 =	smov.u32 @p4 s22;
	s17 =	smov.u32 s23  }
0x24c: {  	_ = 	snop  }
0x24d: {  	p1 =	por p1, p2;
	s18 =	sadd.s32 s18, s21  }
0x24e: {  	s20 =	sadd.s32 $0xFFFFFFFF, s20;
	p4 =	por !p1, !p1;
	p2 =	sge.s32 s18, s14  }
0x24f: {  	p1 =	por !p2, !p4  }
0x250: {  	p1 =	por !p1, !p1  }
0x251: {  	s15 =	smov.u32 @p1 s17  }
0x252: {  	s15 =	sshll.u32 s15, $0x4  }
0x253: {  	v4 =	vld [tilespmem:s15+$0x11C80];
	_ =	sdelay $0x4  }
0x254: {  	v5 =	vperm.xlane v4, v3;
	_ =	sdelay $0x1  }
0x255: {  	(xrf0) =	vadd.scan.msk.s32 $0xffff, v5;
	_ =	sdelay $0x5  }
0x256: {  	v5, _, _ =	vpop (xrf0)  }
0x257: {  	s14 =	ssub.s32 s14, s16;
	v5 =	vperm.xlane v5, v3  }
0x258: {  	s13 =	smov.u32 @p1 s14  }
0x259: {  	vm0 =	vge.s32 v5, s13  }
0x25a: {  	v6 =	vsel vm0, $0x1, v0  }
0x25b: {  	(xrf0) =	vadd.scan.msk.s32 $0xffff, v6;
	_ =	sdelay $0x5  }
0x25c: {  	v6, _, _ =	vpop (xrf0)  }
0x25d: {  	(v2sf) =	vpush v6, $0xF;
	_ =	sdelay $0x8  }
0x25e: {  	s26 =	simm.s32 $0x0  }
0x25f: {  	s14 =	sand.u32 $0xFFE0, s26  }
0x260: {  	v6 =	vld [tilespmem:s14+$0x80];
	_ =	sdelay $0x3  }
0x261: {  	s28 =	spop (v2sf)  }
0x262: {  	v7 =	vshra.s32 v6, $0x1F;
	s14 =	sadd.s32 s28, s15  }
0x263: {  	s12 =	sshll.u32 s12, $0xB;
	s30 =	simm.s32 $0x50;
	v7 =	vor.u32 $0x80000000, v7;
	s14 =	sadd.s32 $0xFFFFFFFF, s14  }
0x264: {  	v10 =	vld [tilespmem:s30+$0xFFFFFFD0];
	v6 =	vxor.u32 v6, v7;
	s12 =	sor.u32 s12, s14  }
0x265: {  	s29 =	simm.s32 $0xA0;
	v8 =	vshrl.u32 v6, $0xA;
	v7 =	vmov s12  }
0x266: {  	v6 =	vand.u32 $0x3FF, v6;
	s14 =	sand.u32 $0xFFE0, s29;
	vm0 =	veq.s32 v8, v7  }
0x267: {  	v6 =	vor.u32 v1, v6;
	v8 =	vld [tilespmem:s14+$0x80];
	_ =	sdelay $0x1  }
0x268: {  	v15 =	vshra.s32 v10, $0x1F  }
0x269: {  	v15 =	vor.u32 $0x80000000, v15  }
0x26a: {  	v11 =	vld [tilespmem:s30+$0xFFFFFFF0];
	v10 =	vxor.u32 v10, v15  }
0x26b: {  	v15 =	vshrl.u32 v10, $0xA;
	s14 =	simm.s32 $0xF0;
	[tilespmem:v6+s9+$0x0] =	vst.idx.add.s32.msk vm0, v2;
	v6 =	vshra.s32 v8, $0x1F  }
0x26c: {  	v10 =	vand.u32 $0x3FF, v10;
	vm2 =	veq.s32 v15, v7;
	v20 =	vld [tilespmem:s14+$0x10];
	v6 =	vor.u32 $0x80000000, v6  }
0x26d: {  	v10 =	vor.u32 v1, v10;
	v9 =	vld [tilespmem:s30+$0x40];
	v6 =	vxor.u32 v8, v6  }
0x26e: {  	v13 =	vld [tilespmem:s30+$0xFFFFFFB0];
	v12 =	vshrl.u32 v6, $0xA  }
0x26f: {  	v8 =	vld [tilespmem:s30+$0x10];
	v6 =	vand.u32 $0x3FF, v6;
	vm1 =	veq.s32 v12, v7  }
0x270: {  	v14 =	vor.u32 v1, v6  }
0x271: {  	v21 =	vshra.s32 v20, $0x1F  }
0x272: {  	v16 =	vshra.s32 v11, $0x1F;
	[tilespmem:v10+s9+$0x0] =	vst.idx.add.s32.msk vm2, v2;
	v10 =	vor.u32 $0x80000000, v21;
	v12 =	vshra.s32 v9, $0x1F  }
0x273: {  	v18 =	vshra.s32 v13, $0x1F;
	v10 =	vxor.u32 v20, v10;
	v12 =	vor.u32 $0x80000000, v12  }
0x274: {  	v9 =	vxor.u32 v9, v12;
	v12 =	vor.u32 $0x80000000, v16;
	v16 =	vshra.s32 v8, $0x1F  }
0x275: {  	v17 =	vshrl.u32 v9, $0xA;
	v9 =	vand.u32 $0x3FF, v9;
	v16 =	vor.u32 $0x80000000, v16;
	[tilespmem:v14+s9+$0x0] =	vst.idx.add.s32.msk vm1, v2  }
0x276: {  	v11 =	vxor.u32 v11, v12;
	vm0 =	veq.s32 v17, v7;
	v17 =	vor.u32 $0x80000000, v18;
	v12 =	vld [tilespmem:s14+$0x40]  }
0x277: {  	v19 =	vld [tilespmem:s14+$0xFFFFFFF0];
	v9 =	vor.u32 v1, v9;
	v8 =	vxor.u32 v8, v16;
	v13 =	vxor.u32 v13, v17  }
0x278: {  	v20 =	vld [tilespmem:s30+$0xFFFFFFE0];
	v17 =	vshrl.u32 v11, $0xA;
	v18 =	vshrl.u32 v8, $0xA;
	v11 =	vand.u32 $0x3FF, v11  }
0x279: {  	v16 =	vld [tilespmem:s14+$0xFFFFFFD0];
	v8 =	vand.u32 $0x3FF, v8;
	v14 =	vshrl.u32 v13, $0xA;
	vm3 =	veq.s32 v17, v7  }
0x27a: {  	vm4 =	veq.s32 v18, v7;
	v11 =	vor.u32 v1, v11;
	vm1 =	veq.s32 v14, v7;
	v14 =	vld [tilespmem:s14+$0xFFFFFFB0]  }
0x27b: {  	s31 =	simm.s32 $0x140;
	v13 =	vand.u32 $0x3FF, v13;
	v8 =	vor.u32 v1, v8;
	v15 =	vshra.s32 v12, $0x1F  }
0x27c: {  	s16 =	sand.u32 $0xFFE0, s31;
	v13 =	vor.u32 v1, v13;
	v15 =	vor.u32 $0x80000000, v15  }
0x27d: {  	v6 =	vmov s13;
	v18 =	vshra.s32 v19, $0x1F;
	v12 =	vxor.u32 v12, v15;
	v15 =	vld [tilespmem:s16+$0x80]  }
0x27e: {  	v18 =	vor.u32 $0x80000000, v18;
	v17 =	vshra.s32 v16, $0x1F;
	[tilespmem:v9+s9+$0x0] =	vst.idx.add.s32.msk vm0, v2;
	v9 =	vshra.s32 v20, $0x1F  }
0x27f: {  	v17 =	vor.u32 $0x80000000, v17;
	v9 =	vor.u32 $0x80000000, v9;
	v23 =	vshra.s32 v14, $0x1F;
	[tilespmem:v11+s9+$0x0] =	vst.idx.add.s32.msk vm3, v2  }
0x280: {  	v11 =	vxor.u32 v16, v17;
	[tilespmem:v8+s9+$0x0] =	vst.idx.add.s32.msk vm4, v2;
	v22 =	vshrl.u32 v12, $0xA;
	v12 =	vand.u32 $0x3FF, v12  }
0x281: {  	[tilespmem:v13+s9+$0x0] =	vst.idx.add.s32.msk vm1, v2;
	v13 =	vor.u32 $0x80000000, v23;
	v8 =	vshrl.u32 v11, $0xA;
	v11 =	vand.u32 $0x3FF, v11  }
0x282: {  	vm1 =	veq.s32 v22, v7;
	v21 =	vor.u32 v1, v12;
	v16 =	vshra.s32 v15, $0x1F  }
0x283: {  	v23 =	vld [tilespmem:s30+$0x20];
	v12 =	vxor.u32 v14, v13;
	v13 =	vxor.u32 v19, v18;
	v16 =	vor.u32 $0x80000000, v16  }
0x284: {  	v17 =	vld [tilespmem:s30+$0xFFFFFFC0];
	v19 =	vshrl.u32 v10, $0xA;
	v10 =	vand.u32 $0x3FF, v10;
	v15 =	vxor.u32 v15, v16  }
0x285: {  	vm6 =	veq.s32 v8, v7;
	v14 =	vshrl.u32 v12, $0xA;
	v22 =	vshrl.u32 v15, $0xA  }
0x286: {  	vm7 =	veq.s32 v14, v7;
	v16 =	vld [tilespmem:s30+$0x0];
	v14 =	vand.u32 $0x3FF, v15;
	vm2 =	veq.s32 v22, v7  }
0x287: {  	v24 =	vor.u32 v1, v11;
	v12 =	vand.u32 $0x3FF, v12;
	v8 =	vor.u32 v1, v14  }
0x288: {  	v18 =	vshrl.u32 v13, $0xA;
	v13 =	vand.u32 $0x3FF, v13;
	v22 =	vor.u32 v1, v12  }
0x289: {  	v12 =	vor.u32 v1, v10;
	v10 =	vshra.s32 v17, $0x1F;
	v14 =	vshra.s32 v23, $0x1F  }
0x28a: {  	s15 =	simm.s32 $0x190;
	vm4 =	veq.s32 v19, v7;
	[tilespmem:v21+s9+$0x0] =	vst.idx.add.s32.msk vm1, v2;
	v10 =	vor.u32 $0x80000000, v10;
	v15 =	vor.u32 $0x80000000, v14  }
0x28b: {  	v10 =	vxor.u32 v17, v10;
	v17 =	vxor.u32 v23, v15;
	v15 =	vld [tilespmem:s15+$0xFFFFFFD0];
	v11 =	vshra.s32 v16, $0x1F  }
0x28c: {  	vm5 =	veq.s32 v18, v7;
	v13 =	vor.u32 v1, v13;
	v11 =	vor.u32 $0x80000000, v11;
	[tilespmem:v8+s9+$0x0] =	vst.idx.add.s32.msk vm2, v2  }
0x28d: {  	v21 =	vand.u32 $0x3FF, v17;
	v11 =	vxor.u32 v16, v11;
	v8 =	vxor.u32 v20, v9;
	v14 =	vld [tilespmem:s15+$0x40]  }
0x28e: {  	v9 =	vshrl.u32 v10, $0xA;
	v19 =	vshrl.u32 v11, $0xA;
	v10 =	vand.u32 $0x3FF, v10  }
0x28f: {  	v16 =	vld [tilespmem:s15+$0xFFFFFFF0];
	v20 =	vshrl.u32 v17, $0xA;
	v18 =	vshrl.u32 v8, $0xA;
	v8 =	vand.u32 $0x3FF, v8  }
0x290: {  	v17 =	vld [tilespmem:s15+$0x10];
	vm3 =	veq.s32 v9, v7;
	v9 =	vand.u32 $0x3FF, v11;
	vm1 =	veq.s32 v19, v7  }
0x291: {  	vm0 =	veq.s32 v20, v7;
	v11 =	vor.u32 v1, v10;
	vm2 =	veq.s32 v18, v7;
	v18 =	vld [tilespmem:s15+$0xFFFFFFB0]  }
0x292: {  	[tilespmem:v24+s9+$0x0] =	vst.idx.add.s32.msk vm6, v2;
	v20 =	vshra.s32 v15, $0x1F;
	v10 =	vor.u32 v1, v8;
	v19 =	vshra.s32 v14, $0x1F  }
0x293: {  	s17 =	simm.s32 $0x1E0;
	s16 =	simm.s32 $0x14;
	[tilespmem:v22+s9+$0x0] =	vst.idx.add.s32.msk vm7, v2;
	v9 =	vor.u32 v1, v9;
	v8 =	vor.u32 v1, v21;
	v19 =	vor.u32 $0x80000000, v19  }
.LBB2_22:
0x294: {  	s18 =	sand.u32 $0xFFE0, s17;
	s16 =	sadd.s32 $0xA, s16;
	v20 =	vor.u32 $0x80000000, v20;
	v21 =	vshra.s32 v16, $0x1F;
	v14 =	vxor.u32 v14, v19;
	[tilespmem:v13+s9+$0x0] =	vst.idx.add.s32.msk vm5, v2  }
0x295: {  	v13 =	vld [tilespmem:s18+$0x80];
	p1 =	slt.u32 s16, $0x9BA;
	v19 =	vor.u32 $0x80000000, v21;
	v21 =	vshra.s32 v17, $0x1F;
	v22 =	vshrl.u32 v14, $0xA  }
0x296: {  	v14 =	vand.u32 $0x3FF, v14;
	v23 =	vshra.s32 v18, $0x1F;
	vm5 =	veq.s32 v22, v7;
	[tilespmem:v12+s9+$0x0] =	vst.idx.add.s32.msk vm4, v2  }
0x297: {  	v21 =	vor.u32 $0x80000000, v21;
	v14 =	vor.u32 v1, v14;
	v12 =	vor.u32 $0x80000000, v23;
	v22 =	vld [tilespmem:s14+$0xFFFFFFC0]  }
0x298: {  	v15 =	vxor.u32 v15, v20;
	v16 =	vxor.u32 v16, v19;
	v12 =	vxor.u32 v18, v12;
	v18 =	vld [tilespmem:s14+$0xFFFFFFE0]  }
0x299: {  	v20 =	vshrl.u32 v15, $0xA;
	v17 =	vxor.u32 v17, v21;
	v19 =	vshrl.u32 v12, $0xA;
	v21 =	vld [tilespmem:s14+$0x0]  }
0x29a: {  	v24 =	vshrl.u32 v16, $0xA;
	v25 =	vshrl.u32 v17, $0xA;
	v23 =	vshra.s32 v13, $0x1F;
	v26 =	vld [tilespmem:s14+$0x20];
	s14 =	smov.u32 s15  }
0x29b: {  	v15 =	vand.u32 $0x3FF, v15;
	v12 =	vand.u32 $0x3FF, v12;
	v23 =	vor.u32 $0x80000000, v23;
	[tilespmem:v11+s9+$0x0] =	vst.idx.add.s32.msk vm3, v2  }
0x29c: {  	v11 =	vxor.u32 v13, v23;
	v13 =	vand.u32 $0x3FF, v16;
	v16 =	vand.u32 $0x3FF, v17;
	[tilespmem:v14+s9+$0x0] =	vst.idx.add.s32.msk vm5, v2  }
0x29d: {  	vm6 =	veq.s32 v20, v7;
	vm7 =	veq.s32 v19, v7;
	v14 =	vshrl.u32 v11, $0xA;
	[tilespmem:v10+s9+$0x0] =	vst.idx.add.s32.msk vm2, v2  }
0x29e: {  	vm5 =	veq.s32 v24, v7;
	v10 =	vand.u32 $0x3FF, v11;
	vm2 =	veq.s32 v14, v7;
	[tilespmem:v9+s9+$0x0] =	vst.idx.add.s32.msk vm1, v2  }
0x29f: {  	vm4 =	veq.s32 v25, v7;
	v19 =	vor.u32 v1, v12;
	v9 =	vor.u32 v1, v10  }
0x2a0: {  	v23 =	vor.u32 v1, v15;
	v13 =	vor.u32 v1, v13;
	v12 =	vor.u32 v1, v16  }
0x2a1: {  	v11 =	vshra.s32 v18, $0x1F;
	v10 =	vshra.s32 v22, $0x1F;
	v14 =	vshra.s32 v21, $0x1F;
	[tilespmem:v8+s9+$0x0] =	vst.idx.add.s32.msk vm0, v2  }
0x2a2: {  	v8 =	vor.u32 $0x80000000, v10;
	v10 =	vor.u32 $0x80000000, v11;
	v11 =	vshra.s32 v26, $0x1F  }
0x2a3: {  	v14 =	vor.u32 $0x80000000, v14;
	v8 =	vxor.u32 v22, v8;
	v11 =	vor.u32 $0x80000000, v11  }
0x2a4: {  	s15 =	sadd.s32 $0xA0, s15;
	v17 =	vxor.u32 v21, v14;
	v10 =	vxor.u32 v18, v10;
	[tilespmem:v9+s9+$0x0] =	vst.idx.add.s32.msk vm2, v2;
	v9 =	vshrl.u32 v8, $0xA  }
0x2a5: {  	v20 =	vshrl.u32 v17, $0xA;
	v18 =	vshrl.u32 v10, $0xA;
	v11 =	vxor.u32 v26, v11;
	v14 =	vld [tilespmem:s15+$0x40]  }
0x2a6: {  	v10 =	vand.u32 $0x3FF, v10;
	v8 =	vand.u32 $0x3FF, v8;
	v21 =	vshrl.u32 v11, $0xA;
	v15 =	vld [tilespmem:s15+$0xFFFFFFD0]  }
.Ltmp14:
0x2a7: {  	v22 =	vand.u32 $0x3FF, v11;
	vm3 =	veq.s32 v9, v7;
	v9 =	vand.u32 $0x3FF, v17;
	v16 =	vld [tilespmem:s15+$0xFFFFFFF0];
	(pc) =	sbr.rel @p1 .LBB2_22-.Ltmp14, $4  }
0x2a8: {  	vm1 =	veq.s32 v20, v7;
	vm2 =	veq.s32 v18, v7;
	vm0 =	veq.s32 v21, v7;
	v17 =	vld [tilespmem:s15+$0x10]  }
0x2a9: {  	v10 =	vor.u32 v1, v10;
	v11 =	vor.u32 v1, v8;
	v9 =	vor.u32 v1, v9;
	v18 =	vld [tilespmem:s15+$0xFFFFFFB0]  }
0x2aa: {  	v8 =	vor.u32 v1, v22;
	v21 =	vshra.s32 v14, $0x1F;
	[tilespmem:v19+s9+$0x0] =	vst.idx.add.s32.msk vm7, v2  }
0x2ab: {  	s17 =	sadd.s32 $0xA0, s17;
	v20 =	vshra.s32 v15, $0x1F;
	v19 =	vor.u32 $0x80000000, v21;
	[tilespmem:v23+s9+$0x0] =	vst.idx.add.s32.msk vm6, v2  }
0x2ac: {  	_ =	sdelay $0x2  }
0x2ad: {  	v20 =	vor.u32 $0x80000000, v20;
	v22 =	vshra.s32 v16, $0x1F;
	v23 =	vshra.s32 v17, $0x1F  }
0x2ae: {  	v22 =	vor.u32 $0x80000000, v22;
	v15 =	vxor.u32 v15, v20;
	v21 =	vshra.s32 v18, $0x1F  }
0x2af: {  	[tilespmem:v13+s9+$0x0] =	vst.idx.add.s32.msk vm5, v2;
	v23 =	vor.u32 $0x80000000, v23;
	v16 =	vxor.u32 v16, v22;
	v13 =	vshrl.u32 v15, $0xA  }
0x2b0: {  	v15 =	vand.u32 $0x3FF, v15;
	v21 =	vor.u32 $0x80000000, v21;
	v17 =	vxor.u32 v17, v23  }
0x2b1: {  	v52 =	vshrl.u32 v16, $0xA;
	vm13 =	veq.s32 v13, v7;
	v15 =	vor.u32 v1, v15  }
0x2b2: {  	[tilespmem:v12+s9+$0x0] =	vst.idx.add.s32.msk vm4, v2;
	v18 =	vxor.u32 v18, v21;
	v12 =	vshrl.u32 v17, $0xA;
	v17 =	vand.u32 $0x3FF, v17  }
0x2b3: {  	v53 =	vld [tilespmem:s14+$0x0];
	v20 =	vshrl.u32 v18, $0xA;
	v18 =	vand.u32 $0x3FF, v18;
	vm7 =	veq.s32 v12, v7  }
0x2b4: {  	v17 =	vor.u32 v1, v17;
	vm12 =	veq.s32 v20, v7;
	v13 =	vor.u32 v1, v18;
	v18 =	vld [tilespmem:s14+$0xFFFFFFE0]  }
0x2b5: {  	v16 =	vand.u32 $0x3FF, v16;
	vm6 =	veq.s32 v52, v7;
	v20 =	vld [tilespmem:s14+$0xFFFFFFC0]  }
0x2b6: {  	v12 =	vor.u32 v1, v16;
	v16 =	vld [tilespmem:s14+$0x20]  }
0x2b7: {  	v14 =	vxor.u32 v14, v19  }
0x2b8: {  	v19 =	vshrl.u32 v14, $0xA;
	v14 =	vand.u32 $0x3FF, v14;
	[tilespmem:v15+s9+$0x0] =	vst.idx.add.s32.msk vm13, v2  }
0x2b9: {  	vm14 =	veq.s32 v19, v7;
	v19 =	vshra.s32 v53, $0x1F;
	v15 =	vshra.s32 v18, $0x1F;
	[tilespmem:v17+s9+$0x0] =	vst.idx.add.s32.msk vm7, v2  }
0x2ba: {  	v17 =	vor.u32 $0x80000000, v19;
	[tilespmem:v13+s9+$0x0] =	vst.idx.add.s32.msk vm12, v2;
	v13 =	vor.u32 v1, v14;
	v14 =	vshra.s32 v20, $0x1F  }
0x2bb: {  	[tilespmem:v12+s9+$0x0] =	vst.idx.add.s32.msk vm6, v2;
	v12 =	vor.u32 $0x80000000, v15;
	v15 =	vshra.s32 v16, $0x1F;
	v17 =	vxor.u32 v53, v17  }
0x2bc: {  	v54 =	vld [tilespmem:s15+$0xFFFFFFE0];
	v14 =	vor.u32 $0x80000000, v14;
	v15 =	vor.u32 $0x80000000, v15;
	v12 =	vxor.u32 v18, v12  }
0x2bd: {  	v55 =	vshrl.u32 v17, $0xA;
	v17 =	vand.u32 $0x3FF, v17;
	v14 =	vxor.u32 v20, v14  }
0x2be: {  	v20 =	vshrl.u32 v12, $0xA;
	v15 =	vxor.u32 v16, v15;
	v12 =	vand.u32 $0x3FF, v12  }
0x2bf: {  	v18 =	vld [tilespmem:s15+$0xFFFFFFC0];
	vm10 =	veq.s32 v55, v7;
	v17 =	vor.u32 v1, v17;
	v19 =	vshrl.u32 v14, $0xA  }
0x2c0: {  	v16 =	vld [tilespmem:s15+$0x0];
	v14 =	vand.u32 $0x3FF, v14;
	v56 =	vshrl.u32 v15, $0xA;
	v15 =	vand.u32 $0x3FF, v15  }
0x2c1: {  	[tilespmem:v11+s9+$0x0] =	vst.idx.add.s32.msk vm3, v2;
	vm8 =	veq.s32 v20, v7;
	v12 =	vor.u32 v1, v12;
	v57 =	vshra.s32 v54, $0x1F  }
0x2c2: {  	vm15 =	veq.s32 v19, v7;
	v19 =	vld [tilespmem:s15+$0x20];
	vm11 =	veq.s32 v56, v7;
	v11 =	vor.u32 $0x80000000, v57  }
0x2c3: {  	v14 =	vor.u32 v1, v14;
	v15 =	vor.u32 v1, v15;
	v11 =	vxor.u32 v54, v11  }
0x2c4: {  	[tilespmem:v10+s9+$0x0] =	vst.idx.add.s32.msk vm2, v2;
	v20 =	vshra.s32 v18, $0x1F;
	v10 =	vshrl.u32 v11, $0xA;
	v11 =	vand.u32 $0x3FF, v11  }
0x2c5: {  	v20 =	vor.u32 $0x80000000, v20;
	v58 =	vshra.s32 v16, $0x1F;
	vm13 =	veq.s32 v10, v7  }
0x2c6: {  	[tilespmem:v9+s9+$0x0] =	vst.idx.add.s32.msk vm1, v2;
	v11 =	vor.u32 v1, v11;
	v18 =	vxor.u32 v18, v20;
	v59 =	vor.u32 $0x80000000, v58  }
0x2c7: {  	[tilespmem:v13+s9+$0x0] =	vst.idx.add.s32.msk vm14, v2;
	v20 =	vshra.s32 v19, $0x1F;
	v13 =	vshrl.u32 v18, $0xA;
	v16 =	vxor.u32 v16, v59  }
0x2c8: {  	[tilespmem:v8+s9+$0x0] =	vst.idx.add.s32.msk vm0, v2;
	v9 =	vand.u32 $0x3FF, v18;
	v20 =	vor.u32 $0x80000000, v20;
	v60 =	vshrl.u32 v16, $0xA  }
0x2c9: {  	vm12 =	veq.s32 v13, v7;
	v9 =	vor.u32 v1, v9;
	v19 =	vxor.u32 v19, v20  }
0x2ca: {  	[tilespmem:v12+s9+$0x0] =	vst.idx.add.s32.msk vm8, v2;
	v10 =	vand.u32 $0x3FF, v16;
	vm14 =	veq.s32 v60, v7;
	v8 =	vshrl.u32 v19, $0xA  }
0x2cb: {  	[tilespmem:v14+s9+$0x0] =	vst.idx.add.s32.msk vm15, v2;
	v12 =	vand.u32 $0x3FF, v19;
	vm15 =	veq.s32 v8, v7;
	v7 =	vor.u32 v1, v10  }
0x2cc: {  	[tilespmem:v17+s9+$0x0] =	vst.idx.add.s32.msk vm10, v2;
	v8 =	vor.u32 v1, v12  }
0x2cd: {  	[tilespmem:v15+s9+$0x0] =	vst.idx.add.s32.msk vm11, v2  }
0x2ce: {  	[tilespmem:v11+s9+$0x0] =	vst.idx.add.s32.msk vm13, v2  }
0x2cf: {  	[tilespmem:v9+s9+$0x0] =	vst.idx.add.s32.msk vm12, v2  }
0x2d0: {  	s22 =	simm.s32 $0x0;
	[tilespmem:v7+s9+$0x0] =	vst.idx.add.s32.msk vm14, v2  }
0x2d1: {  	s17 =	simm.s32 $0x9C90;
	s16 =	sand.u32 $0x380, s22;
	[tilespmem:v8+s9+$0x0] =	vst.idx.add.s32.msk vm15, v2  }
0x2d2: {  	s23 =	simm.s32 $0x10;
	s18 =	sadd.s32 $0xA480, s16;
	s14 =	sand.u32 $0x60, s22;
	v7 =	vld [tilespmem:s17+$0xFFFFFFF0]  }
0x2d3: {  	s19 =	sor.u32 s14, s18;
	s15 =	sand.u32 $0x70, s23;
	[tilespmem:s17+$0xFFFFFFF0] =	vst v0;
	v8 =	vld [tilespmem:s17+$0x0]  }
0x2d4: {  	s20 =	sadd.s32 $0xAC80, s16;
	s24 =	sor.u32 s15, s18;
	[tilespmem:s17+$0x0] =	vst v0;
	v9 =	vld [tilespmem:s19+$0x0]  }
0x2d5: {  	s25 =	sor.u32 s14, s20;
	[tilespmem:s19+$0x0] =	vst v0;
	v10 =	vld [tilespmem:s24+$0x0]  }
0x2d6: {  	s26 =	sadd.s32 $0xB480, s16;
	s28 =	sor.u32 s15, s20;
	[tilespmem:s24+$0x0] =	vst v0;
	v11 =	vld [tilespmem:s25+$0x0]  }
0x2d7: {  	s29 =	sor.u32 s14, s26;
	[tilespmem:s25+$0x0] =	vst v0;
	v12 =	vld [tilespmem:s28+$0x0]  }
0x2d8: {  	s30 =	sadd.s32 $0xBC80, s16;
	s31 =	sor.u32 s15, s26;
	[tilespmem:s28+$0x0] =	vst v0;
	v13 =	vld [tilespmem:s29+$0x0]  }
0x2d9: {  	s19 =	sor.u32 s14, s30;
	[tilespmem:s29+$0x0] =	vst v0;
	v14 =	vld [tilespmem:s31+$0x0]  }
0x2da: {  	s21 =	sadd.s32 $0xC480, s16;
	s22 =	sor.u32 s15, s30;
	[tilespmem:s31+$0x0] =	vst v0;
	v15 =	vld [tilespmem:s19+$0x0]  }
0x2db: {  	s23 =	sor.u32 s14, s21;
	[tilespmem:s19+$0x0] =	vst v0;
	v16 =	vld [tilespmem:s22+$0x0]  }
0x2dc: {  	s24 =	sadd.s32 $0xCC80, s16;
	s25 =	sor.u32 s15, s21;
	[tilespmem:s22+$0x0] =	vst v0;
	v17 =	vld [tilespmem:s23+$0x0]  }
0x2dd: {  	s26 =	sor.u32 s14, s24;
	[tilespmem:s23+$0x0] =	vst v0;
	v18 =	vld [tilespmem:s25+$0x0]  }
0x2de: {  	s28 =	sadd.s32 $0xD480, s16;
	s29 =	sor.u32 s15, s24;
	[tilespmem:s25+$0x0] =	vst v0;
	v19 =	vld [tilespmem:s26+$0x0]  }
0x2df: {  	s30 =	sor.u32 s14, s28;
	[tilespmem:s26+$0x0] =	vst v0;
	v20 =	vld [tilespmem:s29+$0x0]  }
0x2e0: {  	s31 =	sadd.s32 $0xDC80, s16;
	s21 =	sor.u32 s15, s28;
	[tilespmem:s29+$0x0] =	vst v0;
	v61 =	vld [tilespmem:s30+$0x0]  }
0x2e1: {  	s22 =	sor.u32 s14, s31;
	[tilespmem:s30+$0x0] =	vst v0;
	v62 =	vld [tilespmem:s21+$0x0]  }
0x2e2: {  	s24 =	sor.u32 s15, s31;
	s23 =	sadd.s32 $0xE480, s16;
	[tilespmem:s21+$0x0] =	vst v0;
	v63 =	vld [tilespmem:s22+$0x0]  }
0x2e3: {  	s25 =	sor.u32 s14, s23;
	[tilespmem:s22+$0x0] =	vst v0;
	v24 =	vld [tilespmem:s24+$0x0]  }
0x2e4: {  	s26 =	sadd.s32 $0xEC80, s16;
	s28 =	sor.u32 s15, s23;
	[tilespmem:s24+$0x0] =	vst v0;
	v25 =	vld [tilespmem:s25+$0x0]  }
0x2e5: {  	s29 =	sor.u32 s14, s26;
	[tilespmem:s25+$0x0] =	vst v0;
	v26 =	vld [tilespmem:s28+$0x0]  }
0x2e6: {  	s30 =	sadd.s32 $0xF480, s16;
	s31 =	sor.u32 s15, s26;
	[tilespmem:s28+$0x0] =	vst v0;
	v27 =	vld [tilespmem:s29+$0x0]  }
0x2e7: {  	v7 =	vadd.s32 v7, v9;
	s20 =	sor.u32 s14, s30;
	[tilespmem:s29+$0x0] =	vst v0;
	v28 =	vld [tilespmem:s31+$0x0]  }
0x2e8: {  	v8 =	vadd.s32 v8, v10;
	v7 =	vadd.s32 v11, v7;
	s21 =	sadd.s32 $0xFC80, s16;
	s22 =	sor.u32 s15, s30;
	[tilespmem:s31+$0x0] =	vst v0;
	v29 =	vld [tilespmem:s20+$0x0]  }
0x2e9: {  	v9 =	vadd.s32 v12, v8;
	v7 =	vadd.s32 v13, v7;
	s23 =	sor.u32 s14, s21;
	[tilespmem:s20+$0x0] =	vst v0;
	v8 =	vld [tilespmem:s22+$0x0]  }
0x2ea: {  	s24 =	sadd.s32 $0x10480, s16;
	v9 =	vadd.s32 v14, v9;
	v7 =	vadd.s32 v15, v7;
	s25 =	sor.u32 s15, s21;
	[tilespmem:s22+$0x0] =	vst v0;
	v11 =	vld [tilespmem:s23+$0x0]  }
0x2eb: {  	s26 =	sor.u32 s14, s24;
	v10 =	vadd.s32 v16, v9;
	v7 =	vadd.s32 v17, v7;
	[tilespmem:s23+$0x0] =	vst v0;
	v9 =	vld [tilespmem:s25+$0x0]  }
0x2ec: {  	p2 =	por $0x1, $0x1;
	s28 =	sadd.s32 $0x10C80, s16;
	v10 =	vadd.s32 v18, v10;
	s29 =	sor.u32 s15, s24;
	v7 =	vadd.s32 v19, v7;
	[tilespmem:s25+$0x0] =	vst v0;
	v13 =	vld [tilespmem:s26+$0x0]  }
.Ltmp15:
0x2ed: {  	s30 =	sor.u32 s14, s28;
	v10 =	vadd.s32 v20, v10;
	v7 =	vadd.s32 v61, v7;
	[tilespmem:s26+$0x0] =	vst v0;
	v12 =	vld [tilespmem:s29+$0x0];
	(pc) =	sbr.rel @!p2 .LBB2_24-.Ltmp15, $4  }
0x2ee: {  	s16 =	sadd.s32 $0x11480, s16;
	s31 =	sor.u32 s15, s28;
	v10 =	vadd.s32 v62, v10;
	v7 =	vadd.s32 v63, v7;
	[tilespmem:s29+$0x0] =	vst v0;
	v15 =	vld [tilespmem:s30+$0x0]  }
0x2ef: {  	s21 =	sor.u32 s14, s16;
	v10 =	vadd.s32 v24, v10;
	v7 =	vadd.s32 v25, v7;
	[tilespmem:s30+$0x0] =	vst v0;
	v14 =	vld [tilespmem:s31+$0x0]  }
0x2f0: {  	p1 =	por $0x0, $0x0;
	s22 =	sor.u32 s15, s16;
	v10 =	vadd.s32 v26, v10;
	[tilespmem:s31+$0x0] =	vst v0;
	v7 =	vadd.s32 v27, v7;
	v17 =	vld [tilespmem:s21+$0x0]  }
0x2f1: {  	s17 =	simm.s32 $0x30;
	s14 =	simm.s32 $0x1;
	s15 =	simm.s32 $0x11C90;
	v18 =	vadd.s32 v28, v10;
	v16 =	vld [tilespmem:s22+$0x0];
	v19 =	vadd.s32 v29, v7  }
0x2f2: {  	s18 =	simm.s32 $0x20;
	v7 =	vadd.s32 v11, v19  }
0x2f3: {  	[tilespmem:s21+$0x0] =	vst v0;
	s16 =	simm.s32 $0x9CB0;
	s20 =	sand.u32 $0x380, s18;
	v7 =	vadd.s32 v13, v7  }
0x2f4: {  	[tilespmem:s22+$0x0] =	vst v0;
	v11 =	vld [tilespmem:s16+$0xFFFFFFF0];
	s18 =	sand.u32 $0x60, s18;
	s19 =	sadd.s32 $0xA480, s20;
	v7 =	vadd.s32 v15, v7  }
0x2f5: {  	s17 =	sand.u32 $0x70, s17;
	[tilespmem:s16+$0xFFFFFFF0] =	vst v0;
	v13 =	vld [tilespmem:s16+$0x0];
	s30 =	sor.u32 s18, s19;
	v10 =	vadd.s32 v17, v7  }
0x2f6: {  	[tilespmem:s16+$0x0] =	vst v0;
	s31 =	sadd.s32 $0xAC80, s20;
	s19 =	sor.u32 s17, s19;
	v7 =	vadd.s32 v8, v18;
	v15 =	vld [tilespmem:s30+$0x0];
	(xrf0) =	vadd.scan.msk.s32 $0xffff, v10  }
0x2f7: {  	s24 =	sor.u32 s18, s31;
	[tilespmem:s30+$0x0] =	vst v0;
	v8 =	vld [tilespmem:s19+$0x0];
	v7 =	vadd.s32 v9, v7  }
0x2f8: {  	s23 =	sadd.s32 $0xB480, s20;
	s25 =	sor.u32 s17, s31;
	[tilespmem:s19+$0x0] =	vst v0;
	v9 =	vld [tilespmem:s24+$0x0];
	v7 =	vadd.s32 v12, v7  }
0x2f9: {  	s26 =	sor.u32 s18, s23;
	[tilespmem:s24+$0x0] =	vst v0;
	v12 =	vld [tilespmem:s25+$0x0];
	v7 =	vadd.s32 v14, v7  }
0x2fa: {  	s28 =	sadd.s32 $0xBC80, s20;
	s29 =	sor.u32 s17, s23;
	[tilespmem:s25+$0x0] =	vst v0;
	v14 =	vld [tilespmem:s26+$0x0];
	v7 =	vadd.s32 v16, v7  }
0x2fb: {  	s30 =	sor.u32 s18, s28;
	[tilespmem:s26+$0x0] =	vst v0;
	v16 =	vld [tilespmem:s29+$0x0];
	(xrf0) =	vadd.scan.msk.s32 $0xffff, v7  }
0x2fc: {  	s31 =	sadd.s32 $0xC480, s20;
	s24 =	sor.u32 s17, s28;
	v17 =	vld [tilespmem:s30+$0x0];
	[tilespmem:s29+$0x0] =	vst v0;
	v18, _, _ =	vpop (xrf0)  }
0x2fd: {  	s28 =	sor.u32 s17, s31;
	s26 =	sadd.s32 $0xCC80, s20;
	v19 =	vld [tilespmem:s24+$0x0];
	[tilespmem:s24+$0x0] =	vst v0;
	(v2sf) =	vpush v18, $0xF  }
0x2fe: {  	s25 =	sor.u32 s18, s31;
	s31 =	sor.u32 s17, s26;
	v20 =	vld [tilespmem:s28+$0x0];
	[tilespmem:s28+$0x0] =	vst v0  }
0x2ff: {  	[tilespmem:s30+$0x0] =	vst v0;
	v22 =	vld [tilespmem:s31+$0x0]  }
0x300: {  	s29 =	sor.u32 s18, s26;
	s30 =	sadd.s32 $0xD480, s20;
	v18 =	vld [tilespmem:s25+$0x0];
	[tilespmem:s25+$0x0] =	vst v0  }
0x301: {  	[tilespmem:s31+$0x0] =	vst v0;
	s25 =	sor.u32 s17, s30;
	v21 =	vld [tilespmem:s29+$0x0];
	v23, _, _ =	vpop (xrf0)  }
0x302: {  	s22 =	sor.u32 s18, s30;
	s24 =	sadd.s32 $0xDC80, s20;
	[tilespmem:s29+$0x0] =	vst v0;
	v63 =	vld [tilespmem:s25+$0x0];
	(v2sf) =	vpush v23, $0xF  }
0x303: {  	[tilespmem:s25+$0x0] =	vst v0;
	s29 =	sor.u32 s17, s24;
	v24 =	vld [tilespmem:s22+$0x0]  }
0x304: {  	s26 =	sor.u32 s18, s24;
	s28 =	sadd.s32 $0xE480, s20;
	[tilespmem:s22+$0x0] =	vst v0;
	v26 =	vld [tilespmem:s29+$0x0]  }
0x305: {  	s23 =	sor.u32 s17, s28;
	[tilespmem:s29+$0x0] =	vst v0;
	v25 =	vld [tilespmem:s26+$0x0]  }
0x306: {  	s31 =	sadd.s32 $0xEC80, s20;
	s30 =	sor.u32 s18, s28;
	[tilespmem:s26+$0x0] =	vst v0;
	v28 =	vld [tilespmem:s23+$0x0]  }
0x307: {  	[tilespmem:s23+$0x0] =	vst v0;
	s26 =	sor.u32 s17, s31;
	v27 =	vld [tilespmem:s30+$0x0]  }
0x308: {  	s24 =	sor.u32 s18, s31;
	s25 =	sadd.s32 $0xF480, s20;
	[tilespmem:s30+$0x0] =	vst v0;
	v30 =	vld [tilespmem:s26+$0x0]  }
0x309: {  	v11 =	vadd.s32 v11, v15;
	[tilespmem:s26+$0x0] =	vst v0;
	s30 =	sor.u32 s17, s25;
	v29 =	vld [tilespmem:s24+$0x0]  }
0x30a: {  	v9 =	vadd.s32 v9, v11;
	v11 =	vadd.s32 v13, v8;
	s28 =	sor.u32 s18, s25;
	s29 =	sadd.s32 $0xFC80, s20;
	[tilespmem:s24+$0x0] =	vst v0;
	v8 =	vld [tilespmem:s30+$0x0]  }
0x30b: {  	v9 =	vadd.s32 v14, v9;
	v12 =	vadd.s32 v12, v11;
	s22 =	sor.u32 s17, s29;
	[tilespmem:s30+$0x0] =	vst v0;
	v31 =	vld [tilespmem:s28+$0x0]  }
0x30c: {  	v13 =	vadd.s32 v17, v9;
	v12 =	vadd.s32 v16, v12;
	s31 =	sor.u32 s18, s29;
	s24 =	sadd.s32 $0x10480, s20;
	[tilespmem:s28+$0x0] =	vst v0;
	v9 =	vld [tilespmem:s22+$0x0];
	s25 =	spop (v2sf)  }
0x30d: {  	v12 =	vadd.s32 v19, v12;
	v13 =	vadd.s32 v18, v13;
	s26 =	sor.u32 s18, s24;
	v11 =	vld [tilespmem:s31+$0x0];
	[tilespmem:s31+$0x0] =	vst v0;
	[smem:$0x0] =	sst s25  }
0x30e: {  	p3 =	por $0x1, $0x1;
	v12 =	vadd.s32 v20, v12;
	v14 =	vadd.s32 v21, v13;
	s28 =	sadd.s32 $0x10C80, s20;
	[tilespmem:s22+$0x0] =	vst v0;
	s22 =	sor.u32 s17, s24;
	v13 =	vld [tilespmem:s26+$0x0]  }
.Ltmp16:
0x30f: {  	v16 =	vadd.s32 v22, v12;
	v14 =	vadd.s32 v24, v14;
	s29 =	sor.u32 s18, s28;
	[tilespmem:s26+$0x0] =	vst v0;
	v12 =	vld [tilespmem:s22+$0x0];
	(pc) =	sbr.rel @!p3 .LBB2_26-.Ltmp16, $4  }
0x310: {  	s20 =	sadd.s32 $0x11480, s20;
	v16 =	vadd.s32 v63, v16;
	s30 =	sor.u32 s17, s28;
	v14 =	vadd.s32 v25, v14;
	[tilespmem:s22+$0x0] =	vst v0;
	v15 =	vld [tilespmem:s29+$0x0]  }
0x311: {  	p2 =	por $0x1, $0x1;
	s21 =	sor.u32 s18, s20;
	v16 =	vadd.s32 v26, v16;
	v17 =	vadd.s32 v27, v14;
	[tilespmem:s29+$0x0] =	vst v0;
	v14 =	vld [tilespmem:s30+$0x0];
	s31 =	spop (v2sf)  }
0x312: {  	s19 =	simm.s32 $0x2;
	v16 =	vadd.s32 v28, v16;
	v18 =	vadd.s32 v29, v17;
	s22 =	sor.u32 s17, s20;
	[tilespmem:s30+$0x0] =	vst v0;
	v17 =	vld [tilespmem:s21+$0x0];
	[smem:s14] =	sst s31  }
0x313: {  	s18 =	simm.s32 $0x1;
	v19 =	vadd.s32 v31, v18;
	v18 =	vadd.s32 v30, v16;
	s20 =	simm.s32 $0x50;
	s17 =	simm.s32 $0x11C90;
	v16 =	vld [tilespmem:s22+$0x0];
	[tilespmem:s15+$0xFFFFFFF0] =	vst v10  }
.LBB2_27:
0x314: {  	s23 =	sadd.s32 $0xFFFFFFF0, s20;
	v10 =	vadd.s32 v11, v19;
	[tilespmem:s21+$0x0] =	vst v0;
	v8 =	vadd.s32 v8, v18  }
0x315: {  	s16 =	sadd.s32 $0x20, s16;
	s21 =	sand.u32 $0x380, s23;
	v10 =	vadd.s32 v13, v10;
	v8 =	vadd.s32 v9, v8;
	[tilespmem:s22+$0x0] =	vst v0  }
0x316: {  	s22 =	sand.u32 $0x60, s23;
	v9 =	vld [tilespmem:s16+$0xFFFFFFF0];
	s24 =	sadd.s32 $0xA480, s21;
	v10 =	vadd.s32 v15, v10;
	v8 =	vadd.s32 v12, v8;
	[tilespmem:s17+$0x0] =	vst v7  }
0x317: {  	s23 =	sand.u32 $0x70, s20;
	[tilespmem:s16+$0xFFFFFFF0] =	vst v0;
	s25 =	sor.u32 s22, s24;
	v11 =	vld [tilespmem:s16+$0x0];
	v10 =	vadd.s32 v17, v10;
	v7 =	vadd.s32 v14, v8  }
0x318: {  	s26 =	sadd.s32 $0xAC80, s21;
	s24 =	sor.u32 s23, s24;
	v8 =	vld [tilespmem:s25+$0x0];
	[tilespmem:s16+$0x0] =	vst v0;
	v7 =	vadd.s32 v16, v7;
	(xrf0) =	vadd.scan.msk.s32 $0xffff, v10  }
0x319: {  	[tilespmem:s25+$0x0] =	vst v0;
	s25 =	sor.u32 s22, s26;
	v12 =	vld [tilespmem:s24+$0x0];
	(xrf0) =	vadd.scan.msk.s32 $0xffff, v7  }
0x31a: {  	s28 =	sadd.s32 $0xB480, s21;
	v13 =	vld [tilespmem:s25+$0x0];
	[tilespmem:s24+$0x0] =	vst v0;
	s24 =	sor.u32 s23, s26  }
0x31b: {  	[tilespmem:s25+$0x0] =	vst v0;
	s25 =	sor.u32 s22, s28;
	v14 =	vld [tilespmem:s24+$0x0]  }
0x31c: {  	s26 =	sadd.s32 $0xBC80, s21;
	v15 =	vld [tilespmem:s25+$0x0];
	[tilespmem:s24+$0x0] =	vst v0;
	s24 =	sor.u32 s23, s28  }
0x31d: {  	[tilespmem:s25+$0x0] =	vst v0;
	s25 =	sor.u32 s22, s26;
	v16 =	vld [tilespmem:s24+$0x0]  }
0x31e: {  	s28 =	sadd.s32 $0xC480, s21;
	v17 =	vld [tilespmem:s25+$0x0];
	[tilespmem:s24+$0x0] =	vst v0;
	s24 =	sor.u32 s23, s26;
	v18, _, _ =	vpop (xrf0)  }
0x31f: {  	[tilespmem:s25+$0x0] =	vst v0;
	s25 =	sor.u32 s22, s28;
	v19 =	vld [tilespmem:s24+$0x0];
	(v2sf) =	vpush v18, $0xF;
	v18, _, _ =	vpop (xrf0)  }
0x320: {  	s26 =	sadd.s32 $0xCC80, s21;
	v20 =	vld [tilespmem:s25+$0x0];
	[tilespmem:s24+$0x0] =	vst v0;
	s24 =	sor.u32 s23, s28;
	(v2sf) =	vpush v18, $0xF  }
0x321: {  	[tilespmem:s25+$0x0] =	vst v0;
	s25 =	sor.u32 s22, s26;
	v18 =	vld [tilespmem:s24+$0x0]  }
0x322: {  	s28 =	sadd.s32 $0xD480, s21;
	v21 =	vld [tilespmem:s25+$0x0];
	[tilespmem:s24+$0x0] =	vst v0;
	s24 =	sor.u32 s23, s26  }
0x323: {  	s19 =	sadd.s32 $0x2, s19;
	[tilespmem:s25+$0x0] =	vst v0;
	s25 =	sor.u32 s22, s28;
	v22 =	vld [tilespmem:s24+$0x0]  }
0x324: {  	p3 =	slt.u32 s19, $0x3E;
	s26 =	sadd.s32 $0xDC80, s21;
	v23 =	vld [tilespmem:s25+$0x0];
	[tilespmem:s24+$0x0] =	vst v0;
	s24 =	sor.u32 s23, s28  }
0x325: {  	[tilespmem:s25+$0x0] =	vst v0;
	s25 =	sor.u32 s22, s26;
	v24 =	vld [tilespmem:s24+$0x0]  }
0x326: {  	s28 =	sadd.s32 $0xE480, s21;
	v25 =	vld [tilespmem:s25+$0x0];
	[tilespmem:s24+$0x0] =	vst v0;
	s24 =	sor.u32 s23, s26  }
0x327: {  	[tilespmem:s25+$0x0] =	vst v0;
	s25 =	sor.u32 s22, s28;
	v26 =	vld [tilespmem:s24+$0x0]  }
0x328: {  	s26 =	sadd.s32 $0xEC80, s21;
	v27 =	vld [tilespmem:s25+$0x0];
	[tilespmem:s24+$0x0] =	vst v0;
	s24 =	sor.u32 s23, s28  }
0x329: {  	[tilespmem:s25+$0x0] =	vst v0;
	s25 =	sor.u32 s22, s26;
	v28 =	vld [tilespmem:s24+$0x0]  }
0x32a: {  	s28 =	sadd.s32 $0xF480, s21;
	v29 =	vld [tilespmem:s25+$0x0];
	[tilespmem:s24+$0x0] =	vst v0;
	s24 =	sor.u32 s23, s26  }
0x32b: {  	v8 =	vadd.s32 v9, v8;
	[tilespmem:s25+$0x0] =	vst v0;
	s25 =	sor.u32 s22, s28;
	v30 =	vld [tilespmem:s24+$0x0]  }
0x32c: {  	v9 =	vadd.s32 v11, v12;
	v8 =	vadd.s32 v13, v8;
	s26 =	sadd.s32 $0xFC80, s21;
	v31 =	vld [tilespmem:s25+$0x0];
	[tilespmem:s24+$0x0] =	vst v0;
	s24 =	sor.u32 s23, s28  }
0x32d: {  	s18 =	sadd.s32 $0x2, s18;
	v9 =	vadd.s32 v14, v9;
	v11 =	vadd.s32 v15, v8;
	[tilespmem:s25+$0x0] =	vst v0;
	s25 =	sor.u32 s22, s26;
	v8 =	vld [tilespmem:s24+$0x0]  }
0x32e: {  	v9 =	vadd.s32 v16, v9;
	v12 =	vadd.s32 v17, v11;
	s28 =	sadd.s32 $0x10480, s21;
	v11 =	vld [tilespmem:s25+$0x0];
	[tilespmem:s24+$0x0] =	vst v0;
	s24 =	sor.u32 s23, s26;
	s26 =	spop (v2sf)  }
0x32f: {  	v14 =	vadd.s32 v19, v9;
	v12 =	vadd.s32 v20, v12;
	[tilespmem:s25+$0x0] =	vst v0;
	s25 =	sor.u32 s22, s28;
	v9 =	vld [tilespmem:s24+$0x0];
	[smem:s18+$0xFFFFFFFF] =	sst s26;
	s26 =	spop (v2sf)  }
0x330: {  	s29 =	sadd.s32 $0x10C80, s21;
	v14 =	vadd.s32 v18, v14;
	v12 =	vadd.s32 v21, v12;
	v13 =	vld [tilespmem:s25+$0x0];
	[tilespmem:s24+$0x0] =	vst v0;
	s24 =	sor.u32 s23, s28;
	[smem:s18] =	sst s26  }
.Ltmp17:
0x331: {  	v14 =	vadd.s32 v22, v14;
	v15 =	vadd.s32 v23, v12;
	[tilespmem:s25+$0x0] =	vst v0;
	s25 =	sor.u32 s22, s29;
	v12 =	vld [tilespmem:s24+$0x0];
	(pc) =	sbr.rel @p3 .LBB2_27-.Ltmp17, $4  }
0x332: {  	v14 =	vadd.s32 v24, v14;
	v16 =	vadd.s32 v25, v15;
	s26 =	sadd.s32 $0x11480, s21;
	v15 =	vld [tilespmem:s25+$0x0];
	[tilespmem:s24+$0x0] =	vst v0;
	s24 =	sor.u32 s23, s29  }
0x333: {  	v18 =	vadd.s32 v26, v14;
	v16 =	vadd.s32 v27, v16;
	s21 =	sor.u32 s22, s26;
	[tilespmem:s25+$0x0] =	vst v0;
	v14 =	vld [tilespmem:s24+$0x0]  }
0x334: {  	s17 =	sadd.s32 $0x20, s17;
	v18 =	vadd.s32 v28, v18;
	v16 =	vadd.s32 v29, v16;
	s22 =	sor.u32 s23, s26;
	v17 =	vld [tilespmem:s21+$0x0];
	[tilespmem:s24+$0x0] =	vst v0  }
0x335: {  	s20 =	sadd.s32 $0x20, s20;
	v18 =	vadd.s32 v30, v18;
	v19 =	vadd.s32 v31, v16;
	v16 =	vld [tilespmem:s22+$0x0];
	[tilespmem:s17+$0xFFFFFFF0] =	vst v10  }
.LBB2_28:
0x336: {  	v10 =	vadd.s32 v11, v19;
	v8 =	vadd.s32 v8, v18  }
0x337: {  	v10 =	vadd.s32 v13, v10;
	v8 =	vadd.s32 v9, v8  }
0x338: {  	v63 =	vadd.s32 v15, v10;
	v8 =	vadd.s32 v12, v8  }
0x339: {  	v9 =	vadd.s32 v17, v63;
	v8 =	vadd.s32 v14, v8  }
0x33a: {  	v8 =	vadd.s32 v16, v8;
	(xrf0) =	vadd.scan.msk.s32 $0xffff, v9  }
0x33b: {  	(xrf0) =	vadd.scan.msk.s32 $0xffff, v8  }
0x33c: {  	vm0 =	vge.s32 v5, v6  }
0x33d: {  	v4 =	vsel vm0, $0x0, v4  }
0x33e: {  	(xrf0) =	vadd.scan.msk.s32 $0xffff, v4;
	_ =	sdelay $0x1  }
0x33f: {  	v4, _, _ =	vpop (xrf0)  }
0x340: {  	(v2sf) =	vpush v4, $0xF;
	v4, _, _ =	vpop (xrf0)  }
0x341: {  	(v2sf) =	vpush v4, $0xF;
	_ =	sdelay $0x1  }
0x342: {  	v4, _, _ =	vpop (xrf0)  }
0x343: {  	(v2sf) =	vpush v4, $0xF;
	_ =	sdelay $0x9  }
0x344: {  	[tilespmem:s21+$0x0] =	vst v0;
	s16 =	sadd.s32 @p2 $0x2, s18  }
0x345: {  	[tilespmem:s22+$0x0] =	vst v0;
	s14 =	smov.u32 @p2 s16;
	s29 =	spop (v2sf)  }
0x346: {  	s18 =	sadd.s32 @p2 $0x20, s17;
	[smem:s14+$0xFFFFFFFF] =	sst s29;
	s30 =	spop (v2sf)  }
0x347: {  	[tilespmem:s17+$0x0] =	vst @p2 v7;
	s15 =	smov.u32 @p2 s18;
	[smem:s14] =	sst s30  }
0x348: {  	[tilespmem:s15+$0xFFFFFFF0] =	vst v9  }
0x349: {  	s31 =	spop (v2sf);
	[tilespmem:s15+$0x0] =	vst v8  }
0x34a: {  	s15 =	sld [smem:$0x3F]  }
0x34b: {  	s17 =	simm.s32 $0x3F  }
0x34c: {  	s19 =	simm.s32 $0x3E;
	p4 =	por !p1, !p1;
	s20 =	simm.s32 $0x3E  }
0x34d: {  	s16 =	simm.s32 $0x0;
	s13 =	ssub.s32 s13, s31;
	s18 =	sadd.s32 $0x0, s15  }
0x34e: {  	s14 =	simm.s32 $0x0;
	s15 =	simm.s32 $0x0;
	p2 =	sge.s32 s18, s13  }
.LBB2_29:
0x34f: {  	s21 =	sld [smem:s20+$0x0];
	p4 =	por !p2, !p4;
	s22 =	ssub.s32 s13, s16  }
0x350: {  	s23 =	smov.u32 s19;
	s16 =	smov.u32 s18;
	p3 =	sne.s32 s19, $0x0  }
.Ltmp18:
0x351: {  	s19 =	sadd.s32 $0xFFFFFFFF, s19;
	p4 =	por !p4, !p4;
	(pc) =	sbr.rel @p3 .LBB2_29-.Ltmp18, $4  }
0x352: {  	s14 =	smov.u32 @p4 s17;
	s15 =	smov.u32 @p4 s22;
	s17 =	smov.u32 s23  }
0x353: {  	_ = 	snop  }
0x354: {  	p1 =	por p1, p2;
	s18 =	sadd.s32 s18, s21  }
0x355: {  	s20 =	sadd.s32 $0xFFFFFFFF, s20;
	p4 =	por !p1, !p1;
	p2 =	sge.s32 s18, s13  }
0x356: {  	p1 =	por !p2, !p4  }
0x357: {  	p1 =	por !p1, !p1  }
0x358: {  	s14 =	smov.u32 @p1 s17  }
0x359: {  	s14 =	sshll.u32 s14, $0x4  }
0x35a: {  	v4 =	vld [tilespmem:s14+$0x11C80];
	_ =	sdelay $0x4  }
0x35b: {  	v4 =	vperm.xlane v4, v3;
	_ =	sdelay $0x1  }
0x35c: {  	(xrf0) =	vadd.scan.msk.s32 $0xffff, v4;
	_ =	sdelay $0x5  }
0x35d: {  	v4, _, _ =	vpop (xrf0)  }
0x35e: {  	s13 =	ssub.s32 s13, s16;
	v4 =	vperm.xlane v4, v3  }
0x35f: {  	s15 =	smov.u32 @p1 s13  }
0x360: {  	vm0 =	vge.s32 v4, s15  }
0x361: {  	v4 =	vsel vm0, $0x1, v0  }
0x362: {  	(xrf0) =	vadd.scan.msk.s32 $0xffff, v4;
	_ =	sdelay $0x5  }
0x363: {  	v4, _, _ =	vpop (xrf0)  }
0x364: {  	(v2sf) =	vpush v4, $0xF;
	_ =	sdelay $0xe  }
0x365: {  	s31 =	spop (v2sf)  }
0x366: {  	s13 =	sadd.s32 s31, s14  }
0x367: {  	s12 =	sshll.u32 s12, $0xA;
	s13 =	sadd.s32 $0xFFFFFFFF, s13  }
0x368: {  	s12 =	sor.u32 s12, s13  }
0x369: {  	s12 =	sxor.u32 $0x80000000, s12  }
0x36a: {  	v4 =	vmov s12  }
.Ltmp19:
0x36b: {  	[tilespmem:$0x12480] =	vst v4;
	(pc) =	sbr.rel @p0 .LBB2_59-.Ltmp19, $4  }
0x36c: {  	[hbm4b:s4+s2] =	stream.linear.scatter [tilespmem:s10], [sflag:$0x1], $0x10, $0x38;
	[tilespmem:$0x12500] =	vst v63  }
0x36d: {  	_ =	swait.ge [sflag:s8], $0x10  }
0x36e: {  	[sflag:s8] =	ssyncset.done $0x0  }
0x36f: {  	[sflag:s8] =	ssyncadd.s32 $0xFFFFFFF0  }
0x370: {  	s12 =	simm.s32 $0x0  }
0x371: {  	[tilespmem:s12], [sflag:$0x1] =	stream.linear.gather [hbm4b:s5+s12], $0x9C40, $0x38;
	[tilespmem:$0x12500] =	vst v63  }
0x372: {  	_ =	swait.ge [sflag:s8], $0x9C40  }
0x373: {  	[sflag:s8] =	ssyncset.done $0x0  }
0x374: {  	s12 =	sand.u32 $0xFFE0, s12;
	[sflag:s8] =	ssyncadd.s32 $0xFFFF63C0  }
0x375: {  	v4 =	vld [tilespmem:s12+$0x80];
	_ =	sdelay $0x4  }
0x376: {  	v5 =	vshra.s32 v4, $0x1F  }
0x377: {  	v5 =	vor.u32 $0x80000000, v5  }
0x378: {  	v4 =	vxor.u32 v4, v5  }
0x379: {  	v4 =	vshrl.u32 v4, $0x15  }
0x37a: {  	v5 =	vand.u32 $0x780, v4  }
0x37b: {  	s31 =	simm.s32 $0xA0;
	v4 =	vand.u32 $0x7F, v4;
	v5 =	vor.u32 v1, v5  }
0x37c: {  	s12 =	sand.u32 $0xFFE0, s31;
	v4 =	vor.u32 v4, v5  }
0x37d: {  	v5 =	vld [tilespmem:s12+$0x80]  }
0x37e: {  	s13 =	simm.s32 $0x50  }
0x37f: {  	v6 =	vld [tilespmem:s13+$0xFFFFFFD0]  }
0x380: {  	v8 =	vld [tilespmem:s13+$0xFFFFFFF0]  }
0x381: {  	[tilespmem:v4+s9+$0x0] =	vst.idx.add.s32.msk $0xffff, v2  }
0x382: {  	v7 =	vshra.s32 v5, $0x1F;
	v4 =	vld [tilespmem:s13+$0x40]  }
0x383: {  	v9 =	vld [tilespmem:s13+$0x10];
	v7 =	vor.u32 $0x80000000, v7  }
0x384: {  	v5 =	vxor.u32 v5, v7  }
0x385: {  	v11 =	vshra.s32 v6, $0x1F;
	v7 =	vld [tilespmem:s13+$0xFFFFFFB0];
	v5 =	vshrl.u32 v5, $0x15  }
0x386: {  	v13 =	vshra.s32 v8, $0x1F;
	v11 =	vor.u32 $0x80000000, v11;
	v12 =	vand.u32 $0x780, v5  }
0x387: {  	v5 =	vand.u32 $0x7F, v5;
	v12 =	vor.u32 v1, v12;
	v10 =	vshra.s32 v4, $0x1F  }
0x388: {  	v5 =	vor.u32 v5, v12;
	v12 =	vshra.s32 v9, $0x1F;
	v10 =	vor.u32 $0x80000000, v10  }
0x389: {  	v6 =	vxor.u32 v6, v11;
	v12 =	vor.u32 $0x80000000, v12;
	v4 =	vxor.u32 v4, v10  }
0x38a: {  	v10 =	vor.u32 $0x80000000, v13;
	v13 =	vshra.s32 v7, $0x1F;
	v9 =	vxor.u32 v9, v12  }
0x38b: {  	v4 =	vshrl.u32 v4, $0x15;
	v13 =	vor.u32 $0x80000000, v13;
	v8 =	vxor.u32 v8, v10  }
0x38c: {  	v14 =	vand.u32 $0x780, v4;
	v4 =	vand.u32 $0x7F, v4;
	v7 =	vxor.u32 v7, v13  }
0x38d: {  	s12 =	simm.s32 $0xF0;
	v14 =	vor.u32 v1, v14;
	v7 =	vshrl.u32 v7, $0x15;
	[tilespmem:v5+s9+$0x0] =	vst.idx.add.s32.msk $0xffff, v2;
	v5 =	vshrl.u32 v6, $0x15  }
0x38e: {  	v13 =	vld [tilespmem:s12+$0xFFFFFFD0];
	v6 =	vshrl.u32 v8, $0x15;
	v8 =	vshrl.u32 v9, $0x15;
	v4 =	vor.u32 v4, v14  }
0x38f: {  	v9 =	vld [tilespmem:s12+$0x40];
	v10 =	vand.u32 $0x780, v7;
	v11 =	vand.u32 $0x780, v5;
	v12 =	vand.u32 $0x780, v6  }
0x390: {  	v15 =	vld [tilespmem:s12+$0xFFFFFFF0];
	v14 =	vand.u32 $0x780, v8;
	v7 =	vand.u32 $0x7F, v7;
	v5 =	vand.u32 $0x7F, v5  }
0x391: {  	v16 =	vld [tilespmem:s12+$0xFFFFFFB0];
	v6 =	vand.u32 $0x7F, v6;
	v8 =	vand.u32 $0x7F, v8;
	v10 =	vor.u32 v1, v10  }
0x392: {  	v11 =	vor.u32 v1, v11;
	v12 =	vor.u32 v1, v12;
	v7 =	vor.u32 v7, v10;
	v10 =	vld [tilespmem:s12+$0x10]  }
0x393: {  	v14 =	vor.u32 v1, v14;
	v5 =	vor.u32 v5, v11;
	v6 =	vor.u32 v6, v12  }
0x394: {  	v8 =	vor.u32 v8, v14;
	v12 =	vshra.s32 v13, $0x1F;
	v11 =	vshra.s32 v9, $0x1F  }
0x395: {  	v14 =	vshra.s32 v15, $0x1F;
	v12 =	vor.u32 $0x80000000, v12;
	v11 =	vor.u32 $0x80000000, v11  }
0x396: {  	s14 =	simm.s32 $0x140;
	v9 =	vxor.u32 v9, v11;
	v11 =	vor.u32 $0x80000000, v14;
	v14 =	vshra.s32 v16, $0x1F  }
0x397: {  	s14 =	sand.u32 $0xFFE0, s14;
	v12 =	vxor.u32 v13, v12;
	v17 =	vshra.s32 v10, $0x1F;
	v14 =	vor.u32 $0x80000000, v14  }
0x398: {  	v9 =	vshrl.u32 v9, $0x15;
	v17 =	vor.u32 $0x80000000, v17;
	v14 =	vxor.u32 v16, v14;
	v16 =	vld [tilespmem:s14+$0x80]  }
0x399: {  	v11 =	vxor.u32 v15, v11;
	v18 =	vand.u32 $0x780, v9;
	v9 =	vand.u32 $0x7F, v9  }
0x39a: {  	[tilespmem:v5+s9+$0x0] =	vst.idx.add.s32.msk $0xffff, v2;
	v5 =	vxor.u32 v10, v17;
	v10 =	vshrl.u32 v12, $0x15;
	v11 =	vshrl.u32 v11, $0x15  }
0x39b: {  	[tilespmem:v4+s9+$0x0] =	vst.idx.add.s32.msk $0xffff, v2;
	v18 =	vor.u32 v1, v18;
	v5 =	vshrl.u32 v5, $0x15;
	v12 =	vand.u32 $0x780, v10  }
0x39c: {  	[tilespmem:v7+s9+$0x0] =	vst.idx.add.s32.msk $0xffff, v2;
	v10 =	vand.u32 $0x7F, v10;
	v7 =	vor.u32 v9, v18;
	v9 =	vshrl.u32 v14, $0x15  }
0x39d: {  	v17 =	vld [tilespmem:s13+$0xFFFFFFE0];
	v15 =	vand.u32 $0x780, v5;
	v12 =	vor.u32 v1, v12;
	v13 =	vshra.s32 v16, $0x1F  }
0x39e: {  	[tilespmem:v6+s9+$0x0] =	vst.idx.add.s32.msk $0xffff, v2;
	v5 =	vand.u32 $0x7F, v5;
	v6 =	vand.u32 $0x780, v9;
	v13 =	vor.u32 $0x80000000, v13  }
0x39f: {  	[tilespmem:v8+s9+$0x0] =	vst.idx.add.s32.msk $0xffff, v2;
	v9 =	vand.u32 $0x7F, v9;
	v10 =	vor.u32 v10, v12;
	v13 =	vxor.u32 v16, v13  }
0x3a0: {  	v14 =	vld [tilespmem:s13+$0xFFFFFFC0];
	v15 =	vor.u32 v1, v15;
	v6 =	vor.u32 v1, v6;
	v13 =	vshrl.u32 v13, $0x15  }
0x3a1: {  	v18 =	vld [tilespmem:s13+$0x20];
	v15 =	vor.u32 v5, v15;
	v6 =	vor.u32 v9, v6;
	v9 =	vand.u32 $0x780, v13  }
0x3a2: {  	v5 =	vshra.s32 v17, $0x1F;
	v16 =	vld [tilespmem:s13+$0x0];
	v13 =	vand.u32 $0x7F, v13;
	v9 =	vor.u32 v1, v9  }
0x3a3: {  	v8 =	vand.u32 $0x780, v11;
	v5 =	vor.u32 $0x80000000, v5;
	[tilespmem:v7+s9+$0x0] =	vst.idx.add.s32.msk $0xffff, v2;
	v9 =	vor.u32 v13, v9  }
0x3a4: {  	v11 =	vand.u32 $0x7F, v11;
	v8 =	vor.u32 v1, v8;
	v5 =	vxor.u32 v17, v5;
	s13 =	simm.s32 $0x190;
	[tilespmem:v10+s9+$0x0] =	vst.idx.add.s32.msk $0xffff, v2  }
0x3a5: {  	v8 =	vor.u32 v11, v8;
	v4 =	vshra.s32 v14, $0x1F;
	v5 =	vshrl.u32 v5, $0x15;
	v10 =	vld [tilespmem:s13+$0xFFFFFFD0]  }
0x3a6: {  	v11 =	vshra.s32 v18, $0x1F;
	v4 =	vor.u32 $0x80000000, v4;
	v12 =	vand.u32 $0x780, v5;
	[tilespmem:v6+s9+$0x0] =	vst.idx.add.s32.msk $0xffff, v2  }
0x3a7: {  	v4 =	vxor.u32 v14, v4;
	v5 =	vand.u32 $0x7F, v5;
	v17 =	vor.u32 v1, v12;
	v12 =	vld [tilespmem:s13+$0x10]  }
0x3a8: {  	v4 =	vshrl.u32 v4, $0x15;
	v5 =	vor.u32 v5, v17;
	v7 =	vshra.s32 v16, $0x1F;
	[tilespmem:v9+s9+$0x0] =	vst.idx.add.s32.msk $0xffff, v2  }
0x3a9: {  	v6 =	vor.u32 $0x80000000, v7;
	v7 =	vor.u32 $0x80000000, v11;
	v11 =	vand.u32 $0x780, v4;
	v9 =	vld [tilespmem:s13+$0x40]  }
0x3aa: {  	[tilespmem:v8+s9+$0x0] =	vst.idx.add.s32.msk $0xffff, v2;
	v8 =	vshra.s32 v10, $0x1F;
	v6 =	vxor.u32 v16, v6;
	v7 =	vxor.u32 v18, v7  }
0x3ab: {  	v6 =	vshrl.u32 v6, $0x15;
	v14 =	vshrl.u32 v7, $0x15;
	v7 =	vor.u32 v1, v11;
	v11 =	vld [tilespmem:s13+$0xFFFFFFF0]  }
0x3ac: {  	[tilespmem:v15+s9+$0x0] =	vst.idx.add.s32.msk $0xffff, v2;
	v4 =	vand.u32 $0x7F, v4;
	v15 =	vor.u32 $0x80000000, v8;
	v13 =	vand.u32 $0x780, v6  }
0x3ad: {  	v17 =	vshra.s32 v12, $0x1F;
	v16 =	vand.u32 $0x780, v14;
	v18 =	vor.u32 v1, v13;
	v13 =	vld [tilespmem:s13+$0xFFFFFFB0]  }
0x3ae: {  	v7 =	vor.u32 v4, v7;
	v4 =	vand.u32 $0x7F, v14;
	v14 =	vshra.s32 v9, $0x1F  }
0x3af: {  	v6 =	vand.u32 $0x7F, v6;
	v16 =	vor.u32 v1, v16;
	v14 =	vor.u32 $0x80000000, v14  }
0x3b0: {  	v8 =	vld [tilespmem:s12+$0xFFFFFFC0];
	v4 =	vor.u32 v4, v16;
	v16 =	vshra.s32 v11, $0x1F;
	v9 =	vxor.u32 v9, v14  }
0x3b1: {  	s15 =	simm.s32 $0x1E0;
	s14 =	simm.s32 $0x14;
	v6 =	vor.u32 v6, v18;
	v16 =	vor.u32 $0x80000000, v16;
	v14 =	vshrl.u32 v9, $0x15;
	v9 =	vld [tilespmem:s12+$0xFFFFFFE0]  }
.LBB2_32:
0x3b2: {  	s16 =	sand.u32 $0xFFE0, s15;
	s14 =	sadd.s32 $0xA, s14;
	v18 =	vshra.s32 v13, $0x1F;
	v17 =	vor.u32 $0x80000000, v17;
	v19 =	vand.u32 $0x780, v14;
	v20 =	vld [tilespmem:s12+$0x0]  }
0x3b3: {  	v14 =	vand.u32 $0x7F, v14;
	v21 =	vld [tilespmem:s16+$0x80];
	p1 =	slt.u32 s14, $0x9BA;
	v18 =	vor.u32 $0x80000000, v18;
	v19 =	vor.u32 v1, v19  }
0x3b4: {  	v10 =	vxor.u32 v10, v15;
	v13 =	vxor.u32 v13, v18;
	v14 =	vor.u32 v14, v19;
	v15 =	vld [tilespmem:s12+$0x20];
	s12 =	smov.u32 s13  }
0x3b5: {  	v11 =	vxor.u32 v11, v16;
	v12 =	vxor.u32 v12, v17;
	v13 =	vshrl.u32 v13, $0x15;
	[tilespmem:v7+s9+$0x0] =	vst.idx.add.s32.msk $0xffff, v2  }
0x3b6: {  	v7 =	vshrl.u32 v10, $0x15;
	v10 =	vshrl.u32 v11, $0x15;
	v11 =	vshrl.u32 v12, $0x15;
	[tilespmem:v5+s9+$0x0] =	vst.idx.add.s32.msk $0xffff, v2  }
0x3b7: {  	v5 =	vand.u32 $0x780, v13;
	v12 =	vand.u32 $0x780, v7;
	v16 =	vand.u32 $0x780, v10;
	[tilespmem:v6+s9+$0x0] =	vst.idx.add.s32.msk $0xffff, v2  }
0x3b8: {  	v17 =	vand.u32 $0x780, v11;
	v5 =	vor.u32 v1, v5;
	v6 =	vshra.s32 v21, $0x1F;
	[tilespmem:v4+s9+$0x0] =	vst.idx.add.s32.msk $0xffff, v2  }
0x3b9: {  	v4 =	vor.u32 $0x80000000, v6;
	v6 =	vor.u32 v1, v12;
	v12 =	vor.u32 v1, v16;
	[tilespmem:v14+s9+$0x0] =	vst.idx.add.s32.msk $0xffff, v2  }
0x3ba: {  	v13 =	vand.u32 $0x7F, v13;
	v14 =	vor.u32 v1, v17;
	v4 =	vxor.u32 v21, v4  }
0x3bb: {  	v7 =	vand.u32 $0x7F, v7;
	v10 =	vand.u32 $0x7F, v10;
	v4 =	vshrl.u32 v4, $0x15  }
0x3bc: {  	v11 =	vand.u32 $0x7F, v11;
	v5 =	vor.u32 v13, v5;
	v16 =	vand.u32 $0x780, v4  }
0x3bd: {  	v6 =	vor.u32 v7, v6;
	v4 =	vand.u32 $0x7F, v4;
	v13 =	vor.u32 v1, v16  }
0x3be: {  	v14 =	vor.u32 v11, v14;
	v16 =	vor.u32 v10, v12;
	v4 =	vor.u32 v4, v13  }
0x3bf: {  	v7 =	vshra.s32 v8, $0x1F;
	v11 =	vshra.s32 v20, $0x1F;
	v10 =	vshra.s32 v9, $0x1F  }
0x3c0: {  	v7 =	vor.u32 $0x80000000, v7;
	v12 =	vshra.s32 v15, $0x1F;
	v10 =	vor.u32 $0x80000000, v10  }
0x3c1: {  	[tilespmem:v5+s9+$0x0] =	vst.idx.add.s32.msk $0xffff, v2;
	v5 =	vxor.u32 v8, v7;
	v7 =	vor.u32 $0x80000000, v11;
	v8 =	vor.u32 $0x80000000, v12  }
0x3c2: {  	[tilespmem:v6+s9+$0x0] =	vst.idx.add.s32.msk $0xffff, v2;
	v5 =	vshrl.u32 v5, $0x15;
	v6 =	vxor.u32 v9, v10;
	v7 =	vxor.u32 v20, v7  }
0x3c3: {  	s13 =	sadd.s32 $0xA0, s13;
	[tilespmem:v4+s9+$0x0] =	vst.idx.add.s32.msk $0xffff, v2;
	v4 =	vshrl.u32 v6, $0x15;
	v6 =	vshrl.u32 v7, $0x15;
	v7 =	vxor.u32 v15, v8  }
0x3c4: {  	v9 =	vand.u32 $0x780, v5;
	v8 =	vld [tilespmem:s13+$0x40];
	v12 =	vand.u32 $0x780, v4;
	v15 =	vshrl.u32 v7, $0x15  }
0x3c5: {  	v7 =	vor.u32 v1, v9;
	v9 =	vand.u32 $0x780, v6;
	v10 =	vld [tilespmem:s13+$0xFFFFFFD0];
	v13 =	vand.u32 $0x780, v15  }
0x3c6: {  	v17 =	vor.u32 v1, v12;
	v9 =	vor.u32 v1, v9;
	v11 =	vld [tilespmem:s13+$0xFFFFFFF0];
	v18 =	vor.u32 v1, v13  }
0x3c7: {  	v5 =	vand.u32 $0x7F, v5;
	v4 =	vand.u32 $0x7F, v4;
	v6 =	vand.u32 $0x7F, v6;
	v12 =	vld [tilespmem:s13+$0x10]  }
.Ltmp20:
0x3c8: {  	v7 =	vor.u32 v5, v7;
	v5 =	vor.u32 v4, v17;
	v4 =	vand.u32 $0x7F, v15;
	v13 =	vld [tilespmem:s13+$0xFFFFFFB0];
	(pc) =	sbr.rel @p1 .LBB2_32-.Ltmp20, $4  }
0x3c9: {  	v6 =	vor.u32 v6, v9;
	v4 =	vor.u32 v4, v18;
	v15 =	vshra.s32 v8, $0x1F;
	[tilespmem:v16+s9+$0x0] =	vst.idx.add.s32.msk $0xffff, v2  }
0x3ca: {  	v9 =	vshra.s32 v10, $0x1F;
	v16 =	vor.u32 $0x80000000, v15;
	[tilespmem:v14+s9+$0x0] =	vst.idx.add.s32.msk $0xffff, v2  }
0x3cb: {  	v15 =	vor.u32 $0x80000000, v9;
	v9 =	vshra.s32 v11, $0x1F;
	v14 =	vxor.u32 v8, v16;
	v8 =	vld [tilespmem:s12+$0xFFFFFFC0]  }
0x3cc: {  	s15 =	sadd.s32 $0xA0, s15;
	v16 =	vor.u32 $0x80000000, v9;
	v17 =	vshra.s32 v12, $0x1F;
	v14 =	vshrl.u32 v14, $0x15;
	v9 =	vld [tilespmem:s12+$0xFFFFFFE0]  }
0x3cd: {  	v18 =	vshra.s32 v13, $0x1F;
	v17 =	vor.u32 $0x80000000, v17  }
0x3ce: {  	v10 =	vxor.u32 v10, v15;
	v11 =	vxor.u32 v11, v16;
	v18 =	vor.u32 $0x80000000, v18  }
0x3cf: {  	v12 =	vxor.u32 v12, v17;
	v10 =	vshrl.u32 v10, $0x15;
	v11 =	vshrl.u32 v11, $0x15  }
0x3d0: {  	v13 =	vxor.u32 v13, v18;
	v12 =	vshrl.u32 v12, $0x15;
	v16 =	vand.u32 $0x780, v10  }
0x3d1: {  	v17 =	vand.u32 $0x780, v11;
	v10 =	vand.u32 $0x7F, v10;
	v13 =	vshrl.u32 v13, $0x15  }
0x3d2: {  	v20 =	vld [tilespmem:s12+$0x0];
	v11 =	vand.u32 $0x7F, v11;
	v16 =	vor.u32 v1, v16;
	v15 =	vand.u32 $0x780, v13  }
0x3d3: {  	v13 =	vand.u32 $0x7F, v13;
	v10 =	vor.u32 v10, v16;
	v15 =	vor.u32 v1, v15  }
0x3d4: {  	v18 =	vand.u32 $0x780, v12;
	v17 =	vor.u32 v1, v17;
	v13 =	vor.u32 v13, v15  }
0x3d5: {  	v12 =	vand.u32 $0x7F, v12;
	v16 =	vor.u32 v1, v18;
	v11 =	vor.u32 v11, v17;
	v15 =	vld [tilespmem:s12+$0x20]  }
0x3d6: {  	v19 =	vand.u32 $0x780, v14;
	v12 =	vor.u32 v12, v16  }
0x3d7: {  	v14 =	vand.u32 $0x7F, v14;
	v17 =	vor.u32 v1, v19;
	v18 =	vshra.s32 v20, $0x1F  }
0x3d8: {  	v14 =	vor.u32 v14, v17;
	v16 =	vshra.s32 v8, $0x1F;
	[tilespmem:v10+s9+$0x0] =	vst.idx.add.s32.msk $0xffff, v2;
	v10 =	vor.u32 $0x80000000, v18  }
0x3d9: {  	v17 =	vshra.s32 v9, $0x1F;
	v10 =	vxor.u32 v20, v10;
	[tilespmem:v13+s9+$0x0] =	vst.idx.add.s32.msk $0xffff, v2;
	v13 =	vor.u32 $0x80000000, v16  }
0x3da: {  	[tilespmem:v11+s9+$0x0] =	vst.idx.add.s32.msk $0xffff, v2;
	v16 =	vor.u32 $0x80000000, v17;
	v17 =	vshra.s32 v15, $0x1F;
	v10 =	vshrl.u32 v10, $0x15  }
0x3db: {  	[tilespmem:v12+s9+$0x0] =	vst.idx.add.s32.msk $0xffff, v2;
	v8 =	vxor.u32 v8, v13;
	v13 =	vor.u32 $0x80000000, v17;
	v9 =	vxor.u32 v9, v16  }
0x3dc: {  	v19 =	vld [tilespmem:s13+$0x0];
	v17 =	vand.u32 $0x780, v10;
	v10 =	vand.u32 $0x7F, v10;
	v8 =	vshrl.u32 v8, $0x15  }
0x3dd: {  	v12 =	vld [tilespmem:s13+$0xFFFFFFC0];
	v9 =	vshrl.u32 v9, $0x15;
	v11 =	vxor.u32 v15, v13;
	v17 =	vor.u32 v1, v17  }
0x3de: {  	v16 =	vld [tilespmem:s13+$0xFFFFFFE0];
	v13 =	vand.u32 $0x780, v8;
	v15 =	vand.u32 $0x780, v9;
	v11 =	vshrl.u32 v11, $0x15  }
0x3df: {  	v62 =	vld [tilespmem:s13+$0x20];
	v8 =	vand.u32 $0x7F, v8;
	v9 =	vand.u32 $0x7F, v9;
	v10 =	vor.u32 v10, v17  }
0x3e0: {  	v13 =	vor.u32 v1, v13;
	v18 =	vand.u32 $0x780, v11;
	v15 =	vor.u32 v1, v15  }
0x3e1: {  	v11 =	vand.u32 $0x7F, v11;
	v17 =	vshra.s32 v19, $0x1F;
	v18 =	vor.u32 v1, v18  }
0x3e2: {  	v8 =	vor.u32 v8, v13;
	v9 =	vor.u32 v9, v15;
	v13 =	vshra.s32 v12, $0x1F  }
0x3e3: {  	v11 =	vor.u32 v11, v18;
	v15 =	vshra.s32 v16, $0x1F;
	v13 =	vor.u32 $0x80000000, v13  }
0x3e4: {  	v18 =	vshra.s32 v62, $0x1F;
	v15 =	vor.u32 $0x80000000, v15;
	v12 =	vxor.u32 v12, v13  }
0x3e5: {  	v13 =	vor.u32 $0x80000000, v17;
	v17 =	vor.u32 $0x80000000, v18;
	v15 =	vxor.u32 v16, v15  }
0x3e6: {  	[tilespmem:v7+s9+$0x0] =	vst.idx.add.s32.msk $0xffff, v2;
	v7 =	vshrl.u32 v12, $0x15;
	v12 =	vxor.u32 v19, v13;
	v13 =	vshrl.u32 v15, $0x15  }
0x3e7: {  	[tilespmem:v5+s9+$0x0] =	vst.idx.add.s32.msk $0xffff, v2;
	v5 =	vshrl.u32 v12, $0x15;
	v12 =	vxor.u32 v62, v17;
	v15 =	vand.u32 $0x780, v7  }
0x3e8: {  	[tilespmem:v6+s9+$0x0] =	vst.idx.add.s32.msk $0xffff, v2;
	v6 =	vand.u32 $0x780, v13;
	v7 =	vand.u32 $0x7F, v7;
	v13 =	vand.u32 $0x7F, v13  }
0x3e9: {  	[tilespmem:v4+s9+$0x0] =	vst.idx.add.s32.msk $0xffff, v2;
	v12 =	vshrl.u32 v12, $0x15;
	v15 =	vor.u32 v1, v15;
	v4 =	vand.u32 $0x780, v5  }
0x3ea: {  	[tilespmem:v14+s9+$0x0] =	vst.idx.add.s32.msk $0xffff, v2;
	v6 =	vor.u32 v1, v6;
	v5 =	vand.u32 $0x7F, v5;
	v7 =	vor.u32 v7, v15  }
0x3eb: {  	[tilespmem:v8+s9+$0x0] =	vst.idx.add.s32.msk $0xffff, v2;
	v16 =	vand.u32 $0x780, v12;
	v4 =	vor.u32 v1, v4;
	v6 =	vor.u32 v13, v6  }
0x3ec: {  	[tilespmem:v9+s9+$0x0] =	vst.idx.add.s32.msk $0xffff, v2;
	v9 =	vand.u32 $0x7F, v12;
	v8 =	vor.u32 v1, v16;
	v4 =	vor.u32 v5, v4  }
0x3ed: {  	[tilespmem:v10+s9+$0x0] =	vst.idx.add.s32.msk $0xffff, v2;
	v5 =	vor.u32 v9, v8  }
0x3ee: {  	[tilespmem:v11+s9+$0x0] =	vst.idx.add.s32.msk $0xffff, v2  }
0x3ef: {  	[tilespmem:v7+s9+$0x0] =	vst.idx.add.s32.msk $0xffff, v2  }
0x3f0: {  	[tilespmem:v6+s9+$0x0] =	vst.idx.add.s32.msk $0xffff, v2  }
0x3f1: {  	s26 =	simm.s32 $0x0;
	[tilespmem:v4+s9+$0x0] =	vst.idx.add.s32.msk $0xffff, v2  }
0x3f2: {  	s15 =	simm.s32 $0x9C90;
	s14 =	sand.u32 $0x780, s26;
	[tilespmem:v5+s9+$0x0] =	vst.idx.add.s32.msk $0xffff, v2  }
0x3f3: {  	s28 =	simm.s32 $0x10;
	s16 =	sadd.s32 $0xA480, s14;
	s12 =	sand.u32 $0x60, s26;
	v4 =	vld [tilespmem:s15+$0xFFFFFFF0]  }
0x3f4: {  	s17 =	sor.u32 s12, s16;
	s13 =	sand.u32 $0x70, s28;
	[tilespmem:s15+$0xFFFFFFF0] =	vst v0;
	v5 =	vld [tilespmem:s15+$0x0]  }
0x3f5: {  	s18 =	sadd.s32 $0xAC80, s14;
	s29 =	sor.u32 s13, s16;
	[tilespmem:s15+$0x0] =	vst v0;
	v6 =	vld [tilespmem:s17+$0x0]  }
0x3f6: {  	s30 =	sor.u32 s12, s18;
	[tilespmem:s17+$0x0] =	vst v0;
	v7 =	vld [tilespmem:s29+$0x0]  }
0x3f7: {  	s31 =	sadd.s32 $0xB480, s14;
	s19 =	sor.u32 s13, s18;
	[tilespmem:s29+$0x0] =	vst v0;
	v8 =	vld [tilespmem:s30+$0x0]  }
0x3f8: {  	s20 =	sor.u32 s12, s31;
	[tilespmem:s30+$0x0] =	vst v0;
	v9 =	vld [tilespmem:s19+$0x0]  }
0x3f9: {  	s21 =	sadd.s32 $0xBC80, s14;
	s22 =	sor.u32 s13, s31;
	[tilespmem:s19+$0x0] =	vst v0;
	v10 =	vld [tilespmem:s20+$0x0]  }
0x3fa: {  	s23 =	sor.u32 s12, s21;
	[tilespmem:s20+$0x0] =	vst v0;
	v11 =	vld [tilespmem:s22+$0x0]  }
0x3fb: {  	s24 =	sadd.s32 $0xC480, s14;
	s25 =	sor.u32 s13, s21;
	[tilespmem:s22+$0x0] =	vst v0;
	v12 =	vld [tilespmem:s23+$0x0]  }
0x3fc: {  	s26 =	sor.u32 s12, s24;
	[tilespmem:s23+$0x0] =	vst v0;
	v13 =	vld [tilespmem:s25+$0x0]  }
0x3fd: {  	s28 =	sadd.s32 $0xCC80, s14;
	s29 =	sor.u32 s13, s24;
	[tilespmem:s25+$0x0] =	vst v0;
	v14 =	vld [tilespmem:s26+$0x0]  }
0x3fe: {  	s30 =	sor.u32 s12, s28;
	[tilespmem:s26+$0x0] =	vst v0;
	v15 =	vld [tilespmem:s29+$0x0]  }
0x3ff: {  	s31 =	sadd.s32 $0xD480, s14;
	s19 =	sor.u32 s13, s28;
	[tilespmem:s29+$0x0] =	vst v0;
	v16 =	vld [tilespmem:s30+$0x0]  }
0x400: {  	s20 =	sor.u32 s12, s31;
	[tilespmem:s30+$0x0] =	vst v0;
	v17 =	vld [tilespmem:s19+$0x0]  }
0x401: {  	s21 =	sadd.s32 $0xDC80, s14;
	s22 =	sor.u32 s13, s31;
	[tilespmem:s19+$0x0] =	vst v0;
	v18 =	vld [tilespmem:s20+$0x0]  }
0x402: {  	s23 =	sor.u32 s12, s21;
	[tilespmem:s20+$0x0] =	vst v0;
	v19 =	vld [tilespmem:s22+$0x0]  }
0x403: {  	s24 =	sadd.s32 $0xE480, s14;
	s25 =	sor.u32 s13, s21;
	[tilespmem:s22+$0x0] =	vst v0;
	v63 =	vld [tilespmem:s23+$0x0]  }
0x404: {  	s26 =	sor.u32 s12, s24;
	[tilespmem:s23+$0x0] =	vst v0;
	v21 =	vld [tilespmem:s25+$0x0]  }
0x405: {  	s28 =	sadd.s32 $0xEC80, s14;
	s29 =	sor.u32 s13, s24;
	[tilespmem:s25+$0x0] =	vst v0;
	v22 =	vld [tilespmem:s26+$0x0]  }
0x406: {  	s30 =	sor.u32 s12, s28;
	[tilespmem:s26+$0x0] =	vst v0;
	v23 =	vld [tilespmem:s29+$0x0]  }
0x407: {  	s31 =	sadd.s32 $0xF480, s14;
	s19 =	sor.u32 s13, s28;
	[tilespmem:s29+$0x0] =	vst v0;
	v24 =	vld [tilespmem:s30+$0x0]  }
0x408: {  	v4 =	vadd.s32 v4, v6;
	s20 =	sor.u32 s12, s31;
	[tilespmem:s30+$0x0] =	vst v0;
	v25 =	vld [tilespmem:s19+$0x0]  }
0x409: {  	s21 =	sadd.s32 $0xFC80, s14;
	v5 =	vadd.s32 v5, v7;
	v4 =	vadd.s32 v8, v4;
	s22 =	sor.u32 s13, s31;
	[tilespmem:s19+$0x0] =	vst v0;
	v26 =	vld [tilespmem:s20+$0x0]  }
0x40a: {  	v6 =	vadd.s32 v9, v5;
	v4 =	vadd.s32 v10, v4;
	s23 =	sor.u32 s12, s21;
	[tilespmem:s20+$0x0] =	vst v0;
	v5 =	vld [tilespmem:s22+$0x0]  }
0x40b: {  	s24 =	sadd.s32 $0x10480, s14;
	v6 =	vadd.s32 v11, v6;
	s25 =	sor.u32 s13, s21;
	v4 =	vadd.s32 v12, v4;
	[tilespmem:s22+$0x0] =	vst v0;
	v8 =	vld [tilespmem:s23+$0x0]  }
0x40c: {  	s26 =	sor.u32 s12, s24;
	v7 =	vadd.s32 v13, v6;
	v4 =	vadd.s32 v14, v4;
	[tilespmem:s23+$0x0] =	vst v0;
	v6 =	vld [tilespmem:s25+$0x0]  }
0x40d: {  	p2 =	por $0x1, $0x1;
	s28 =	sadd.s32 $0x10C80, s14;
	s29 =	sor.u32 s13, s24;
	v7 =	vadd.s32 v15, v7;
	v4 =	vadd.s32 v16, v4;
	[tilespmem:s25+$0x0] =	vst v0;
	v10 =	vld [tilespmem:s26+$0x0]  }
.Ltmp21:
0x40e: {  	s30 =	sor.u32 s12, s28;
	v7 =	vadd.s32 v17, v7;
	v4 =	vadd.s32 v18, v4;
	[tilespmem:s26+$0x0] =	vst v0;
	v9 =	vld [tilespmem:s29+$0x0];
	(pc) =	sbr.rel @!p2 .LBB2_34-.Ltmp21, $4  }
0x40f: {  	s14 =	sadd.s32 $0x11480, s14;
	s31 =	sor.u32 s13, s28;
	v7 =	vadd.s32 v19, v7;
	v4 =	vadd.s32 v63, v4;
	[tilespmem:s29+$0x0] =	vst v0;
	v12 =	vld [tilespmem:s30+$0x0]  }
0x410: {  	s19 =	sor.u32 s12, s14;
	v7 =	vadd.s32 v21, v7;
	v4 =	vadd.s32 v22, v4;
	[tilespmem:s30+$0x0] =	vst v0;
	v11 =	vld [tilespmem:s31+$0x0]  }
0x411: {  	p1 =	por $0x0, $0x0;
	s20 =	sor.u32 s13, s14;
	v7 =	vadd.s32 v23, v7;
	[tilespmem:s31+$0x0] =	vst v0;
	v4 =	vadd.s32 v24, v4;
	v14 =	vld [tilespmem:s19+$0x0]  }
0x412: {  	s15 =	simm.s32 $0x30;
	s12 =	simm.s32 $0x1;
	s13 =	simm.s32 $0x11C90;
	v15 =	vadd.s32 v25, v7;
	v13 =	vld [tilespmem:s20+$0x0];
	v16 =	vadd.s32 v26, v4  }
0x413: {  	s16 =	simm.s32 $0x20;
	v4 =	vadd.s32 v8, v16  }
0x414: {  	[tilespmem:s19+$0x0] =	vst v0;
	s14 =	simm.s32 $0x9CB0;
	s18 =	sand.u32 $0x780, s16;
	v4 =	vadd.s32 v10, v4  }
0x415: {  	[tilespmem:s20+$0x0] =	vst v0;
	v8 =	vld [tilespmem:s14+$0xFFFFFFF0];
	s17 =	sand.u32 $0x60, s16;
	s28 =	sadd.s32 $0xA480, s18;
	v4 =	vadd.s32 v12, v4  }
0x416: {  	s15 =	sand.u32 $0x70, s15;
	[tilespmem:s14+$0xFFFFFFF0] =	vst v0;
	v10 =	vld [tilespmem:s14+$0x0];
	s29 =	sor.u32 s17, s28;
	v7 =	vadd.s32 v14, v4  }
0x417: {  	[tilespmem:s14+$0x0] =	vst v0;
	s30 =	sadd.s32 $0xAC80, s18;
	s16 =	sor.u32 s15, s28;
	v4 =	vadd.s32 v5, v15;
	v12 =	vld [tilespmem:s29+$0x0];
	(xrf0) =	vadd.scan.msk.s32 $0xffff, v7  }
0x418: {  	s31 =	sor.u32 s17, s30;
	[tilespmem:s29+$0x0] =	vst v0;
	v5 =	vld [tilespmem:s16+$0x0];
	v4 =	vadd.s32 v6, v4  }
0x419: {  	s21 =	sadd.s32 $0xB480, s18;
	s22 =	sor.u32 s15, s30;
	[tilespmem:s16+$0x0] =	vst v0;
	v6 =	vld [tilespmem:s31+$0x0];
	v4 =	vadd.s32 v9, v4  }
0x41a: {  	s23 =	sor.u32 s17, s21;
	[tilespmem:s31+$0x0] =	vst v0;
	v9 =	vld [tilespmem:s22+$0x0];
	v4 =	vadd.s32 v11, v4  }
0x41b: {  	s24 =	sadd.s32 $0xBC80, s18;
	s25 =	sor.u32 s15, s21;
	[tilespmem:s22+$0x0] =	vst v0;
	v11 =	vld [tilespmem:s23+$0x0];
	v4 =	vadd.s32 v13, v4  }
0x41c: {  	s26 =	sor.u32 s17, s24;
	[tilespmem:s23+$0x0] =	vst v0;
	v13 =	vld [tilespmem:s25+$0x0];
	(xrf0) =	vadd.scan.msk.s32 $0xffff, v4  }
0x41d: {  	s28 =	sadd.s32 $0xC480, s18;
	s29 =	sor.u32 s15, s24;
	v14 =	vld [tilespmem:s26+$0x0];
	[tilespmem:s25+$0x0] =	vst v0;
	v15, _, _ =	vpop (xrf0)  }
0x41e: {  	s31 =	sadd.s32 $0xCC80, s18;
	s22 =	sor.u32 s15, s28;
	v16 =	vld [tilespmem:s29+$0x0];
	[tilespmem:s29+$0x0] =	vst v0;
	(v2sf) =	vpush v15, $0xF  }
0x41f: {  	s25 =	sor.u32 s15, s31;
	v17 =	vld [tilespmem:s22+$0x0];
	[tilespmem:s22+$0x0] =	vst v0  }
0x420: {  	s30 =	sor.u32 s17, s28;
	s24 =	sadd.s32 $0xD480, s18;
	[tilespmem:s26+$0x0] =	vst v0;
	v19 =	vld [tilespmem:s25+$0x0]  }
0x421: {  	s29 =	sor.u32 s15, s24;
	[tilespmem:s25+$0x0] =	vst v0;
	v15 =	vld [tilespmem:s30+$0x0]  }
0x422: {  	s28 =	sadd.s32 $0xDC80, s18;
	s23 =	sor.u32 s17, s31;
	[tilespmem:s30+$0x0] =	vst v0;
	v63 =	vld [tilespmem:s29+$0x0];
	v20, _, _ =	vpop (xrf0)  }
0x423: {  	s22 =	sor.u32 s15, s28;
	[tilespmem:s29+$0x0] =	vst v0;
	v18 =	vld [tilespmem:s23+$0x0];
	(v2sf) =	vpush v20, $0xF  }
0x424: {  	s26 =	sor.u32 s17, s24;
	s31 =	sadd.s32 $0xE480, s18;
	[tilespmem:s23+$0x0] =	vst v0;
	v23 =	vld [tilespmem:s22+$0x0]  }
0x425: {  	s25 =	sor.u32 s15, s31;
	[tilespmem:s22+$0x0] =	vst v0;
	v21 =	vld [tilespmem:s26+$0x0]  }
0x426: {  	s24 =	sadd.s32 $0xEC80, s18;
	s30 =	sor.u32 s17, s28;
	[tilespmem:s26+$0x0] =	vst v0;
	v25 =	vld [tilespmem:s25+$0x0]  }
0x427: {  	s29 =	sor.u32 s15, s24;
	[tilespmem:s25+$0x0] =	vst v0;
	v22 =	vld [tilespmem:s30+$0x0]  }
0x428: {  	s28 =	sadd.s32 $0xF480, s18;
	s23 =	sor.u32 s17, s31;
	[tilespmem:s30+$0x0] =	vst v0;
	v27 =	vld [tilespmem:s29+$0x0]  }
0x429: {  	v8 =	vadd.s32 v8, v12;
	s21 =	sor.u32 s15, s28;
	[tilespmem:s29+$0x0] =	vst v0;
	v24 =	vld [tilespmem:s23+$0x0]  }
0x42a: {  	v6 =	vadd.s32 v6, v8;
	v8 =	vadd.s32 v10, v5;
	s31 =	sadd.s32 $0xFC80, s18;
	s26 =	sor.u32 s17, s24;
	[tilespmem:s23+$0x0] =	vst v0;
	v5 =	vld [tilespmem:s21+$0x0]  }
0x42b: {  	v6 =	vadd.s32 v11, v6;
	[tilespmem:s21+$0x0] =	vst v0;
	s23 =	sor.u32 s15, s31;
	v26 =	vld [tilespmem:s26+$0x0]  }
0x42c: {  	v9 =	vadd.s32 v9, v8;
	v10 =	vadd.s32 v14, v6;
	s30 =	sor.u32 s17, s28;
	[tilespmem:s26+$0x0] =	vst v0;
	v6 =	vld [tilespmem:s23+$0x0]  }
0x42d: {  	v9 =	vadd.s32 v13, v9;
	s22 =	sor.u32 s17, s31;
	s24 =	sadd.s32 $0x10480, s18;
	v28 =	vld [tilespmem:s30+$0x0];
	[tilespmem:s30+$0x0] =	vst v0;
	s25 =	spop (v2sf)  }
0x42e: {  	v9 =	vadd.s32 v16, v9;
	v10 =	vadd.s32 v15, v10;
	s26 =	sor.u32 s17, s24;
	v8 =	vld [tilespmem:s22+$0x0];
	[tilespmem:s22+$0x0] =	vst v0;
	[smem:$0x0] =	sst s25  }
0x42f: {  	p2 =	por $0x1, $0x1;
	s28 =	sadd.s32 $0x10C80, s18;
	v9 =	vadd.s32 v17, v9;
	s20 =	sor.u32 s15, s24;
	v11 =	vadd.s32 v18, v10;
	[tilespmem:s23+$0x0] =	vst v0;
	v10 =	vld [tilespmem:s26+$0x0]  }
.Ltmp22:
0x430: {  	s29 =	sor.u32 s17, s28;
	v13 =	vadd.s32 v19, v9;
	v11 =	vadd.s32 v21, v11;
	[tilespmem:s26+$0x0] =	vst v0;
	v9 =	vld [tilespmem:s20+$0x0];
	(pc) =	sbr.rel @!p2 .LBB2_36-.Ltmp22, $4  }
0x431: {  	s18 =	sadd.s32 $0x11480, s18;
	v13 =	vadd.s32 v63, v13;
	s30 =	sor.u32 s15, s28;
	v11 =	vadd.s32 v22, v11;
	[tilespmem:s20+$0x0] =	vst v0;
	v12 =	vld [tilespmem:s29+$0x0]  }
0x432: {  	p1 =	por $0x1, $0x1;
	s19 =	sor.u32 s17, s18;
	v13 =	vadd.s32 v23, v13;
	v14 =	vadd.s32 v24, v11;
	[tilespmem:s29+$0x0] =	vst v0;
	v11 =	vld [tilespmem:s30+$0x0];
	s31 =	spop (v2sf)  }
0x433: {  	s16 =	simm.s32 $0x2;
	v13 =	vadd.s32 v25, v13;
	v15 =	vadd.s32 v26, v14;
	s20 =	sor.u32 s15, s18;
	[tilespmem:s30+$0x0] =	vst v0;
	v14 =	vld [tilespmem:s19+$0x0];
	[smem:s12] =	sst s31  }
0x434: {  	s17 =	simm.s32 $0x1;
	v16 =	vadd.s32 v28, v15;
	v15 =	vadd.s32 v27, v13;
	s18 =	simm.s32 $0x50;
	s15 =	simm.s32 $0x11C90;
	v13 =	vld [tilespmem:s20+$0x0];
	[tilespmem:s13+$0xFFFFFFF0] =	vst v7  }
.LBB2_37:
0x435: {  	s21 =	sadd.s32 $0xFFFFFFF0, s18;
	v7 =	vadd.s32 v8, v16;
	[tilespmem:s19+$0x0] =	vst v0;
	v5 =	vadd.s32 v5, v15  }
0x436: {  	s14 =	sadd.s32 $0x20, s14;
	s19 =	sand.u32 $0x780, s21;
	v7 =	vadd.s32 v10, v7;
	v5 =	vadd.s32 v6, v5;
	[tilespmem:s20+$0x0] =	vst v0  }
0x437: {  	s20 =	sand.u32 $0x60, s21;
	v6 =	vld [tilespmem:s14+$0xFFFFFFF0];
	s22 =	sadd.s32 $0xA480, s19;
	v7 =	vadd.s32 v12, v7;
	v5 =	vadd.s32 v9, v5;
	[tilespmem:s15+$0x0] =	vst v4  }
0x438: {  	s21 =	sand.u32 $0x70, s18;
	[tilespmem:s14+$0xFFFFFFF0] =	vst v0;
	s23 =	sor.u32 s20, s22;
	v8 =	vld [tilespmem:s14+$0x0];
	v7 =	vadd.s32 v14, v7;
	v4 =	vadd.s32 v11, v5  }
0x439: {  	s24 =	sadd.s32 $0xAC80, s19;
	s22 =	sor.u32 s21, s22;
	v5 =	vld [tilespmem:s23+$0x0];
	[tilespmem:s14+$0x0] =	vst v0;
	v4 =	vadd.s32 v13, v4;
	(xrf0) =	vadd.scan.msk.s32 $0xffff, v7  }
0x43a: {  	[tilespmem:s23+$0x0] =	vst v0;
	s23 =	sor.u32 s20, s24;
	v9 =	vld [tilespmem:s22+$0x0];
	(xrf0) =	vadd.scan.msk.s32 $0xffff, v4  }
0x43b: {  	s25 =	sadd.s32 $0xB480, s19;
	v10 =	vld [tilespmem:s23+$0x0];
	[tilespmem:s22+$0x0] =	vst v0;
	s22 =	sor.u32 s21, s24  }
0x43c: {  	[tilespmem:s23+$0x0] =	vst v0;
	s23 =	sor.u32 s20, s25;
	v11 =	vld [tilespmem:s22+$0x0]  }
0x43d: {  	s24 =	sadd.s32 $0xBC80, s19;
	v12 =	vld [tilespmem:s23+$0x0];
	[tilespmem:s22+$0x0] =	vst v0;
	s22 =	sor.u32 s21, s25  }
0x43e: {  	[tilespmem:s23+$0x0] =	vst v0;
	s23 =	sor.u32 s20, s24;
	v13 =	vld [tilespmem:s22+$0x0]  }
0x43f: {  	s25 =	sadd.s32 $0xC480, s19;
	v14 =	vld [tilespmem:s23+$0x0];
	[tilespmem:s22+$0x0] =	vst v0;
	s22 =	sor.u32 s21, s24;
	v15, _, _ =	vpop (xrf0)  }
0x440: {  	[tilespmem:s23+$0x0] =	vst v0;
	s23 =	sor.u32 s20, s25;
	v16 =	vld [tilespmem:s22+$0x0];
	(v2sf) =	vpush v15, $0xF;
	v15, _, _ =	vpop (xrf0)  }
0x441: {  	s24 =	sadd.s32 $0xCC80, s19;
	v17 =	vld [tilespmem:s23+$0x0];
	[tilespmem:s22+$0x0] =	vst v0;
	s22 =	sor.u32 s21, s25;
	(v2sf) =	vpush v15, $0xF  }
0x442: {  	[tilespmem:s23+$0x0] =	vst v0;
	s23 =	sor.u32 s20, s24;
	v15 =	vld [tilespmem:s22+$0x0]  }
0x443: {  	s25 =	sadd.s32 $0xD480, s19;
	v18 =	vld [tilespmem:s23+$0x0];
	[tilespmem:s22+$0x0] =	vst v0;
	s22 =	sor.u32 s21, s24  }
0x444: {  	s16 =	sadd.s32 $0x2, s16;
	[tilespmem:s23+$0x0] =	vst v0;
	s23 =	sor.u32 s20, s25;
	v19 =	vld [tilespmem:s22+$0x0]  }
0x445: {  	p2 =	slt.u32 s16, $0x7E;
	s24 =	sadd.s32 $0xDC80, s19;
	v20 =	vld [tilespmem:s23+$0x0];
	[tilespmem:s22+$0x0] =	vst v0;
	s22 =	sor.u32 s21, s25  }
0x446: {  	[tilespmem:s23+$0x0] =	vst v0;
	s23 =	sor.u32 s20, s24;
	v21 =	vld [tilespmem:s22+$0x0]  }
0x447: {  	s25 =	sadd.s32 $0xE480, s19;
	v22 =	vld [tilespmem:s23+$0x0];
	[tilespmem:s22+$0x0] =	vst v0;
	s22 =	sor.u32 s21, s24  }
0x448: {  	[tilespmem:s23+$0x0] =	vst v0;
	s23 =	sor.u32 s20, s25;
	v23 =	vld [tilespmem:s22+$0x0]  }
0x449: {  	s24 =	sadd.s32 $0xEC80, s19;
	v24 =	vld [tilespmem:s23+$0x0];
	[tilespmem:s22+$0x0] =	vst v0;
	s22 =	sor.u32 s21, s25  }
0x44a: {  	[tilespmem:s23+$0x0] =	vst v0;
	s23 =	sor.u32 s20, s24;
	v25 =	vld [tilespmem:s22+$0x0]  }
0x44b: {  	s25 =	sadd.s32 $0xF480, s19;
	v26 =	vld [tilespmem:s23+$0x0];
	[tilespmem:s22+$0x0] =	vst v0;
	s22 =	sor.u32 s21, s24  }
0x44c: {  	v5 =	vadd.s32 v6, v5;
	[tilespmem:s23+$0x0] =	vst v0;
	s23 =	sor.u32 s20, s25;
	v27 =	vld [tilespmem:s22+$0x0]  }
0x44d: {  	v6 =	vadd.s32 v8, v9;
	v5 =	vadd.s32 v10, v5;
	s24 =	sadd.s32 $0xFC80, s19;
	v28 =	vld [tilespmem:s23+$0x0];
	[tilespmem:s22+$0x0] =	vst v0;
	s22 =	sor.u32 s21, s25  }
0x44e: {  	s17 =	sadd.s32 $0x2, s17;
	v6 =	vadd.s32 v11, v6;
	v8 =	vadd.s32 v12, v5;
	[tilespmem:s23+$0x0] =	vst v0;
	s23 =	sor.u32 s20, s24;
	v5 =	vld [tilespmem:s22+$0x0]  }
0x44f: {  	v6 =	vadd.s32 v13, v6;
	v9 =	vadd.s32 v14, v8;
	s25 =	sadd.s32 $0x10480, s19;
	v8 =	vld [tilespmem:s23+$0x0];
	[tilespmem:s22+$0x0] =	vst v0;
	s22 =	sor.u32 s21, s24;
	s24 =	spop (v2sf)  }
0x450: {  	v11 =	vadd.s32 v16, v6;
	v9 =	vadd.s32 v17, v9;
	[tilespmem:s23+$0x0] =	vst v0;
	s23 =	sor.u32 s20, s25;
	v6 =	vld [tilespmem:s22+$0x0];
	[smem:s17+$0xFFFFFFFF] =	sst s24;
	s24 =	spop (v2sf)  }
0x451: {  	s26 =	sadd.s32 $0x10C80, s19;
	v11 =	vadd.s32 v15, v11;
	v9 =	vadd.s32 v18, v9;
	v10 =	vld [tilespmem:s23+$0x0];
	[tilespmem:s22+$0x0] =	vst v0;
	s22 =	sor.u32 s21, s25;
	[smem:s17] =	sst s24  }
.Ltmp23:
0x452: {  	v11 =	vadd.s32 v19, v11;
	v12 =	vadd.s32 v20, v9;
	[tilespmem:s23+$0x0] =	vst v0;
	s23 =	sor.u32 s20, s26;
	v9 =	vld [tilespmem:s22+$0x0];
	(pc) =	sbr.rel @p2 .LBB2_37-.Ltmp23, $4  }
0x453: {  	v11 =	vadd.s32 v21, v11;
	v13 =	vadd.s32 v22, v12;
	s24 =	sadd.s32 $0x11480, s19;
	v12 =	vld [tilespmem:s23+$0x0];
	[tilespmem:s22+$0x0] =	vst v0;
	s22 =	sor.u32 s21, s26  }
0x454: {  	v15 =	vadd.s32 v23, v11;
	v13 =	vadd.s32 v24, v13;
	s19 =	sor.u32 s20, s24;
	[tilespmem:s23+$0x0] =	vst v0;
	v11 =	vld [tilespmem:s22+$0x0]  }
0x455: {  	s15 =	sadd.s32 $0x20, s15;
	v15 =	vadd.s32 v25, v15;
	v13 =	vadd.s32 v26, v13;
	s20 =	sor.u32 s21, s24;
	v14 =	vld [tilespmem:s19+$0x0];
	[tilespmem:s22+$0x0] =	vst v0  }
0x456: {  	s18 =	sadd.s32 $0x20, s18;
	v15 =	vadd.s32 v27, v15;
	v16 =	vadd.s32 v28, v13;
	v13 =	vld [tilespmem:s20+$0x0];
	[tilespmem:s15+$0xFFFFFFF0] =	vst v7  }
.LBB2_38:
0x457: {  	v7 =	vadd.s32 v8, v16;
	v5 =	vadd.s32 v5, v15  }
0x458: {  	v7 =	vadd.s32 v10, v7;
	v5 =	vadd.s32 v6, v5  }
0x459: {  	v61 =	vadd.s32 v12, v7;
	v5 =	vadd.s32 v9, v5  }
0x45a: {  	v6 =	vadd.s32 v14, v61;
	v5 =	vadd.s32 v11, v5  }
0x45b: {  	v5 =	vadd.s32 v13, v5;
	(xrf0) =	vadd.scan.msk.s32 $0xffff, v6  }
0x45c: {  	(xrf0) =	vadd.scan.msk.s32 $0xffff, v5;
	_ =	sdelay $0x4  }
0x45d: {  	v62, _, _ =	vpop (xrf0)  }
0x45e: {  	(v2sf) =	vpush v62, $0xF;
	v63, _, _ =	vpop (xrf0)  }
0x45f: {  	(v2sf) =	vpush v63, $0xF;
	_ =	sdelay $0xc  }
0x460: {  	[tilespmem:s19+$0x0] =	vst v0;
	s14 =	sadd.s32 @p1 $0x2, s17  }
0x461: {  	[tilespmem:s20+$0x0] =	vst v0;
	s12 =	smov.u32 @p1 s14;
	s16 =	spop (v2sf)  }
0x462: {  	[smem:s12+$0xFFFFFFFF] =	sst s16;
	s31 =	spop (v2sf);
	s16 =	sadd.s32 @p1 $0x20, s15  }
0x463: {  	[tilespmem:s15+$0x0] =	vst @p1 v4;
	[smem:s12] =	sst s31;
	s13 =	smov.u32 @p1 s16  }
0x464: {  	[tilespmem:s13+$0xFFFFFFF0] =	vst v6  }
0x465: {  	p3 =	por $0x1, $0x1;
	[tilespmem:s13+$0x0] =	vst v5  }
.Ltmp24:
0x466: {  	s13 =	sld [smem:$0x7F];
	(pc) =	sbr.rel @!p3 .LBB2_40-.Ltmp24, $4  }
0x467: {  	s19 =	simm.s32 $0x7E;
	s18 =	simm.s32 $0x0  }
0x468: {  	s14 =	simm.s32 $0x7F;
	s15 =	simm.s32 $0x0;
	s12 =	simm.s32 $0x0  }
0x469: {  	p1 =	por $0x0, $0x0;
	s16 =	simm.s32 $0x7E;
	s17 =	sadd.s32 $0x0, s13  }
0x46a: {  	p4 =	por !p1, !p1;
	s13 =	simm.s32 $0x0;
	p2 =	sgt.s32 s17, $0x1F3F  }
.LBB2_39:
0x46b: {  	s20 =	sld [smem:s19+$0x0];
	p4 =	por !p2, !p4;
	s21 =	ssub.s32 $0x1F40, s15  }
0x46c: {  	s22 =	smov.u32 s16;
	s15 =	smov.u32 s17;
	p3 =	sne.s32 s16, $0x0  }
.Ltmp25:
0x46d: {  	s16 =	sadd.s32 $0xFFFFFFFF, s16;
	p4 =	por !p4, !p4;
	(pc) =	sbr.rel @p3 .LBB2_39-.Ltmp25, $4  }
0x46e: {  	s18 =	smov.u32 @p4 s14;
	s13 =	smov.u32 @p4 s21;
	s14 =	smov.u32 s22  }
0x46f: {  	_ = 	snop  }
0x470: {  	p1 =	por p1, p2;
	s17 =	sadd.s32 s17, s20  }
0x471: {  	s19 =	sadd.s32 $0xFFFFFFFF, s19;
	p4 =	por !p1, !p1;
	p2 =	sgt.s32 s17, $0x1F3F  }
.LBB2_40:
0x472: {  	p1 =	por !p2, !p4  }
0x473: {  	p1 =	por !p1, !p1  }
0x474: {  	s18 =	smov.u32 @p1 s14  }
0x475: {  	s14 =	sshll.u32 s18, $0x4  }
0x476: {  	v4 =	vld [tilespmem:s14+$0x11C80];
	_ =	sdelay $0x4  }
0x477: {  	v5 =	vperm.xlane v4, v3;
	_ =	sdelay $0x1  }
0x478: {  	(xrf0) =	vadd.scan.msk.s32 $0xffff, v5;
	_ =	sdelay $0x5  }
0x479: {  	v5, _, _ =	vpop (xrf0)  }
0x47a: {  	s15 =	ssub.s32 $0x1F40, s15;
	v5 =	vperm.xlane v5, v3  }
0x47b: {  	s13 =	smov.u32 @p1 s15  }
0x47c: {  	vm0 =	vge.s32 v5, s13  }
0x47d: {  	v6 =	vsel vm0, $0x1, v0  }
0x47e: {  	(xrf0) =	vadd.scan.msk.s32 $0xffff, v6;
	_ =	sdelay $0x5  }
0x47f: {  	v6, _, _ =	vpop (xrf0)  }
0x480: {  	(v2sf) =	vpush v6, $0xF;
	_ =	sdelay $0x8  }
0x481: {  	s12 =	sand.u32 $0xFFE0, s12  }
0x482: {  	v6 =	vld [tilespmem:s12+$0x80];
	_ =	sdelay $0x4  }
0x483: {  	v7 =	vshra.s32 v6, $0x1F;
	s28 =	spop (v2sf)  }
0x484: {  	v7 =	vor.u32 $0x80000000, v7;
	s12 =	sadd.s32 s28, s14  }
0x485: {  	v6 =	vxor.u32 v6, v7;
	s12 =	sadd.s32 $0xFFFFFFFF, s12  }
0x486: {  	v8 =	vshrl.u32 v6, $0xA;
	v6 =	vshrl.u32 v6, $0x15;
	v7 =	vmov s12  }
0x487: {  	vm0 =	veq.s32 v6, v7;
	v6 =	vand.u32 $0x7FF, v8  }
0x488: {  	v6 =	vor.u32 v1, v6  }
0x489: {  	s30 =	simm.s32 $0x50  }
0x48a: {  	s29 =	simm.s32 $0xA0;
	v10 =	vld [tilespmem:s30+$0xFFFFFFD0]  }
0x48b: {  	v14 =	vld [tilespmem:s30+$0xFFFFFFB0];
	s14 =	sand.u32 $0xFFE0, s29  }
0x48c: {  	v8 =	vld [tilespmem:s14+$0x80]  }
0x48d: {  	[tilespmem:v6+s9+$0x0] =	vst.idx.add.s32.msk vm0, v2  }
0x48e: {  	v9 =	vld [tilespmem:s30+$0x40];
	_ =	sdelay $0x1  }
0x48f: {  	v11 =	vld [tilespmem:s30+$0xFFFFFFF0];
	v16 =	vshra.s32 v10, $0x1F  }
0x490: {  	v13 =	vld [tilespmem:s30+$0x10];
	v16 =	vor.u32 $0x80000000, v16;
	v12 =	vshra.s32 v8, $0x1F  }
0x491: {  	v18 =	vshra.s32 v14, $0x1F;
	v10 =	vxor.u32 v10, v16;
	v12 =	vor.u32 $0x80000000, v12  }
0x492: {  	v6 =	vmov s13;
	v8 =	vxor.u32 v8, v12;
	v15 =	vshra.s32 v9, $0x1F  }
0x493: {  	v12 =	vor.u32 $0x80000000, v15;
	v15 =	vshrl.u32 v8, $0xA;
	v8 =	vshrl.u32 v8, $0x15  }
0x494: {  	vm1 =	veq.s32 v8, v7;
	v8 =	vand.u32 $0x7FF, v15;
	v15 =	vshra.s32 v11, $0x1F  }
0x495: {  	v9 =	vxor.u32 v9, v12;
	v12 =	vshra.s32 v13, $0x1F;
	v8 =	vor.u32 v1, v8  }
0x496: {  	v17 =	vshrl.u32 v9, $0xA;
	v9 =	vshrl.u32 v9, $0x15;
	v15 =	vor.u32 $0x80000000, v15  }
0x497: {  	vm0 =	veq.s32 v9, v7;
	v9 =	vand.u32 $0x7FF, v17;
	v17 =	vor.u32 $0x80000000, v18  }
0x498: {  	s31 =	simm.s32 $0xF0;
	v12 =	vor.u32 $0x80000000, v12;
	v11 =	vxor.u32 v11, v15;
	v14 =	vxor.u32 v14, v17  }
0x499: {  	v12 =	vxor.u32 v13, v12;
	v18 =	vld [tilespmem:s31+$0xFFFFFFD0];
	v16 =	vshrl.u32 v14, $0xA;
	v14 =	vshrl.u32 v14, $0x15  }
0x49a: {  	v13 =	vshrl.u32 v11, $0xA;
	v15 =	vshrl.u32 v12, $0xA;
	vm3 =	veq.s32 v14, v7;
	v14 =	vld [tilespmem:s31+$0x10]  }
0x49b: {  	v11 =	vshrl.u32 v11, $0x15;
	v12 =	vshrl.u32 v12, $0x15;
	v13 =	vand.u32 $0x7FF, v13;
	[tilespmem:v8+s9+$0x0] =	vst.idx.add.s32.msk vm1, v2  }
0x49c: {  	v16 =	vand.u32 $0x7FF, v16;
	v8 =	vshrl.u32 v10, $0xA;
	v10 =	vshrl.u32 v10, $0x15;
	v17 =	vld [tilespmem:s31+$0x40]  }
0x49d: {  	v16 =	vor.u32 v1, v16;
	v8 =	vand.u32 $0x7FF, v8;
	vm4 =	veq.s32 v10, v7;
	v10 =	vld [tilespmem:s31+$0xFFFFFFB0]  }
0x49e: {  	v15 =	vand.u32 $0x7FF, v15;
	vm5 =	veq.s32 v11, v7;
	v8 =	vor.u32 v1, v8  }
0x49f: {  	v19 =	vld [tilespmem:s31+$0xFFFFFFF0];
	vm2 =	veq.s32 v12, v7;
	v11 =	vor.u32 v1, v13;
	v12 =	vshra.s32 v18, $0x1F  }
0x4a0: {  	v9 =	vor.u32 v1, v9;
	v15 =	vor.u32 v1, v15;
	v12 =	vor.u32 $0x80000000, v12  }
0x4a1: {  	v12 =	vxor.u32 v18, v12;
	v20 =	vshra.s32 v14, $0x1F;
	v13 =	vshra.s32 v17, $0x1F  }
0x4a2: {  	[tilespmem:v16+s9+$0x0] =	vst.idx.add.s32.msk vm3, v2;
	v16 =	vor.u32 $0x80000000, v20;
	v22 =	vshra.s32 v10, $0x1F;
	v13 =	vor.u32 $0x80000000, v13  }
0x4a3: {  	s16 =	simm.s32 $0x140;
	[tilespmem:v8+s9+$0x0] =	vst.idx.add.s32.msk vm4, v2;
	v8 =	vxor.u32 v14, v16;
	v14 =	vshrl.u32 v12, $0xA;
	v13 =	vxor.u32 v17, v13  }
0x4a4: {  	s16 =	sand.u32 $0xFFE0, s16;
	[tilespmem:v11+s9+$0x0] =	vst.idx.add.s32.msk vm5, v2;
	v12 =	vshrl.u32 v12, $0x15;
	v17 =	vshra.s32 v19, $0x1F;
	v21 =	vshrl.u32 v13, $0x15  }
0x4a5: {  	v11 =	vshrl.u32 v8, $0xA;
	vm1 =	veq.s32 v21, v7;
	v21 =	vor.u32 $0x80000000, v22;
	v22 =	vld [tilespmem:s16+$0x80]  }
0x4a6: {  	v14 =	vand.u32 $0x7FF, v14;
	v8 =	vshrl.u32 v8, $0x15;
	v13 =	vshrl.u32 v13, $0xA  }
0x4a7: {  	vm3 =	veq.s32 v12, v7;
	v17 =	vor.u32 $0x80000000, v17;
	v13 =	vand.u32 $0x7FF, v13  }
0x4a8: {  	v12 =	vor.u32 v1, v14;
	v17 =	vxor.u32 v19, v17;
	v13 =	vor.u32 v1, v13  }
0x4a9: {  	[tilespmem:v15+s9+$0x0] =	vst.idx.add.s32.msk vm2, v2;
	v10 =	vxor.u32 v10, v21;
	v16 =	vshrl.u32 v17, $0xA;
	v15 =	vshrl.u32 v17, $0x15  }
0x4aa: {  	v20 =	vld [tilespmem:s30+$0xFFFFFFE0];
	v18 =	vshrl.u32 v10, $0xA;
	v10 =	vshrl.u32 v10, $0x15;
	v19 =	vshra.s32 v22, $0x1F  }
0x4ab: {  	v17 =	vld [tilespmem:s30+$0xFFFFFFC0];
	v18 =	vand.u32 $0x7FF, v18;
	vm2 =	veq.s32 v10, v7;
	v19 =	vor.u32 $0x80000000, v19  }
0x4ac: {  	v14 =	vld [tilespmem:s30+$0x20];
	v16 =	vand.u32 $0x7FF, v16;
	v10 =	vor.u32 v1, v18;
	v19 =	vxor.u32 v22, v19  }
0x4ad: {  	vm5 =	veq.s32 v15, v7;
	v18 =	vld [tilespmem:s30+$0x0];
	v21 =	vshrl.u32 v19, $0xA;
	v19 =	vshrl.u32 v19, $0x15  }
0x4ae: {  	[tilespmem:v9+s9+$0x0] =	vst.idx.add.s32.msk vm0, v2;
	v16 =	vor.u32 v1, v16;
	vm6 =	veq.s32 v19, v7;
	v15 =	vand.u32 $0x7FF, v21  }
0x4af: {  	v9 =	vand.u32 $0x7FF, v11;
	vm4 =	veq.s32 v8, v7;
	[tilespmem:v12+s9+$0x0] =	vst.idx.add.s32.msk vm3, v2;
	v11 =	vor.u32 v1, v15  }
0x4b0: {  	v9 =	vor.u32 v1, v9;
	[tilespmem:v13+s9+$0x0] =	vst.idx.add.s32.msk vm1, v2;
	v8 =	vshra.s32 v17, $0x1F;
	v13 =	vshra.s32 v20, $0x1F  }
0x4b1: {  	s15 =	simm.s32 $0x190;
	v8 =	vor.u32 $0x80000000, v8;
	[tilespmem:v10+s9+$0x0] =	vst.idx.add.s32.msk vm2, v2;
	v10 =	vor.u32 $0x80000000, v13;
	v13 =	vshra.s32 v14, $0x1F  }
0x4b2: {  	v8 =	vxor.u32 v17, v8;
	v17 =	vld [tilespmem:s15+$0xFFFFFFF0];
	v15 =	vshra.s32 v18, $0x1F;
	v13 =	vor.u32 $0x80000000, v13  }
0x4b3: {  	[tilespmem:v16+s9+$0x0] =	vst.idx.add.s32.msk vm5, v2;
	v10 =	vxor.u32 v20, v10;
	v12 =	vor.u32 $0x80000000, v15;
	v15 =	vshrl.u32 v8, $0xA  }
0x4b4: {  	v13 =	vxor.u32 v14, v13;
	v8 =	vshrl.u32 v8, $0x15;
	v12 =	vxor.u32 v18, v12;
	[tilespmem:v11+s9+$0x0] =	vst.idx.add.s32.msk vm6, v2  }
0x4b5: {  	v15 =	vand.u32 $0x7FF, v15;
	v19 =	vshrl.u32 v13, $0xA;
	v13 =	vshrl.u32 v13, $0x15;
	v14 =	vld [tilespmem:s15+$0x40]  }
0x4b6: {  	v16 =	vld [tilespmem:s15+$0xFFFFFFD0];
	vm3 =	veq.s32 v8, v7;
	v18 =	vshrl.u32 v12, $0xA;
	v12 =	vshrl.u32 v12, $0x15  }
0x4b7: {  	[tilespmem:v9+s9+$0x0] =	vst.idx.add.s32.msk vm4, v2;
	v22 =	vand.u32 $0x7FF, v19;
	vm1 =	veq.s32 v13, v7;
	v23 =	vshra.s32 v17, $0x1F  }
0x4b8: {  	v19 =	vld [tilespmem:s15+$0xFFFFFFB0];
	v21 =	vand.u32 $0x7FF, v18;
	vm0 =	veq.s32 v12, v7;
	v9 =	vor.u32 v1, v22  }
0x4b9: {  	v18 =	vld [tilespmem:s15+$0x10];
	v11 =	vshrl.u32 v10, $0xA;
	v10 =	vshrl.u32 v10, $0x15;
	v8 =	vor.u32 v1, v21  }
0x4ba: {  	v20 =	vand.u32 $0x7FF, v11;
	v11 =	vor.u32 v1, v15;
	v12 =	vshra.s32 v14, $0x1F  }
0x4bb: {  	v13 =	vld [tilespmem:s31+$0xFFFFFFC0];
	vm2 =	veq.s32 v10, v7;
	v15 =	vshra.s32 v16, $0x1F;
	v12 =	vor.u32 $0x80000000, v12  }
0x4bc: {  	v10 =	vor.u32 v1, v20;
	v20 =	vor.u32 $0x80000000, v15;
	v14 =	vxor.u32 v14, v12;
	v12 =	vld [tilespmem:s31+$0xFFFFFFE0]  }
0x4bd: {  	v24 =	vshra.s32 v19, $0x1F;
	v15 =	vshrl.u32 v14, $0xA;
	v21 =	vshrl.u32 v14, $0x15;
	v14 =	vld [tilespmem:s31+$0x0]  }
0x4be: {  	s17 =	simm.s32 $0x1E0;
	s14 =	simm.s32 $0x190;
	s16 =	simm.s32 $0x14;
	v22 =	vshra.s32 v18, $0x1F;
	vm4 =	veq.s32 v21, v7;
	v21 =	vand.u32 $0x7FF, v15;
	v15 =	vld [tilespmem:s31+$0x20]  }
.LBB2_41:
0x4bf: {  	s18 =	sand.u32 $0xFFE0, s17;
	s16 =	sadd.s32 $0xA, s16;
	v24 =	vor.u32 $0x80000000, v24;
	v23 =	vor.u32 $0x80000000, v23;
	v21 =	vor.u32 v1, v21;
	[tilespmem:v11+s9+$0x0] =	vst.idx.add.s32.msk vm3, v2  }
0x4c0: {  	v16 =	vxor.u32 v16, v20;
	v20 =	vor.u32 $0x80000000, v22;
	v11 =	vld [tilespmem:s18+$0x80];
	p1 =	slt.u32 s16, $0x9BA;
	v19 =	vxor.u32 v19, v24  }
0x4c1: {  	v17 =	vxor.u32 v17, v23;
	v18 =	vxor.u32 v18, v20;
	v22 =	vshrl.u32 v19, $0xA;
	[tilespmem:v10+s9+$0x0] =	vst.idx.add.s32.msk vm2, v2  }
0x4c2: {  	v10 =	vshrl.u32 v16, $0xA;
	v20 =	vshrl.u32 v17, $0xA;
	v23 =	vshrl.u32 v18, $0xA;
	[tilespmem:v8+s9+$0x0] =	vst.idx.add.s32.msk vm0, v2  }
0x4c3: {  	v16 =	vshrl.u32 v16, $0x15;
	v8 =	vshrl.u32 v19, $0x15;
	v19 =	vand.u32 $0x7FF, v22;
	[tilespmem:v9+s9+$0x0] =	vst.idx.add.s32.msk vm1, v2  }
0x4c4: {  	v9 =	vand.u32 $0x7FF, v10;
	v10 =	vshrl.u32 v17, $0x15;
	v17 =	vand.u32 $0x7FF, v20;
	[tilespmem:v21+s9+$0x0] =	vst.idx.add.s32.msk vm4, v2  }
0x4c5: {  	v18 =	vshrl.u32 v18, $0x15;
	v21 =	vand.u32 $0x7FF, v23;
	v20 =	vshra.s32 v11, $0x1F  }
0x4c6: {  	vm0 =	veq.s32 v8, v7;
	v8 =	vor.u32 v1, v19;
	v20 =	vor.u32 $0x80000000, v20  }
0x4c7: {  	vm2 =	veq.s32 v16, v7;
	v9 =	vor.u32 v1, v9;
	v11 =	vxor.u32 v11, v20  }
0x4c8: {  	vm3 =	veq.s32 v10, v7;
	v16 =	vshrl.u32 v11, $0xA;
	v11 =	vshrl.u32 v11, $0x15  }
0x4c9: {  	vm4 =	veq.s32 v11, v7;
	v10 =	vand.u32 $0x7FF, v16;
	v11 =	vor.u32 v1, v17  }
0x4ca: {  	vm1 =	veq.s32 v18, v7;
	v20 =	vor.u32 v1, v21;
	v10 =	vor.u32 v1, v10  }
0x4cb: {  	v18 =	vshra.s32 v14, $0x1F;
	v16 =	vshra.s32 v13, $0x1F;
	v17 =	vshra.s32 v12, $0x1F  }
0x4cc: {  	[tilespmem:v8+s9+$0x0] =	vst.idx.add.s32.msk vm0, v2;
	v8 =	vor.u32 $0x80000000, v16;
	v16 =	vor.u32 $0x80000000, v17;
	v17 =	vshra.s32 v15, $0x1F  }
0x4cd: {  	[tilespmem:v9+s9+$0x0] =	vst.idx.add.s32.msk vm2, v2;
	v8 =	vxor.u32 v13, v8;
	v9 =	vor.u32 $0x80000000, v18;
	v13 =	vor.u32 $0x80000000, v17  }
0x4ce: {  	v12 =	vxor.u32 v12, v16;
	[tilespmem:v11+s9+$0x0] =	vst.idx.add.s32.msk vm3, v2;
	v11 =	vshrl.u32 v8, $0xA;
	v9 =	vxor.u32 v14, v9  }
0x4cf: {  	s15 =	sadd.s32 $0xA0, s15;
	v13 =	vxor.u32 v15, v13;
	[tilespmem:v10+s9+$0x0] =	vst.idx.add.s32.msk vm4, v2;
	v10 =	vshrl.u32 v12, $0xA;
	v14 =	vshrl.u32 v9, $0xA  }
0x4d0: {  	v8 =	vshrl.u32 v8, $0x15;
	v11 =	vand.u32 $0x7FF, v11;
	v18 =	vshrl.u32 v13, $0xA;
	v15 =	vld [tilespmem:s15+$0x40]  }
0x4d1: {  	v12 =	vshrl.u32 v12, $0x15;
	v9 =	vshrl.u32 v9, $0x15;
	v10 =	vand.u32 $0x7FF, v10;
	v16 =	vld [tilespmem:s15+$0xFFFFFFD0]  }
0x4d2: {  	v13 =	vshrl.u32 v13, $0x15;
	v14 =	vand.u32 $0x7FF, v14;
	v21 =	vand.u32 $0x7FF, v18;
	v17 =	vld [tilespmem:s15+$0xFFFFFFF0]  }
0x4d3: {  	vm3 =	veq.s32 v8, v7;
	v11 =	vor.u32 v1, v11;
	vm2 =	veq.s32 v12, v7;
	v18 =	vld [tilespmem:s15+$0x10]  }
0x4d4: {  	vm0 =	veq.s32 v9, v7;
	v10 =	vor.u32 v1, v10;
	v8 =	vor.u32 v1, v14;
	v19 =	vld [tilespmem:s15+$0xFFFFFFB0]  }
.Ltmp26:
0x4d5: {  	v9 =	vor.u32 v1, v21;
	v12 =	vshra.s32 v15, $0x1F;
	[tilespmem:v20+s9+$0x0] =	vst.idx.add.s32.msk vm1, v2;
	vm1 =	veq.s32 v13, v7;
	(pc) =	sbr.rel @p1 .LBB2_41-.Ltmp26, $4  }
0x4d6: {  	v14 =	vshra.s32 v16, $0x1F;
	v12 =	vor.u32 $0x80000000, v12;
	v13 =	vld [tilespmem:s14+$0xFFFFFFC0]  }
0x4d7: {  	v20 =	vor.u32 $0x80000000, v14;
	v23 =	vshra.s32 v17, $0x1F;
	v14 =	vxor.u32 v15, v12;
	v12 =	vld [tilespmem:s14+$0xFFFFFFE0]  }
0x4d8: {  	v22 =	vshra.s32 v18, $0x1F;
	v15 =	vshrl.u32 v14, $0xA;
	v21 =	vshrl.u32 v14, $0x15;
	v14 =	vld [tilespmem:s14+$0x0]  }
0x4d9: {  	s17 =	sadd.s32 $0xA0, s17;
	v24 =	vshra.s32 v19, $0x1F;
	vm4 =	veq.s32 v21, v7;
	v21 =	vand.u32 $0x7FF, v15;
	v15 =	vld [tilespmem:s14+$0x20];
	s14 =	smov.u32 s15  }
0x4da: {  	v24 =	vor.u32 $0x80000000, v24;
	v23 =	vor.u32 $0x80000000, v23  }
0x4db: {  	v16 =	vxor.u32 v16, v20;
	v20 =	vor.u32 $0x80000000, v22;
	v19 =	vxor.u32 v19, v24  }
0x4dc: {  	v17 =	vxor.u32 v17, v23;
	v18 =	vxor.u32 v18, v20;
	v20 =	vshrl.u32 v16, $0xA  }
0x4dd: {  	v16 =	vshrl.u32 v16, $0x15;
	v50 =	vshrl.u32 v19, $0xA;
	v23 =	vshrl.u32 v17, $0xA  }
0x4de: {  	v51 =	vshrl.u32 v18, $0xA;
	v19 =	vshrl.u32 v19, $0x15;
	v20 =	vand.u32 $0x7FF, v20  }
0x4df: {  	v17 =	vshrl.u32 v17, $0x15;
	vm6 =	veq.s32 v16, v7;
	v16 =	vshrl.u32 v18, $0x15  }
0x4e0: {  	v22 =	vand.u32 $0x7FF, v50;
	vm5 =	veq.s32 v19, v7;
	v18 =	vor.u32 v1, v20  }
0x4e1: {  	v19 =	vand.u32 $0x7FF, v23;
	vm7 =	veq.s32 v17, v7;
	v22 =	vor.u32 v1, v22  }
0x4e2: {  	v17 =	vand.u32 $0x7FF, v51;
	vm8 =	veq.s32 v16, v7;
	v19 =	vor.u32 v1, v19  }
0x4e3: {  	v16 =	vor.u32 v1, v17;
	_ =	sdelay $0x1  }
0x4e4: {  	v20 =	vshra.s32 v13, $0x1F;
	[tilespmem:v18+s9+$0x0] =	vst.idx.add.s32.msk vm6, v2  }
0x4e5: {  	v52 =	vshra.s32 v12, $0x1F;
	v20 =	vor.u32 $0x80000000, v20;
	v54 =	vshra.s32 v15, $0x1F;
	[tilespmem:v22+s9+$0x0] =	vst.idx.add.s32.msk vm5, v2  }
0x4e6: {  	v53 =	vshra.s32 v14, $0x1F;
	v13 =	vxor.u32 v13, v20;
	v20 =	vor.u32 $0x80000000, v54;
	[tilespmem:v19+s9+$0x0] =	vst.idx.add.s32.msk vm7, v2  }
0x4e7: {  	v17 =	vor.u32 v1, v21;
	v21 =	vor.u32 $0x80000000, v52;
	v15 =	vxor.u32 v15, v20;
	[tilespmem:v16+s9+$0x0] =	vst.idx.add.s32.msk vm8, v2  }
0x4e8: {  	v12 =	vxor.u32 v12, v21;
	v55 =	vshrl.u32 v15, $0xA;
	v15 =	vshrl.u32 v15, $0x15;
	v56 =	vld [tilespmem:s14+$0xFFFFFFE0]  }
0x4e9: {  	v18 =	vor.u32 $0x80000000, v53;
	v21 =	vand.u32 $0x7FF, v55;
	vm11 =	veq.s32 v15, v7;
	v20 =	vld [tilespmem:s14+$0xFFFFFFC0]  }
0x4ea: {  	v19 =	vshrl.u32 v13, $0xA;
	v14 =	vxor.u32 v14, v18;
	v16 =	vshrl.u32 v12, $0xA;
	v57 =	vld [tilespmem:s14+$0x0]  }
0x4eb: {  	v13 =	vshrl.u32 v13, $0x15;
	v12 =	vshrl.u32 v12, $0x15;
	v18 =	vshrl.u32 v14, $0xA;
	v58 =	vld [tilespmem:s14+$0x20]  }
0x4ec: {  	v19 =	vand.u32 $0x7FF, v19;
	v16 =	vand.u32 $0x7FF, v16;
	v14 =	vshrl.u32 v14, $0x15  }
0x4ed: {  	vm15 =	veq.s32 v13, v7;
	vm9 =	veq.s32 v12, v7;
	v18 =	vand.u32 $0x7FF, v18  }
0x4ee: {  	v13 =	vor.u32 v1, v19;
	v12 =	vor.u32 v1, v16;
	vm10 =	veq.s32 v14, v7  }
0x4ef: {  	v16 =	vor.u32 v1, v18;
	v18 =	vshra.s32 v56, $0x1F;
	v14 =	vshra.s32 v20, $0x1F  }
0x4f0: {  	v15 =	vor.u32 $0x80000000, v18;
	v18 =	vshra.s32 v57, $0x1F;
	v19 =	vshra.s32 v58, $0x1F  }
0x4f1: {  	v14 =	vor.u32 $0x80000000, v14;
	v15 =	vxor.u32 v56, v15;
	v18 =	vor.u32 $0x80000000, v18  }
0x4f2: {  	[tilespmem:v11+s9+$0x0] =	vst.idx.add.s32.msk vm3, v2;
	v19 =	vor.u32 $0x80000000, v19;
	v14 =	vxor.u32 v20, v14;
	v20 =	vor.u32 v1, v21  }
0x4f3: {  	[tilespmem:v10+s9+$0x0] =	vst.idx.add.s32.msk vm2, v2;
	v18 =	vxor.u32 v57, v18;
	v59 =	vshrl.u32 v15, $0xA;
	v19 =	vxor.u32 v58, v19  }
0x4f4: {  	[tilespmem:v8+s9+$0x0] =	vst.idx.add.s32.msk vm0, v2;
	v15 =	vshrl.u32 v15, $0x15;
	v11 =	vshrl.u32 v14, $0xA;
	v10 =	vshrl.u32 v18, $0xA  }
0x4f5: {  	[tilespmem:v9+s9+$0x0] =	vst.idx.add.s32.msk vm1, v2;
	v14 =	vshrl.u32 v14, $0x15;
	v9 =	vand.u32 $0x7FF, v59;
	v18 =	vshrl.u32 v18, $0x15  }
0x4f6: {  	[tilespmem:v13+s9+$0x0] =	vst.idx.add.s32.msk vm15, v2;
	vm13 =	veq.s32 v15, v7;
	v13 =	vshrl.u32 v19, $0x15;
	v8 =	vand.u32 $0x7FF, v11  }
0x4f7: {  	v11 =	vshrl.u32 v19, $0xA;
	vm12 =	veq.s32 v14, v7;
	v9 =	vor.u32 v1, v9  }
0x4f8: {  	[tilespmem:v17+s9+$0x0] =	vst.idx.add.s32.msk vm4, v2;
	v10 =	vand.u32 $0x7FF, v10;
	vm14 =	veq.s32 v18, v7;
	v8 =	vor.u32 v1, v8  }
0x4f9: {  	[tilespmem:v12+s9+$0x0] =	vst.idx.add.s32.msk vm9, v2;
	vm15 =	veq.s32 v13, v7;
	v11 =	vand.u32 $0x7FF, v11;
	v10 =	vor.u32 v1, v10  }
0x4fa: {  	[tilespmem:v16+s9+$0x0] =	vst.idx.add.s32.msk vm10, v2;
	v7 =	vor.u32 v1, v11  }
0x4fb: {  	[tilespmem:v20+s9+$0x0] =	vst.idx.add.s32.msk vm11, v2  }
0x4fc: {  	[tilespmem:v9+s9+$0x0] =	vst.idx.add.s32.msk vm13, v2  }
0x4fd: {  	[tilespmem:v8+s9+$0x0] =	vst.idx.add.s32.msk vm12, v2  }
0x4fe: {  	s23 =	simm.s32 $0x0;
	[tilespmem:v10+s9+$0x0] =	vst.idx.add.s32.msk vm14, v2  }
0x4ff: {  	s17 =	simm.s32 $0x9C90;
	s16 =	sand.u32 $0x780, s23;
	[tilespmem:v7+s9+$0x0] =	vst.idx.add.s32.msk vm15, v2  }
0x500: {  	s15 =	simm.s32 $0x10;
	s18 =	sadd.s32 $0xA480, s16;
	s14 =	sand.u32 $0x60, s23;
	v7 =	vld [tilespmem:s17+$0xFFFFFFF0]  }
0x501: {  	s15 =	sand.u32 $0x70, s15;
	s19 =	sor.u32 s14, s18;
	[tilespmem:s17+$0xFFFFFFF0] =	vst v0;
	v8 =	vld [tilespmem:s17+$0x0]  }
0x502: {  	s20 =	sadd.s32 $0xAC80, s16;
	s24 =	sor.u32 s15, s18;
	[tilespmem:s17+$0x0] =	vst v0;
	v9 =	vld [tilespmem:s19+$0x0]  }
0x503: {  	s25 =	sor.u32 s14, s20;
	[tilespmem:s19+$0x0] =	vst v0;
	v10 =	vld [tilespmem:s24+$0x0]  }
0x504: {  	s26 =	sadd.s32 $0xB480, s16;
	s28 =	sor.u32 s15, s20;
	[tilespmem:s24+$0x0] =	vst v0;
	v11 =	vld [tilespmem:s25+$0x0]  }
0x505: {  	s29 =	sor.u32 s14, s26;
	[tilespmem:s25+$0x0] =	vst v0;
	v12 =	vld [tilespmem:s28+$0x0]  }
0x506: {  	s30 =	sadd.s32 $0xBC80, s16;
	s31 =	sor.u32 s15, s26;
	[tilespmem:s28+$0x0] =	vst v0;
	v13 =	vld [tilespmem:s29+$0x0]  }
0x507: {  	s19 =	sor.u32 s14, s30;
	[tilespmem:s29+$0x0] =	vst v0;
	v14 =	vld [tilespmem:s31+$0x0]  }
0x508: {  	s21 =	sadd.s32 $0xC480, s16;
	s22 =	sor.u32 s15, s30;
	[tilespmem:s31+$0x0] =	vst v0;
	v15 =	vld [tilespmem:s19+$0x0]  }
0x509: {  	s23 =	sor.u32 s14, s21;
	[tilespmem:s19+$0x0] =	vst v0;
	v16 =	vld [tilespmem:s22+$0x0]  }
0x50a: {  	s24 =	sadd.s32 $0xCC80, s16;
	s25 =	sor.u32 s15, s21;
	[tilespmem:s22+$0x0] =	vst v0;
	v17 =	vld [tilespmem:s23+$0x0]  }
0x50b: {  	s26 =	sor.u32 s14, s24;
	[tilespmem:s23+$0x0] =	vst v0;
	v18 =	vld [tilespmem:s25+$0x0]  }
0x50c: {  	s28 =	sadd.s32 $0xD480, s16;
	s29 =	sor.u32 s15, s24;
	[tilespmem:s25+$0x0] =	vst v0;
	v19 =	vld [tilespmem:s26+$0x0]  }
0x50d: {  	s30 =	sor.u32 s14, s28;
	[tilespmem:s26+$0x0] =	vst v0;
	v20 =	vld [tilespmem:s29+$0x0]  }
0x50e: {  	s31 =	sadd.s32 $0xDC80, s16;
	s21 =	sor.u32 s15, s28;
	[tilespmem:s29+$0x0] =	vst v0;
	v60 =	vld [tilespmem:s30+$0x0]  }
0x50f: {  	s22 =	sor.u32 s14, s31;
	[tilespmem:s30+$0x0] =	vst v0;
	v61 =	vld [tilespmem:s21+$0x0]  }
0x510: {  	s24 =	sor.u32 s15, s31;
	s23 =	sadd.s32 $0xE480, s16;
	[tilespmem:s21+$0x0] =	vst v0;
	v62 =	vld [tilespmem:s22+$0x0]  }
0x511: {  	s25 =	sor.u32 s14, s23;
	[tilespmem:s22+$0x0] =	vst v0;
	v63 =	vld [tilespmem:s24+$0x0]  }
0x512: {  	s26 =	sadd.s32 $0xEC80, s16;
	s28 =	sor.u32 s15, s23;
	[tilespmem:s24+$0x0] =	vst v0;
	v25 =	vld [tilespmem:s25+$0x0]  }
0x513: {  	s29 =	sor.u32 s14, s26;
	[tilespmem:s25+$0x0] =	vst v0;
	v26 =	vld [tilespmem:s28+$0x0]  }
0x514: {  	s30 =	sadd.s32 $0xF480, s16;
	s31 =	sor.u32 s15, s26;
	[tilespmem:s28+$0x0] =	vst v0;
	v27 =	vld [tilespmem:s29+$0x0]  }
0x515: {  	v7 =	vadd.s32 v7, v9;
	s20 =	sor.u32 s14, s30;
	[tilespmem:s29+$0x0] =	vst v0;
	v28 =	vld [tilespmem:s31+$0x0]  }
0x516: {  	v8 =	vadd.s32 v8, v10;
	v7 =	vadd.s32 v11, v7;
	s21 =	sadd.s32 $0xFC80, s16;
	s22 =	sor.u32 s15, s30;
	[tilespmem:s31+$0x0] =	vst v0;
	v29 =	vld [tilespmem:s20+$0x0]  }
0x517: {  	v9 =	vadd.s32 v12, v8;
	v7 =	vadd.s32 v13, v7;
	s23 =	sor.u32 s14, s21;
	[tilespmem:s20+$0x0] =	vst v0;
	v8 =	vld [tilespmem:s22+$0x0]  }
0x518: {  	s24 =	sadd.s32 $0x10480, s16;
	v9 =	vadd.s32 v14, v9;
	v7 =	vadd.s32 v15, v7;
	s25 =	sor.u32 s15, s21;
	[tilespmem:s22+$0x0] =	vst v0;
	v11 =	vld [tilespmem:s23+$0x0]  }
0x519: {  	s26 =	sor.u32 s14, s24;
	v10 =	vadd.s32 v16, v9;
	v7 =	vadd.s32 v17, v7;
	[tilespmem:s23+$0x0] =	vst v0;
	v9 =	vld [tilespmem:s25+$0x0]  }
0x51a: {  	p2 =	por $0x1, $0x1;
	s28 =	sadd.s32 $0x10C80, s16;
	v10 =	vadd.s32 v18, v10;
	s29 =	sor.u32 s15, s24;
	v7 =	vadd.s32 v19, v7;
	[tilespmem:s25+$0x0] =	vst v0;
	v13 =	vld [tilespmem:s26+$0x0]  }
.Ltmp27:
0x51b: {  	s30 =	sor.u32 s14, s28;
	v10 =	vadd.s32 v20, v10;
	v7 =	vadd.s32 v60, v7;
	[tilespmem:s26+$0x0] =	vst v0;
	v12 =	vld [tilespmem:s29+$0x0];
	(pc) =	sbr.rel @!p2 .LBB2_43-.Ltmp27, $4  }
0x51c: {  	s16 =	sadd.s32 $0x11480, s16;
	s31 =	sor.u32 s15, s28;
	v10 =	vadd.s32 v61, v10;
	v7 =	vadd.s32 v62, v7;
	[tilespmem:s29+$0x0] =	vst v0;
	v15 =	vld [tilespmem:s30+$0x0]  }
0x51d: {  	s21 =	sor.u32 s14, s16;
	v10 =	vadd.s32 v63, v10;
	v7 =	vadd.s32 v25, v7;
	[tilespmem:s30+$0x0] =	vst v0;
	v14 =	vld [tilespmem:s31+$0x0]  }
0x51e: {  	p1 =	por $0x0, $0x0;
	s22 =	sor.u32 s15, s16;
	v10 =	vadd.s32 v26, v10;
	[tilespmem:s31+$0x0] =	vst v0;
	v7 =	vadd.s32 v27, v7;
	v17 =	vld [tilespmem:s21+$0x0]  }
0x51f: {  	s17 =	simm.s32 $0x30;
	s14 =	simm.s32 $0x1;
	s15 =	simm.s32 $0x11C90;
	v18 =	vadd.s32 v28, v10;
	v16 =	vld [tilespmem:s22+$0x0];
	v19 =	vadd.s32 v29, v7  }
0x520: {  	s18 =	simm.s32 $0x20;
	v7 =	vadd.s32 v11, v19  }
0x521: {  	[tilespmem:s21+$0x0] =	vst v0;
	s16 =	simm.s32 $0x9CB0;
	s20 =	sand.u32 $0x780, s18;
	v7 =	vadd.s32 v13, v7  }
0x522: {  	[tilespmem:s22+$0x0] =	vst v0;
	v11 =	vld [tilespmem:s16+$0xFFFFFFF0];
	s18 =	sand.u32 $0x60, s18;
	s19 =	sadd.s32 $0xA480, s20;
	v7 =	vadd.s32 v15, v7  }
0x523: {  	s17 =	sand.u32 $0x70, s17;
	[tilespmem:s16+$0xFFFFFFF0] =	vst v0;
	v13 =	vld [tilespmem:s16+$0x0];
	s30 =	sor.u32 s18, s19;
	v10 =	vadd.s32 v17, v7  }
0x524: {  	[tilespmem:s16+$0x0] =	vst v0;
	s31 =	sadd.s32 $0xAC80, s20;
	s19 =	sor.u32 s17, s19;
	v7 =	vadd.s32 v8, v18;
	v15 =	vld [tilespmem:s30+$0x0];
	(xrf0) =	vadd.scan.msk.s32 $0xffff, v10  }
0x525: {  	s24 =	sor.u32 s18, s31;
	[tilespmem:s30+$0x0] =	vst v0;
	v8 =	vld [tilespmem:s19+$0x0];
	v7 =	vadd.s32 v9, v7  }
0x526: {  	s23 =	sadd.s32 $0xB480, s20;
	s25 =	sor.u32 s17, s31;
	[tilespmem:s19+$0x0] =	vst v0;
	v9 =	vld [tilespmem:s24+$0x0];
	v7 =	vadd.s32 v12, v7  }
0x527: {  	s26 =	sor.u32 s18, s23;
	[tilespmem:s24+$0x0] =	vst v0;
	v12 =	vld [tilespmem:s25+$0x0];
	v7 =	vadd.s32 v14, v7  }
0x528: {  	s28 =	sadd.s32 $0xBC80, s20;
	s29 =	sor.u32 s17, s23;
	[tilespmem:s25+$0x0] =	vst v0;
	v14 =	vld [tilespmem:s26+$0x0];
	v7 =	vadd.s32 v16, v7  }
0x529: {  	s30 =	sor.u32 s18, s28;
	[tilespmem:s26+$0x0] =	vst v0;
	v16 =	vld [tilespmem:s29+$0x0];
	(xrf0) =	vadd.scan.msk.s32 $0xffff, v7  }
0x52a: {  	s31 =	sadd.s32 $0xC480, s20;
	s24 =	sor.u32 s17, s28;
	v17 =	vld [tilespmem:s30+$0x0];
	[tilespmem:s29+$0x0] =	vst v0;
	v18, _, _ =	vpop (xrf0)  }
0x52b: {  	s28 =	sor.u32 s17, s31;
	s26 =	sadd.s32 $0xCC80, s20;
	v19 =	vld [tilespmem:s24+$0x0];
	[tilespmem:s24+$0x0] =	vst v0;
	(v2sf) =	vpush v18, $0xF  }
0x52c: {  	s25 =	sor.u32 s18, s31;
	s31 =	sor.u32 s17, s26;
	v20 =	vld [tilespmem:s28+$0x0];
	[tilespmem:s28+$0x0] =	vst v0  }
0x52d: {  	[tilespmem:s30+$0x0] =	vst v0;
	v22 =	vld [tilespmem:s31+$0x0]  }
0x52e: {  	s29 =	sor.u32 s18, s26;
	s30 =	sadd.s32 $0xD480, s20;
	v18 =	vld [tilespmem:s25+$0x0];
	[tilespmem:s25+$0x0] =	vst v0  }
0x52f: {  	[tilespmem:s31+$0x0] =	vst v0;
	s25 =	sor.u32 s17, s30;
	v21 =	vld [tilespmem:s29+$0x0];
	v23, _, _ =	vpop (xrf0)  }
0x530: {  	s22 =	sor.u32 s18, s30;
	s24 =	sadd.s32 $0xDC80, s20;
	[tilespmem:s29+$0x0] =	vst v0;
	v63 =	vld [tilespmem:s25+$0x0];
	(v2sf) =	vpush v23, $0xF  }
0x531: {  	[tilespmem:s25+$0x0] =	vst v0;
	s29 =	sor.u32 s17, s24;
	v24 =	vld [tilespmem:s22+$0x0]  }
0x532: {  	s26 =	sor.u32 s18, s24;
	s28 =	sadd.s32 $0xE480, s20;
	[tilespmem:s22+$0x0] =	vst v0;
	v26 =	vld [tilespmem:s29+$0x0]  }
0x533: {  	s23 =	sor.u32 s17, s28;
	[tilespmem:s29+$0x0] =	vst v0;
	v25 =	vld [tilespmem:s26+$0x0]  }
0x534: {  	s31 =	sadd.s32 $0xEC80, s20;
	s30 =	sor.u32 s18, s28;
	[tilespmem:s26+$0x0] =	vst v0;
	v28 =	vld [tilespmem:s23+$0x0]  }
0x535: {  	[tilespmem:s23+$0x0] =	vst v0;
	s26 =	sor.u32 s17, s31;
	v27 =	vld [tilespmem:s30+$0x0]  }
0x536: {  	s24 =	sor.u32 s18, s31;
	s25 =	sadd.s32 $0xF480, s20;
	[tilespmem:s30+$0x0] =	vst v0;
	v30 =	vld [tilespmem:s26+$0x0]  }
0x537: {  	v11 =	vadd.s32 v11, v15;
	[tilespmem:s26+$0x0] =	vst v0;
	s30 =	sor.u32 s17, s25;
	v29 =	vld [tilespmem:s24+$0x0]  }
0x538: {  	v9 =	vadd.s32 v9, v11;
	v11 =	vadd.s32 v13, v8;
	s28 =	sor.u32 s18, s25;
	s29 =	sadd.s32 $0xFC80, s20;
	[tilespmem:s24+$0x0] =	vst v0;
	v8 =	vld [tilespmem:s30+$0x0]  }
0x539: {  	v9 =	vadd.s32 v14, v9;
	v12 =	vadd.s32 v12, v11;
	s22 =	sor.u32 s17, s29;
	[tilespmem:s30+$0x0] =	vst v0;
	v31 =	vld [tilespmem:s28+$0x0]  }
0x53a: {  	v13 =	vadd.s32 v17, v9;
	v12 =	vadd.s32 v16, v12;
	s31 =	sor.u32 s18, s29;
	s24 =	sadd.s32 $0x10480, s20;
	[tilespmem:s28+$0x0] =	vst v0;
	v9 =	vld [tilespmem:s22+$0x0];
	s25 =	spop (v2sf)  }
0x53b: {  	v12 =	vadd.s32 v19, v12;
	v13 =	vadd.s32 v18, v13;
	s26 =	sor.u32 s18, s24;
	v11 =	vld [tilespmem:s31+$0x0];
	[tilespmem:s31+$0x0] =	vst v0;
	[smem:$0x0] =	sst s25  }
0x53c: {  	p3 =	por $0x1, $0x1;
	v12 =	vadd.s32 v20, v12;
	v14 =	vadd.s32 v21, v13;
	s28 =	sadd.s32 $0x10C80, s20;
	[tilespmem:s22+$0x0] =	vst v0;
	s22 =	sor.u32 s17, s24;
	v13 =	vld [tilespmem:s26+$0x0]  }
.Ltmp28:
0x53d: {  	v16 =	vadd.s32 v22, v12;
	v14 =	vadd.s32 v24, v14;
	s29 =	sor.u32 s18, s28;
	[tilespmem:s26+$0x0] =	vst v0;
	v12 =	vld [tilespmem:s22+$0x0];
	(pc) =	sbr.rel @!p3 .LBB2_45-.Ltmp28, $4  }
0x53e: {  	s20 =	sadd.s32 $0x11480, s20;
	v16 =	vadd.s32 v63, v16;
	s30 =	sor.u32 s17, s28;
	v14 =	vadd.s32 v25, v14;
	[tilespmem:s22+$0x0] =	vst v0;
	v15 =	vld [tilespmem:s29+$0x0]  }
0x53f: {  	p2 =	por $0x1, $0x1;
	s21 =	sor.u32 s18, s20;
	v16 =	vadd.s32 v26, v16;
	v17 =	vadd.s32 v27, v14;
	[tilespmem:s29+$0x0] =	vst v0;
	v14 =	vld [tilespmem:s30+$0x0];
	s31 =	spop (v2sf)  }
0x540: {  	s19 =	simm.s32 $0x2;
	v16 =	vadd.s32 v28, v16;
	v18 =	vadd.s32 v29, v17;
	s22 =	sor.u32 s17, s20;
	[tilespmem:s30+$0x0] =	vst v0;
	v17 =	vld [tilespmem:s21+$0x0];
	[smem:s14] =	sst s31  }
0x541: {  	s18 =	simm.s32 $0x1;
	v19 =	vadd.s32 v31, v18;
	v18 =	vadd.s32 v30, v16;
	s20 =	simm.s32 $0x50;
	s17 =	simm.s32 $0x11C90;
	v16 =	vld [tilespmem:s22+$0x0];
	[tilespmem:s15+$0xFFFFFFF0] =	vst v10  }
.LBB2_46:
0x542: {  	s23 =	sadd.s32 $0xFFFFFFF0, s20;
	v10 =	vadd.s32 v11, v19;
	[tilespmem:s21+$0x0] =	vst v0;
	v8 =	vadd.s32 v8, v18  }
0x543: {  	s16 =	sadd.s32 $0x20, s16;
	s21 =	sand.u32 $0x780, s23;
	v10 =	vadd.s32 v13, v10;
	v8 =	vadd.s32 v9, v8;
	[tilespmem:s22+$0x0] =	vst v0  }
0x544: {  	s22 =	sand.u32 $0x60, s23;
	v9 =	vld [tilespmem:s16+$0xFFFFFFF0];
	s24 =	sadd.s32 $0xA480, s21;
	v10 =	vadd.s32 v15, v10;
	v8 =	vadd.s32 v12, v8;
	[tilespmem:s17+$0x0] =	vst v7  }
0x545: {  	s23 =	sand.u32 $0x70, s20;
	[tilespmem:s16+$0xFFFFFFF0] =	vst v0;
	s25 =	sor.u32 s22, s24;
	v11 =	vld [tilespmem:s16+$0x0];
	v10 =	vadd.s32 v17, v10;
	v7 =	vadd.s32 v14, v8  }
0x546: {  	s26 =	sadd.s32 $0xAC80, s21;
	s24 =	sor.u32 s23, s24;
	v8 =	vld [tilespmem:s25+$0x0];
	[tilespmem:s16+$0x0] =	vst v0;
	v7 =	vadd.s32 v16, v7;
	(xrf0) =	vadd.scan.msk.s32 $0xffff, v10  }
0x547: {  	[tilespmem:s25+$0x0] =	vst v0;
	s25 =	sor.u32 s22, s26;
	v12 =	vld [tilespmem:s24+$0x0];
	(xrf0) =	vadd.scan.msk.s32 $0xffff, v7  }
0x548: {  	s28 =	sadd.s32 $0xB480, s21;
	v13 =	vld [tilespmem:s25+$0x0];
	[tilespmem:s24+$0x0] =	vst v0;
	s24 =	sor.u32 s23, s26  }
0x549: {  	[tilespmem:s25+$0x0] =	vst v0;
	s25 =	sor.u32 s22, s28;
	v14 =	vld [tilespmem:s24+$0x0]  }
0x54a: {  	s26 =	sadd.s32 $0xBC80, s21;
	v15 =	vld [tilespmem:s25+$0x0];
	[tilespmem:s24+$0x0] =	vst v0;
	s24 =	sor.u32 s23, s28  }
0x54b: {  	[tilespmem:s25+$0x0] =	vst v0;
	s25 =	sor.u32 s22, s26;
	v16 =	vld [tilespmem:s24+$0x0]  }
0x54c: {  	s28 =	sadd.s32 $0xC480, s21;
	v17 =	vld [tilespmem:s25+$0x0];
	[tilespmem:s24+$0x0] =	vst v0;
	s24 =	sor.u32 s23, s26;
	v18, _, _ =	vpop (xrf0)  }
0x54d: {  	[tilespmem:s25+$0x0] =	vst v0;
	s25 =	sor.u32 s22, s28;
	v19 =	vld [tilespmem:s24+$0x0];
	(v2sf) =	vpush v18, $0xF;
	v18, _, _ =	vpop (xrf0)  }
0x54e: {  	s26 =	sadd.s32 $0xCC80, s21;
	v20 =	vld [tilespmem:s25+$0x0];
	[tilespmem:s24+$0x0] =	vst v0;
	s24 =	sor.u32 s23, s28;
	(v2sf) =	vpush v18, $0xF  }
0x54f: {  	[tilespmem:s25+$0x0] =	vst v0;
	s25 =	sor.u32 s22, s26;
	v18 =	vld [tilespmem:s24+$0x0]  }
0x550: {  	s28 =	sadd.s32 $0xD480, s21;
	v21 =	vld [tilespmem:s25+$0x0];
	[tilespmem:s24+$0x0] =	vst v0;
	s24 =	sor.u32 s23, s26  }
0x551: {  	s19 =	sadd.s32 $0x2, s19;
	[tilespmem:s25+$0x0] =	vst v0;
	s25 =	sor.u32 s22, s28;
	v22 =	vld [tilespmem:s24+$0x0]  }
0x552: {  	p3 =	slt.u32 s19, $0x7E;
	s26 =	sadd.s32 $0xDC80, s21;
	v23 =	vld [tilespmem:s25+$0x0];
	[tilespmem:s24+$0x0] =	vst v0;
	s24 =	sor.u32 s23, s28  }
0x553: {  	[tilespmem:s25+$0x0] =	vst v0;
	s25 =	sor.u32 s22, s26;
	v24 =	vld [tilespmem:s24+$0x0]  }
0x554: {  	s28 =	sadd.s32 $0xE480, s21;
	v25 =	vld [tilespmem:s25+$0x0];
	[tilespmem:s24+$0x0] =	vst v0;
	s24 =	sor.u32 s23, s26  }
0x555: {  	[tilespmem:s25+$0x0] =	vst v0;
	s25 =	sor.u32 s22, s28;
	v26 =	vld [tilespmem:s24+$0x0]  }
0x556: {  	s26 =	sadd.s32 $0xEC80, s21;
	v27 =	vld [tilespmem:s25+$0x0];
	[tilespmem:s24+$0x0] =	vst v0;
	s24 =	sor.u32 s23, s28  }
0x557: {  	[tilespmem:s25+$0x0] =	vst v0;
	s25 =	sor.u32 s22, s26;
	v28 =	vld [tilespmem:s24+$0x0]  }
0x558: {  	s28 =	sadd.s32 $0xF480, s21;
	v29 =	vld [tilespmem:s25+$0x0];
	[tilespmem:s24+$0x0] =	vst v0;
	s24 =	sor.u32 s23, s26  }
0x559: {  	v8 =	vadd.s32 v9, v8;
	[tilespmem:s25+$0x0] =	vst v0;
	s25 =	sor.u32 s22, s28;
	v30 =	vld [tilespmem:s24+$0x0]  }
0x55a: {  	v9 =	vadd.s32 v11, v12;
	v8 =	vadd.s32 v13, v8;
	s26 =	sadd.s32 $0xFC80, s21;
	v31 =	vld [tilespmem:s25+$0x0];
	[tilespmem:s24+$0x0] =	vst v0;
	s24 =	sor.u32 s23, s28  }
0x55b: {  	s18 =	sadd.s32 $0x2, s18;
	v9 =	vadd.s32 v14, v9;
	v11 =	vadd.s32 v15, v8;
	[tilespmem:s25+$0x0] =	vst v0;
	s25 =	sor.u32 s22, s26;
	v8 =	vld [tilespmem:s24+$0x0]  }
0x55c: {  	v9 =	vadd.s32 v16, v9;
	v12 =	vadd.s32 v17, v11;
	s28 =	sadd.s32 $0x10480, s21;
	v11 =	vld [tilespmem:s25+$0x0];
	[tilespmem:s24+$0x0] =	vst v0;
	s24 =	sor.u32 s23, s26;
	s26 =	spop (v2sf)  }
0x55d: {  	v14 =	vadd.s32 v19, v9;
	v12 =	vadd.s32 v20, v12;
	[tilespmem:s25+$0x0] =	vst v0;
	s25 =	sor.u32 s22, s28;
	v9 =	vld [tilespmem:s24+$0x0];
	[smem:s18+$0xFFFFFFFF] =	sst s26;
	s26 =	spop (v2sf)  }
0x55e: {  	s29 =	sadd.s32 $0x10C80, s21;
	v14 =	vadd.s32 v18, v14;
	v12 =	vadd.s32 v21, v12;
	v13 =	vld [tilespmem:s25+$0x0];
	[tilespmem:s24+$0x0] =	vst v0;
	s24 =	sor.u32 s23, s28;
	[smem:s18] =	sst s26  }
.Ltmp29:
0x55f: {  	v14 =	vadd.s32 v22, v14;
	v15 =	vadd.s32 v23, v12;
	[tilespmem:s25+$0x0] =	vst v0;
	s25 =	sor.u32 s22, s29;
	v12 =	vld [tilespmem:s24+$0x0];
	(pc) =	sbr.rel @p3 .LBB2_46-.Ltmp29, $4  }
0x560: {  	v14 =	vadd.s32 v24, v14;
	v16 =	vadd.s32 v25, v15;
	s26 =	sadd.s32 $0x11480, s21;
	v15 =	vld [tilespmem:s25+$0x0];
	[tilespmem:s24+$0x0] =	vst v0;
	s24 =	sor.u32 s23, s29  }
0x561: {  	v18 =	vadd.s32 v26, v14;
	v16 =	vadd.s32 v27, v16;
	s21 =	sor.u32 s22, s26;
	[tilespmem:s25+$0x0] =	vst v0;
	v14 =	vld [tilespmem:s24+$0x0]  }
0x562: {  	s17 =	sadd.s32 $0x20, s17;
	v18 =	vadd.s32 v28, v18;
	v16 =	vadd.s32 v29, v16;
	s22 =	sor.u32 s23, s26;
	v17 =	vld [tilespmem:s21+$0x0];
	[tilespmem:s24+$0x0] =	vst v0  }
0x563: {  	s20 =	sadd.s32 $0x20, s20;
	v18 =	vadd.s32 v30, v18;
	v19 =	vadd.s32 v31, v16;
	v16 =	vld [tilespmem:s22+$0x0];
	[tilespmem:s17+$0xFFFFFFF0] =	vst v10  }
.LBB2_47:
0x564: {  	v10 =	vadd.s32 v11, v19;
	v8 =	vadd.s32 v8, v18  }
0x565: {  	v10 =	vadd.s32 v13, v10;
	v8 =	vadd.s32 v9, v8  }
0x566: {  	v63 =	vadd.s32 v15, v10;
	v8 =	vadd.s32 v12, v8  }
0x567: {  	v9 =	vadd.s32 v17, v63;
	v8 =	vadd.s32 v14, v8  }
0x568: {  	v8 =	vadd.s32 v16, v8;
	(xrf0) =	vadd.scan.msk.s32 $0xffff, v9  }
0x569: {  	(xrf0) =	vadd.scan.msk.s32 $0xffff, v8  }
0x56a: {  	vm0 =	vge.s32 v5, v6  }
0x56b: {  	v4 =	vsel vm0, $0x0, v4  }
0x56c: {  	(xrf0) =	vadd.scan.msk.s32 $0xffff, v4;
	_ =	sdelay $0x1  }
0x56d: {  	v4, _, _ =	vpop (xrf0)  }
0x56e: {  	(v2sf) =	vpush v4, $0xF;
	v4, _, _ =	vpop (xrf0)  }
0x56f: {  	(v2sf) =	vpush v4, $0xF;
	_ =	sdelay $0x1  }
0x570: {  	v4, _, _ =	vpop (xrf0)  }
0x571: {  	(v2sf) =	vpush v4, $0xF;
	_ =	sdelay $0x9  }
0x572: {  	[tilespmem:s21+$0x0] =	vst v0;
	s16 =	sadd.s32 @p2 $0x2, s18  }
0x573: {  	[tilespmem:s22+$0x0] =	vst v0;
	s14 =	smov.u32 @p2 s16;
	s29 =	spop (v2sf)  }
0x574: {  	s18 =	sadd.s32 @p2 $0x20, s17;
	[smem:s14+$0xFFFFFFFF] =	sst s29;
	s30 =	spop (v2sf)  }
0x575: {  	[tilespmem:s17+$0x0] =	vst @p2 v7;
	s15 =	smov.u32 @p2 s18;
	[smem:s14] =	sst s30  }
0x576: {  	[tilespmem:s15+$0xFFFFFFF0] =	vst v9  }
0x577: {  	s31 =	spop (v2sf);
	[tilespmem:s15+$0x0] =	vst v8  }
0x578: {  	s16 =	sld [smem:$0x7F]  }
0x579: {  	s17 =	simm.s32 $0x7F  }
0x57a: {  	s19 =	simm.s32 $0x7E;
	p4 =	por !p1, !p1;
	s20 =	simm.s32 $0x7E  }
0x57b: {  	s14 =	ssub.s32 s13, s31;
	s15 =	simm.s32 $0x0;
	s18 =	sadd.s32 $0x0, s16  }
0x57c: {  	s13 =	simm.s32 $0x0;
	s16 =	simm.s32 $0x0;
	p2 =	sge.s32 s18, s14  }
.LBB2_48:
0x57d: {  	s21 =	sld [smem:s20+$0x0];
	p4 =	por !p2, !p4;
	s22 =	ssub.s32 s14, s16  }
0x57e: {  	s23 =	smov.u32 s19;
	s16 =	smov.u32 s18;
	p3 =	sne.s32 s19, $0x0  }
.Ltmp30:
0x57f: {  	s19 =	sadd.s32 $0xFFFFFFFF, s19;
	p4 =	por !p4, !p4;
	(pc) =	sbr.rel @p3 .LBB2_48-.Ltmp30, $4  }
0x580: {  	s15 =	smov.u32 @p4 s17;
	s13 =	smov.u32 @p4 s22;
	s17 =	smov.u32 s23  }
0x581: {  	_ = 	snop  }
0x582: {  	p1 =	por p1, p2;
	s18 =	sadd.s32 s18, s21  }
0x583: {  	s20 =	sadd.s32 $0xFFFFFFFF, s20;
	p4 =	por !p1, !p1;
	p2 =	sge.s32 s18, s14  }
0x584: {  	p1 =	por !p2, !p4  }
0x585: {  	p1 =	por !p1, !p1  }
0x586: {  	s15 =	smov.u32 @p1 s17  }
0x587: {  	s15 =	sshll.u32 s15, $0x4  }
0x588: {  	v4 =	vld [tilespmem:s15+$0x11C80];
	_ =	sdelay $0x4  }
0x589: {  	v5 =	vperm.xlane v4, v3;
	_ =	sdelay $0x1  }
0x58a: {  	(xrf0) =	vadd.scan.msk.s32 $0xffff, v5;
	_ =	sdelay $0x5  }
0x58b: {  	v5, _, _ =	vpop (xrf0)  }
0x58c: {  	s14 =	ssub.s32 s14, s16;
	v5 =	vperm.xlane v5, v3  }
0x58d: {  	s13 =	smov.u32 @p1 s14  }
0x58e: {  	vm0 =	vge.s32 v5, s13  }
0x58f: {  	v6 =	vsel vm0, $0x1, v0  }
0x590: {  	(xrf0) =	vadd.scan.msk.s32 $0xffff, v6;
	_ =	sdelay $0x5  }
0x591: {  	v6, _, _ =	vpop (xrf0)  }
0x592: {  	(v2sf) =	vpush v6, $0xF;
	_ =	sdelay $0x8  }
0x593: {  	s26 =	simm.s32 $0x0  }
0x594: {  	s14 =	sand.u32 $0xFFE0, s26  }
0x595: {  	v6 =	vld [tilespmem:s14+$0x80];
	_ =	sdelay $0x3  }
0x596: {  	s28 =	spop (v2sf)  }
0x597: {  	v7 =	vshra.s32 v6, $0x1F;
	s14 =	sadd.s32 s28, s15  }
0x598: {  	s12 =	sshll.u32 s12, $0xB;
	s30 =	simm.s32 $0x50;
	v7 =	vor.u32 $0x80000000, v7;
	s14 =	sadd.s32 $0xFFFFFFFF, s14  }
0x599: {  	v10 =	vld [tilespmem:s30+$0xFFFFFFD0];
	v6 =	vxor.u32 v6, v7;
	s12 =	sor.u32 s12, s14  }
0x59a: {  	s29 =	simm.s32 $0xA0;
	v8 =	vshrl.u32 v6, $0xA;
	v7 =	vmov s12  }
0x59b: {  	v6 =	vand.u32 $0x3FF, v6;
	s14 =	sand.u32 $0xFFE0, s29;
	vm0 =	veq.s32 v8, v7  }
0x59c: {  	v6 =	vor.u32 v1, v6;
	v8 =	vld [tilespmem:s14+$0x80];
	_ =	sdelay $0x1  }
0x59d: {  	v15 =	vshra.s32 v10, $0x1F  }
0x59e: {  	v15 =	vor.u32 $0x80000000, v15  }
0x59f: {  	v11 =	vld [tilespmem:s30+$0xFFFFFFF0];
	v10 =	vxor.u32 v10, v15  }
0x5a0: {  	v15 =	vshrl.u32 v10, $0xA;
	s14 =	simm.s32 $0xF0;
	[tilespmem:v6+s9+$0x0] =	vst.idx.add.s32.msk vm0, v2;
	v6 =	vshra.s32 v8, $0x1F  }
0x5a1: {  	v10 =	vand.u32 $0x3FF, v10;
	vm2 =	veq.s32 v15, v7;
	v20 =	vld [tilespmem:s14+$0x10];
	v6 =	vor.u32 $0x80000000, v6  }
0x5a2: {  	v10 =	vor.u32 v1, v10;
	v9 =	vld [tilespmem:s30+$0x40];
	v6 =	vxor.u32 v8, v6  }
0x5a3: {  	v13 =	vld [tilespmem:s30+$0xFFFFFFB0];
	v12 =	vshrl.u32 v6, $0xA  }
0x5a4: {  	v8 =	vld [tilespmem:s30+$0x10];
	v6 =	vand.u32 $0x3FF, v6;
	vm1 =	veq.s32 v12, v7  }
0x5a5: {  	v14 =	vor.u32 v1, v6  }
0x5a6: {  	v21 =	vshra.s32 v20, $0x1F  }
0x5a7: {  	v16 =	vshra.s32 v11, $0x1F;
	[tilespmem:v10+s9+$0x0] =	vst.idx.add.s32.msk vm2, v2;
	v10 =	vor.u32 $0x80000000, v21;
	v12 =	vshra.s32 v9, $0x1F  }
0x5a8: {  	v18 =	vshra.s32 v13, $0x1F;
	v10 =	vxor.u32 v20, v10;
	v12 =	vor.u32 $0x80000000, v12  }
0x5a9: {  	v9 =	vxor.u32 v9, v12;
	v12 =	vor.u32 $0x80000000, v16;
	v16 =	vshra.s32 v8, $0x1F  }
0x5aa: {  	v17 =	vshrl.u32 v9, $0xA;
	v9 =	vand.u32 $0x3FF, v9;
	v16 =	vor.u32 $0x80000000, v16;
	[tilespmem:v14+s9+$0x0] =	vst.idx.add.s32.msk vm1, v2  }
0x5ab: {  	v11 =	vxor.u32 v11, v12;
	vm0 =	veq.s32 v17, v7;
	v17 =	vor.u32 $0x80000000, v18;
	v12 =	vld [tilespmem:s14+$0x40]  }
0x5ac: {  	v19 =	vld [tilespmem:s14+$0xFFFFFFF0];
	v9 =	vor.u32 v1, v9;
	v8 =	vxor.u32 v8, v16;
	v13 =	vxor.u32 v13, v17  }
0x5ad: {  	v20 =	vld [tilespmem:s30+$0xFFFFFFE0];
	v17 =	vshrl.u32 v11, $0xA;
	v18 =	vshrl.u32 v8, $0xA;
	v11 =	vand.u32 $0x3FF, v11  }
0x5ae: {  	v16 =	vld [tilespmem:s14+$0xFFFFFFD0];
	v8 =	vand.u32 $0x3FF, v8;
	v14 =	vshrl.u32 v13, $0xA;
	vm3 =	veq.s32 v17, v7  }
0x5af: {  	vm4 =	veq.s32 v18, v7;
	v11 =	vor.u32 v1, v11;
	vm1 =	veq.s32 v14, v7;
	v14 =	vld [tilespmem:s14+$0xFFFFFFB0]  }
0x5b0: {  	s31 =	simm.s32 $0x140;
	v13 =	vand.u32 $0x3FF, v13;
	v8 =	vor.u32 v1, v8;
	v15 =	vshra.s32 v12, $0x1F  }
0x5b1: {  	s16 =	sand.u32 $0xFFE0, s31;
	v13 =	vor.u32 v1, v13;
	v15 =	vor.u32 $0x80000000, v15  }
0x5b2: {  	v6 =	vmov s13;
	v18 =	vshra.s32 v19, $0x1F;
	v12 =	vxor.u32 v12, v15;
	v15 =	vld [tilespmem:s16+$0x80]  }
0x5b3: {  	v18 =	vor.u32 $0x80000000, v18;
	v17 =	vshra.s32 v16, $0x1F;
	[tilespmem:v9+s9+$0x0] =	vst.idx.add.s32.msk vm0, v2;
	v9 =	vshra.s32 v20, $0x1F  }
0x5b4: {  	v17 =	vor.u32 $0x80000000, v17;
	v9 =	vor.u32 $0x80000000, v9;
	v23 =	vshra.s32 v14, $0x1F;
	[tilespmem:v11+s9+$0x0] =	vst.idx.add.s32.msk vm3, v2  }
0x5b5: {  	v11 =	vxor.u32 v16, v17;
	[tilespmem:v8+s9+$0x0] =	vst.idx.add.s32.msk vm4, v2;
	v22 =	vshrl.u32 v12, $0xA;
	v12 =	vand.u32 $0x3FF, v12  }
0x5b6: {  	[tilespmem:v13+s9+$0x0] =	vst.idx.add.s32.msk vm1, v2;
	v13 =	vor.u32 $0x80000000, v23;
	v8 =	vshrl.u32 v11, $0xA;
	v11 =	vand.u32 $0x3FF, v11  }
0x5b7: {  	vm1 =	veq.s32 v22, v7;
	v21 =	vor.u32 v1, v12;
	v16 =	vshra.s32 v15, $0x1F  }
0x5b8: {  	v23 =	vld [tilespmem:s30+$0x20];
	v12 =	vxor.u32 v14, v13;
	v13 =	vxor.u32 v19, v18;
	v16 =	vor.u32 $0x80000000, v16  }
0x5b9: {  	v17 =	vld [tilespmem:s30+$0xFFFFFFC0];
	v19 =	vshrl.u32 v10, $0xA;
	v10 =	vand.u32 $0x3FF, v10;
	v15 =	vxor.u32 v15, v16  }
0x5ba: {  	vm6 =	veq.s32 v8, v7;
	v14 =	vshrl.u32 v12, $0xA;
	v22 =	vshrl.u32 v15, $0xA  }
0x5bb: {  	vm7 =	veq.s32 v14, v7;
	v16 =	vld [tilespmem:s30+$0x0];
	v14 =	vand.u32 $0x3FF, v15;
	vm2 =	veq.s32 v22, v7  }
0x5bc: {  	v24 =	vor.u32 v1, v11;
	v12 =	vand.u32 $0x3FF, v12;
	v8 =	vor.u32 v1, v14  }
0x5bd: {  	v18 =	vshrl.u32 v13, $0xA;
	v13 =	vand.u32 $0x3FF, v13;
	v22 =	vor.u32 v1, v12  }
0x5be: {  	v12 =	vor.u32 v1, v10;
	v10 =	vshra.s32 v17, $0x1F;
	v14 =	vshra.s32 v23, $0x1F  }
0x5bf: {  	s15 =	simm.s32 $0x190;
	vm4 =	veq.s32 v19, v7;
	[tilespmem:v21+s9+$0x0] =	vst.idx.add.s32.msk vm1, v2;
	v10 =	vor.u32 $0x80000000, v10;
	v15 =	vor.u32 $0x80000000, v14  }
0x5c0: {  	v10 =	vxor.u32 v17, v10;
	v17 =	vxor.u32 v23, v15;
	v15 =	vld [tilespmem:s15+$0xFFFFFFD0];
	v11 =	vshra.s32 v16, $0x1F  }
0x5c1: {  	vm5 =	veq.s32 v18, v7;
	v13 =	vor.u32 v1, v13;
	v11 =	vor.u32 $0x80000000, v11;
	[tilespmem:v8+s9+$0x0] =	vst.idx.add.s32.msk vm2, v2  }
0x5c2: {  	v21 =	vand.u32 $0x3FF, v17;
	v11 =	vxor.u32 v16, v11;
	v8 =	vxor.u32 v20, v9;
	v14 =	vld [tilespmem:s15+$0x40]  }
0x5c3: {  	v9 =	vshrl.u32 v10, $0xA;
	v19 =	vshrl.u32 v11, $0xA;
	v10 =	vand.u32 $0x3FF, v10  }
0x5c4: {  	v16 =	vld [tilespmem:s15+$0xFFFFFFF0];
	v20 =	vshrl.u32 v17, $0xA;
	v18 =	vshrl.u32 v8, $0xA;
	v8 =	vand.u32 $0x3FF, v8  }
0x5c5: {  	v17 =	vld [tilespmem:s15+$0x10];
	vm3 =	veq.s32 v9, v7;
	v9 =	vand.u32 $0x3FF, v11;
	vm1 =	veq.s32 v19, v7  }
0x5c6: {  	vm0 =	veq.s32 v20, v7;
	v11 =	vor.u32 v1, v10;
	vm2 =	veq.s32 v18, v7;
	v18 =	vld [tilespmem:s15+$0xFFFFFFB0]  }
0x5c7: {  	[tilespmem:v24+s9+$0x0] =	vst.idx.add.s32.msk vm6, v2;
	v20 =	vshra.s32 v15, $0x1F;
	v10 =	vor.u32 v1, v8;
	v19 =	vshra.s32 v14, $0x1F  }
0x5c8: {  	s17 =	simm.s32 $0x1E0;
	s16 =	simm.s32 $0x14;
	[tilespmem:v22+s9+$0x0] =	vst.idx.add.s32.msk vm7, v2;
	v9 =	vor.u32 v1, v9;
	v8 =	vor.u32 v1, v21;
	v19 =	vor.u32 $0x80000000, v19  }
.LBB2_50:
0x5c9: {  	s18 =	sand.u32 $0xFFE0, s17;
	s16 =	sadd.s32 $0xA, s16;
	v20 =	vor.u32 $0x80000000, v20;
	v21 =	vshra.s32 v16, $0x1F;
	v14 =	vxor.u32 v14, v19;
	[tilespmem:v13+s9+$0x0] =	vst.idx.add.s32.msk vm5, v2  }
0x5ca: {  	v13 =	vld [tilespmem:s18+$0x80];
	p1 =	slt.u32 s16, $0x9BA;
	v19 =	vor.u32 $0x80000000, v21;
	v21 =	vshra.s32 v17, $0x1F;
	v22 =	vshrl.u32 v14, $0xA  }
0x5cb: {  	v14 =	vand.u32 $0x3FF, v14;
	v23 =	vshra.s32 v18, $0x1F;
	vm5 =	veq.s32 v22, v7;
	[tilespmem:v12+s9+$0x0] =	vst.idx.add.s32.msk vm4, v2  }
0x5cc: {  	v21 =	vor.u32 $0x80000000, v21;
	v14 =	vor.u32 v1, v14;
	v12 =	vor.u32 $0x80000000, v23;
	v22 =	vld [tilespmem:s14+$0xFFFFFFC0]  }
0x5cd: {  	v15 =	vxor.u32 v15, v20;
	v16 =	vxor.u32 v16, v19;
	v12 =	vxor.u32 v18, v12;
	v18 =	vld [tilespmem:s14+$0xFFFFFFE0]  }
0x5ce: {  	v20 =	vshrl.u32 v15, $0xA;
	v17 =	vxor.u32 v17, v21;
	v19 =	vshrl.u32 v12, $0xA;
	v21 =	vld [tilespmem:s14+$0x0]  }
0x5cf: {  	v24 =	vshrl.u32 v16, $0xA;
	v25 =	vshrl.u32 v17, $0xA;
	v23 =	vshra.s32 v13, $0x1F;
	v26 =	vld [tilespmem:s14+$0x20];
	s14 =	smov.u32 s15  }
0x5d0: {  	v15 =	vand.u32 $0x3FF, v15;
	v12 =	vand.u32 $0x3FF, v12;
	v23 =	vor.u32 $0x80000000, v23;
	[tilespmem:v11+s9+$0x0] =	vst.idx.add.s32.msk vm3, v2  }
0x5d1: {  	v11 =	vxor.u32 v13, v23;
	v13 =	vand.u32 $0x3FF, v16;
	v16 =	vand.u32 $0x3FF, v17;
	[tilespmem:v14+s9+$0x0] =	vst.idx.add.s32.msk vm5, v2  }
0x5d2: {  	vm6 =	veq.s32 v20, v7;
	vm7 =	veq.s32 v19, v7;
	v14 =	vshrl.u32 v11, $0xA;
	[tilespmem:v10+s9+$0x0] =	vst.idx.add.s32.msk vm2, v2  }
0x5d3: {  	vm5 =	veq.s32 v24, v7;
	v10 =	vand.u32 $0x3FF, v11;
	vm2 =	veq.s32 v14, v7;
	[tilespmem:v9+s9+$0x0] =	vst.idx.add.s32.msk vm1, v2  }
0x5d4: {  	vm4 =	veq.s32 v25, v7;
	v19 =	vor.u32 v1, v12;
	v9 =	vor.u32 v1, v10  }
0x5d5: {  	v23 =	vor.u32 v1, v15;
	v13 =	vor.u32 v1, v13;
	v12 =	vor.u32 v1, v16  }
0x5d6: {  	v11 =	vshra.s32 v18, $0x1F;
	v10 =	vshra.s32 v22, $0x1F;
	v14 =	vshra.s32 v21, $0x1F;
	[tilespmem:v8+s9+$0x0] =	vst.idx.add.s32.msk vm0, v2  }
0x5d7: {  	v8 =	vor.u32 $0x80000000, v10;
	v10 =	vor.u32 $0x80000000, v11;
	v11 =	vshra.s32 v26, $0x1F  }
0x5d8: {  	v14 =	vor.u32 $0x80000000, v14;
	v8 =	vxor.u32 v22, v8;
	v11 =	vor.u32 $0x80000000, v11  }
0x5d9: {  	s15 =	sadd.s32 $0xA0, s15;
	v17 =	vxor.u32 v21, v14;
	v10 =	vxor.u32 v18, v10;
	[tilespmem:v9+s9+$0x0] =	vst.idx.add.s32.msk vm2, v2;
	v9 =	vshrl.u32 v8, $0xA  }
0x5da: {  	v20 =	vshrl.u32 v17, $0xA;
	v18 =	vshrl.u32 v10, $0xA;
	v11 =	vxor.u32 v26, v11;
	v14 =	vld [tilespmem:s15+$0x40]  }
0x5db: {  	v10 =	vand.u32 $0x3FF, v10;
	v8 =	vand.u32 $0x3FF, v8;
	v21 =	vshrl.u32 v11, $0xA;
	v15 =	vld [tilespmem:s15+$0xFFFFFFD0]  }
.Ltmp31:
0x5dc: {  	v22 =	vand.u32 $0x3FF, v11;
	vm3 =	veq.s32 v9, v7;
	v9 =	vand.u32 $0x3FF, v17;
	v16 =	vld [tilespmem:s15+$0xFFFFFFF0];
	(pc) =	sbr.rel @p1 .LBB2_50-.Ltmp31, $4  }
0x5dd: {  	vm1 =	veq.s32 v20, v7;
	vm2 =	veq.s32 v18, v7;
	vm0 =	veq.s32 v21, v7;
	v17 =	vld [tilespmem:s15+$0x10]  }
0x5de: {  	v10 =	vor.u32 v1, v10;
	v11 =	vor.u32 v1, v8;
	v9 =	vor.u32 v1, v9;
	v18 =	vld [tilespmem:s15+$0xFFFFFFB0]  }
0x5df: {  	v8 =	vor.u32 v1, v22;
	v21 =	vshra.s32 v14, $0x1F;
	[tilespmem:v19+s9+$0x0] =	vst.idx.add.s32.msk vm7, v2  }
0x5e0: {  	s17 =	sadd.s32 $0xA0, s17;
	v20 =	vshra.s32 v15, $0x1F;
	v19 =	vor.u32 $0x80000000, v21;
	[tilespmem:v23+s9+$0x0] =	vst.idx.add.s32.msk vm6, v2  }
0x5e1: {  	_ =	sdelay $0x2  }
0x5e2: {  	v20 =	vor.u32 $0x80000000, v20;
	v22 =	vshra.s32 v16, $0x1F;
	v23 =	vshra.s32 v17, $0x1F  }
0x5e3: {  	v22 =	vor.u32 $0x80000000, v22;
	v15 =	vxor.u32 v15, v20;
	v21 =	vshra.s32 v18, $0x1F  }
0x5e4: {  	[tilespmem:v13+s9+$0x0] =	vst.idx.add.s32.msk vm5, v2;
	v23 =	vor.u32 $0x80000000, v23;
	v16 =	vxor.u32 v16, v22;
	v13 =	vshrl.u32 v15, $0xA  }
0x5e5: {  	v15 =	vand.u32 $0x3FF, v15;
	v21 =	vor.u32 $0x80000000, v21;
	v17 =	vxor.u32 v17, v23  }
0x5e6: {  	v52 =	vshrl.u32 v16, $0xA;
	vm13 =	veq.s32 v13, v7;
	v15 =	vor.u32 v1, v15  }
0x5e7: {  	[tilespmem:v12+s9+$0x0] =	vst.idx.add.s32.msk vm4, v2;
	v18 =	vxor.u32 v18, v21;
	v12 =	vshrl.u32 v17, $0xA;
	v17 =	vand.u32 $0x3FF, v17  }
0x5e8: {  	v53 =	vld [tilespmem:s14+$0x0];
	v20 =	vshrl.u32 v18, $0xA;
	v18 =	vand.u32 $0x3FF, v18;
	vm7 =	veq.s32 v12, v7  }
0x5e9: {  	v17 =	vor.u32 v1, v17;
	vm12 =	veq.s32 v20, v7;
	v13 =	vor.u32 v1, v18;
	v18 =	vld [tilespmem:s14+$0xFFFFFFE0]  }
0x5ea: {  	v16 =	vand.u32 $0x3FF, v16;
	vm6 =	veq.s32 v52, v7;
	v20 =	vld [tilespmem:s14+$0xFFFFFFC0]  }
0x5eb: {  	v12 =	vor.u32 v1, v16;
	v16 =	vld [tilespmem:s14+$0x20]  }
0x5ec: {  	v14 =	vxor.u32 v14, v19  }
0x5ed: {  	v19 =	vshrl.u32 v14, $0xA;
	v14 =	vand.u32 $0x3FF, v14;
	[tilespmem:v15+s9+$0x0] =	vst.idx.add.s32.msk vm13, v2  }
0x5ee: {  	vm14 =	veq.s32 v19, v7;
	v19 =	vshra.s32 v53, $0x1F;
	v15 =	vshra.s32 v18, $0x1F;
	[tilespmem:v17+s9+$0x0] =	vst.idx.add.s32.msk vm7, v2  }
0x5ef: {  	v17 =	vor.u32 $0x80000000, v19;
	[tilespmem:v13+s9+$0x0] =	vst.idx.add.s32.msk vm12, v2;
	v13 =	vor.u32 v1, v14;
	v14 =	vshra.s32 v20, $0x1F  }
0x5f0: {  	[tilespmem:v12+s9+$0x0] =	vst.idx.add.s32.msk vm6, v2;
	v12 =	vor.u32 $0x80000000, v15;
	v15 =	vshra.s32 v16, $0x1F;
	v17 =	vxor.u32 v53, v17  }
0x5f1: {  	v54 =	vld [tilespmem:s15+$0xFFFFFFE0];
	v14 =	vor.u32 $0x80000000, v14;
	v15 =	vor.u32 $0x80000000, v15;
	v12 =	vxor.u32 v18, v12  }
0x5f2: {  	v55 =	vshrl.u32 v17, $0xA;
	v17 =	vand.u32 $0x3FF, v17;
	v14 =	vxor.u32 v20, v14  }
0x5f3: {  	v20 =	vshrl.u32 v12, $0xA;
	v15 =	vxor.u32 v16, v15;
	v12 =	vand.u32 $0x3FF, v12  }
0x5f4: {  	v18 =	vld [tilespmem:s15+$0xFFFFFFC0];
	vm10 =	veq.s32 v55, v7;
	v17 =	vor.u32 v1, v17;
	v19 =	vshrl.u32 v14, $0xA  }
0x5f5: {  	v16 =	vld [tilespmem:s15+$0x0];
	v14 =	vand.u32 $0x3FF, v14;
	v56 =	vshrl.u32 v15, $0xA;
	v15 =	vand.u32 $0x3FF, v15  }
0x5f6: {  	[tilespmem:v11+s9+$0x0] =	vst.idx.add.s32.msk vm3, v2;
	vm8 =	veq.s32 v20, v7;
	v12 =	vor.u32 v1, v12;
	v57 =	vshra.s32 v54, $0x1F  }
0x5f7: {  	vm15 =	veq.s32 v19, v7;
	v19 =	vld [tilespmem:s15+$0x20];
	vm11 =	veq.s32 v56, v7;
	v11 =	vor.u32 $0x80000000, v57  }
0x5f8: {  	v14 =	vor.u32 v1, v14;
	v15 =	vor.u32 v1, v15;
	v11 =	vxor.u32 v54, v11  }
0x5f9: {  	[tilespmem:v10+s9+$0x0] =	vst.idx.add.s32.msk vm2, v2;
	v20 =	vshra.s32 v18, $0x1F;
	v10 =	vshrl.u32 v11, $0xA;
	v11 =	vand.u32 $0x3FF, v11  }
0x5fa: {  	v20 =	vor.u32 $0x80000000, v20;
	v58 =	vshra.s32 v16, $0x1F;
	vm13 =	veq.s32 v10, v7  }
0x5fb: {  	[tilespmem:v9+s9+$0x0] =	vst.idx.add.s32.msk vm1, v2;
	v11 =	vor.u32 v1, v11;
	v18 =	vxor.u32 v18, v20;
	v59 =	vor.u32 $0x80000000, v58  }
0x5fc: {  	[tilespmem:v13+s9+$0x0] =	vst.idx.add.s32.msk vm14, v2;
	v20 =	vshra.s32 v19, $0x1F;
	v13 =	vshrl.u32 v18, $0xA;
	v16 =	vxor.u32 v16, v59  }
0x5fd: {  	[tilespmem:v8+s9+$0x0] =	vst.idx.add.s32.msk vm0, v2;
	v9 =	vand.u32 $0x3FF, v18;
	v20 =	vor.u32 $0x80000000, v20;
	v60 =	vshrl.u32 v16, $0xA  }
0x5fe: {  	vm12 =	veq.s32 v13, v7;
	v9 =	vor.u32 v1, v9;
	v19 =	vxor.u32 v19, v20  }
0x5ff: {  	[tilespmem:v12+s9+$0x0] =	vst.idx.add.s32.msk vm8, v2;
	v10 =	vand.u32 $0x3FF, v16;
	vm14 =	veq.s32 v60, v7;
	v8 =	vshrl.u32 v19, $0xA  }
0x600: {  	[tilespmem:v14+s9+$0x0] =	vst.idx.add.s32.msk vm15, v2;
	v12 =	vand.u32 $0x3FF, v19;
	vm15 =	veq.s32 v8, v7;
	v7 =	vor.u32 v1, v10  }
0x601: {  	[tilespmem:v17+s9+$0x0] =	vst.idx.add.s32.msk vm10, v2;
	v8 =	vor.u32 v1, v12  }
0x602: {  	[tilespmem:v15+s9+$0x0] =	vst.idx.add.s32.msk vm11, v2  }
0x603: {  	[tilespmem:v11+s9+$0x0] =	vst.idx.add.s32.msk vm13, v2  }
0x604: {  	[tilespmem:v9+s9+$0x0] =	vst.idx.add.s32.msk vm12, v2  }
0x605: {  	s22 =	simm.s32 $0x0;
	[tilespmem:v7+s9+$0x0] =	vst.idx.add.s32.msk vm14, v2  }
0x606: {  	s17 =	simm.s32 $0x9C90;
	s16 =	sand.u32 $0x380, s22;
	[tilespmem:v8+s9+$0x0] =	vst.idx.add.s32.msk vm15, v2  }
0x607: {  	s23 =	simm.s32 $0x10;
	s18 =	sadd.s32 $0xA480, s16;
	s14 =	sand.u32 $0x60, s22;
	v7 =	vld [tilespmem:s17+$0xFFFFFFF0]  }
0x608: {  	s19 =	sor.u32 s14, s18;
	s15 =	sand.u32 $0x70, s23;
	[tilespmem:s17+$0xFFFFFFF0] =	vst v0;
	v8 =	vld [tilespmem:s17+$0x0]  }
0x609: {  	s20 =	sadd.s32 $0xAC80, s16;
	s24 =	sor.u32 s15, s18;
	[tilespmem:s17+$0x0] =	vst v0;
	v9 =	vld [tilespmem:s19+$0x0]  }
0x60a: {  	s25 =	sor.u32 s14, s20;
	[tilespmem:s19+$0x0] =	vst v0;
	v10 =	vld [tilespmem:s24+$0x0]  }
0x60b: {  	s26 =	sadd.s32 $0xB480, s16;
	s28 =	sor.u32 s15, s20;
	[tilespmem:s24+$0x0] =	vst v0;
	v11 =	vld [tilespmem:s25+$0x0]  }
0x60c: {  	s29 =	sor.u32 s14, s26;
	[tilespmem:s25+$0x0] =	vst v0;
	v12 =	vld [tilespmem:s28+$0x0]  }
0x60d: {  	s30 =	sadd.s32 $0xBC80, s16;
	s31 =	sor.u32 s15, s26;
	[tilespmem:s28+$0x0] =	vst v0;
	v13 =	vld [tilespmem:s29+$0x0]  }
0x60e: {  	s19 =	sor.u32 s14, s30;
	[tilespmem:s29+$0x0] =	vst v0;
	v14 =	vld [tilespmem:s31+$0x0]  }
0x60f: {  	s21 =	sadd.s32 $0xC480, s16;
	s22 =	sor.u32 s15, s30;
	[tilespmem:s31+$0x0] =	vst v0;
	v15 =	vld [tilespmem:s19+$0x0]  }
0x610: {  	s23 =	sor.u32 s14, s21;
	[tilespmem:s19+$0x0] =	vst v0;
	v16 =	vld [tilespmem:s22+$0x0]  }
0x611: {  	s24 =	sadd.s32 $0xCC80, s16;
	s25 =	sor.u32 s15, s21;
	[tilespmem:s22+$0x0] =	vst v0;
	v17 =	vld [tilespmem:s23+$0x0]  }
0x612: {  	s26 =	sor.u32 s14, s24;
	[tilespmem:s23+$0x0] =	vst v0;
	v18 =	vld [tilespmem:s25+$0x0]  }
0x613: {  	s28 =	sadd.s32 $0xD480, s16;
	s29 =	sor.u32 s15, s24;
	[tilespmem:s25+$0x0] =	vst v0;
	v19 =	vld [tilespmem:s26+$0x0]  }
0x614: {  	s30 =	sor.u32 s14, s28;
	[tilespmem:s26+$0x0] =	vst v0;
	v20 =	vld [tilespmem:s29+$0x0]  }
0x615: {  	s31 =	sadd.s32 $0xDC80, s16;
	s21 =	sor.u32 s15, s28;
	[tilespmem:s29+$0x0] =	vst v0;
	v61 =	vld [tilespmem:s30+$0x0]  }
0x616: {  	s22 =	sor.u32 s14, s31;
	[tilespmem:s30+$0x0] =	vst v0;
	v62 =	vld [tilespmem:s21+$0x0]  }
0x617: {  	s24 =	sor.u32 s15, s31;
	s23 =	sadd.s32 $0xE480, s16;
	[tilespmem:s21+$0x0] =	vst v0;
	v63 =	vld [tilespmem:s22+$0x0]  }
0x618: {  	s25 =	sor.u32 s14, s23;
	[tilespmem:s22+$0x0] =	vst v0;
	v24 =	vld [tilespmem:s24+$0x0]  }
0x619: {  	s26 =	sadd.s32 $0xEC80, s16;
	s28 =	sor.u32 s15, s23;
	[tilespmem:s24+$0x0] =	vst v0;
	v25 =	vld [tilespmem:s25+$0x0]  }
0x61a: {  	s29 =	sor.u32 s14, s26;
	[tilespmem:s25+$0x0] =	vst v0;
	v26 =	vld [tilespmem:s28+$0x0]  }
0x61b: {  	s30 =	sadd.s32 $0xF480, s16;
	s31 =	sor.u32 s15, s26;
	[tilespmem:s28+$0x0] =	vst v0;
	v27 =	vld [tilespmem:s29+$0x0]  }
0x61c: {  	v7 =	vadd.s32 v7, v9;
	s20 =	sor.u32 s14, s30;
	[tilespmem:s29+$0x0] =	vst v0;
	v28 =	vld [tilespmem:s31+$0x0]  }
0x61d: {  	v8 =	vadd.s32 v8, v10;
	v7 =	vadd.s32 v11, v7;
	s21 =	sadd.s32 $0xFC80, s16;
	s22 =	sor.u32 s15, s30;
	[tilespmem:s31+$0x0] =	vst v0;
	v29 =	vld [tilespmem:s20+$0x0]  }
0x61e: {  	v9 =	vadd.s32 v12, v8;
	v7 =	vadd.s32 v13, v7;
	s23 =	sor.u32 s14, s21;
	[tilespmem:s20+$0x0] =	vst v0;
	v8 =	vld [tilespmem:s22+$0x0]  }
0x61f: {  	s24 =	sadd.s32 $0x10480, s16;
	v9 =	vadd.s32 v14, v9;
	v7 =	vadd.s32 v15, v7;
	s25 =	sor.u32 s15, s21;
	[tilespmem:s22+$0x0] =	vst v0;
	v11 =	vld [tilespmem:s23+$0x0]  }
0x620: {  	s26 =	sor.u32 s14, s24;
	v10 =	vadd.s32 v16, v9;
	v7 =	vadd.s32 v17, v7;
	[tilespmem:s23+$0x0] =	vst v0;
	v9 =	vld [tilespmem:s25+$0x0]  }
0x621: {  	p2 =	por $0x1, $0x1;
	s28 =	sadd.s32 $0x10C80, s16;
	v10 =	vadd.s32 v18, v10;
	s29 =	sor.u32 s15, s24;
	v7 =	vadd.s32 v19, v7;
	[tilespmem:s25+$0x0] =	vst v0;
	v13 =	vld [tilespmem:s26+$0x0]  }
.Ltmp32:
0x622: {  	s30 =	sor.u32 s14, s28;
	v10 =	vadd.s32 v20, v10;
	v7 =	vadd.s32 v61, v7;
	[tilespmem:s26+$0x0] =	vst v0;
	v12 =	vld [tilespmem:s29+$0x0];
	(pc) =	sbr.rel @!p2 .LBB2_52-.Ltmp32, $4  }
0x623: {  	s16 =	sadd.s32 $0x11480, s16;
	s31 =	sor.u32 s15, s28;
	v10 =	vadd.s32 v62, v10;
	v7 =	vadd.s32 v63, v7;
	[tilespmem:s29+$0x0] =	vst v0;
	v15 =	vld [tilespmem:s30+$0x0]  }
0x624: {  	s21 =	sor.u32 s14, s16;
	v10 =	vadd.s32 v24, v10;
	v7 =	vadd.s32 v25, v7;
	[tilespmem:s30+$0x0] =	vst v0;
	v14 =	vld [tilespmem:s31+$0x0]  }
0x625: {  	p1 =	por $0x0, $0x0;
	s22 =	sor.u32 s15, s16;
	v10 =	vadd.s32 v26, v10;
	[tilespmem:s31+$0x0] =	vst v0;
	v7 =	vadd.s32 v27, v7;
	v17 =	vld [tilespmem:s21+$0x0]  }
0x626: {  	s17 =	simm.s32 $0x30;
	s14 =	simm.s32 $0x1;
	s15 =	simm.s32 $0x11C90;
	v18 =	vadd.s32 v28, v10;
	v16 =	vld [tilespmem:s22+$0x0];
	v19 =	vadd.s32 v29, v7  }
0x627: {  	s18 =	simm.s32 $0x20;
	v7 =	vadd.s32 v11, v19  }
0x628: {  	[tilespmem:s21+$0x0] =	vst v0;
	s16 =	simm.s32 $0x9CB0;
	s20 =	sand.u32 $0x380, s18;
	v7 =	vadd.s32 v13, v7  }
0x629: {  	[tilespmem:s22+$0x0] =	vst v0;
	v11 =	vld [tilespmem:s16+$0xFFFFFFF0];
	s18 =	sand.u32 $0x60, s18;
	s19 =	sadd.s32 $0xA480, s20;
	v7 =	vadd.s32 v15, v7  }
0x62a: {  	s17 =	sand.u32 $0x70, s17;
	[tilespmem:s16+$0xFFFFFFF0] =	vst v0;
	v13 =	vld [tilespmem:s16+$0x0];
	s30 =	sor.u32 s18, s19;
	v10 =	vadd.s32 v17, v7  }
0x62b: {  	[tilespmem:s16+$0x0] =	vst v0;
	s31 =	sadd.s32 $0xAC80, s20;
	s19 =	sor.u32 s17, s19;
	v7 =	vadd.s32 v8, v18;
	v15 =	vld [tilespmem:s30+$0x0];
	(xrf0) =	vadd.scan.msk.s32 $0xffff, v10  }
0x62c: {  	s24 =	sor.u32 s18, s31;
	[tilespmem:s30+$0x0] =	vst v0;
	v8 =	vld [tilespmem:s19+$0x0];
	v7 =	vadd.s32 v9, v7  }
0x62d: {  	s23 =	sadd.s32 $0xB480, s20;
	s25 =	sor.u32 s17, s31;
	[tilespmem:s19+$0x0] =	vst v0;
	v9 =	vld [tilespmem:s24+$0x0];
	v7 =	vadd.s32 v12, v7  }
0x62e: {  	s26 =	sor.u32 s18, s23;
	[tilespmem:s24+$0x0] =	vst v0;
	v12 =	vld [tilespmem:s25+$0x0];
	v7 =	vadd.s32 v14, v7  }
0x62f: {  	s28 =	sadd.s32 $0xBC80, s20;
	s29 =	sor.u32 s17, s23;
	[tilespmem:s25+$0x0] =	vst v0;
	v14 =	vld [tilespmem:s26+$0x0];
	v7 =	vadd.s32 v16, v7  }
0x630: {  	s30 =	sor.u32 s18, s28;
	[tilespmem:s26+$0x0] =	vst v0;
	v16 =	vld [tilespmem:s29+$0x0];
	(xrf0) =	vadd.scan.msk.s32 $0xffff, v7  }
0x631: {  	s31 =	sadd.s32 $0xC480, s20;
	s24 =	sor.u32 s17, s28;
	v17 =	vld [tilespmem:s30+$0x0];
	[tilespmem:s29+$0x0] =	vst v0;
	v18, _, _ =	vpop (xrf0)  }
0x632: {  	s28 =	sor.u32 s17, s31;
	s26 =	sadd.s32 $0xCC80, s20;
	v19 =	vld [tilespmem:s24+$0x0];
	[tilespmem:s24+$0x0] =	vst v0;
	(v2sf) =	vpush v18, $0xF  }
0x633: {  	s25 =	sor.u32 s18, s31;
	s31 =	sor.u32 s17, s26;
	v20 =	vld [tilespmem:s28+$0x0];
	[tilespmem:s28+$0x0] =	vst v0  }
0x634: {  	[tilespmem:s30+$0x0] =	vst v0;
	v22 =	vld [tilespmem:s31+$0x0]  }
0x635: {  	s29 =	sor.u32 s18, s26;
	s30 =	sadd.s32 $0xD480, s20;
	v18 =	vld [tilespmem:s25+$0x0];
	[tilespmem:s25+$0x0] =	vst v0  }
0x636: {  	[tilespmem:s31+$0x0] =	vst v0;
	s25 =	sor.u32 s17, s30;
	v21 =	vld [tilespmem:s29+$0x0];
	v23, _, _ =	vpop (xrf0)  }
0x637: {  	s22 =	sor.u32 s18, s30;
	s24 =	sadd.s32 $0xDC80, s20;
	[tilespmem:s29+$0x0] =	vst v0;
	v63 =	vld [tilespmem:s25+$0x0];
	(v2sf) =	vpush v23, $0xF  }
0x638: {  	[tilespmem:s25+$0x0] =	vst v0;
	s29 =	sor.u32 s17, s24;
	v24 =	vld [tilespmem:s22+$0x0]  }
0x639: {  	s26 =	sor.u32 s18, s24;
	s28 =	sadd.s32 $0xE480, s20;
	[tilespmem:s22+$0x0] =	vst v0;
	v26 =	vld [tilespmem:s29+$0x0]  }
0x63a: {  	s23 =	sor.u32 s17, s28;
	[tilespmem:s29+$0x0] =	vst v0;
	v25 =	vld [tilespmem:s26+$0x0]  }
0x63b: {  	s31 =	sadd.s32 $0xEC80, s20;
	s30 =	sor.u32 s18, s28;
	[tilespmem:s26+$0x0] =	vst v0;
	v28 =	vld [tilespmem:s23+$0x0]  }
0x63c: {  	[tilespmem:s23+$0x0] =	vst v0;
	s26 =	sor.u32 s17, s31;
	v27 =	vld [tilespmem:s30+$0x0]  }
0x63d: {  	s24 =	sor.u32 s18, s31;
	s25 =	sadd.s32 $0xF480, s20;
	[tilespmem:s30+$0x0] =	vst v0;
	v30 =	vld [tilespmem:s26+$0x0]  }
0x63e: {  	v11 =	vadd.s32 v11, v15;
	[tilespmem:s26+$0x0] =	vst v0;
	s30 =	sor.u32 s17, s25;
	v29 =	vld [tilespmem:s24+$0x0]  }
0x63f: {  	v9 =	vadd.s32 v9, v11;
	v11 =	vadd.s32 v13, v8;
	s28 =	sor.u32 s18, s25;
	s29 =	sadd.s32 $0xFC80, s20;
	[tilespmem:s24+$0x0] =	vst v0;
	v8 =	vld [tilespmem:s30+$0x0]  }
0x640: {  	v9 =	vadd.s32 v14, v9;
	v12 =	vadd.s32 v12, v11;
	s22 =	sor.u32 s17, s29;
	[tilespmem:s30+$0x0] =	vst v0;
	v31 =	vld [tilespmem:s28+$0x0]  }
0x641: {  	v13 =	vadd.s32 v17, v9;
	v12 =	vadd.s32 v16, v12;
	s31 =	sor.u32 s18, s29;
	s24 =	sadd.s32 $0x10480, s20;
	[tilespmem:s28+$0x0] =	vst v0;
	v9 =	vld [tilespmem:s22+$0x0];
	s25 =	spop (v2sf)  }
0x642: {  	v12 =	vadd.s32 v19, v12;
	v13 =	vadd.s32 v18, v13;
	s26 =	sor.u32 s18, s24;
	v11 =	vld [tilespmem:s31+$0x0];
	[tilespmem:s31+$0x0] =	vst v0;
	[smem:$0x0] =	sst s25  }
0x643: {  	p3 =	por $0x1, $0x1;
	v12 =	vadd.s32 v20, v12;
	v14 =	vadd.s32 v21, v13;
	s28 =	sadd.s32 $0x10C80, s20;
	[tilespmem:s22+$0x0] =	vst v0;
	s22 =	sor.u32 s17, s24;
	v13 =	vld [tilespmem:s26+$0x0]  }
.Ltmp33:
0x644: {  	v16 =	vadd.s32 v22, v12;
	v14 =	vadd.s32 v24, v14;
	s29 =	sor.u32 s18, s28;
	[tilespmem:s26+$0x0] =	vst v0;
	v12 =	vld [tilespmem:s22+$0x0];
	(pc) =	sbr.rel @!p3 .LBB2_54-.Ltmp33, $4  }
0x645: {  	s20 =	sadd.s32 $0x11480, s20;
	v16 =	vadd.s32 v63, v16;
	s30 =	sor.u32 s17, s28;
	v14 =	vadd.s32 v25, v14;
	[tilespmem:s22+$0x0] =	vst v0;
	v15 =	vld [tilespmem:s29+$0x0]  }
0x646: {  	p2 =	por $0x1, $0x1;
	s21 =	sor.u32 s18, s20;
	v16 =	vadd.s32 v26, v16;
	v17 =	vadd.s32 v27, v14;
	[tilespmem:s29+$0x0] =	vst v0;
	v14 =	vld [tilespmem:s30+$0x0];
	s31 =	spop (v2sf)  }
0x647: {  	s19 =	simm.s32 $0x2;
	v16 =	vadd.s32 v28, v16;
	v18 =	vadd.s32 v29, v17;
	s22 =	sor.u32 s17, s20;
	[tilespmem:s30+$0x0] =	vst v0;
	v17 =	vld [tilespmem:s21+$0x0];
	[smem:s14] =	sst s31  }
0x648: {  	s18 =	simm.s32 $0x1;
	v19 =	vadd.s32 v31, v18;
	v18 =	vadd.s32 v30, v16;
	s20 =	simm.s32 $0x50;
	s17 =	simm.s32 $0x11C90;
	v16 =	vld [tilespmem:s22+$0x0];
	[tilespmem:s15+$0xFFFFFFF0] =	vst v10  }
.LBB2_55:
0x649: {  	s23 =	sadd.s32 $0xFFFFFFF0, s20;
	v10 =	vadd.s32 v11, v19;
	[tilespmem:s21+$0x0] =	vst v0;
	v8 =	vadd.s32 v8, v18  }
0x64a: {  	s16 =	sadd.s32 $0x20, s16;
	s21 =	sand.u32 $0x380, s23;
	v10 =	vadd.s32 v13, v10;
	v8 =	vadd.s32 v9, v8;
	[tilespmem:s22+$0x0] =	vst v0  }
0x64b: {  	s22 =	sand.u32 $0x60, s23;
	v9 =	vld [tilespmem:s16+$0xFFFFFFF0];
	s24 =	sadd.s32 $0xA480, s21;
	v10 =	vadd.s32 v15, v10;
	v8 =	vadd.s32 v12, v8;
	[tilespmem:s17+$0x0] =	vst v7  }
0x64c: {  	s23 =	sand.u32 $0x70, s20;
	[tilespmem:s16+$0xFFFFFFF0] =	vst v0;
	s25 =	sor.u32 s22, s24;
	v11 =	vld [tilespmem:s16+$0x0];
	v10 =	vadd.s32 v17, v10;
	v7 =	vadd.s32 v14, v8  }
0x64d: {  	s26 =	sadd.s32 $0xAC80, s21;
	s24 =	sor.u32 s23, s24;
	v8 =	vld [tilespmem:s25+$0x0];
	[tilespmem:s16+$0x0] =	vst v0;
	v7 =	vadd.s32 v16, v7;
	(xrf0) =	vadd.scan.msk.s32 $0xffff, v10  }
0x64e: {  	[tilespmem:s25+$0x0] =	vst v0;
	s25 =	sor.u32 s22, s26;
	v12 =	vld [tilespmem:s24+$0x0];
	(xrf0) =	vadd.scan.msk.s32 $0xffff, v7  }
0x64f: {  	s28 =	sadd.s32 $0xB480, s21;
	v13 =	vld [tilespmem:s25+$0x0];
	[tilespmem:s24+$0x0] =	vst v0;
	s24 =	sor.u32 s23, s26  }
0x650: {  	[tilespmem:s25+$0x0] =	vst v0;
	s25 =	sor.u32 s22, s28;
	v14 =	vld [tilespmem:s24+$0x0]  }
0x651: {  	s26 =	sadd.s32 $0xBC80, s21;
	v15 =	vld [tilespmem:s25+$0x0];
	[tilespmem:s24+$0x0] =	vst v0;
	s24 =	sor.u32 s23, s28  }
0x652: {  	[tilespmem:s25+$0x0] =	vst v0;
	s25 =	sor.u32 s22, s26;
	v16 =	vld [tilespmem:s24+$0x0]  }
0x653: {  	s28 =	sadd.s32 $0xC480, s21;
	v17 =	vld [tilespmem:s25+$0x0];
	[tilespmem:s24+$0x0] =	vst v0;
	s24 =	sor.u32 s23, s26;
	v18, _, _ =	vpop (xrf0)  }
0x654: {  	[tilespmem:s25+$0x0] =	vst v0;
	s25 =	sor.u32 s22, s28;
	v19 =	vld [tilespmem:s24+$0x0];
	(v2sf) =	vpush v18, $0xF;
	v18, _, _ =	vpop (xrf0)  }
0x655: {  	s26 =	sadd.s32 $0xCC80, s21;
	v20 =	vld [tilespmem:s25+$0x0];
	[tilespmem:s24+$0x0] =	vst v0;
	s24 =	sor.u32 s23, s28;
	(v2sf) =	vpush v18, $0xF  }
0x656: {  	[tilespmem:s25+$0x0] =	vst v0;
	s25 =	sor.u32 s22, s26;
	v18 =	vld [tilespmem:s24+$0x0]  }
0x657: {  	s28 =	sadd.s32 $0xD480, s21;
	v21 =	vld [tilespmem:s25+$0x0];
	[tilespmem:s24+$0x0] =	vst v0;
	s24 =	sor.u32 s23, s26  }
0x658: {  	s19 =	sadd.s32 $0x2, s19;
	[tilespmem:s25+$0x0] =	vst v0;
	s25 =	sor.u32 s22, s28;
	v22 =	vld [tilespmem:s24+$0x0]  }
0x659: {  	p3 =	slt.u32 s19, $0x3E;
	s26 =	sadd.s32 $0xDC80, s21;
	v23 =	vld [tilespmem:s25+$0x0];
	[tilespmem:s24+$0x0] =	vst v0;
	s24 =	sor.u32 s23, s28  }
0x65a: {  	[tilespmem:s25+$0x0] =	vst v0;
	s25 =	sor.u32 s22, s26;
	v24 =	vld [tilespmem:s24+$0x0]  }
0x65b: {  	s28 =	sadd.s32 $0xE480, s21;
	v25 =	vld [tilespmem:s25+$0x0];
	[tilespmem:s24+$0x0] =	vst v0;
	s24 =	sor.u32 s23, s26  }
0x65c: {  	[tilespmem:s25+$0x0] =	vst v0;
	s25 =	sor.u32 s22, s28;
	v26 =	vld [tilespmem:s24+$0x0]  }
0x65d: {  	s26 =	sadd.s32 $0xEC80, s21;
	v27 =	vld [tilespmem:s25+$0x0];
	[tilespmem:s24+$0x0] =	vst v0;
	s24 =	sor.u32 s23, s28  }
0x65e: {  	[tilespmem:s25+$0x0] =	vst v0;
	s25 =	sor.u32 s22, s26;
	v28 =	vld [tilespmem:s24+$0x0]  }
0x65f: {  	s28 =	sadd.s32 $0xF480, s21;
	v29 =	vld [tilespmem:s25+$0x0];
	[tilespmem:s24+$0x0] =	vst v0;
	s24 =	sor.u32 s23, s26  }
0x660: {  	v8 =	vadd.s32 v9, v8;
	[tilespmem:s25+$0x0] =	vst v0;
	s25 =	sor.u32 s22, s28;
	v30 =	vld [tilespmem:s24+$0x0]  }
0x661: {  	v9 =	vadd.s32 v11, v12;
	v8 =	vadd.s32 v13, v8;
	s26 =	sadd.s32 $0xFC80, s21;
	v31 =	vld [tilespmem:s25+$0x0];
	[tilespmem:s24+$0x0] =	vst v0;
	s24 =	sor.u32 s23, s28  }
0x662: {  	s18 =	sadd.s32 $0x2, s18;
	v9 =	vadd.s32 v14, v9;
	v11 =	vadd.s32 v15, v8;
	[tilespmem:s25+$0x0] =	vst v0;
	s25 =	sor.u32 s22, s26;
	v8 =	vld [tilespmem:s24+$0x0]  }
0x663: {  	v9 =	vadd.s32 v16, v9;
	v12 =	vadd.s32 v17, v11;
	s28 =	sadd.s32 $0x10480, s21;
	v11 =	vld [tilespmem:s25+$0x0];
	[tilespmem:s24+$0x0] =	vst v0;
	s24 =	sor.u32 s23, s26;
	s26 =	spop (v2sf)  }
0x664: {  	v14 =	vadd.s32 v19, v9;
	v12 =	vadd.s32 v20, v12;
	[tilespmem:s25+$0x0] =	vst v0;
	s25 =	sor.u32 s22, s28;
	v9 =	vld [tilespmem:s24+$0x0];
	[smem:s18+$0xFFFFFFFF] =	sst s26;
	s26 =	spop (v2sf)  }
0x665: {  	s29 =	sadd.s32 $0x10C80, s21;
	v14 =	vadd.s32 v18, v14;
	v12 =	vadd.s32 v21, v12;
	v13 =	vld [tilespmem:s25+$0x0];
	[tilespmem:s24+$0x0] =	vst v0;
	s24 =	sor.u32 s23, s28;
	[smem:s18] =	sst s26  }
.Ltmp34:
0x666: {  	v14 =	vadd.s32 v22, v14;
	v15 =	vadd.s32 v23, v12;
	[tilespmem:s25+$0x0] =	vst v0;
	s25 =	sor.u32 s22, s29;
	v12 =	vld [tilespmem:s24+$0x0];
	(pc) =	sbr.rel @p3 .LBB2_55-.Ltmp34, $4  }
0x667: {  	v14 =	vadd.s32 v24, v14;
	v16 =	vadd.s32 v25, v15;
	s26 =	sadd.s32 $0x11480, s21;
	v15 =	vld [tilespmem:s25+$0x0];
	[tilespmem:s24+$0x0] =	vst v0;
	s24 =	sor.u32 s23, s29  }
0x668: {  	v18 =	vadd.s32 v26, v14;
	v16 =	vadd.s32 v27, v16;
	s21 =	sor.u32 s22, s26;
	[tilespmem:s25+$0x0] =	vst v0;
	v14 =	vld [tilespmem:s24+$0x0]  }
0x669: {  	s17 =	sadd.s32 $0x20, s17;
	v18 =	vadd.s32 v28, v18;
	v16 =	vadd.s32 v29, v16;
	s22 =	sor.u32 s23, s26;
	v17 =	vld [tilespmem:s21+$0x0];
	[tilespmem:s24+$0x0] =	vst v0  }
0x66a: {  	s20 =	sadd.s32 $0x20, s20;
	v18 =	vadd.s32 v30, v18;
	v19 =	vadd.s32 v31, v16;
	v16 =	vld [tilespmem:s22+$0x0];
	[tilespmem:s17+$0xFFFFFFF0] =	vst v10  }
.LBB2_56:
0x66b: {  	v10 =	vadd.s32 v11, v19;
	v8 =	vadd.s32 v8, v18  }
0x66c: {  	v10 =	vadd.s32 v13, v10;
	v8 =	vadd.s32 v9, v8  }
0x66d: {  	v63 =	vadd.s32 v15, v10;
	v8 =	vadd.s32 v12, v8  }
0x66e: {  	v9 =	vadd.s32 v17, v63;
	v8 =	vadd.s32 v14, v8  }
0x66f: {  	v8 =	vadd.s32 v16, v8;
	(xrf0) =	vadd.scan.msk.s32 $0xffff, v9  }
0x670: {  	(xrf0) =	vadd.scan.msk.s32 $0xffff, v8  }
0x671: {  	vm0 =	vge.s32 v5, v6  }
0x672: {  	v4 =	vsel vm0, $0x0, v4  }
0x673: {  	(xrf0) =	vadd.scan.msk.s32 $0xffff, v4;
	_ =	sdelay $0x1  }
0x674: {  	v4, _, _ =	vpop (xrf0)  }
0x675: {  	(v2sf) =	vpush v4, $0xF;
	v4, _, _ =	vpop (xrf0)  }
0x676: {  	(v2sf) =	vpush v4, $0xF;
	_ =	sdelay $0x1  }
0x677: {  	v4, _, _ =	vpop (xrf0)  }
0x678: {  	(v2sf) =	vpush v4, $0xF;
	_ =	sdelay $0x9  }
0x679: {  	[tilespmem:s21+$0x0] =	vst v0;
	s16 =	sadd.s32 @p2 $0x2, s18  }
0x67a: {  	[tilespmem:s22+$0x0] =	vst v0;
	s14 =	smov.u32 @p2 s16;
	s29 =	spop (v2sf)  }
0x67b: {  	s18 =	sadd.s32 @p2 $0x20, s17;
	[smem:s14+$0xFFFFFFFF] =	sst s29;
	s30 =	spop (v2sf)  }
0x67c: {  	[tilespmem:s17+$0x0] =	vst @p2 v7;
	s15 =	smov.u32 @p2 s18;
	[smem:s14] =	sst s30  }
0x67d: {  	[tilespmem:s15+$0xFFFFFFF0] =	vst v9  }
0x67e: {  	s31 =	spop (v2sf);
	[tilespmem:s15+$0x0] =	vst v8  }
0x67f: {  	s15 =	sld [smem:$0x3F]  }
0x680: {  	s17 =	simm.s32 $0x3F  }
0x681: {  	s19 =	simm.s32 $0x3E;
	p4 =	por !p1, !p1;
	s20 =	simm.s32 $0x3E  }
0x682: {  	s16 =	simm.s32 $0x0;
	s13 =	ssub.s32 s13, s31;
	s18 =	sadd.s32 $0x0, s15  }
0x683: {  	s14 =	simm.s32 $0x0;
	s15 =	simm.s32 $0x0;
	p2 =	sge.s32 s18, s13  }
.LBB2_57:
0x684: {  	s21 =	sld [smem:s20+$0x0];
	p4 =	por !p2, !p4;
	s22 =	ssub.s32 s13, s16  }
0x685: {  	s23 =	smov.u32 s19;
	s16 =	smov.u32 s18;
	p3 =	sne.s32 s19, $0x0  }
.Ltmp35:
0x686: {  	s19 =	sadd.s32 $0xFFFFFFFF, s19;
	p4 =	por !p4, !p4;
	(pc) =	sbr.rel @p3 .LBB2_57-.Ltmp35, $4  }
0x687: {  	s14 =	smov.u32 @p4 s17;
	s15 =	smov.u32 @p4 s22;
	s17 =	smov.u32 s23  }
0x688: {  	_ = 	snop  }
0x689: {  	p1 =	por p1, p2;
	s18 =	sadd.s32 s18, s21  }
0x68a: {  	s20 =	sadd.s32 $0xFFFFFFFF, s20;
	p4 =	por !p1, !p1;
	p2 =	sge.s32 s18, s13  }
.Ltmp36:
0x68b: {  	_ = 	snop;
	(pc) =	sbr.rel .LBB2_58-.Ltmp36, $1  }
0x68c: {  	_ =	sdelay $0x3  }
.LBB2_6:
.Ltmp37:
0x68d: {  	(pc) =	sbr.rel .LBB2_10-.Ltmp37, $2  }
0x68e: {  	_ =	sdelay $0x2  }
0x68f: {  	s15 =	simm.s32 $0x11C90;
	s17 =	simm.s32 $0x1  }
.LBB2_15:
.Ltmp38:
0x690: {  	(pc) =	sbr.rel .LBB2_19-.Ltmp38, $2  }
0x691: {  	_ =	sdelay $0x2  }
0x692: {  	s17 =	simm.s32 $0x11C90;
	s18 =	simm.s32 $0x1;
	p2 =	por $0x0, $0x0  }
.LBB2_24:
.Ltmp39:
0x693: {  	(pc) =	sbr.rel .LBB2_28-.Ltmp39, $2  }
0x694: {  	_ =	sdelay $0x2  }
0x695: {  	s17 =	simm.s32 $0x11C90;
	s18 =	simm.s32 $0x1;
	p2 =	por $0x0, $0x0  }
.LBB2_8:
.Ltmp40:
0x696: {  	(pc) =	sbr.rel .LBB2_10-.Ltmp40, $2  }
0x697: {  	_ =	sdelay $0x2  }
0x698: {  	s15 =	simm.s32 $0x11C90;
	s17 =	simm.s32 $0x1  }
.LBB2_17:
.Ltmp41:
0x699: {  	(pc) =	sbr.rel .LBB2_19-.Ltmp41, $2  }
0x69a: {  	_ =	sdelay $0x2  }
0x69b: {  	s17 =	simm.s32 $0x11C90;
	s18 =	simm.s32 $0x1  }
.LBB2_26:
.Ltmp42:
0x69c: {  	(pc) =	sbr.rel .LBB2_28-.Ltmp42, $2  }
0x69d: {  	_ =	sdelay $0x2  }
0x69e: {  	s17 =	simm.s32 $0x11C90;
	s18 =	simm.s32 $0x1  }
.LBB2_34:
.Ltmp43:
0x69f: {  	(pc) =	sbr.rel .LBB2_38-.Ltmp43, $2  }
0x6a0: {  	_ =	sdelay $0x2  }
0x6a1: {  	s15 =	simm.s32 $0x11C90;
	s17 =	simm.s32 $0x1  }
.LBB2_43:
.Ltmp44:
0x6a2: {  	(pc) =	sbr.rel .LBB2_47-.Ltmp44, $2  }
0x6a3: {  	_ =	sdelay $0x2  }
0x6a4: {  	s17 =	simm.s32 $0x11C90;
	s18 =	simm.s32 $0x1;
	p2 =	por $0x0, $0x0  }
.LBB2_52:
.Ltmp45:
0x6a5: {  	(pc) =	sbr.rel .LBB2_56-.Ltmp45, $2  }
0x6a6: {  	_ =	sdelay $0x2  }
0x6a7: {  	s17 =	simm.s32 $0x11C90;
	s18 =	simm.s32 $0x1;
	p2 =	por $0x0, $0x0  }
.LBB2_36:
.Ltmp46:
0x6a8: {  	(pc) =	sbr.rel .LBB2_38-.Ltmp46, $2  }
0x6a9: {  	_ =	sdelay $0x2  }
0x6aa: {  	s15 =	simm.s32 $0x11C90;
	s17 =	simm.s32 $0x1  }
.LBB2_45:
.Ltmp47:
0x6ab: {  	(pc) =	sbr.rel .LBB2_47-.Ltmp47, $2  }
0x6ac: {  	_ =	sdelay $0x2  }
0x6ad: {  	s17 =	simm.s32 $0x11C90;
	s18 =	simm.s32 $0x1  }
.LBB2_54:
.Ltmp48:
0x6ae: {  	(pc) =	sbr.rel .LBB2_56-.Ltmp48, $2  }
0x6af: {  	_ =	sdelay $0x2  }
0x6b0: {  	s17 =	simm.s32 $0x11C90;
	s18 =	simm.s32 $0x1  }
.LBB2_60:
0x6b1: {  	_ =	sfence.sel $0x180000  }
0x6b2: {  	[bflag:$0x0] =	sbarrier.arrive $0xFFFF  }
0x6b3: {  	p0 =	sne.s32 s1, $0x0;
	_ =	strace $0x90000047  }
0x6b4: {  	s0 =	sadd.s32 @!p0 $0x100000, s0;
	[bflag:$0x2] =	sbarrier.arrive $0xFFFF  }
0x6b5: {  	[sflag:s0] =	ssyncadd.tile.s32 @!p0 $0x1;
	_ =	shalt  }
.Lfunc_end2:
_tile_overlayer_lowered:
.L_overlay_start_2:
0x6b6: {  	(tag) =	ssettag $0x2  }
0x6b7: {  	s0 =	rddreg [dreg:$0x0];
	s2 =	stileid.u32  }
0x6b8: {  	s1 =	rddreg [dreg:$0x1];
	p0 =	sne.s32 s2, $0x0  }
0x6b9: {  	s3 =	rddreg [dreg:$0x2];
	[bflag:$0x3] =	sbarrier.arrive $0xFFFF;
	s2 =	simm.s32 @!p0 $0x1C01  }
0x6ba: {  	[timem:s3], [sflag:s2] =	dma.local @!p0 [hbm:s0], s1  }
0x6bb: {  	s0 =	simm.s32 @!p0 $0x1  }
0x6bc: {  	_ =	swait.ge @!p0 [sflag:s0], s1  }
0x6bd: {  	s1 =	ssub.s32 @!p0 $0x0, s1;
	[sflag:s0] =	ssyncset.done @!p0 $0x0  }
0x6be: {  	[sflag:s0] =	ssyncadd.s32 @!p0 s1  }
0x6bf: {  	[bflag:$0x3] =	sbarrier.arrive $0xFFFF  }
0x6c0: {  	_ =	shalt  }

</sc_bundles>
